<compile_context>
chip_gen: v7x
topology: tpu7x:2x2x1
jax: 0.10.2.dev20260603
libtpu: 0.0.44.dev20260713+nightly
codegen_flags: <defaults>
</compile_context>

<pallas_src>
import functools

import jax
import jax.numpy as jnp
from jax import lax
from jax.experimental import pallas as pl
from jax.experimental.pallas import tpu as pltpu
from jax.experimental.pallas import tpu_sc as plsc

MPE_ = 128
DIM_ = 64
B_ = 16
L_ = 200
LPAD_ = 224
NW_ = 32
ROWS_PER_W_ = 256 // NW_
TROW_ = 256 * DIM_


def _build_body(x_hbm, y_hbm, bb_hbm, tab_hbm, ax_hbm, ay_hbm,
                xv, yv, bbv, axb, ayb, tb, sem_t):
    cid = lax.axis_index("c")
    sid = lax.axis_index("s")
    w = sid * 2 + cid

    pltpu.sync_copy(y_hbm, yv)
    pltpu.sync_copy(x_hbm.at[pl.ds(w * (ROWS_PER_W_ * DIM_), ROWS_PER_W_ * DIM_)], xv)

    @pl.when(w < B_)
    def _():
        for c in range(4):
            pltpu.sync_copy(bb_hbm.at[c * B_ + w], bbv.at[c])
        for k in range(LPAD_ // 16):
            sl = pl.ds(k * 16, 16)
            axb[sl] = (bbv[0, sl] * float(MPE_) + bbv[2, sl] * float(MPE_)) * 0.5
            ayb[sl] = (bbv[1, sl] * float(MPE_) + bbv[3, sl] * float(MPE_)) * 0.5
        pltpu.sync_copy(axb, ax_hbm.at[w])
        pltpu.sync_copy(ayb, ay_hbm.at[w])

    for r in range(ROWS_PER_W_):
        slot = r % 2
        if r >= 2:
            pltpu.make_async_copy(tab_hbm.at[pl.ds(0, 256)],
                                  tb.at[pl.ds(slot * 256, 256)],
                                  sem_t).wait()
        xr = [xv[pl.ds(r * DIM_ + c * 16, 16)] for c in range(4)]

        def iyb(iy, carry, slot=slot, xr=xr):
            row = slot * 256 + iy
            for c in range(4):
                tb[row, pl.ds(c * 16, 16)] = (
                    yv[pl.ds(iy * DIM_ + c * 16, 16)] + xr[c])
            return carry

        lax.fori_loop(0, 256, iyb, 0)
        pltpu.async_copy(
            tb.at[pl.ds(slot * 256, 256)],
            tab_hbm.at[pl.ds((w * ROWS_PER_W_ + r) * 256, 256)], sem_t)

    for s in range(2):
        pltpu.make_async_copy(tab_hbm.at[pl.ds(0, 256)],
                              tb.at[pl.ds(s * 256, 256)], sem_t).wait()


NUNIT_ = L_ // 2
ISTR_ = 208
NIDX_ = NUNIT_ * ISTR_


def _sc_body(tab_hbm, ax_hbm, ay_hbm, out_hbm, axv, ayv, idxv, stg, obuf,
             sem_g, sem_o):
    cid = lax.axis_index("c")
    sid = lax.axis_index("s")
    b = sid
    i0 = cid * NUNIT_

    pltpu.sync_copy(ax_hbm.at[b], axv)
    pltpu.sync_copy(ay_hbm.at[b], ayv)

    def unit(u, carry):
        i = i0 + u
        axi = axv[pl.ds(i, 16)][0]
        ayi = ayv[pl.ds(i, 16)][0]
        for k in range(13):
            aj = axv[pl.ds(k * 16, 16)]
            dx = axi - aj + float(MPE_)
            ix = jnp.clip(dx, 0.0, float(2 * MPE_ - 1)).astype(jnp.int32)
            bj = ayv[pl.ds(k * 16, 16)]
            dy = ayi - bj + float(MPE_)
            iy = jnp.clip(dy, 0.0, float(2 * MPE_ - 1)).astype(jnp.int32)
            idxv[pl.ds(u * ISTR_ + k * 16, 16)] = ix * 256 + iy
        return carry

    lax.fori_loop(0, NUNIT_, unit, 0)

    iota16 = lax.iota(jnp.int32, 16)
    basecc = [(cc * 16 + iota16) * L_ for cc in range(4)]

    def _issue(u, s):
        jb = u * ISTR_
        so = s * ISTR_
        pltpu.async_copy(tab_hbm.at[idxv.at[pl.ds(jb, 104)]],
                         stg.at[pl.ds(so, 104)], sem_g)
        pltpu.async_copy(tab_hbm.at[idxv.at[pl.ds(jb + 104, 96)]],
                         stg.at[pl.ds(so + 104, 96)], sem_g)

    for p in range(4):
        _issue(p, p)

    OSZ = DIM_ * L_

    def pair(up, carry):
        for s in (0, 1, 2, 3):
            u = 4 * up + s
            so = s * ISTR_
            oo = (s % 2) * OSZ

            @pl.when(u >= 2)
            def _():
                pltpu.make_async_copy(out_hbm.at[0].at[0],
                                      obuf.at[pl.ds(oo, OSZ)], sem_o).wait()

            pltpu.make_async_copy(tab_hbm.at[pl.ds(0, 104)],
                                  stg.at[pl.ds(so, 104)], sem_g).wait()
            pltpu.make_async_copy(tab_hbm.at[pl.ds(0, 96)],
                                  stg.at[pl.ds(so + 104, 96)], sem_g).wait()

            def jloop(jq, c2, so=so, oo=oo):
                for q in range(4):
                    j = jq * 4 + q
                    row = so + j
                    od = oo + j
                    for cc in range(4):
                        vals = stg[row, pl.ds(cc * 16, 16)]
                        plsc.store_scatter(obuf, [basecc[cc] + od], vals)
                return c2

            lax.fori_loop(0, L_ // 4, jloop, 0)

            @pl.when(u < NUNIT_ - 4)
            def _(u=u, s=s):
                _issue(u + 4, s)

            pltpu.async_copy(obuf.at[pl.ds(oo, OSZ)],
                             out_hbm.at[b].at[i0 + u], sem_o)
        return carry

    lax.fori_loop(0, NUNIT_ // 4, pair, 0)
    for s in (0, 1):
        pltpu.make_async_copy(out_hbm.at[0].at[0],
                              obuf.at[pl.ds(s * OSZ, OSZ)], sem_o).wait()


@functools.lru_cache(maxsize=1)
def _get_calls():
    mesh = plsc.VectorSubcoreMesh(core_axis_name="c", subcore_axis_name="s")
    params = pltpu.CompilerParams(use_tc_tiling_on_sc=False)
    build = functools.partial(
        pl.kernel,
        mesh=mesh,
        compiler_params=params,
        out_type=(
            jax.ShapeDtypeStruct((256 * 256, DIM_), jnp.float32),
            jax.ShapeDtypeStruct((B_, LPAD_), jnp.float32),
            jax.ShapeDtypeStruct((B_, LPAD_), jnp.float32),
        ),
        scratch_types=[
            pltpu.VMEM((ROWS_PER_W_ * DIM_,), jnp.float32),
            pltpu.VMEM((256 * DIM_,), jnp.float32),
            pltpu.VMEM((4, LPAD_), jnp.float32),
            pltpu.VMEM((LPAD_,), jnp.float32),
            pltpu.VMEM((LPAD_,), jnp.float32),
            pltpu.VMEM((2 * 256, DIM_), jnp.float32),
            pltpu.SemaphoreType.DMA,
        ],
    )(_build_body)
    gparams = pltpu.CompilerParams(use_tc_tiling_on_sc=False,
                                   needs_layout_passes=False)
    gather = functools.partial(
        pl.kernel,
        mesh=mesh,
        compiler_params=gparams,
        out_type=jax.ShapeDtypeStruct((B_, L_, DIM_ * L_), jnp.float32),
        scratch_types=[
            pltpu.VMEM((LPAD_,), jnp.float32),
            pltpu.VMEM((LPAD_,), jnp.float32),
            pltpu.VMEM((NIDX_,), jnp.int32),
            pltpu.VMEM((4 * ISTR_, DIM_), jnp.float32),
            pltpu.VMEM((2 * DIM_ * L_,), jnp.float32),
            pltpu.SemaphoreType.DMA,
            pltpu.SemaphoreType.DMA,
        ],
    )(_sc_body)
    return build, gather


def kernel(gt_bboxes, x_emb, y_emb):
    bbT = jnp.transpose(
        jnp.pad(gt_bboxes, ((0, 0), (0, LPAD_ - L_), (0, 0))), (2, 0, 1)
    ).reshape(4 * B_, LPAD_)
    build, gather = _get_calls()
    tab, ax, ay = build(x_emb.reshape(-1), y_emb.reshape(-1), bbT)
    out = gather(tab, ax, ay)
    return jnp.swapaxes(out.reshape(B_, L_, DIM_, L_), 2, 3)

# --- scband reference (transcript-rebuilt; emitter-appended) ---
"""Pipeline reference for scband-relative-position-embedding2-d-85169201480282 (READ-ONLY COPY).

The authoritative reference and input builder live on the scoring server;
editing this copy changes nothing except your own understanding.
"""

import jax, jax.numpy as jnp
import numpy as np

MPE = 128
DIM = 64


def setup_inputs(seed: int = 0) -> dict:
    key = jax.random.key(seed)
    k1, k2, k3 = jax.random.split(key, 3)
    gt_bboxes = jax.random.uniform(k1, (16, 200, 4), dtype=jnp.float32)
    x_emb = jax.random.normal(k2, (MPE * 2, DIM), dtype=jnp.float32) * 0.02
    y_emb = jax.random.normal(k3, (MPE * 2, DIM), dtype=jnp.float32) * 0.02
    return {"gt_bboxes": gt_bboxes, "x_emb": x_emb, "y_emb": y_emb}


def reference(gt_bboxes, x_emb, y_emb):
    b = gt_bboxes * MPE
    avg_x = (b[:, :, 0] + b[:, :, 2]) / 2.0
    avg_y = (b[:, :, 1] + b[:, :, 3]) / 2.0
    relative_x = avg_x[:, :, None] - avg_x[:, None, :] + MPE
    relative_y = avg_y[:, :, None] - avg_y[:, None, :] + MPE
    relative_x = jnp.clip(relative_x, 0, MPE * 2 - 1).astype(jnp.int32)
    relative_y = jnp.clip(relative_y, 0, MPE * 2 - 1).astype(jnp.int32)
    rel_x = jnp.take(x_emb, relative_x, axis=0)
    rel_y = jnp.take(y_emb, relative_y, axis=0)
    return rel_x + rel_y

if __name__ == "__main__":
    import jax
    _d = setup_inputs()
    print(jax.jit(kernel)(*tuple(_d.values())))

</pallas_src>

<mosaic_0001>
#map = affine_map<(d0, d1) -> (0)>
#map1 = affine_map<(d0, d1) -> (0, 0)>
module attributes {stable_mosaic.version = 14 : i64} {
  func.func @_build_body(%arg0: i32, %arg1: i32, %arg2: memref<16384xf32, #tpu.memory_space<hbm>>, %arg3: memref<16384xf32, #tpu.memory_space<hbm>>, %arg4: memref<64x224xf32, #tpu.memory_space<hbm>>, %arg5: memref<65536x64xf32, #tpu.memory_space<hbm>>, %arg6: memref<16x224xf32, #tpu.memory_space<hbm>>, %arg7: memref<16x224xf32, #tpu.memory_space<hbm>>, %arg8: memref<512xf32, #tpu.memory_space<vmem>>, %arg9: memref<16384xf32, #tpu.memory_space<vmem>>, %arg10: memref<4x224xf32, #tpu.memory_space<vmem>>, %arg11: memref<224xf32, #tpu.memory_space<vmem>>, %arg12: memref<224xf32, #tpu.memory_space<vmem>>, %arg13: memref<512x64xf32, #tpu.memory_space<vmem>>, %arg14: memref<!tpu.dma_semaphore, #tpu.memory_space<semaphore_mem>>) attributes {dimension_semantics = [#tpu.dimension_semantics<core_parallel>, #tpu.dimension_semantics<subcore_parallel>], iteration_bounds = array<i64: 2, 16>, scalar_prefetch = 0 : i64, scratch_operands = 7 : i64, tpu.core_type = #tpu.core_type<sc_vector_subcore>, window_params = [{transform_indices = #map}, {transform_indices = #map}, {transform_indices = #map1}, {transform_indices = #map1}, {transform_indices = #map1}, {transform_indices = #map1}]} {
    %mul3A = arith.constant 2 : i32
    %mul3A_0 = arith.muli %arg1, %mul3A : i32
    %add3A = arith.addi %mul3A_0, %arg0 : i32
    "tpu.region"() ({
      %run_scoped3A = tpu.sem_alloc : memref<!tpu.dma_semaphore, #tpu.memory_space<semaphore_mem>>
      tpu.enqueue_dma source(%arg3 : memref<16384xf32, #tpu.memory_space<hbm>>) target(%arg9 : memref<16384xf32, #tpu.memory_space<vmem>>) target_semaphore(%run_scoped3A : memref<!tpu.dma_semaphore, #tpu.memory_space<semaphore_mem>>)
      tpu.wait_dma2 semaphore(%run_scoped3A : memref<!tpu.dma_semaphore, #tpu.memory_space<semaphore_mem>>) src(%arg3 : memref<16384xf32, #tpu.memory_space<hbm>>) dst(%arg9 : memref<16384xf32, #tpu.memory_space<vmem>>)
      tpu.yield
    }) : () -> ()
    %mul3A_1 = arith.constant 512 : i32
    %mul3A_2 = arith.muli %add3A, %mul3A_1 : i32
    "tpu.region"() ({
      %run_scoped3A = tpu.sem_alloc : memref<!tpu.dma_semaphore, #tpu.memory_space<semaphore_mem>>
      %dma_start3A_369 = tpu.memref_slice %arg2[%mul3A_2] : memref<16384xf32, #tpu.memory_space<hbm>> -> memref<512xf32, #tpu.memory_space<hbm>>
      %dma_start3A_370 = tpu.memref_slice %arg2[%mul3A_2] : memref<16384xf32, #tpu.memory_space<hbm>> -> memref<512xf32, #tpu.memory_space<hbm>>
      tpu.enqueue_dma source(%dma_start3A_370 : memref<512xf32, #tpu.memory_space<hbm>>) target(%arg8 : memref<512xf32, #tpu.memory_space<vmem>>) target_semaphore(%run_scoped3A : memref<!tpu.dma_semaphore, #tpu.memory_space<semaphore_mem>>)
      %dma_wait3A_371 = tpu.memref_slice %arg2[%mul3A_2] : memref<16384xf32, #tpu.memory_space<hbm>> -> memref<512xf32, #tpu.memory_space<hbm>>
      %dma_wait3A_372 = tpu.memref_slice %arg2[%mul3A_2] : memref<16384xf32, #tpu.memory_space<hbm>> -> memref<512xf32, #tpu.memory_space<hbm>>
      tpu.wait_dma2 semaphore(%run_scoped3A : memref<!tpu.dma_semaphore, #tpu.memory_space<semaphore_mem>>) src(%dma_wait3A_372 : memref<512xf32, #tpu.memory_space<hbm>>) dst(%arg8 : memref<512xf32, #tpu.memory_space<vmem>>)
      tpu.yield
    }) : () -> ()
    %lt3A = arith.constant 16 : i32
    %lt3A_3 = arith.cmpi slt, %add3A, %lt3A : i32
    %convert_element_type3A = arith.extui %lt3A_3 : i1 to i32
    %cond3A = arith.constant 0 : i32
    %cond3A_4 = arith.cmpi ne, %convert_element_type3A, %cond3A : i32
    scf.if %cond3A_4 {
      %add3A_369 = arith.constant 0 : i32
      %add3A_370 = arith.addi %add3A_369, %add3A : i32
      %run_scoped3A = arith.constant 0 : i32
      "tpu.region"() ({
        %run_scoped3A_1051 = tpu.sem_alloc : memref<!tpu.dma_semaphore, #tpu.memory_space<semaphore_mem>>
        %dma_start3A_1052 = arith.constant 0 : i32
        %dma_start3A_1053 = tpu.memref_slice %arg10[%run_scoped3A, %dma_start3A_1052] : memref<4x224xf32, #tpu.memory_space<vmem>> -> memref<1x224xf32, #tpu.memory_space<vmem>>
        %dma_start3A_1054 = tpu.memref_squeeze %dma_start3A_1053 : memref<1x224xf32, #tpu.memory_space<vmem>> -> memref<224xf32, #tpu.memory_space<vmem>>
        %dma_start3A_1055 = arith.constant 0 : i32
        %dma_start3A_1056 = tpu.memref_slice %arg4[%add3A_370, %dma_start3A_1055] : memref<64x224xf32, #tpu.memory_space<hbm>> -> memref<1x224xf32, #tpu.memory_space<hbm>>
        %dma_start3A_1057 = tpu.memref_squeeze %dma_start3A_1056 : memref<1x224xf32, #tpu.memory_space<hbm>> -> memref<224xf32, #tpu.memory_space<hbm>>
        %dma_start3A_1058 = arith.constant 0 : i32
        %dma_start3A_1059 = tpu.memref_slice %arg10[%run_scoped3A, %dma_start3A_1058] : memref<4x224xf32, #tpu.memory_space<vmem>> -> memref<1x224xf32, #tpu.memory_space<vmem>>
        %dma_start3A_1060 = tpu.memref_squeeze %dma_start3A_1059 : memref<1x224xf32, #tpu.memory_space<vmem>> -> memref<224xf32, #tpu.memory_space<vmem>>
        %dma_start3A_1061 = arith.constant 0 : i32
        %dma_start3A_1062 = tpu.memref_slice %arg4[%add3A_370, %dma_start3A_1061] : memref<64x224xf32, #tpu.memory_space<hbm>> -> memref<1x224xf32, #tpu.memory_space<hbm>>
        %dma_start3A_1063 = tpu.memref_squeeze %dma_start3A_1062 : memref<1x224xf32, #tpu.memory_space<hbm>> -> memref<224xf32, #tpu.memory_space<hbm>>
        tpu.enqueue_dma source(%dma_start3A_1063 : memref<224xf32, #tpu.memory_space<hbm>>) target(%dma_start3A_1060 : memref<224xf32, #tpu.memory_space<vmem>>) target_semaphore(%run_scoped3A_1051 : memref<!tpu.dma_semaphore, #tpu.memory_space<semaphore_mem>>)
        %dma_wait3A_1064 = arith.constant 0 : i32
        %dma_wait3A_1065 = tpu.memref_slice %arg10[%run_scoped3A, %dma_wait3A_1064] : memref<4x224xf32, #tpu.memory_space<vmem>> -> memref<1x224xf32, #tpu.memory_space<vmem>>
        %dma_wait3A_1066 = tpu.memref_squeeze %dma_wait3A_1065 : memref<1x224xf32, #tpu.memory_space<vmem>> -> memref<224xf32, #tpu.memory_space<vmem>>
        %dma_wait3A_1067 = arith.constant 0 : i32
        %dma_wait3A_1068 = tpu.memref_slice %arg4[%add3A_370, %dma_wait3A_1067] : memref<64x224xf32, #tpu.memory_space<hbm>> -> memref<1x224xf32, #tpu.memory_space<hbm>>
        %dma_wait3A_1069 = tpu.memref_squeeze %dma_wait3A_1068 : memref<1x224xf32, #tpu.memory_space<hbm>> -> memref<224xf32, #tpu.memory_space<hbm>>
        %dma_wait3A_1070 = arith.constant 0 : i32
        %dma_wait3A_1071 = tpu.memref_slice %arg10[%run_scoped3A, %dma_wait3A_1070] : memref<4x224xf32, #tpu.memory_space<vmem>> -> memref<1x224xf32, #tpu.memory_space<vmem>>
        %dma_wait3A_1072 = tpu.memref_squeeze %dma_wait3A_1071 : memref<1x224xf32, #tpu.memory_space<vmem>> -> memref<224xf32, #tpu.memory_space<vmem>>
        %dma_wait3A_1073 = arith.constant 0 : i32
        %dma_wait3A_1074 = tpu.memref_slice %arg4[%add3A_370, %dma_wait3A_1073] : memref<64x224xf32, #tpu.memory_space<hbm>> -> memref<1x224xf32, #tpu.memory_space<hbm>>
        %dma_wait3A_1075 = tpu.memref_squeeze %dma_wait3A_1074 : memref<1x224xf32, #tpu.memory_space<hbm>> -> memref<224xf32, #tpu.memory_space<hbm>>
        tpu.wait_dma2 semaphore(%run_scoped3A_1051 : memref<!tpu.dma_semaphore, #tpu.memory_space<semaphore_mem>>) src(%dma_wait3A_1075 : memref<224xf32, #tpu.memory_space<hbm>>) dst(%dma_wait3A_1072 : memref<224xf32, #tpu.memory_space<vmem>>)
        tpu.yield
      }) : () -> ()
      %add3A_371 = arith.constant 16 : i32
      %add3A_372 = arith.addi %add3A_371, %add3A : i32
      %run_scoped3A_373 = arith.constant 1 : i32
      "tpu.region"() ({
        %run_scoped3A_1051 = tpu.sem_alloc : memref<!tpu.dma_semaphore, #tpu.memory_space<semaphore_mem>>
        %dma_start3A_1052 = arith.constant 0 : i32
        %dma_start3A_1053 = tpu.memref_slice %arg10[%run_scoped3A_373, %dma_start3A_1052] : memref<4x224xf32, #tpu.memory_space<vmem>> -> memref<1x224xf32, #tpu.memory_space<vmem>>
        %dma_start3A_1054 = tpu.memref_squeeze %dma_start3A_1053 : memref<1x224xf32, #tpu.memory_space<vmem>> -> memref<224xf32, #tpu.memory_space<vmem>>
        %dma_start3A_1055 = arith.constant 0 : i32
        %dma_start3A_1056 = tpu.memref_slice %arg4[%add3A_372, %dma_start3A_1055] : memref<64x224xf32, #tpu.memory_space<hbm>> -> memref<1x224xf32, #tpu.memory_space<hbm>>
        %dma_start3A_1057 = tpu.memref_squeeze %dma_start3A_1056 : memref<1x224xf32, #tpu.memory_space<hbm>> -> memref<224xf32, #tpu.memory_space<hbm>>
        %dma_start3A_1058 = arith.constant 0 : i32
        %dma_start3A_1059 = tpu.memref_slice %arg10[%run_scoped3A_373, %dma_start3A_1058] : memref<4x224xf32, #tpu.memory_space<vmem>> -> memref<1x224xf32, #tpu.memory_space<vmem>>
        %dma_start3A_1060 = tpu.memref_squeeze %dma_start3A_1059 : memref<1x224xf32, #tpu.memory_space<vmem>> -> memref<224xf32, #tpu.memory_space<vmem>>
        %dma_start3A_1061 = arith.constant 0 : i32
        %dma_start3A_1062 = tpu.memref_slice %arg4[%add3A_372, %dma_start3A_1061] : memref<64x224xf32, #tpu.memory_space<hbm>> -> memref<1x224xf32, #tpu.memory_space<hbm>>
        %dma_start3A_1063 = tpu.memref_squeeze %dma_start3A_1062 : memref<1x224xf32, #tpu.memory_space<hbm>> -> memref<224xf32, #tpu.memory_space<hbm>>
        tpu.enqueue_dma source(%dma_start3A_1063 : memref<224xf32, #tpu.memory_space<hbm>>) target(%dma_start3A_1060 : memref<224xf32, #tpu.memory_space<vmem>>) target_semaphore(%run_scoped3A_1051 : memref<!tpu.dma_semaphore, #tpu.memory_space<semaphore_mem>>)
        %dma_wait3A_1064 = arith.constant 0 : i32
        %dma_wait3A_1065 = tpu.memref_slice %arg10[%run_scoped3A_373, %dma_wait3A_1064] : memref<4x224xf32, #tpu.memory_space<vmem>> -> memref<1x224xf32, #tpu.memory_space<vmem>>
        %dma_wait3A_1066 = tpu.memref_squeeze %dma_wait3A_1065 : memref<1x224xf32, #tpu.memory_space<vmem>> -> memref<224xf32, #tpu.memory_space<vmem>>
        %dma_wait3A_1067 = arith.constant 0 : i32
        %dma_wait3A_1068 = tpu.memref_slice %arg4[%add3A_372, %dma_wait3A_1067] : memref<64x224xf32, #tpu.memory_space<hbm>> -> memref<1x224xf32, #tpu.memory_space<hbm>>
        %dma_wait3A_1069 = tpu.memref_squeeze %dma_wait3A_1068 : memref<1x224xf32, #tpu.memory_space<hbm>> -> memref<224xf32, #tpu.memory_space<hbm>>
        %dma_wait3A_1070 = arith.constant 0 : i32
        %dma_wait3A_1071 = tpu.memref_slice %arg10[%run_scoped3A_373, %dma_wait3A_1070] : memref<4x224xf32, #tpu.memory_space<vmem>> -> memref<1x224xf32, #tpu.memory_space<vmem>>
        %dma_wait3A_1072 = tpu.memref_squeeze %dma_wait3A_1071 : memref<1x224xf32, #tpu.memory_space<vmem>> -> memref<224xf32, #tpu.memory_space<vmem>>
        %dma_wait3A_1073 = arith.constant 0 : i32
        %dma_wait3A_1074 = tpu.memref_slice %arg4[%add3A_372, %dma_wait3A_1073] : memref<64x224xf32, #tpu.memory_space<hbm>> -> memref<1x224xf32, #tpu.memory_space<hbm>>
        %dma_wait3A_1075 = tpu.memref_squeeze %dma_wait3A_1074 : memref<1x224xf32, #tpu.memory_space<hbm>> -> memref<224xf32, #tpu.memory_space<hbm>>
        tpu.wait_dma2 semaphore(%run_scoped3A_1051 : memref<!tpu.dma_semaphore, #tpu.memory_space<semaphore_mem>>) src(%dma_wait3A_1075 : memref<224xf32, #tpu.memory_space<hbm>>) dst(%dma_wait3A_1072 : memref<224xf32, #tpu.memory_space<vmem>>)
        tpu.yield
      }) : () -> ()
      %add3A_374 = arith.constant 32 : i32
      %add3A_375 = arith.addi %add3A_374, %add3A : i32
      %run_scoped3A_376 = arith.constant 2 : i32
      "tpu.region"() ({
        %run_scoped3A_1051 = tpu.sem_alloc : memref<!tpu.dma_semaphore, #tpu.memory_space<semaphore_mem>>
        %dma_start3A_1052 = arith.constant 0 : i32
        %dma_start3A_1053 = tpu.memref_slice %arg10[%run_scoped3A_376, %dma_start3A_1052] : memref<4x224xf32, #tpu.memory_space<vmem>> -> memref<1x224xf32, #tpu.memory_space<vmem>>
        %dma_start3A_1054 = tpu.memref_squeeze %dma_start3A_1053 : memref<1x224xf32, #tpu.memory_space<vmem>> -> memref<224xf32, #tpu.memory_space<vmem>>
        %dma_start3A_1055 = arith.constant 0 : i32
        %dma_start3A_1056 = tpu.memref_slice %arg4[%add3A_375, %dma_start3A_1055] : memref<64x224xf32, #tpu.memory_space<hbm>> -> memref<1x224xf32, #tpu.memory_space<hbm>>
        %dma_start3A_1057 = tpu.memref_squeeze %dma_start3A_1056 : memref<1x224xf32, #tpu.memory_space<hbm>> -> memref<224xf32, #tpu.memory_space<hbm>>
        %dma_start3A_1058 = arith.constant 0 : i32
        %dma_start3A_1059 = tpu.memref_slice %arg10[%run_scoped3A_376, %dma_start3A_1058] : memref<4x224xf32, #tpu.memory_space<vmem>> -> memref<1x224xf32, #tpu.memory_space<vmem>>
        %dma_start3A_1060 = tpu.memref_squeeze %dma_start3A_1059 : memref<1x224xf32, #tpu.memory_space<vmem>> -> memref<224xf32, #tpu.memory_space<vmem>>
        %dma_start3A_1061 = arith.constant 0 : i32
        %dma_start3A_1062 = tpu.memref_slice %arg4[%add3A_375, %dma_start3A_1061] : memref<64x224xf32, #tpu.memory_space<hbm>> -> memref<1x224xf32, #tpu.memory_space<hbm>>
        %dma_start3A_1063 = tpu.memref_squeeze %dma_start3A_1062 : memref<1x224xf32, #tpu.memory_space<hbm>> -> memref<224xf32, #tpu.memory_space<hbm>>
        tpu.enqueue_dma source(%dma_start3A_1063 : memref<224xf32, #tpu.memory_space<hbm>>) target(%dma_start3A_1060 : memref<224xf32, #tpu.memory_space<vmem>>) target_semaphore(%run_scoped3A_1051 : memref<!tpu.dma_semaphore, #tpu.memory_space<semaphore_mem>>)
        %dma_wait3A_1064 = arith.constant 0 : i32
        %dma_wait3A_1065 = tpu.memref_slice %arg10[%run_scoped3A_376, %dma_wait3A_1064] : memref<4x224xf32, #tpu.memory_space<vmem>> -> memref<1x224xf32, #tpu.memory_space<vmem>>
        %dma_wait3A_1066 = tpu.memref_squeeze %dma_wait3A_1065 : memref<1x224xf32, #tpu.memory_space<vmem>> -> memref<224xf32, #tpu.memory_space<vmem>>
        %dma_wait3A_1067 = arith.constant 0 : i32
        %dma_wait3A_1068 = tpu.memref_slice %arg4[%add3A_375, %dma_wait3A_1067] : memref<64x224xf32, #tpu.memory_space<hbm>> -> memref<1x224xf32, #tpu.memory_space<hbm>>
        %dma_wait3A_1069 = tpu.memref_squeeze %dma_wait3A_1068 : memref<1x224xf32, #tpu.memory_space<hbm>> -> memref<224xf32, #tpu.memory_space<hbm>>
        %dma_wait3A_1070 = arith.constant 0 : i32
        %dma_wait3A_1071 = tpu.memref_slice %arg10[%run_scoped3A_376, %dma_wait3A_1070] : memref<4x224xf32, #tpu.memory_space<vmem>> -> memref<1x224xf32, #tpu.memory_space<vmem>>
        %dma_wait3A_1072 = tpu.memref_squeeze %dma_wait3A_1071 : memref<1x224xf32, #tpu.memory_space<vmem>> -> memref<224xf32, #tpu.memory_space<vmem>>
        %dma_wait3A_1073 = arith.constant 0 : i32
        %dma_wait3A_1074 = tpu.memref_slice %arg4[%add3A_375, %dma_wait3A_1073] : memref<64x224xf32, #tpu.memory_space<hbm>> -> memref<1x224xf32, #tpu.memory_space<hbm>>
        %dma_wait3A_1075 = tpu.memref_squeeze %dma_wait3A_1074 : memref<1x224xf32, #tpu.memory_space<hbm>> -> memref<224xf32, #tpu.memory_space<hbm>>
        tpu.wait_dma2 semaphore(%run_scoped3A_1051 : memref<!tpu.dma_semaphore, #tpu.memory_space<semaphore_mem>>) src(%dma_wait3A_1075 : memref<224xf32, #tpu.memory_space<hbm>>) dst(%dma_wait3A_1072 : memref<224xf32, #tpu.memory_space<vmem>>)
        tpu.yield
      }) : () -> ()
      %add3A_377 = arith.constant 48 : i32
      %add3A_378 = arith.addi %add3A_377, %add3A : i32
      %run_scoped3A_379 = arith.constant 3 : i32
      "tpu.region"() ({
        %run_scoped3A_1051 = tpu.sem_alloc : memref<!tpu.dma_semaphore, #tpu.memory_space<semaphore_mem>>
        %dma_start3A_1052 = arith.constant 0 : i32
        %dma_start3A_1053 = tpu.memref_slice %arg10[%run_scoped3A_379, %dma_start3A_1052] : memref<4x224xf32, #tpu.memory_space<vmem>> -> memref<1x224xf32, #tpu.memory_space<vmem>>
        %dma_start3A_1054 = tpu.memref_squeeze %dma_start3A_1053 : memref<1x224xf32, #tpu.memory_space<vmem>> -> memref<224xf32, #tpu.memory_space<vmem>>
        %dma_start3A_1055 = arith.constant 0 : i32
        %dma_start3A_1056 = tpu.memref_slice %arg4[%add3A_378, %dma_start3A_1055] : memref<64x224xf32, #tpu.memory_space<hbm>> -> memref<1x224xf32, #tpu.memory_space<hbm>>
        %dma_start3A_1057 = tpu.memref_squeeze %dma_start3A_1056 : memref<1x224xf32, #tpu.memory_space<hbm>> -> memref<224xf32, #tpu.memory_space<hbm>>
        %dma_start3A_1058 = arith.constant 0 : i32
        %dma_start3A_1059 = tpu.memref_slice %arg10[%run_scoped3A_379, %dma_start3A_1058] : memref<4x224xf32, #tpu.memory_space<vmem>> -> memref<1x224xf32, #tpu.memory_space<vmem>>
        %dma_start3A_1060 = tpu.memref_squeeze %dma_start3A_1059 : memref<1x224xf32, #tpu.memory_space<vmem>> -> memref<224xf32, #tpu.memory_space<vmem>>
        %dma_start3A_1061 = arith.constant 0 : i32
        %dma_start3A_1062 = tpu.memref_slice %arg4[%add3A_378, %dma_start3A_1061] : memref<64x224xf32, #tpu.memory_space<hbm>> -> memref<1x224xf32, #tpu.memory_space<hbm>>
        %dma_start3A_1063 = tpu.memref_squeeze %dma_start3A_1062 : memref<1x224xf32, #tpu.memory_space<hbm>> -> memref<224xf32, #tpu.memory_space<hbm>>
        tpu.enqueue_dma source(%dma_start3A_1063 : memref<224xf32, #tpu.memory_space<hbm>>) target(%dma_start3A_1060 : memref<224xf32, #tpu.memory_space<vmem>>) target_semaphore(%run_scoped3A_1051 : memref<!tpu.dma_semaphore, #tpu.memory_space<semaphore_mem>>)
        %dma_wait3A_1064 = arith.constant 0 : i32
        %dma_wait3A_1065 = tpu.memref_slice %arg10[%run_scoped3A_379, %dma_wait3A_1064] : memref<4x224xf32, #tpu.memory_space<vmem>> -> memref<1x224xf32, #tpu.memory_space<vmem>>
        %dma_wait3A_1066 = tpu.memref_squeeze %dma_wait3A_1065 : memref<1x224xf32, #tpu.memory_space<vmem>> -> memref<224xf32, #tpu.memory_space<vmem>>
        %dma_wait3A_1067 = arith.constant 0 : i32
        %dma_wait3A_1068 = tpu.memref_slice %arg4[%add3A_378, %dma_wait3A_1067] : memref<64x224xf32, #tpu.memory_space<hbm>> -> memref<1x224xf32, #tpu.memory_space<hbm>>
        %dma_wait3A_1069 = tpu.memref_squeeze %dma_wait3A_1068 : memref<1x224xf32, #tpu.memory_space<hbm>> -> memref<224xf32, #tpu.memory_space<hbm>>
        %dma_wait3A_1070 = arith.constant 0 : i32
        %dma_wait3A_1071 = tpu.memref_slice %arg10[%run_scoped3A_379, %dma_wait3A_1070] : memref<4x224xf32, #tpu.memory_space<vmem>> -> memref<1x224xf32, #tpu.memory_space<vmem>>
        %dma_wait3A_1072 = tpu.memref_squeeze %dma_wait3A_1071 : memref<1x224xf32, #tpu.memory_space<vmem>> -> memref<224xf32, #tpu.memory_space<vmem>>
        %dma_wait3A_1073 = arith.constant 0 : i32
        %dma_wait3A_1074 = tpu.memref_slice %arg4[%add3A_378, %dma_wait3A_1073] : memref<64x224xf32, #tpu.memory_space<hbm>> -> memref<1x224xf32, #tpu.memory_space<hbm>>
        %dma_wait3A_1075 = tpu.memref_squeeze %dma_wait3A_1074 : memref<1x224xf32, #tpu.memory_space<hbm>> -> memref<224xf32, #tpu.memory_space<hbm>>
        tpu.wait_dma2 semaphore(%run_scoped3A_1051 : memref<!tpu.dma_semaphore, #tpu.memory_space<semaphore_mem>>) src(%dma_wait3A_1075 : memref<224xf32, #tpu.memory_space<hbm>>) dst(%dma_wait3A_1072 : memref<224xf32, #tpu.memory_space<vmem>>)
        tpu.yield
      }) : () -> ()
      %get3A_380 = arith.constant 0 : i32
      %get3A_381 = arith.index_cast %get3A_380 : i32 to index
      %get3A_382 = arith.constant 0 : index
      %get3A_383 = tpu.vector_load %arg10[%get3A_381, %get3A_382] {strides = array<i32>} : memref<4x224xf32, #tpu.memory_space<vmem>>, vector<1x16xf32>,
      %get3A_384 = vector.shape_cast %get3A_383 : vector<1x16xf32> to vector<16xf32>
      %mul3A_385 = arith.constant 1.280000e+02 : f32
      %mul3A_386 = vector.broadcast %mul3A_385 : f32 to vector<16xf32>
      %mul3A_387 = arith.mulf %get3A_384, %mul3A_386 : vector<16xf32>
      %get3A_388 = arith.constant 2 : i32
      %get3A_389 = arith.index_cast %get3A_388 : i32 to index
      %get3A_390 = arith.constant 0 : index
      %get3A_391 = tpu.vector_load %arg10[%get3A_389, %get3A_390] {strides = array<i32>} : memref<4x224xf32, #tpu.memory_space<vmem>>, vector<1x16xf32>,
      %get3A_392 = vector.shape_cast %get3A_391 : vector<1x16xf32> to vector<16xf32>
      %mul3A_393 = arith.constant 1.280000e+02 : f32
      %mul3A_394 = vector.broadcast %mul3A_393 : f32 to vector<16xf32>
      %mul3A_395 = arith.mulf %get3A_392, %mul3A_394 : vector<16xf32>
      %add3A_396 = arith.addf %mul3A_387, %mul3A_395 : vector<16xf32>
      %mul3A_397 = arith.constant 5.000000e-01 : f32
      %mul3A_398 = vector.broadcast %mul3A_397 : f32 to vector<16xf32>
      %mul3A_399 = arith.mulf %add3A_396, %mul3A_398 : vector<16xf32>
      %swap3A = arith.constant 0 : index
      %swap3A_400 = tpu.vector_load %arg11[%swap3A] {strides = array<i32>} : memref<224xf32, #tpu.memory_space<vmem>>, vector<16xf32>,
      %swap3A_401 = vector.shape_cast %swap3A_400 : vector<16xf32> to vector<16xf32>
      %swap3A_402 = vector.shape_cast %mul3A_399 : vector<16xf32> to vector<16xf32>
      tpu.vector_store %arg11[%swap3A], %swap3A_402 {strides = array<i32>} : memref<224xf32, #tpu.memory_space<vmem>>, vector<16xf32>,
      %get3A_403 = arith.constant 1 : i32
      %get3A_404 = arith.index_cast %get3A_403 : i32 to index
      %get3A_405 = arith.constant 0 : index
      %get3A_406 = tpu.vector_load %arg10[%get3A_404, %get3A_405] {strides = array<i32>} : memref<4x224xf32, #tpu.memory_space<vmem>>, vector<1x16xf32>,
      %get3A_407 = vector.shape_cast %get3A_406 : vector<1x16xf32> to vector<16xf32>
      %mul3A_408 = arith.constant 1.280000e+02 : f32
      %mul3A_409 = vector.broadcast %mul3A_408 : f32 to vector<16xf32>
      %mul3A_410 = arith.mulf %get3A_407, %mul3A_409 : vector<16xf32>
      %get3A_411 = arith.constant 3 : i32
      %get3A_412 = arith.index_cast %get3A_411 : i32 to index
      %get3A_413 = arith.constant 0 : index
      %get3A_414 = tpu.vector_load %arg10[%get3A_412, %get3A_413] {strides = array<i32>} : memref<4x224xf32, #tpu.memory_space<vmem>>, vector<1x16xf32>,
      %get3A_415 = vector.shape_cast %get3A_414 : vector<1x16xf32> to vector<16xf32>
      %mul3A_416 = arith.constant 1.280000e+02 : f32
      %mul3A_417 = vector.broadcast %mul3A_416 : f32 to vector<16xf32>
      %mul3A_418 = arith.mulf %get3A_415, %mul3A_417 : vector<16xf32>
      %add3A_419 = arith.addf %mul3A_410, %mul3A_418 : vector<16xf32>
      %mul3A_420 = arith.constant 5.000000e-01 : f32
      %mul3A_421 = vector.broadcast %mul3A_420 : f32 to vector<16xf32>
      %mul3A_422 = arith.mulf %add3A_419, %mul3A_421 : vector<16xf32>
      %swap3A_423 = arith.constant 0 : index
      %swap3A_424 = tpu.vector_load %arg12[%swap3A_423] {strides = array<i32>} : memref<224xf32, #tpu.memory_space<vmem>>, vector<16xf32>,
      %swap3A_425 = vector.shape_cast %swap3A_424 : vector<16xf32> to vector<16xf32>
      %swap3A_426 = vector.shape_cast %mul3A_422 : vector<16xf32> to vector<16xf32>
      tpu.vector_store %arg12[%swap3A_423], %swap3A_426 {strides = array<i32>} : memref<224xf32, #tpu.memory_space<vmem>>, vector<16xf32>,
      %get3A_427 = arith.constant 0 : i32
      %get3A_428 = arith.index_cast %get3A_427 : i32 to index
      %get3A_429 = arith.constant 16 : index
      %get3A_430 = tpu.vector_load %arg10[%get3A_428, %get3A_429] {strides = array<i32>} : memref<4x224xf32, #tpu.memory_space<vmem>>, vector<1x16xf32>,
      %get3A_431 = vector.shape_cast %get3A_430 : vector<1x16xf32> to vector<16xf32>
      %mul3A_432 = arith.constant 1.280000e+02 : f32
      %mul3A_433 = vector.broadcast %mul3A_432 : f32 to vector<16xf32>
      %mul3A_434 = arith.mulf %get3A_431, %mul3A_433 : vector<16xf32>
      %get3A_435 = arith.constant 2 : i32
      %get3A_436 = arith.index_cast %get3A_435 : i32 to index
      %get3A_437 = arith.constant 16 : index
      %get3A_438 = tpu.vector_load %arg10[%get3A_436, %get3A_437] {strides = array<i32>} : memref<4x224xf32, #tpu.memory_space<vmem>>, vector<1x16xf32>,
      %get3A_439 = vector.shape_cast %get3A_438 : vector<1x16xf32> to vector<16xf32>
      %mul3A_440 = arith.constant 1.280000e+02 : f32
      %mul3A_441 = vector.broadcast %mul3A_440 : f32 to vector<16xf32>
      %mul3A_442 = arith.mulf %get3A_439, %mul3A_441 : vector<16xf32>
      %add3A_443 = arith.addf %mul3A_434, %mul3A_442 : vector<16xf32>
      %mul3A_444 = arith.constant 5.000000e-01 : f32
      %mul3A_445 = vector.broadcast %mul3A_444 : f32 to vector<16xf32>
      %mul3A_446 = arith.mulf %add3A_443, %mul3A_445 : vector<16xf32>
      %swap3A_447 = arith.constant 16 : index
      %swap3A_448 = tpu.vector_load %arg11[%swap3A_447] {strides = array<i32>} : memref<224xf32, #tpu.memory_space<vmem>>, vector<16xf32>,
      %swap3A_449 = vector.shape_cast %swap3A_448 : vector<16xf32> to vector<16xf32>
      %swap3A_450 = vector.shape_cast %mul3A_446 : vector<16xf32> to vector<16xf32>
      tpu.vector_store %arg11[%swap3A_447], %swap3A_450 {strides = array<i32>} : memref<224xf32, #tpu.memory_space<vmem>>, vector<16xf32>,
      %get3A_451 = arith.constant 1 : i32
      %get3A_452 = arith.index_cast %get3A_451 : i32 to index
      %get3A_453 = arith.constant 16 : index
      %get3A_454 = tpu.vector_load %arg10[%get3A_452, %get3A_453] {strides = array<i32>} : memref<4x224xf32, #tpu.memory_space<vmem>>, vector<1x16xf32>,
      %get3A_455 = vector.shape_cast %get3A_454 : vector<1x16xf32> to vector<16xf32>
      %mul3A_456 = arith.constant 1.280000e+02 : f32
      %mul3A_457 = vector.broadcast %mul3A_456 : f32 to vector<16xf32>
      %mul3A_458 = arith.mulf %get3A_455, %mul3A_457 : vector<16xf32>
      %get3A_459 = arith.constant 3 : i32
      %get3A_460 = arith.index_cast %get3A_459 : i32 to index
      %get3A_461 = arith.constant 16 : index
      %get3A_462 = tpu.vector_load %arg10[%get3A_460, %get3A_461] {strides = array<i32>} : memref<4x224xf32, #tpu.memory_space<vmem>>, vector<1x16xf32>,
      %get3A_463 = vector.shape_cast %get3A_462 : vector<1x16xf32> to vector<16xf32>
      %mul3A_464 = arith.constant 1.280000e+02 : f32
      %mul3A_465 = vector.broadcast %mul3A_464 : f32 to vector<16xf32>
      %mul3A_466 = arith.mulf %get3A_463, %mul3A_465 : vector<16xf32>
      %add3A_467 = arith.addf %mul3A_458, %mul3A_466 : vector<16xf32>
      %mul3A_468 = arith.constant 5.000000e-01 : f32
      %mul3A_469 = vector.broadcast %mul3A_468 : f32 to vector<16xf32>
      %mul3A_470 = arith.mulf %add3A_467, %mul3A_469 : vector<16xf32>
      %swap3A_471 = arith.constant 16 : index
      %swap3A_472 = tpu.vector_load %arg12[%swap3A_471] {strides = array<i32>} : memref<224xf32, #tpu.memory_space<vmem>>, vector<16xf32>,
      %swap3A_473 = vector.shape_cast %swap3A_472 : vector<16xf32> to vector<16xf32>
      %swap3A_474 = vector.shape_cast %mul3A_470 : vector<16xf32> to vector<16xf32>
      tpu.vector_store %arg12[%swap3A_471], %swap3A_474 {strides = array<i32>} : memref<224xf32, #tpu.memory_space<vmem>>, vector<16xf32>,
      %get3A_475 = arith.constant 0 : i32
      %get3A_476 = arith.index_cast %get3A_475 : i32 to index
      %get3A_477 = arith.constant 32 : index
      %get3A_478 = tpu.vector_load %arg10[%get3A_476, %get3A_477] {strides = array<i32>} : memref<4x224xf32, #tpu.memory_space<vmem>>, vector<1x16xf32>,
      %get3A_479 = vector.shape_cast %get3A_478 : vector<1x16xf32> to vector<16xf32>
      %mul3A_480 = arith.constant 1.280000e+02 : f32
      %mul3A_481 = vector.broadcast %mul3A_480 : f32 to vector<16xf32>
      %mul3A_482 = arith.mulf %get3A_479, %mul3A_481 : vector<16xf32>
      %get3A_483 = arith.constant 2 : i32
      %get3A_484 = arith.index_cast %get3A_483 : i32 to index
      %get3A_485 = arith.constant 32 : index
      %get3A_486 = tpu.vector_load %arg10[%get3A_484, %get3A_485] {strides = array<i32>} : memref<4x224xf32, #tpu.memory_space<vmem>>, vector<1x16xf32>,
      %get3A_487 = vector.shape_cast %get3A_486 : vector<1x16xf32> to vector<16xf32>
      %mul3A_488 = arith.constant 1.280000e+02 : f32
      %mul3A_489 = vector.broadcast %mul3A_488 : f32 to vector<16xf32>
      %mul3A_490 = arith.mulf %get3A_487, %mul3A_489 : vector<16xf32>
      %add3A_491 = arith.addf %mul3A_482, %mul3A_490 : vector<16xf32>
      %mul3A_492 = arith.constant 5.000000e-01 : f32
      %mul3A_493 = vector.broadcast %mul3A_492 : f32 to vector<16xf32>
      %mul3A_494 = arith.mulf %add3A_491, %mul3A_493 : vector<16xf32>
      %swap3A_495 = arith.constant 32 : index
      %swap3A_496 = tpu.vector_load %arg11[%swap3A_495] {strides = array<i32>} : memref<224xf32, #tpu.memory_space<vmem>>, vector<16xf32>,
      %swap3A_497 = vector.shape_cast %swap3A_496 : vector<16xf32> to vector<16xf32>
      %swap3A_498 = vector.shape_cast %mul3A_494 : vector<16xf32> to vector<16xf32>
      tpu.vector_store %arg11[%swap3A_495], %swap3A_498 {strides = array<i32>} : memref<224xf32, #tpu.memory_space<vmem>>, vector<16xf32>,
      %get3A_499 = arith.constant 1 : i32
      %get3A_500 = arith.index_cast %get3A_499 : i32 to index
      %get3A_501 = arith.constant 32 : index
      %get3A_502 = tpu.vector_load %arg10[%get3A_500, %get3A_501] {strides = array<i32>} : memref<4x224xf32, #tpu.memory_space<vmem>>, vector<1x16xf32>,
      %get3A_503 = vector.shape_cast %get3A_502 : vector<1x16xf32> to vector<16xf32>
      %mul3A_504 = arith.constant 1.280000e+02 : f32
      %mul3A_505 = vector.broadcast %mul3A_504 : f32 to vector<16xf32>
      %mul3A_506 = arith.mulf %get3A_503, %mul3A_505 : vector<16xf32>
      %get3A_507 = arith.constant 3 : i32
      %get3A_508 = arith.index_cast %get3A_507 : i32 to index
      %get3A_509 = arith.constant 32 : index
      %get3A_510 = tpu.vector_load %arg10[%get3A_508, %get3A_509] {strides = array<i32>} : memref<4x224xf32, #tpu.memory_space<vmem>>, vector<1x16xf32>,
      %get3A_511 = vector.shape_cast %get3A_510 : vector<1x16xf32> to vector<16xf32>
      %mul3A_512 = arith.constant 1.280000e+02 : f32
      %mul3A_513 = vector.broadcast %mul3A_512 : f32 to vector<16xf32>
      %mul3A_514 = arith.mulf %get3A_511, %mul3A_513 : vector<16xf32>
      %add3A_515 = arith.addf %mul3A_506, %mul3A_514 : vector<16xf32>
      %mul3A_516 = arith.constant 5.000000e-01 : f32
      %mul3A_517 = vector.broadcast %mul3A_516 : f32 to vector<16xf32>
      %mul3A_518 = arith.mulf %add3A_515, %mul3A_517 : vector<16xf32>
      %swap3A_519 = arith.constant 32 : index
      %swap3A_520 = tpu.vector_load %arg12[%swap3A_519] {strides = array<i32>} : memref<224xf32, #tpu.memory_space<vmem>>, vector<16xf32>,
      %swap3A_521 = vector.shape_cast %swap3A_520 : vector<16xf32> to vector<16xf32>
      %swap3A_522 = vector.shape_cast %mul3A_518 : vector<16xf32> to vector<16xf32>
      tpu.vector_store %arg12[%swap3A_519], %swap3A_522 {strides = array<i32>} : memref<224xf32, #tpu.memory_space<vmem>>, vector<16xf32>,
      %get3A_523 = arith.constant 0 : i32
      %get3A_524 = arith.index_cast %get3A_523 : i32 to index
      %get3A_525 = arith.constant 48 : index
      %get3A_526 = tpu.vector_load %arg10[%get3A_524, %get3A_525] {strides = array<i32>} : memref<4x224xf32, #tpu.memory_space<vmem>>, vector<1x16xf32>,
      %get3A_527 = vector.shape_cast %get3A_526 : vector<1x16xf32> to vector<16xf32>
      %mul3A_528 = arith.constant 1.280000e+02 : f32
      %mul3A_529 = vector.broadcast %mul3A_528 : f32 to vector<16xf32>
      %mul3A_530 = arith.mulf %get3A_527, %mul3A_529 : vector<16xf32>
      %get3A_531 = arith.constant 2 : i32
      %get3A_532 = arith.index_cast %get3A_531 : i32 to index
      %get3A_533 = arith.constant 48 : index
      %get3A_534 = tpu.vector_load %arg10[%get3A_532, %get3A_533] {strides = array<i32>} : memref<4x224xf32, #tpu.memory_space<vmem>>, vector<1x16xf32>,
      %get3A_535 = vector.shape_cast %get3A_534 : vector<1x16xf32> to vector<16xf32>
      %mul3A_536 = arith.constant 1.280000e+02 : f32
      %mul3A_537 = vector.broadcast %mul3A_536 : f32 to vector<16xf32>
      %mul3A_538 = arith.mulf %get3A_535, %mul3A_537 : vector<16xf32>
      %add3A_539 = arith.addf %mul3A_530, %mul3A_538 : vector<16xf32>
      %mul3A_540 = arith.constant 5.000000e-01 : f32
      %mul3A_541 = vector.broadcast %mul3A_540 : f32 to vector<16xf32>
      %mul3A_542 = arith.mulf %add3A_539, %mul3A_541 : vector<16xf32>
      %swap3A_543 = arith.constant 48 : index
      %swap3A_544 = tpu.vector_load %arg11[%swap3A_543] {strides = array<i32>} : memref<224xf32, #tpu.memory_space<vmem>>, vector<16xf32>,
      %swap3A_545 = vector.shape_cast %swap3A_544 : vector<16xf32> to vector<16xf32>
      %swap3A_546 = vector.shape_cast %mul3A_542 : vector<16xf32> to vector<16xf32>
      tpu.vector_store %arg11[%swap3A_543], %swap3A_546 {strides = array<i32>} : memref<224xf32, #tpu.memory_space<vmem>>, vector<16xf32>,
      %get3A_547 = arith.constant 1 : i32
      %get3A_548 = arith.index_cast %get3A_547 : i32 to index
      %get3A_549 = arith.constant 48 : index
      %get3A_550 = tpu.vector_load %arg10[%get3A_548, %get3A_549] {strides = array<i32>} : memref<4x224xf32, #tpu.memory_space<vmem>>, vector<1x16xf32>,
      %get3A_551 = vector.shape_cast %get3A_550 : vector<1x16xf32> to vector<16xf32>
      %mul3A_552 = arith.constant 1.280000e+02 : f32
      %mul3A_553 = vector.broadcast %mul3A_552 : f32 to vector<16xf32>
      %mul3A_554 = arith.mulf %get3A_551, %mul3A_553 : vector<16xf32>
      %get3A_555 = arith.constant 3 : i32
      %get3A_556 = arith.index_cast %get3A_555 : i32 to index
      %get3A_557 = arith.constant 48 : index
      %get3A_558 = tpu.vector_load %arg10[%get3A_556, %get3A_557] {strides = array<i32>} : memref<4x224xf32, #tpu.memory_space<vmem>>, vector<1x16xf32>,
      %get3A_559 = vector.shape_cast %get3A_558 : vector<1x16xf32> to vector<16xf32>
      %mul3A_560 = arith.constant 1.280000e+02 : f32
      %mul3A_561 = vector.broadcast %mul3A_560 : f32 to vector<16xf32>
      %mul3A_562 = arith.mulf %get3A_559, %mul3A_561 : vector<16xf32>
      %add3A_563 = arith.addf %mul3A_554, %mul3A_562 : vector<16xf32>
      %mul3A_564 = arith.constant 5.000000e-01 : f32
      %mul3A_565 = vector.broadcast %mul3A_564 : f32 to vector<16xf32>
      %mul3A_566 = arith.mulf %add3A_563, %mul3A_565 : vector<16xf32>
      %swap3A_567 = arith.constant 48 : index
      %swap3A_568 = tpu.vector_load %arg12[%swap3A_567] {strides = array<i32>} : memref<224xf32, #tpu.memory_space<vmem>>, vector<16xf32>,
      %swap3A_569 = vector.shape_cast %swap3A_568 : vector<16xf32> to vector<16xf32>
      %swap3A_570 = vector.shape_cast %mul3A_566 : vector<16xf32> to vector<16xf32>
      tpu.vector_store %arg12[%swap3A_567], %swap3A_570 {strides = array<i32>} : memref<224xf32, #tpu.memory_space<vmem>>, vector<16xf32>,
      %get3A_571 = arith.constant 0 : i32
      %get3A_572 = arith.index_cast %get3A_571 : i32 to index
      %get3A_573 = arith.constant 64 : index
      %get3A_574 = tpu.vector_load %arg10[%get3A_572, %get3A_573] {strides = array<i32>} : memref<4x224xf32, #tpu.memory_space<vmem>>, vector<1x16xf32>,
      %get3A_575 = vector.shape_cast %get3A_574 : vector<1x16xf32> to vector<16xf32>
      %mul3A_576 = arith.constant 1.280000e+02 : f32
      %mul3A_577 = vector.broadcast %mul3A_576 : f32 to vector<16xf32>
      %mul3A_578 = arith.mulf %get3A_575, %mul3A_577 : vector<16xf32>
      %get3A_579 = arith.constant 2 : i32
      %get3A_580 = arith.index_cast %get3A_579 : i32 to index
      %get3A_581 = arith.constant 64 : index
      %get3A_582 = tpu.vector_load %arg10[%get3A_580, %get3A_581] {strides = array<i32>} : memref<4x224xf32, #tpu.memory_space<vmem>>, vector<1x16xf32>,
      %get3A_583 = vector.shape_cast %get3A_582 : vector<1x16xf32> to vector<16xf32>
      %mul3A_584 = arith.constant 1.280000e+02 : f32
      %mul3A_585 = vector.broadcast %mul3A_584 : f32 to vector<16xf32>
      %mul3A_586 = arith.mulf %get3A_583, %mul3A_585 : vector<16xf32>
      %add3A_587 = arith.addf %mul3A_578, %mul3A_586 : vector<16xf32>
      %mul3A_588 = arith.constant 5.000000e-01 : f32
      %mul3A_589 = vector.broadcast %mul3A_588 : f32 to vector<16xf32>
      %mul3A_590 = arith.mulf %add3A_587, %mul3A_589 : vector<16xf32>
      %swap3A_591 = arith.constant 64 : index
      %swap3A_592 = tpu.vector_load %arg11[%swap3A_591] {strides = array<i32>} : memref<224xf32, #tpu.memory_space<vmem>>, vector<16xf32>,
      %swap3A_593 = vector.shape_cast %swap3A_592 : vector<16xf32> to vector<16xf32>
      %swap3A_594 = vector.shape_cast %mul3A_590 : vector<16xf32> to vector<16xf32>
      tpu.vector_store %arg11[%swap3A_591], %swap3A_594 {strides = array<i32>} : memref<224xf32, #tpu.memory_space<vmem>>, vector<16xf32>,
      %get3A_595 = arith.constant 1 : i32
      %get3A_596 = arith.index_cast %get3A_595 : i32 to index
      %get3A_597 = arith.constant 64 : index
      %get3A_598 = tpu.vector_load %arg10[%get3A_596, %get3A_597] {strides = array<i32>} : memref<4x224xf32, #tpu.memory_space<vmem>>, vector<1x16xf32>,
      %get3A_599 = vector.shape_cast %get3A_598 : vector<1x16xf32> to vector<16xf32>
      %mul3A_600 = arith.constant 1.280000e+02 : f32
      %mul3A_601 = vector.broadcast %mul3A_600 : f32 to vector<16xf32>
      %mul3A_602 = arith.mulf %get3A_599, %mul3A_601 : vector<16xf32>
      %get3A_603 = arith.constant 3 : i32
      %get3A_604 = arith.index_cast %get3A_603 : i32 to index
      %get3A_605 = arith.constant 64 : index
      %get3A_606 = tpu.vector_load %arg10[%get3A_604, %get3A_605] {strides = array<i32>} : memref<4x224xf32, #tpu.memory_space<vmem>>, vector<1x16xf32>,
      %get3A_607 = vector.shape_cast %get3A_606 : vector<1x16xf32> to vector<16xf32>
      %mul3A_608 = arith.constant 1.280000e+02 : f32
      %mul3A_609 = vector.broadcast %mul3A_608 : f32 to vector<16xf32>
      %mul3A_610 = arith.mulf %get3A_607, %mul3A_609 : vector<16xf32>
      %add3A_611 = arith.addf %mul3A_602, %mul3A_610 : vector<16xf32>
      %mul3A_612 = arith.constant 5.000000e-01 : f32
      %mul3A_613 = vector.broadcast %mul3A_612 : f32 to vector<16xf32>
      %mul3A_614 = arith.mulf %add3A_611, %mul3A_613 : vector<16xf32>
      %swap3A_615 = arith.constant 64 : index
      %swap3A_616 = tpu.vector_load %arg12[%swap3A_615] {strides = array<i32>} : memref<224xf32, #tpu.memory_space<vmem>>, vector<16xf32>,
      %swap3A_617 = vector.shape_cast %swap3A_616 : vector<16xf32> to vector<16xf32>
      %swap3A_618 = vector.shape_cast %mul3A_614 : vector<16xf32> to vector<16xf32>
      tpu.vector_store %arg12[%swap3A_615], %swap3A_618 {strides = array<i32>} : memref<224xf32, #tpu.memory_space<vmem>>, vector<16xf32>,
      %get3A_619 = arith.constant 0 : i32
      %get3A_620 = arith.index_cast %get3A_619 : i32 to index
      %get3A_621 = arith.constant 80 : index
      %get3A_622 = tpu.vector_load %arg10[%get3A_620, %get3A_621] {strides = array<i32>} : memref<4x224xf32, #tpu.memory_space<vmem>>, vector<1x16xf32>,
      %get3A_623 = vector.shape_cast %get3A_622 : vector<1x16xf32> to vector<16xf32>
      %mul3A_624 = arith.constant 1.280000e+02 : f32
      %mul3A_625 = vector.broadcast %mul3A_624 : f32 to vector<16xf32>
      %mul3A_626 = arith.mulf %get3A_623, %mul3A_625 : vector<16xf32>
      %get3A_627 = arith.constant 2 : i32
      %get3A_628 = arith.index_cast %get3A_627 : i32 to index
      %get3A_629 = arith.constant 80 : index
      %get3A_630 = tpu.vector_load %arg10[%get3A_628, %get3A_629] {strides = array<i32>} : memref<4x224xf32, #tpu.memory_space<vmem>>, vector<1x16xf32>,
      %get3A_631 = vector.shape_cast %get3A_630 : vector<1x16xf32> to vector<16xf32>
      %mul3A_632 = arith.constant 1.280000e+02 : f32
      %mul3A_633 = vector.broadcast %mul3A_632 : f32 to vector<16xf32>
      %mul3A_634 = arith.mulf %get3A_631, %mul3A_633 : vector<16xf32>
      %add3A_635 = arith.addf %mul3A_626, %mul3A_634 : vector<16xf32>
      %mul3A_636 = arith.constant 5.000000e-01 : f32
      %mul3A_637 = vector.broadcast %mul3A_636 : f32 to vector<16xf32>
      %mul3A_638 = arith.mulf %add3A_635, %mul3A_637 : vector<16xf32>
      %swap3A_639 = arith.constant 80 : index
      %swap3A_640 = tpu.vector_load %arg11[%swap3A_639] {strides = array<i32>} : memref<224xf32, #tpu.memory_space<vmem>>, vector<16xf32>,
      %swap3A_641 = vector.shape_cast %swap3A_640 : vector<16xf32> to vector<16xf32>
      %swap3A_642 = vector.shape_cast %mul3A_638 : vector<16xf32> to vector<16xf32>
      tpu.vector_store %arg11[%swap3A_639], %swap3A_642 {strides = array<i32>} : memref<224xf32, #tpu.memory_space<vmem>>, vector<16xf32>,
      %get3A_643 = arith.constant 1 : i32
      %get3A_644 = arith.index_cast %get3A_643 : i32 to index
      %get3A_645 = arith.constant 80 : index
      %get3A_646 = tpu.vector_load %arg10[%get3A_644, %get3A_645] {strides = array<i32>} : memref<4x224xf32, #tpu.memory_space<vmem>>, vector<1x16xf32>,
      %get3A_647 = vector.shape_cast %get3A_646 : vector<1x16xf32> to vector<16xf32>
      %mul3A_648 = arith.constant 1.280000e+02 : f32
      %mul3A_649 = vector.broadcast %mul3A_648 : f32 to vector<16xf32>
      %mul3A_650 = arith.mulf %get3A_647, %mul3A_649 : vector<16xf32>
      %get3A_651 = arith.constant 3 : i32
      %get3A_652 = arith.index_cast %get3A_651 : i32 to index
      %get3A_653 = arith.constant 80 : index
      %get3A_654 = tpu.vector_load %arg10[%get3A_652, %get3A_653] {strides = array<i32>} : memref<4x224xf32, #tpu.memory_space<vmem>>, vector<1x16xf32>,
      %get3A_655 = vector.shape_cast %get3A_654 : vector<1x16xf32> to vector<16xf32>
      %mul3A_656 = arith.constant 1.280000e+02 : f32
      %mul3A_657 = vector.broadcast %mul3A_656 : f32 to vector<16xf32>
      %mul3A_658 = arith.mulf %get3A_655, %mul3A_657 : vector<16xf32>
      %add3A_659 = arith.addf %mul3A_650, %mul3A_658 : vector<16xf32>
      %mul3A_660 = arith.constant 5.000000e-01 : f32
      %mul3A_661 = vector.broadcast %mul3A_660 : f32 to vector<16xf32>
      %mul3A_662 = arith.mulf %add3A_659, %mul3A_661 : vector<16xf32>
      %swap3A_663 = arith.constant 80 : index
      %swap3A_664 = tpu.vector_load %arg12[%swap3A_663] {strides = array<i32>} : memref<224xf32, #tpu.memory_space<vmem>>, vector<16xf32>,
      %swap3A_665 = vector.shape_cast %swap3A_664 : vector<16xf32> to vector<16xf32>
      %swap3A_666 = vector.shape_cast %mul3A_662 : vector<16xf32> to vector<16xf32>
      tpu.vector_store %arg12[%swap3A_663], %swap3A_666 {strides = array<i32>} : memref<224xf32, #tpu.memory_space<vmem>>, vector<16xf32>,
      %get3A_667 = arith.constant 0 : i32
      %get3A_668 = arith.index_cast %get3A_667 : i32 to index
      %get3A_669 = arith.constant 96 : index
      %get3A_670 = tpu.vector_load %arg10[%get3A_668, %get3A_669] {strides = array<i32>} : memref<4x224xf32, #tpu.memory_space<vmem>>, vector<1x16xf32>,
      %get3A_671 = vector.shape_cast %get3A_670 : vector<1x16xf32> to vector<16xf32>
      %mul3A_672 = arith.constant 1.280000e+02 : f32
      %mul3A_673 = vector.broadcast %mul3A_672 : f32 to vector<16xf32>
      %mul3A_674 = arith.mulf %get3A_671, %mul3A_673 : vector<16xf32>
      %get3A_675 = arith.constant 2 : i32
      %get3A_676 = arith.index_cast %get3A_675 : i32 to index
      %get3A_677 = arith.constant 96 : index
      %get3A_678 = tpu.vector_load %arg10[%get3A_676, %get3A_677] {strides = array<i32>} : memref<4x224xf32, #tpu.memory_space<vmem>>, vector<1x16xf32>,
      %get3A_679 = vector.shape_cast %get3A_678 : vector<1x16xf32> to vector<16xf32>
      %mul3A_680 = arith.constant 1.280000e+02 : f32
      %mul3A_681 = vector.broadcast %mul3A_680 : f32 to vector<16xf32>
      %mul3A_682 = arith.mulf %get3A_679, %mul3A_681 : vector<16xf32>
      %add3A_683 = arith.addf %mul3A_674, %mul3A_682 : vector<16xf32>
      %mul3A_684 = arith.constant 5.000000e-01 : f32
      %mul3A_685 = vector.broadcast %mul3A_684 : f32 to vector<16xf32>
      %mul3A_686 = arith.mulf %add3A_683, %mul3A_685 : vector<16xf32>
      %swap3A_687 = arith.constant 96 : index
      %swap3A_688 = tpu.vector_load %arg11[%swap3A_687] {strides = array<i32>} : memref<224xf32, #tpu.memory_space<vmem>>, vector<16xf32>,
      %swap3A_689 = vector.shape_cast %swap3A_688 : vector<16xf32> to vector<16xf32>
      %swap3A_690 = vector.shape_cast %mul3A_686 : vector<16xf32> to vector<16xf32>
      tpu.vector_store %arg11[%swap3A_687], %swap3A_690 {strides = array<i32>} : memref<224xf32, #tpu.memory_space<vmem>>, vector<16xf32>,
      %get3A_691 = arith.constant 1 : i32
      %get3A_692 = arith.index_cast %get3A_691 : i32 to index
      %get3A_693 = arith.constant 96 : index
      %get3A_694 = tpu.vector_load %arg10[%get3A_692, %get3A_693] {strides = array<i32>} : memref<4x224xf32, #tpu.memory_space<vmem>>, vector<1x16xf32>,
      %get3A_695 = vector.shape_cast %get3A_694 : vector<1x16xf32> to vector<16xf32>
      %mul3A_696 = arith.constant 1.280000e+02 : f32
      %mul3A_697 = vector.broadcast %mul3A_696 : f32 to vector<16xf32>
      %mul3A_698 = arith.mulf %get3A_695, %mul3A_697 : vector<16xf32>
      %get3A_699 = arith.constant 3 : i32
      %get3A_700 = arith.index_cast %get3A_699 : i32 to index
      %get3A_701 = arith.constant 96 : index
      %get3A_702 = tpu.vector_load %arg10[%get3A_700, %get3A_701] {strides = array<i32>} : memref<4x224xf32, #tpu.memory_space<vmem>>, vector<1x16xf32>,
      %get3A_703 = vector.shape_cast %get3A_702 : vector<1x16xf32> to vector<16xf32>
      %mul3A_704 = arith.constant 1.280000e+02 : f32
      %mul3A_705 = vector.broadcast %mul3A_704 : f32 to vector<16xf32>
      %mul3A_706 = arith.mulf %get3A_703, %mul3A_705 : vector<16xf32>
      %add3A_707 = arith.addf %mul3A_698, %mul3A_706 : vector<16xf32>
      %mul3A_708 = arith.constant 5.000000e-01 : f32
      %mul3A_709 = vector.broadcast %mul3A_708 : f32 to vector<16xf32>
      %mul3A_710 = arith.mulf %add3A_707, %mul3A_709 : vector<16xf32>
      %swap3A_711 = arith.constant 96 : index
      %swap3A_712 = tpu.vector_load %arg12[%swap3A_711] {strides = array<i32>} : memref<224xf32, #tpu.memory_space<vmem>>, vector<16xf32>,
      %swap3A_713 = vector.shape_cast %swap3A_712 : vector<16xf32> to vector<16xf32>
      %swap3A_714 = vector.shape_cast %mul3A_710 : vector<16xf32> to vector<16xf32>
      tpu.vector_store %arg12[%swap3A_711], %swap3A_714 {strides = array<i32>} : memref<224xf32, #tpu.memory_space<vmem>>, vector<16xf32>,
      %get3A_715 = arith.constant 0 : i32
      %get3A_716 = arith.index_cast %get3A_715 : i32 to index
      %get3A_717 = arith.constant 112 : index
      %get3A_718 = tpu.vector_load %arg10[%get3A_716, %get3A_717] {strides = array<i32>} : memref<4x224xf32, #tpu.memory_space<vmem>>, vector<1x16xf32>,
      %get3A_719 = vector.shape_cast %get3A_718 : vector<1x16xf32> to vector<16xf32>
      %mul3A_720 = arith.constant 1.280000e+02 : f32
      %mul3A_721 = vector.broadcast %mul3A_720 : f32 to vector<16xf32>
      %mul3A_722 = arith.mulf %get3A_719, %mul3A_721 : vector<16xf32>
      %get3A_723 = arith.constant 2 : i32
      %get3A_724 = arith.index_cast %get3A_723 : i32 to index
      %get3A_725 = arith.constant 112 : index
      %get3A_726 = tpu.vector_load %arg10[%get3A_724, %get3A_725] {strides = array<i32>} : memref<4x224xf32, #tpu.memory_space<vmem>>, vector<1x16xf32>,
      %get3A_727 = vector.shape_cast %get3A_726 : vector<1x16xf32> to vector<16xf32>
      %mul3A_728 = arith.constant 1.280000e+02 : f32
      %mul3A_729 = vector.broadcast %mul3A_728 : f32 to vector<16xf32>
      %mul3A_730 = arith.mulf %get3A_727, %mul3A_729 : vector<16xf32>
      %add3A_731 = arith.addf %mul3A_722, %mul3A_730 : vector<16xf32>
      %mul3A_732 = arith.constant 5.000000e-01 : f32
      %mul3A_733 = vector.broadcast %mul3A_732 : f32 to vector<16xf32>
      %mul3A_734 = arith.mulf %add3A_731, %mul3A_733 : vector<16xf32>
      %swap3A_735 = arith.constant 112 : index
      %swap3A_736 = tpu.vector_load %arg11[%swap3A_735] {strides = array<i32>} : memref<224xf32, #tpu.memory_space<vmem>>, vector<16xf32>,
      %swap3A_737 = vector.shape_cast %swap3A_736 : vector<16xf32> to vector<16xf32>
      %swap3A_738 = vector.shape_cast %mul3A_734 : vector<16xf32> to vector<16xf32>
      tpu.vector_store %arg11[%swap3A_735], %swap3A_738 {strides = array<i32>} : memref<224xf32, #tpu.memory_space<vmem>>, vector<16xf32>,
      %get3A_739 = arith.constant 1 : i32
      %get3A_740 = arith.index_cast %get3A_739 : i32 to index
      %get3A_741 = arith.constant 112 : index
      %get3A_742 = tpu.vector_load %arg10[%get3A_740, %get3A_741] {strides = array<i32>} : memref<4x224xf32, #tpu.memory_space<vmem>>, vector<1x16xf32>,
      %get3A_743 = vector.shape_cast %get3A_742 : vector<1x16xf32> to vector<16xf32>
      %mul3A_744 = arith.constant 1.280000e+02 : f32
      %mul3A_745 = vector.broadcast %mul3A_744 : f32 to vector<16xf32>
      %mul3A_746 = arith.mulf %get3A_743, %mul3A_745 : vector<16xf32>
      %get3A_747 = arith.constant 3 : i32
      %get3A_748 = arith.index_cast %get3A_747 : i32 to index
      %get3A_749 = arith.constant 112 : index
      %get3A_750 = tpu.vector_load %arg10[%get3A_748, %get3A_749] {strides = array<i32>} : memref<4x224xf32, #tpu.memory_space<vmem>>, vector<1x16xf32>,
      %get3A_751 = vector.shape_cast %get3A_750 : vector<1x16xf32> to vector<16xf32>
      %mul3A_752 = arith.constant 1.280000e+02 : f32
      %mul3A_753 = vector.broadcast %mul3A_752 : f32 to vector<16xf32>
      %mul3A_754 = arith.mulf %get3A_751, %mul3A_753 : vector<16xf32>
      %add3A_755 = arith.addf %mul3A_746, %mul3A_754 : vector<16xf32>
      %mul3A_756 = arith.constant 5.000000e-01 : f32
      %mul3A_757 = vector.broadcast %mul3A_756 : f32 to vector<16xf32>
      %mul3A_758 = arith.mulf %add3A_755, %mul3A_757 : vector<16xf32>
      %swap3A_759 = arith.constant 112 : index
      %swap3A_760 = tpu.vector_load %arg12[%swap3A_759] {strides = array<i32>} : memref<224xf32, #tpu.memory_space<vmem>>, vector<16xf32>,
      %swap3A_761 = vector.shape_cast %swap3A_760 : vector<16xf32> to vector<16xf32>
      %swap3A_762 = vector.shape_cast %mul3A_758 : vector<16xf32> to vector<16xf32>
      tpu.vector_store %arg12[%swap3A_759], %swap3A_762 {strides = array<i32>} : memref<224xf32, #tpu.memory_space<vmem>>, vector<16xf32>,
      %get3A_763 = arith.constant 0 : i32
      %get3A_764 = arith.index_cast %get3A_763 : i32 to index
      %get3A_765 = arith.constant 128 : index
      %get3A_766 = tpu.vector_load %arg10[%get3A_764, %get3A_765] {strides = array<i32>} : memref<4x224xf32, #tpu.memory_space<vmem>>, vector<1x16xf32>,
      %get3A_767 = vector.shape_cast %get3A_766 : vector<1x16xf32> to vector<16xf32>
      %mul3A_768 = arith.constant 1.280000e+02 : f32
      %mul3A_769 = vector.broadcast %mul3A_768 : f32 to vector<16xf32>
      %mul3A_770 = arith.mulf %get3A_767, %mul3A_769 : vector<16xf32>
      %get3A_771 = arith.constant 2 : i32
      %get3A_772 = arith.index_cast %get3A_771 : i32 to index
      %get3A_773 = arith.constant 128 : index
      %get3A_774 = tpu.vector_load %arg10[%get3A_772, %get3A_773] {strides = array<i32>} : memref<4x224xf32, #tpu.memory_space<vmem>>, vector<1x16xf32>,
      %get3A_775 = vector.shape_cast %get3A_774 : vector<1x16xf32> to vector<16xf32>
      %mul3A_776 = arith.constant 1.280000e+02 : f32
      %mul3A_777 = vector.broadcast %mul3A_776 : f32 to vector<16xf32>
      %mul3A_778 = arith.mulf %get3A_775, %mul3A_777 : vector<16xf32>
      %add3A_779 = arith.addf %mul3A_770, %mul3A_778 : vector<16xf32>
      %mul3A_780 = arith.constant 5.000000e-01 : f32
      %mul3A_781 = vector.broadcast %mul3A_780 : f32 to vector<16xf32>
      %mul3A_782 = arith.mulf %add3A_779, %mul3A_781 : vector<16xf32>
      %swap3A_783 = arith.constant 128 : index
      %swap3A_784 = tpu.vector_load %arg11[%swap3A_783] {strides = array<i32>} : memref<224xf32, #tpu.memory_space<vmem>>, vector<16xf32>,
      %swap3A_785 = vector.shape_cast %swap3A_784 : vector<16xf32> to vector<16xf32>
      %swap3A_786 = vector.shape_cast %mul3A_782 : vector<16xf32> to vector<16xf32>
      tpu.vector_store %arg11[%swap3A_783], %swap3A_786 {strides = array<i32>} : memref<224xf32, #tpu.memory_space<vmem>>, vector<16xf32>,
      %get3A_787 = arith.constant 1 : i32
      %get3A_788 = arith.index_cast %get3A_787 : i32 to index
      %get3A_789 = arith.constant 128 : index
      %get3A_790 = tpu.vector_load %arg10[%get3A_788, %get3A_789] {strides = array<i32>} : memref<4x224xf32, #tpu.memory_space<vmem>>, vector<1x16xf32>,
      %get3A_791 = vector.shape_cast %get3A_790 : vector<1x16xf32> to vector<16xf32>
      %mul3A_792 = arith.constant 1.280000e+02 : f32
      %mul3A_793 = vector.broadcast %mul3A_792 : f32 to vector<16xf32>
      %mul3A_794 = arith.mulf %get3A_791, %mul3A_793 : vector<16xf32>
      %get3A_795 = arith.constant 3 : i32
      %get3A_796 = arith.index_cast %get3A_795 : i32 to index
      %get3A_797 = arith.constant 128 : index
      %get3A_798 = tpu.vector_load %arg10[%get3A_796, %get3A_797] {strides = array<i32>} : memref<4x224xf32, #tpu.memory_space<vmem>>, vector<1x16xf32>,
      %get3A_799 = vector.shape_cast %get3A_798 : vector<1x16xf32> to vector<16xf32>
      %mul3A_800 = arith.constant 1.280000e+02 : f32
      %mul3A_801 = vector.broadcast %mul3A_800 : f32 to vector<16xf32>
      %mul3A_802 = arith.mulf %get3A_799, %mul3A_801 : vector<16xf32>
      %add3A_803 = arith.addf %mul3A_794, %mul3A_802 : vector<16xf32>
      %mul3A_804 = arith.constant 5.000000e-01 : f32
      %mul3A_805 = vector.broadcast %mul3A_804 : f32 to vector<16xf32>
      %mul3A_806 = arith.mulf %add3A_803, %mul3A_805 : vector<16xf32>
      %swap3A_807 = arith.constant 128 : index
      %swap3A_808 = tpu.vector_load %arg12[%swap3A_807] {strides = array<i32>} : memref<224xf32, #tpu.memory_space<vmem>>, vector<16xf32>,
      %swap3A_809 = vector.shape_cast %swap3A_808 : vector<16xf32> to vector<16xf32>
      %swap3A_810 = vector.shape_cast %mul3A_806 : vector<16xf32> to vector<16xf32>
      tpu.vector_store %arg12[%swap3A_807], %swap3A_810 {strides = array<i32>} : memref<224xf32, #tpu.memory_space<vmem>>, vector<16xf32>,
      %get3A_811 = arith.constant 0 : i32
      %get3A_812 = arith.index_cast %get3A_811 : i32 to index
      %get3A_813 = arith.constant 144 : index
      %get3A_814 = tpu.vector_load %arg10[%get3A_812, %get3A_813] {strides = array<i32>} : memref<4x224xf32, #tpu.memory_space<vmem>>, vector<1x16xf32>,
      %get3A_815 = vector.shape_cast %get3A_814 : vector<1x16xf32> to vector<16xf32>
      %mul3A_816 = arith.constant 1.280000e+02 : f32
      %mul3A_817 = vector.broadcast %mul3A_816 : f32 to vector<16xf32>
      %mul3A_818 = arith.mulf %get3A_815, %mul3A_817 : vector<16xf32>
      %get3A_819 = arith.constant 2 : i32
      %get3A_820 = arith.index_cast %get3A_819 : i32 to index
      %get3A_821 = arith.constant 144 : index
      %get3A_822 = tpu.vector_load %arg10[%get3A_820, %get3A_821] {strides = array<i32>} : memref<4x224xf32, #tpu.memory_space<vmem>>, vector<1x16xf32>,
      %get3A_823 = vector.shape_cast %get3A_822 : vector<1x16xf32> to vector<16xf32>
      %mul3A_824 = arith.constant 1.280000e+02 : f32
      %mul3A_825 = vector.broadcast %mul3A_824 : f32 to vector<16xf32>
      %mul3A_826 = arith.mulf %get3A_823, %mul3A_825 : vector<16xf32>
      %add3A_827 = arith.addf %mul3A_818, %mul3A_826 : vector<16xf32>
      %mul3A_828 = arith.constant 5.000000e-01 : f32
      %mul3A_829 = vector.broadcast %mul3A_828 : f32 to vector<16xf32>
      %mul3A_830 = arith.mulf %add3A_827, %mul3A_829 : vector<16xf32>
      %swap3A_831 = arith.constant 144 : index
      %swap3A_832 = tpu.vector_load %arg11[%swap3A_831] {strides = array<i32>} : memref<224xf32, #tpu.memory_space<vmem>>, vector<16xf32>,
      %swap3A_833 = vector.shape_cast %swap3A_832 : vector<16xf32> to vector<16xf32>
      %swap3A_834 = vector.shape_cast %mul3A_830 : vector<16xf32> to vector<16xf32>
      tpu.vector_store %arg11[%swap3A_831], %swap3A_834 {strides = array<i32>} : memref<224xf32, #tpu.memory_space<vmem>>, vector<16xf32>,
      %get3A_835 = arith.constant 1 : i32
      %get3A_836 = arith.index_cast %get3A_835 : i32 to index
      %get3A_837 = arith.constant 144 : index
      %get3A_838 = tpu.vector_load %arg10[%get3A_836, %get3A_837] {strides = array<i32>} : memref<4x224xf32, #tpu.memory_space<vmem>>, vector<1x16xf32>,
      %get3A_839 = vector.shape_cast %get3A_838 : vector<1x16xf32> to vector<16xf32>
      %mul3A_840 = arith.constant 1.280000e+02 : f32
      %mul3A_841 = vector.broadcast %mul3A_840 : f32 to vector<16xf32>
      %mul3A_842 = arith.mulf %get3A_839, %mul3A_841 : vector<16xf32>
      %get3A_843 = arith.constant 3 : i32
      %get3A_844 = arith.index_cast %get3A_843 : i32 to index
      %get3A_845 = arith.constant 144 : index
      %get3A_846 = tpu.vector_load %arg10[%get3A_844, %get3A_845] {strides = array<i32>} : memref<4x224xf32, #tpu.memory_space<vmem>>, vector<1x16xf32>,
      %get3A_847 = vector.shape_cast %get3A_846 : vector<1x16xf32> to vector<16xf32>
      %mul3A_848 = arith.constant 1.280000e+02 : f32
      %mul3A_849 = vector.broadcast %mul3A_848 : f32 to vector<16xf32>
      %mul3A_850 = arith.mulf %get3A_847, %mul3A_849 : vector<16xf32>
      %add3A_851 = arith.addf %mul3A_842, %mul3A_850 : vector<16xf32>
      %mul3A_852 = arith.constant 5.000000e-01 : f32
      %mul3A_853 = vector.broadcast %mul3A_852 : f32 to vector<16xf32>
      %mul3A_854 = arith.mulf %add3A_851, %mul3A_853 : vector<16xf32>
      %swap3A_855 = arith.constant 144 : index
      %swap3A_856 = tpu.vector_load %arg12[%swap3A_855] {strides = array<i32>} : memref<224xf32, #tpu.memory_space<vmem>>, vector<16xf32>,
      %swap3A_857 = vector.shape_cast %swap3A_856 : vector<16xf32> to vector<16xf32>
      %swap3A_858 = vector.shape_cast %mul3A_854 : vector<16xf32> to vector<16xf32>
      tpu.vector_store %arg12[%swap3A_855], %swap3A_858 {strides = array<i32>} : memref<224xf32, #tpu.memory_space<vmem>>, vector<16xf32>,
      %get3A_859 = arith.constant 0 : i32
      %get3A_860 = arith.index_cast %get3A_859 : i32 to index
      %get3A_861 = arith.constant 160 : index
      %get3A_862 = tpu.vector_load %arg10[%get3A_860, %get3A_861] {strides = array<i32>} : memref<4x224xf32, #tpu.memory_space<vmem>>, vector<1x16xf32>,
      %get3A_863 = vector.shape_cast %get3A_862 : vector<1x16xf32> to vector<16xf32>
      %mul3A_864 = arith.constant 1.280000e+02 : f32
      %mul3A_865 = vector.broadcast %mul3A_864 : f32 to vector<16xf32>
      %mul3A_866 = arith.mulf %get3A_863, %mul3A_865 : vector<16xf32>
      %get3A_867 = arith.constant 2 : i32
      %get3A_868 = arith.index_cast %get3A_867 : i32 to index
      %get3A_869 = arith.constant 160 : index
      %get3A_870 = tpu.vector_load %arg10[%get3A_868, %get3A_869] {strides = array<i32>} : memref<4x224xf32, #tpu.memory_space<vmem>>, vector<1x16xf32>,
      %get3A_871 = vector.shape_cast %get3A_870 : vector<1x16xf32> to vector<16xf32>
      %mul3A_872 = arith.constant 1.280000e+02 : f32
      %mul3A_873 = vector.broadcast %mul3A_872 : f32 to vector<16xf32>
      %mul3A_874 = arith.mulf %get3A_871, %mul3A_873 : vector<16xf32>
      %add3A_875 = arith.addf %mul3A_866, %mul3A_874 : vector<16xf32>
      %mul3A_876 = arith.constant 5.000000e-01 : f32
      %mul3A_877 = vector.broadcast %mul3A_876 : f32 to vector<16xf32>
      %mul3A_878 = arith.mulf %add3A_875, %mul3A_877 : vector<16xf32>
      %swap3A_879 = arith.constant 160 : index
      %swap3A_880 = tpu.vector_load %arg11[%swap3A_879] {strides = array<i32>} : memref<224xf32, #tpu.memory_space<vmem>>, vector<16xf32>,
      %swap3A_881 = vector.shape_cast %swap3A_880 : vector<16xf32> to vector<16xf32>
      %swap3A_882 = vector.shape_cast %mul3A_878 : vector<16xf32> to vector<16xf32>
      tpu.vector_store %arg11[%swap3A_879], %swap3A_882 {strides = array<i32>} : memref<224xf32, #tpu.memory_space<vmem>>, vector<16xf32>,
      %get3A_883 = arith.constant 1 : i32
      %get3A_884 = arith.index_cast %get3A_883 : i32 to index
      %get3A_885 = arith.constant 160 : index
      %get3A_886 = tpu.vector_load %arg10[%get3A_884, %get3A_885] {strides = array<i32>} : memref<4x224xf32, #tpu.memory_space<vmem>>, vector<1x16xf32>,
      %get3A_887 = vector.shape_cast %get3A_886 : vector<1x16xf32> to vector<16xf32>
      %mul3A_888 = arith.constant 1.280000e+02 : f32
      %mul3A_889 = vector.broadcast %mul3A_888 : f32 to vector<16xf32>
      %mul3A_890 = arith.mulf %get3A_887, %mul3A_889 : vector<16xf32>
      %get3A_891 = arith.constant 3 : i32
      %get3A_892 = arith.index_cast %get3A_891 : i32 to index
      %get3A_893 = arith.constant 160 : index
      %get3A_894 = tpu.vector_load %arg10[%get3A_892, %get3A_893] {strides = array<i32>} : memref<4x224xf32, #tpu.memory_space<vmem>>, vector<1x16xf32>,
      %get3A_895 = vector.shape_cast %get3A_894 : vector<1x16xf32> to vector<16xf32>
      %mul3A_896 = arith.constant 1.280000e+02 : f32
      %mul3A_897 = vector.broadcast %mul3A_896 : f32 to vector<16xf32>
      %mul3A_898 = arith.mulf %get3A_895, %mul3A_897 : vector<16xf32>
      %add3A_899 = arith.addf %mul3A_890, %mul3A_898 : vector<16xf32>
      %mul3A_900 = arith.constant 5.000000e-01 : f32
      %mul3A_901 = vector.broadcast %mul3A_900 : f32 to vector<16xf32>
      %mul3A_902 = arith.mulf %add3A_899, %mul3A_901 : vector<16xf32>
      %swap3A_903 = arith.constant 160 : index
      %swap3A_904 = tpu.vector_load %arg12[%swap3A_903] {strides = array<i32>} : memref<224xf32, #tpu.memory_space<vmem>>, vector<16xf32>,
      %swap3A_905 = vector.shape_cast %swap3A_904 : vector<16xf32> to vector<16xf32>
      %swap3A_906 = vector.shape_cast %mul3A_902 : vector<16xf32> to vector<16xf32>
      tpu.vector_store %arg12[%swap3A_903], %swap3A_906 {strides = array<i32>} : memref<224xf32, #tpu.memory_space<vmem>>, vector<16xf32>,
      %get3A_907 = arith.constant 0 : i32
      %get3A_908 = arith.index_cast %get3A_907 : i32 to index
      %get3A_909 = arith.constant 176 : index
      %get3A_910 = tpu.vector_load %arg10[%get3A_908, %get3A_909] {strides = array<i32>} : memref<4x224xf32, #tpu.memory_space<vmem>>, vector<1x16xf32>,
      %get3A_911 = vector.shape_cast %get3A_910 : vector<1x16xf32> to vector<16xf32>
      %mul3A_912 = arith.constant 1.280000e+02 : f32
      %mul3A_913 = vector.broadcast %mul3A_912 : f32 to vector<16xf32>
      %mul3A_914 = arith.mulf %get3A_911, %mul3A_913 : vector<16xf32>
      %get3A_915 = arith.constant 2 : i32
      %get3A_916 = arith.index_cast %get3A_915 : i32 to index
      %get3A_917 = arith.constant 176 : index
      %get3A_918 = tpu.vector_load %arg10[%get3A_916, %get3A_917] {strides = array<i32>} : memref<4x224xf32, #tpu.memory_space<vmem>>, vector<1x16xf32>,
      %get3A_919 = vector.shape_cast %get3A_918 : vector<1x16xf32> to vector<16xf32>
      %mul3A_920 = arith.constant 1.280000e+02 : f32
      %mul3A_921 = vector.broadcast %mul3A_920 : f32 to vector<16xf32>
      %mul3A_922 = arith.mulf %get3A_919, %mul3A_921 : vector<16xf32>
      %add3A_923 = arith.addf %mul3A_914, %mul3A_922 : vector<16xf32>
      %mul3A_924 = arith.constant 5.000000e-01 : f32
      %mul3A_925 = vector.broadcast %mul3A_924 : f32 to vector<16xf32>
      %mul3A_926 = arith.mulf %add3A_923, %mul3A_925 : vector<16xf32>
      %swap3A_927 = arith.constant 176 : index
      %swap3A_928 = tpu.vector_load %arg11[%swap3A_927] {strides = array<i32>} : memref<224xf32, #tpu.memory_space<vmem>>, vector<16xf32>,
      %swap3A_929 = vector.shape_cast %swap3A_928 : vector<16xf32> to vector<16xf32>
      %swap3A_930 = vector.shape_cast %mul3A_926 : vector<16xf32> to vector<16xf32>
      tpu.vector_store %arg11[%swap3A_927], %swap3A_930 {strides = array<i32>} : memref<224xf32, #tpu.memory_space<vmem>>, vector<16xf32>,
      %get3A_931 = arith.constant 1 : i32
      %get3A_932 = arith.index_cast %get3A_931 : i32 to index
      %get3A_933 = arith.constant 176 : index
      %get3A_934 = tpu.vector_load %arg10[%get3A_932, %get3A_933] {strides = array<i32>} : memref<4x224xf32, #tpu.memory_space<vmem>>, vector<1x16xf32>,
      %get3A_935 = vector.shape_cast %get3A_934 : vector<1x16xf32> to vector<16xf32>
      %mul3A_936 = arith.constant 1.280000e+02 : f32
      %mul3A_937 = vector.broadcast %mul3A_936 : f32 to vector<16xf32>
      %mul3A_938 = arith.mulf %get3A_935, %mul3A_937 : vector<16xf32>
      %get3A_939 = arith.constant 3 : i32
      %get3A_940 = arith.index_cast %get3A_939 : i32 to index
      %get3A_941 = arith.constant 176 : index
      %get3A_942 = tpu.vector_load %arg10[%get3A_940, %get3A_941] {strides = array<i32>} : memref<4x224xf32, #tpu.memory_space<vmem>>, vector<1x16xf32>,
      %get3A_943 = vector.shape_cast %get3A_942 : vector<1x16xf32> to vector<16xf32>
      %mul3A_944 = arith.constant 1.280000e+02 : f32
      %mul3A_945 = vector.broadcast %mul3A_944 : f32 to vector<16xf32>
      %mul3A_946 = arith.mulf %get3A_943, %mul3A_945 : vector<16xf32>
      %add3A_947 = arith.addf %mul3A_938, %mul3A_946 : vector<16xf32>
      %mul3A_948 = arith.constant 5.000000e-01 : f32
      %mul3A_949 = vector.broadcast %mul3A_948 : f32 to vector<16xf32>
      %mul3A_950 = arith.mulf %add3A_947, %mul3A_949 : vector<16xf32>
      %swap3A_951 = arith.constant 176 : index
      %swap3A_952 = tpu.vector_load %arg12[%swap3A_951] {strides = array<i32>} : memref<224xf32, #tpu.memory_space<vmem>>, vector<16xf32>,
      %swap3A_953 = vector.shape_cast %swap3A_952 : vector<16xf32> to vector<16xf32>
      %swap3A_954 = vector.shape_cast %mul3A_950 : vector<16xf32> to vector<16xf32>
      tpu.vector_store %arg12[%swap3A_951], %swap3A_954 {strides = array<i32>} : memref<224xf32, #tpu.memory_space<vmem>>, vector<16xf32>,
      %get3A_955 = arith.constant 0 : i32
      %get3A_956 = arith.index_cast %get3A_955 : i32 to index
      %get3A_957 = arith.constant 192 : index
      %get3A_958 = tpu.vector_load %arg10[%get3A_956, %get3A_957] {strides = array<i32>} : memref<4x224xf32, #tpu.memory_space<vmem>>, vector<1x16xf32>,
      %get3A_959 = vector.shape_cast %get3A_958 : vector<1x16xf32> to vector<16xf32>
      %mul3A_960 = arith.constant 1.280000e+02 : f32
      %mul3A_961 = vector.broadcast %mul3A_960 : f32 to vector<16xf32>
      %mul3A_962 = arith.mulf %get3A_959, %mul3A_961 : vector<16xf32>
      %get3A_963 = arith.constant 2 : i32
      %get3A_964 = arith.index_cast %get3A_963 : i32 to index
      %get3A_965 = arith.constant 192 : index
      %get3A_966 = tpu.vector_load %arg10[%get3A_964, %get3A_965] {strides = array<i32>} : memref<4x224xf32, #tpu.memory_space<vmem>>, vector<1x16xf32>,
      %get3A_967 = vector.shape_cast %get3A_966 : vector<1x16xf32> to vector<16xf32>
      %mul3A_968 = arith.constant 1.280000e+02 : f32
      %mul3A_969 = vector.broadcast %mul3A_968 : f32 to vector<16xf32>
      %mul3A_970 = arith.mulf %get3A_967, %mul3A_969 : vector<16xf32>
      %add3A_971 = arith.addf %mul3A_962, %mul3A_970 : vector<16xf32>
      %mul3A_972 = arith.constant 5.000000e-01 : f32
      %mul3A_973 = vector.broadcast %mul3A_972 : f32 to vector<16xf32>
      %mul3A_974 = arith.mulf %add3A_971, %mul3A_973 : vector<16xf32>
      %swap3A_975 = arith.constant 192 : index
      %swap3A_976 = tpu.vector_load %arg11[%swap3A_975] {strides = array<i32>} : memref<224xf32, #tpu.memory_space<vmem>>, vector<16xf32>,
      %swap3A_977 = vector.shape_cast %swap3A_976 : vector<16xf32> to vector<16xf32>
      %swap3A_978 = vector.shape_cast %mul3A_974 : vector<16xf32> to vector<16xf32>
      tpu.vector_store %arg11[%swap3A_975], %swap3A_978 {strides = array<i32>} : memref<224xf32, #tpu.memory_space<vmem>>, vector<16xf32>,
      %get3A_979 = arith.constant 1 : i32
      %get3A_980 = arith.index_cast %get3A_979 : i32 to index
      %get3A_981 = arith.constant 192 : index
      %get3A_982 = tpu.vector_load %arg10[%get3A_980, %get3A_981] {strides = array<i32>} : memref<4x224xf32, #tpu.memory_space<vmem>>, vector<1x16xf32>,
      %get3A_983 = vector.shape_cast %get3A_982 : vector<1x16xf32> to vector<16xf32>
      %mul3A_984 = arith.constant 1.280000e+02 : f32
      %mul3A_985 = vector.broadcast %mul3A_984 : f32 to vector<16xf32>
      %mul3A_986 = arith.mulf %get3A_983, %mul3A_985 : vector<16xf32>
      %get3A_987 = arith.constant 3 : i32
      %get3A_988 = arith.index_cast %get3A_987 : i32 to index
      %get3A_989 = arith.constant 192 : index
      %get3A_990 = tpu.vector_load %arg10[%get3A_988, %get3A_989] {strides = array<i32>} : memref<4x224xf32, #tpu.memory_space<vmem>>, vector<1x16xf32>,
      %get3A_991 = vector.shape_cast %get3A_990 : vector<1x16xf32> to vector<16xf32>
      %mul3A_992 = arith.constant 1.280000e+02 : f32
      %mul3A_993 = vector.broadcast %mul3A_992 : f32 to vector<16xf32>
      %mul3A_994 = arith.mulf %get3A_991, %mul3A_993 : vector<16xf32>
      %add3A_995 = arith.addf %mul3A_986, %mul3A_994 : vector<16xf32>
      %mul3A_996 = arith.constant 5.000000e-01 : f32
      %mul3A_997 = vector.broadcast %mul3A_996 : f32 to vector<16xf32>
      %mul3A_998 = arith.mulf %add3A_995, %mul3A_997 : vector<16xf32>
      %swap3A_999 = arith.constant 192 : index
      %swap3A_1000 = tpu.vector_load %arg12[%swap3A_999] {strides = array<i32>} : memref<224xf32, #tpu.memory_space<vmem>>, vector<16xf32>,
      %swap3A_1001 = vector.shape_cast %swap3A_1000 : vector<16xf32> to vector<16xf32>
      %swap3A_1002 = vector.shape_cast %mul3A_998 : vector<16xf32> to vector<16xf32>
      tpu.vector_store %arg12[%swap3A_999], %swap3A_1002 {strides = array<i32>} : memref<224xf32, #tpu.memory_space<vmem>>, vector<16xf32>,
      %get3A_1003 = arith.constant 0 : i32
      %get3A_1004 = arith.index_cast %get3A_1003 : i32 to index
      %get3A_1005 = arith.constant 208 : index
      %get3A_1006 = tpu.vector_load %arg10[%get3A_1004, %get3A_1005] {strides = array<i32>} : memref<4x224xf32, #tpu.memory_space<vmem>>, vector<1x16xf32>,
      %get3A_1007 = vector.shape_cast %get3A_1006 : vector<1x16xf32> to vector<16xf32>
      %mul3A_1008 = arith.constant 1.280000e+02 : f32
      %mul3A_1009 = vector.broadcast %mul3A_1008 : f32 to vector<16xf32>
      %mul3A_1010 = arith.mulf %get3A_1007, %mul3A_1009 : vector<16xf32>
      %get3A_1011 = arith.constant 2 : i32
      %get3A_1012 = arith.index_cast %get3A_1011 : i32 to index
      %get3A_1013 = arith.constant 208 : index
      %get3A_1014 = tpu.vector_load %arg10[%get3A_1012, %get3A_1013] {strides = array<i32>} : memref<4x224xf32, #tpu.memory_space<vmem>>, vector<1x16xf32>,
      %get3A_1015 = vector.shape_cast %get3A_1014 : vector<1x16xf32> to vector<16xf32>
      %mul3A_1016 = arith.constant 1.280000e+02 : f32
      %mul3A_1017 = vector.broadcast %mul3A_1016 : f32 to vector<16xf32>
      %mul3A_1018 = arith.mulf %get3A_1015, %mul3A_1017 : vector<16xf32>
      %add3A_1019 = arith.addf %mul3A_1010, %mul3A_1018 : vector<16xf32>
      %mul3A_1020 = arith.constant 5.000000e-01 : f32
      %mul3A_1021 = vector.broadcast %mul3A_1020 : f32 to vector<16xf32>
      %mul3A_1022 = arith.mulf %add3A_1019, %mul3A_1021 : vector<16xf32>
      %swap3A_1023 = arith.constant 208 : index
      %swap3A_1024 = tpu.vector_load %arg11[%swap3A_1023] {strides = array<i32>} : memref<224xf32, #tpu.memory_space<vmem>>, vector<16xf32>,
      %swap3A_1025 = vector.shape_cast %swap3A_1024 : vector<16xf32> to vector<16xf32>
      %swap3A_1026 = vector.shape_cast %mul3A_1022 : vector<16xf32> to vector<16xf32>
      tpu.vector_store %arg11[%swap3A_1023], %swap3A_1026 {strides = array<i32>} : memref<224xf32, #tpu.memory_space<vmem>>, vector<16xf32>,
      %get3A_1027 = arith.constant 1 : i32
      %get3A_1028 = arith.index_cast %get3A_1027 : i32 to index
      %get3A_1029 = arith.constant 208 : index
      %get3A_1030 = tpu.vector_load %arg10[%get3A_1028, %get3A_1029] {strides = array<i32>} : memref<4x224xf32, #tpu.memory_space<vmem>>, vector<1x16xf32>,
      %get3A_1031 = vector.shape_cast %get3A_1030 : vector<1x16xf32> to vector<16xf32>
      %mul3A_1032 = arith.constant 1.280000e+02 : f32
      %mul3A_1033 = vector.broadcast %mul3A_1032 : f32 to vector<16xf32>
      %mul3A_1034 = arith.mulf %get3A_1031, %mul3A_1033 : vector<16xf32>
      %get3A_1035 = arith.constant 3 : i32
      %get3A_1036 = arith.index_cast %get3A_1035 : i32 to index
      %get3A_1037 = arith.constant 208 : index
      %get3A_1038 = tpu.vector_load %arg10[%get3A_1036, %get3A_1037] {strides = array<i32>} : memref<4x224xf32, #tpu.memory_space<vmem>>, vector<1x16xf32>,
      %get3A_1039 = vector.shape_cast %get3A_1038 : vector<1x16xf32> to vector<16xf32>
      %mul3A_1040 = arith.constant 1.280000e+02 : f32
      %mul3A_1041 = vector.broadcast %mul3A_1040 : f32 to vector<16xf32>
      %mul3A_1042 = arith.mulf %get3A_1039, %mul3A_1041 : vector<16xf32>
      %add3A_1043 = arith.addf %mul3A_1034, %mul3A_1042 : vector<16xf32>
      %mul3A_1044 = arith.constant 5.000000e-01 : f32
      %mul3A_1045 = vector.broadcast %mul3A_1044 : f32 to vector<16xf32>
      %mul3A_1046 = arith.mulf %add3A_1043, %mul3A_1045 : vector<16xf32>
      %swap3A_1047 = arith.constant 208 : index
      %swap3A_1048 = tpu.vector_load %arg12[%swap3A_1047] {strides = array<i32>} : memref<224xf32, #tpu.memory_space<vmem>>, vector<16xf32>,
      %swap3A_1049 = vector.shape_cast %swap3A_1048 : vector<16xf32> to vector<16xf32>
      %swap3A_1050 = vector.shape_cast %mul3A_1046 : vector<16xf32> to vector<16xf32>
      tpu.vector_store %arg12[%swap3A_1047], %swap3A_1050 {strides = array<i32>} : memref<224xf32, #tpu.memory_space<vmem>>, vector<16xf32>,
      "tpu.region"() ({
        %run_scoped3A_1051 = tpu.sem_alloc : memref<!tpu.dma_semaphore, #tpu.memory_space<semaphore_mem>>
        %dma_start3A_1052 = arith.constant 0 : i32
        %dma_start3A_1053 = tpu.memref_slice %arg6[%add3A, %dma_start3A_1052] : memref<16x224xf32, #tpu.memory_space<hbm>> -> memref<1x224xf32, #tpu.memory_space<hbm>>
        %dma_start3A_1054 = tpu.memref_squeeze %dma_start3A_1053 : memref<1x224xf32, #tpu.memory_space<hbm>> -> memref<224xf32, #tpu.memory_space<hbm>>
        %dma_start3A_1055 = arith.constant 0 : i32
        %dma_start3A_1056 = tpu.memref_slice %arg6[%add3A, %dma_start3A_1055] : memref<16x224xf32, #tpu.memory_space<hbm>> -> memref<1x224xf32, #tpu.memory_space<hbm>>
        %dma_start3A_1057 = tpu.memref_squeeze %dma_start3A_1056 : memref<1x224xf32, #tpu.memory_space<hbm>> -> memref<224xf32, #tpu.memory_space<hbm>>
        tpu.enqueue_dma source(%arg11 : memref<224xf32, #tpu.memory_space<vmem>>) target(%dma_start3A_1057 : memref<224xf32, #tpu.memory_space<hbm>>) target_semaphore(%run_scoped3A_1051 : memref<!tpu.dma_semaphore, #tpu.memory_space<semaphore_mem>>)
        %dma_wait3A_1058 = arith.constant 0 : i32
        %dma_wait3A_1059 = tpu.memref_slice %arg6[%add3A, %dma_wait3A_1058] : memref<16x224xf32, #tpu.memory_space<hbm>> -> memref<1x224xf32, #tpu.memory_space<hbm>>
        %dma_wait3A_1060 = tpu.memref_squeeze %dma_wait3A_1059 : memref<1x224xf32, #tpu.memory_space<hbm>> -> memref<224xf32, #tpu.memory_space<hbm>>
        %dma_wait3A_1061 = arith.constant 0 : i32
        %dma_wait3A_1062 = tpu.memref_slice %arg6[%add3A, %dma_wait3A_1061] : memref<16x224xf32, #tpu.memory_space<hbm>> -> memref<1x224xf32, #tpu.memory_space<hbm>>
        %dma_wait3A_1063 = tpu.memref_squeeze %dma_wait3A_1062 : memref<1x224xf32, #tpu.memory_space<hbm>> -> memref<224xf32, #tpu.memory_space<hbm>>
        tpu.wait_dma2 semaphore(%run_scoped3A_1051 : memref<!tpu.dma_semaphore, #tpu.memory_space<semaphore_mem>>) src(%arg11 : memref<224xf32, #tpu.memory_space<vmem>>) dst(%dma_wait3A_1063 : memref<224xf32, #tpu.memory_space<hbm>>)
        tpu.yield
      }) : () -> ()
      "tpu.region"() ({
        %run_scoped3A_1051 = tpu.sem_alloc : memref<!tpu.dma_semaphore, #tpu.memory_space<semaphore_mem>>
        %dma_start3A_1052 = arith.constant 0 : i32
        %dma_start3A_1053 = tpu.memref_slice %arg7[%add3A, %dma_start3A_1052] : memref<16x224xf32, #tpu.memory_space<hbm>> -> memref<1x224xf32, #tpu.memory_space<hbm>>
        %dma_start3A_1054 = tpu.memref_squeeze %dma_start3A_1053 : memref<1x224xf32, #tpu.memory_space<hbm>> -> memref<224xf32, #tpu.memory_space<hbm>>
        %dma_start3A_1055 = arith.constant 0 : i32
        %dma_start3A_1056 = tpu.memref_slice %arg7[%add3A, %dma_start3A_1055] : memref<16x224xf32, #tpu.memory_space<hbm>> -> memref<1x224xf32, #tpu.memory_space<hbm>>
        %dma_start3A_1057 = tpu.memref_squeeze %dma_start3A_1056 : memref<1x224xf32, #tpu.memory_space<hbm>> -> memref<224xf32, #tpu.memory_space<hbm>>
        tpu.enqueue_dma source(%arg12 : memref<224xf32, #tpu.memory_space<vmem>>) target(%dma_start3A_1057 : memref<224xf32, #tpu.memory_space<hbm>>) target_semaphore(%run_scoped3A_1051 : memref<!tpu.dma_semaphore, #tpu.memory_space<semaphore_mem>>)
        %dma_wait3A_1058 = arith.constant 0 : i32
        %dma_wait3A_1059 = tpu.memref_slice %arg7[%add3A, %dma_wait3A_1058] : memref<16x224xf32, #tpu.memory_space<hbm>> -> memref<1x224xf32, #tpu.memory_space<hbm>>
        %dma_wait3A_1060 = tpu.memref_squeeze %dma_wait3A_1059 : memref<1x224xf32, #tpu.memory_space<hbm>> -> memref<224xf32, #tpu.memory_space<hbm>>
        %dma_wait3A_1061 = arith.constant 0 : i32
        %dma_wait3A_1062 = tpu.memref_slice %arg7[%add3A, %dma_wait3A_1061] : memref<16x224xf32, #tpu.memory_space<hbm>> -> memref<1x224xf32, #tpu.memory_space<hbm>>
        %dma_wait3A_1063 = tpu.memref_squeeze %dma_wait3A_1062 : memref<1x224xf32, #tpu.memory_space<hbm>> -> memref<224xf32, #tpu.memory_space<hbm>>
        tpu.wait_dma2 semaphore(%run_scoped3A_1051 : memref<!tpu.dma_semaphore, #tpu.memory_space<semaphore_mem>>) src(%arg12 : memref<224xf32, #tpu.memory_space<vmem>>) dst(%dma_wait3A_1063 : memref<224xf32, #tpu.memory_space<hbm>>)
        tpu.yield
      }) : () -> ()
    } else {
    }
    %get3A = arith.constant 0 : index
    %get3A_5 = tpu.vector_load %arg8[%get3A] {strides = array<i32>} : memref<512xf32, #tpu.memory_space<vmem>>, vector<16xf32>,
    %get3A_6 = vector.shape_cast %get3A_5 : vector<16xf32> to vector<16xf32>
    %get3A_7 = arith.constant 16 : index
    %get3A_8 = tpu.vector_load %arg8[%get3A_7] {strides = array<i32>} : memref<512xf32, #tpu.memory_space<vmem>>, vector<16xf32>,
    %get3A_9 = vector.shape_cast %get3A_8 : vector<16xf32> to vector<16xf32>
    %get3A_10 = arith.constant 32 : index
    %get3A_11 = tpu.vector_load %arg8[%get3A_10] {strides = array<i32>} : memref<512xf32, #tpu.memory_space<vmem>>, vector<16xf32>,
    %get3A_12 = vector.shape_cast %get3A_11 : vector<16xf32> to vector<16xf32>
    %get3A_13 = arith.constant 48 : index
    %get3A_14 = tpu.vector_load %arg8[%get3A_13] {strides = array<i32>} : memref<512xf32, #tpu.memory_space<vmem>>, vector<16xf32>,
    %get3A_15 = vector.shape_cast %get3A_14 : vector<16xf32> to vector<16xf32>
    %scan3A = arith.constant 0 : i32
    %scan3A_16 = arith.constant 0 : i32
    %scan3A_17 = arith.constant 256 : i32
    %scan3A_18 = arith.addi %scan3A_16, %scan3A_17 : i32
    %scan3A_19 = arith.constant 1 : i32
    scf.for %scan3A_369 = %scan3A_16 to %scan3A_18 step %scan3A_19  : i32 {
      %add3A_370 = arith.constant 0 : i32
      %add3A_371 = arith.addi %add3A_370, %scan3A_369 : i32
      %mul3A_372 = arith.constant 64 : i32
      %mul3A_373 = arith.muli %scan3A_369, %mul3A_372 : i32
      %add3A_374 = arith.constant 0 : i32
      %add3A_375 = arith.addi %mul3A_373, %add3A_374 : i32
      %get3A_376 = arith.index_cast %add3A_375 : i32 to index
      %get3A_377 = tpu.vector_load %arg9[%get3A_376] {strides = array<i32>} : memref<16384xf32, #tpu.memory_space<vmem>>, vector<16xf32>,
      %get3A_378 = vector.shape_cast %get3A_377 : vector<16xf32> to vector<16xf32>
      %add3A_379 = arith.addf %get3A_378, %get3A_6 : vector<16xf32>
      %swap3A = arith.index_cast %add3A_371 : i32 to index
      %swap3A_380 = arith.constant 0 : index
      %swap3A_381 = tpu.vector_load %arg13[%swap3A, %swap3A_380] {strides = array<i32>} : memref<512x64xf32, #tpu.memory_space<vmem>>, vector<1x16xf32>,
      %swap3A_382 = vector.shape_cast %swap3A_381 : vector<1x16xf32> to vector<16xf32>
      %swap3A_383 = vector.shape_cast %add3A_379 : vector<16xf32> to vector<1x16xf32>
      tpu.vector_store %arg13[%swap3A, %swap3A_380], %swap3A_383 {strides = array<i32>} : memref<512x64xf32, #tpu.memory_space<vmem>>, vector<1x16xf32>,
      %mul3A_384 = arith.constant 64 : i32
      %mul3A_385 = arith.muli %scan3A_369, %mul3A_384 : i32
      %add3A_386 = arith.constant 16 : i32
      %add3A_387 = arith.addi %mul3A_385, %add3A_386 : i32
      %get3A_388 = arith.index_cast %add3A_387 : i32 to index
      %get3A_389 = tpu.vector_load %arg9[%get3A_388] {strides = array<i32>} : memref<16384xf32, #tpu.memory_space<vmem>>, vector<16xf32>,
      %get3A_390 = vector.shape_cast %get3A_389 : vector<16xf32> to vector<16xf32>
      %add3A_391 = arith.addf %get3A_390, %get3A_9 : vector<16xf32>
      %swap3A_392 = arith.index_cast %add3A_371 : i32 to index
      %swap3A_393 = arith.constant 16 : index
      %swap3A_394 = tpu.vector_load %arg13[%swap3A_392, %swap3A_393] {strides = array<i32>} : memref<512x64xf32, #tpu.memory_space<vmem>>, vector<1x16xf32>,
      %swap3A_395 = vector.shape_cast %swap3A_394 : vector<1x16xf32> to vector<16xf32>
      %swap3A_396 = vector.shape_cast %add3A_391 : vector<16xf32> to vector<1x16xf32>
      tpu.vector_store %arg13[%swap3A_392, %swap3A_393], %swap3A_396 {strides = array<i32>} : memref<512x64xf32, #tpu.memory_space<vmem>>, vector<1x16xf32>,
      %mul3A_397 = arith.constant 64 : i32
      %mul3A_398 = arith.muli %scan3A_369, %mul3A_397 : i32
      %add3A_399 = arith.constant 32 : i32
      %add3A_400 = arith.addi %mul3A_398, %add3A_399 : i32
      %get3A_401 = arith.index_cast %add3A_400 : i32 to index
      %get3A_402 = tpu.vector_load %arg9[%get3A_401] {strides = array<i32>} : memref<16384xf32, #tpu.memory_space<vmem>>, vector<16xf32>,
      %get3A_403 = vector.shape_cast %get3A_402 : vector<16xf32> to vector<16xf32>
      %add3A_404 = arith.addf %get3A_403, %get3A_12 : vector<16xf32>
      %swap3A_405 = arith.index_cast %add3A_371 : i32 to index
      %swap3A_406 = arith.constant 32 : index
      %swap3A_407 = tpu.vector_load %arg13[%swap3A_405, %swap3A_406] {strides = array<i32>} : memref<512x64xf32, #tpu.memory_space<vmem>>, vector<1x16xf32>,
      %swap3A_408 = vector.shape_cast %swap3A_407 : vector<1x16xf32> to vector<16xf32>
      %swap3A_409 = vector.shape_cast %add3A_404 : vector<16xf32> to vector<1x16xf32>
      tpu.vector_store %arg13[%swap3A_405, %swap3A_406], %swap3A_409 {strides = array<i32>} : memref<512x64xf32, #tpu.memory_space<vmem>>, vector<1x16xf32>,
      %mul3A_410 = arith.constant 64 : i32
      %mul3A_411 = arith.muli %scan3A_369, %mul3A_410 : i32
      %add3A_412 = arith.constant 48 : i32
      %add3A_413 = arith.addi %mul3A_411, %add3A_412 : i32
      %get3A_414 = arith.index_cast %add3A_413 : i32 to index
      %get3A_415 = tpu.vector_load %arg9[%get3A_414] {strides = array<i32>} : memref<16384xf32, #tpu.memory_space<vmem>>, vector<16xf32>,
      %get3A_416 = vector.shape_cast %get3A_415 : vector<16xf32> to vector<16xf32>
      %add3A_417 = arith.addf %get3A_416, %get3A_15 : vector<16xf32>
      %swap3A_418 = arith.index_cast %add3A_371 : i32 to index
      %swap3A_419 = arith.constant 48 : index
      %swap3A_420 = tpu.vector_load %arg13[%swap3A_418, %swap3A_419] {strides = array<i32>} : memref<512x64xf32, #tpu.memory_space<vmem>>, vector<1x16xf32>,
      %swap3A_421 = vector.shape_cast %swap3A_420 : vector<1x16xf32> to vector<16xf32>
      %swap3A_422 = vector.shape_cast %add3A_417 : vector<16xf32> to vector<1x16xf32>
      tpu.vector_store %arg13[%swap3A_418, %swap3A_419], %swap3A_422 {strides = array<i32>} : memref<512x64xf32, #tpu.memory_space<vmem>>, vector<1x16xf32>,
    }
    %scan3A_20 = arith.constant 256 : i32
    %mul3A_21 = arith.constant 8 : i32
    %mul3A_22 = arith.muli %add3A, %mul3A_21 : i32
    %add3A_23 = arith.constant 0 : i32
    %add3A_24 = arith.addi %mul3A_22, %add3A_23 : i32
    %mul3A_25 = arith.constant 256 : i32
    %mul3A_26 = arith.muli %add3A_24, %mul3A_25 : i32
    %dma_start3A = arith.constant 0 : i32
    %dma_start3A_27 = arith.constant 0 : i32
    %dma_start3A_28 = tpu.memref_slice %arg13[%dma_start3A, %dma_start3A_27] : memref<512x64xf32, #tpu.memory_space<vmem>> -> memref<256x64xf32, #tpu.memory_space<vmem>>
    %dma_start3A_29 = arith.constant 0 : i32
    %dma_start3A_30 = tpu.memref_slice %arg5[%mul3A_26, %dma_start3A_29] : memref<65536x64xf32, #tpu.memory_space<hbm>> -> memref<256x64xf32, #tpu.memory_space<hbm>>
    %dma_start3A_31 = arith.constant 0 : i32
    %dma_start3A_32 = tpu.memref_slice %arg5[%mul3A_26, %dma_start3A_31] : memref<65536x64xf32, #tpu.memory_space<hbm>> -> memref<256x64xf32, #tpu.memory_space<hbm>>
    %dma_start3A_33 = arith.constant 0 : i32
    %dma_start3A_34 = arith.constant 0 : i32
    %dma_start3A_35 = tpu.memref_slice %arg13[%dma_start3A_33, %dma_start3A_34] : memref<512x64xf32, #tpu.memory_space<vmem>> -> memref<256x64xf32, #tpu.memory_space<vmem>>
    tpu.enqueue_dma source(%dma_start3A_35 : memref<256x64xf32, #tpu.memory_space<vmem>>) target(%dma_start3A_32 : memref<256x64xf32, #tpu.memory_space<hbm>>) target_semaphore(%arg14 : memref<!tpu.dma_semaphore, #tpu.memory_space<semaphore_mem>>)
    %get3A_36 = arith.constant 64 : index
    %get3A_37 = tpu.vector_load %arg8[%get3A_36] {strides = array<i32>} : memref<512xf32, #tpu.memory_space<vmem>>, vector<16xf32>,
    %get3A_38 = vector.shape_cast %get3A_37 : vector<16xf32> to vector<16xf32>
    %get3A_39 = arith.constant 80 : index
    %get3A_40 = tpu.vector_load %arg8[%get3A_39] {strides = array<i32>} : memref<512xf32, #tpu.memory_space<vmem>>, vector<16xf32>,
    %get3A_41 = vector.shape_cast %get3A_40 : vector<16xf32> to vector<16xf32>
    %get3A_42 = arith.constant 96 : index
    %get3A_43 = tpu.vector_load %arg8[%get3A_42] {strides = array<i32>} : memref<512xf32, #tpu.memory_space<vmem>>, vector<16xf32>,
    %get3A_44 = vector.shape_cast %get3A_43 : vector<16xf32> to vector<16xf32>
    %get3A_45 = arith.constant 112 : index
    %get3A_46 = tpu.vector_load %arg8[%get3A_45] {strides = array<i32>} : memref<512xf32, #tpu.memory_space<vmem>>, vector<16xf32>,
    %get3A_47 = vector.shape_cast %get3A_46 : vector<16xf32> to vector<16xf32>
    %scan3A_48 = arith.constant 0 : i32
    %scan3A_49 = arith.constant 0 : i32
    %scan3A_50 = arith.constant 256 : i32
    %scan3A_51 = arith.addi %scan3A_49, %scan3A_50 : i32
    %scan3A_52 = arith.constant 1 : i32
    scf.for %scan3A_369 = %scan3A_49 to %scan3A_51 step %scan3A_52  : i32 {
      %add3A_370 = arith.constant 256 : i32
      %add3A_371 = arith.addi %add3A_370, %scan3A_369 : i32
      %mul3A_372 = arith.constant 64 : i32
      %mul3A_373 = arith.muli %scan3A_369, %mul3A_372 : i32
      %add3A_374 = arith.constant 0 : i32
      %add3A_375 = arith.addi %mul3A_373, %add3A_374 : i32
      %get3A_376 = arith.index_cast %add3A_375 : i32 to index
      %get3A_377 = tpu.vector_load %arg9[%get3A_376] {strides = array<i32>} : memref<16384xf32, #tpu.memory_space<vmem>>, vector<16xf32>,
      %get3A_378 = vector.shape_cast %get3A_377 : vector<16xf32> to vector<16xf32>
      %add3A_379 = arith.addf %get3A_378, %get3A_38 : vector<16xf32>
      %swap3A = arith.index_cast %add3A_371 : i32 to index
      %swap3A_380 = arith.constant 0 : index
      %swap3A_381 = tpu.vector_load %arg13[%swap3A, %swap3A_380] {strides = array<i32>} : memref<512x64xf32, #tpu.memory_space<vmem>>, vector<1x16xf32>,
      %swap3A_382 = vector.shape_cast %swap3A_381 : vector<1x16xf32> to vector<16xf32>
      %swap3A_383 = vector.shape_cast %add3A_379 : vector<16xf32> to vector<1x16xf32>
      tpu.vector_store %arg13[%swap3A, %swap3A_380], %swap3A_383 {strides = array<i32>} : memref<512x64xf32, #tpu.memory_space<vmem>>, vector<1x16xf32>,
      %mul3A_384 = arith.constant 64 : i32
      %mul3A_385 = arith.muli %scan3A_369, %mul3A_384 : i32
      %add3A_386 = arith.constant 16 : i32
      %add3A_387 = arith.addi %mul3A_385, %add3A_386 : i32
      %get3A_388 = arith.index_cast %add3A_387 : i32 to index
      %get3A_389 = tpu.vector_load %arg9[%get3A_388] {strides = array<i32>} : memref<16384xf32, #tpu.memory_space<vmem>>, vector<16xf32>,
      %get3A_390 = vector.shape_cast %get3A_389 : vector<16xf32> to vector<16xf32>
      %add3A_391 = arith.addf %get3A_390, %get3A_41 : vector<16xf32>
      %swap3A_392 = arith.index_cast %add3A_371 : i32 to index
      %swap3A_393 = arith.constant 16 : index
      %swap3A_394 = tpu.vector_load %arg13[%swap3A_392, %swap3A_393] {strides = array<i32>} : memref<512x64xf32, #tpu.memory_space<vmem>>, vector<1x16xf32>,
      %swap3A_395 = vector.shape_cast %swap3A_394 : vector<1x16xf32> to vector<16xf32>
      %swap3A_396 = vector.shape_cast %add3A_391 : vector<16xf32> to vector<1x16xf32>
      tpu.vector_store %arg13[%swap3A_392, %swap3A_393], %swap3A_396 {strides = array<i32>} : memref<512x64xf32, #tpu.memory_space<vmem>>, vector<1x16xf32>,
      %mul3A_397 = arith.constant 64 : i32
      %mul3A_398 = arith.muli %scan3A_369, %mul3A_397 : i32
      %add3A_399 = arith.constant 32 : i32
      %add3A_400 = arith.addi %mul3A_398, %add3A_399 : i32
      %get3A_401 = arith.index_cast %add3A_400 : i32 to index
      %get3A_402 = tpu.vector_load %arg9[%get3A_401] {strides = array<i32>} : memref<16384xf32, #tpu.memory_space<vmem>>, vector<16xf32>,
      %get3A_403 = vector.shape_cast %get3A_402 : vector<16xf32> to vector<16xf32>
      %add3A_404 = arith.addf %get3A_403, %get3A_44 : vector<16xf32>
      %swap3A_405 = arith.index_cast %add3A_371 : i32 to index
      %swap3A_406 = arith.constant 32 : index
      %swap3A_407 = tpu.vector_load %arg13[%swap3A_405, %swap3A_406] {strides = array<i32>} : memref<512x64xf32, #tpu.memory_space<vmem>>, vector<1x16xf32>,
      %swap3A_408 = vector.shape_cast %swap3A_407 : vector<1x16xf32> to vector<16xf32>
      %swap3A_409 = vector.shape_cast %add3A_404 : vector<16xf32> to vector<1x16xf32>
      tpu.vector_store %arg13[%swap3A_405, %swap3A_406], %swap3A_409 {strides = array<i32>} : memref<512x64xf32, #tpu.memory_space<vmem>>, vector<1x16xf32>,
      %mul3A_410 = arith.constant 64 : i32
      %mul3A_411 = arith.muli %scan3A_369, %mul3A_410 : i32
      %add3A_412 = arith.constant 48 : i32
      %add3A_413 = arith.addi %mul3A_411, %add3A_412 : i32
      %get3A_414 = arith.index_cast %add3A_413 : i32 to index
      %get3A_415 = tpu.vector_load %arg9[%get3A_414] {strides = array<i32>} : memref<16384xf32, #tpu.memory_space<vmem>>, vector<16xf32>,
      %get3A_416 = vector.shape_cast %get3A_415 : vector<16xf32> to vector<16xf32>
      %add3A_417 = arith.addf %get3A_416, %get3A_47 : vector<16xf32>
      %swap3A_418 = arith.index_cast %add3A_371 : i32 to index
      %swap3A_419 = arith.constant 48 : index
      %swap3A_420 = tpu.vector_load %arg13[%swap3A_418, %swap3A_419] {strides = array<i32>} : memref<512x64xf32, #tpu.memory_space<vmem>>, vector<1x16xf32>,
      %swap3A_421 = vector.shape_cast %swap3A_420 : vector<1x16xf32> to vector<16xf32>
      %swap3A_422 = vector.shape_cast %add3A_417 : vector<16xf32> to vector<1x16xf32>
      tpu.vector_store %arg13[%swap3A_418, %swap3A_419], %swap3A_422 {strides = array<i32>} : memref<512x64xf32, #tpu.memory_space<vmem>>, vector<1x16xf32>,
    }
    %scan3A_53 = arith.constant 256 : i32
    %mul3A_54 = arith.constant 8 : i32
    %mul3A_55 = arith.muli %add3A, %mul3A_54 : i32
    %add3A_56 = arith.constant 1 : i32
    %add3A_57 = arith.addi %mul3A_55, %add3A_56 : i32
    %mul3A_58 = arith.constant 256 : i32
    %mul3A_59 = arith.muli %add3A_57, %mul3A_58 : i32
    %dma_start3A_60 = arith.constant 256 : i32
    %dma_start3A_61 = arith.constant 0 : i32
    %dma_start3A_62 = tpu.memref_slice %arg13[%dma_start3A_60, %dma_start3A_61] : memref<512x64xf32, #tpu.memory_space<vmem>> -> memref<256x64xf32, #tpu.memory_space<vmem>>
    %dma_start3A_63 = arith.constant 0 : i32
    %dma_start3A_64 = tpu.memref_slice %arg5[%mul3A_59, %dma_start3A_63] : memref<65536x64xf32, #tpu.memory_space<hbm>> -> memref<256x64xf32, #tpu.memory_space<hbm>>
    %dma_start3A_65 = arith.constant 0 : i32
    %dma_start3A_66 = tpu.memref_slice %arg5[%mul3A_59, %dma_start3A_65] : memref<65536x64xf32, #tpu.memory_space<hbm>> -> memref<256x64xf32, #tpu.memory_space<hbm>>
    %dma_start3A_67 = arith.constant 256 : i32
    %dma_start3A_68 = arith.constant 0 : i32
    %dma_start3A_69 = tpu.memref_slice %arg13[%dma_start3A_67, %dma_start3A_68] : memref<512x64xf32, #tpu.memory_space<vmem>> -> memref<256x64xf32, #tpu.memory_space<vmem>>
    tpu.enqueue_dma source(%dma_start3A_69 : memref<256x64xf32, #tpu.memory_space<vmem>>) target(%dma_start3A_66 : memref<256x64xf32, #tpu.memory_space<hbm>>) target_semaphore(%arg14 : memref<!tpu.dma_semaphore, #tpu.memory_space<semaphore_mem>>)
    %dma_wait3A = arith.constant 0 : i32
    %dma_wait3A_70 = arith.constant 0 : i32
    %dma_wait3A_71 = tpu.memref_slice %arg13[%dma_wait3A, %dma_wait3A_70] : memref<512x64xf32, #tpu.memory_space<vmem>> -> memref<256x64xf32, #tpu.memory_space<vmem>>
    %dma_wait3A_72 = arith.constant 0 : i32
    %dma_wait3A_73 = arith.constant 0 : i32
    %dma_wait3A_74 = tpu.memref_slice %arg5[%dma_wait3A_72, %dma_wait3A_73] : memref<65536x64xf32, #tpu.memory_space<hbm>> -> memref<256x64xf32, #tpu.memory_space<hbm>>
    %dma_wait3A_75 = arith.constant 0 : i32
    %dma_wait3A_76 = arith.constant 0 : i32
    %dma_wait3A_77 = tpu.memref_slice %arg13[%dma_wait3A_75, %dma_wait3A_76] : memref<512x64xf32, #tpu.memory_space<vmem>> -> memref<256x64xf32, #tpu.memory_space<vmem>>
    %dma_wait3A_78 = arith.constant 0 : i32
    %dma_wait3A_79 = arith.constant 0 : i32
    %dma_wait3A_80 = tpu.memref_slice %arg5[%dma_wait3A_78, %dma_wait3A_79] : memref<65536x64xf32, #tpu.memory_space<hbm>> -> memref<256x64xf32, #tpu.memory_space<hbm>>
    tpu.wait_dma2 semaphore(%arg14 : memref<!tpu.dma_semaphore, #tpu.memory_space<semaphore_mem>>) src(%dma_wait3A_80 : memref<256x64xf32, #tpu.memory_space<hbm>>) dst(%dma_wait3A_77 : memref<256x64xf32, #tpu.memory_space<vmem>>)
    %get3A_81 = arith.constant 128 : index
    %get3A_82 = tpu.vector_load %arg8[%get3A_81] {strides = array<i32>} : memref<512xf32, #tpu.memory_space<vmem>>, vector<16xf32>,
    %get3A_83 = vector.shape_cast %get3A_82 : vector<16xf32> to vector<16xf32>
    %get3A_84 = arith.constant 144 : index
    %get3A_85 = tpu.vector_load %arg8[%get3A_84] {strides = array<i32>} : memref<512xf32, #tpu.memory_space<vmem>>, vector<16xf32>,
    %get3A_86 = vector.shape_cast %get3A_85 : vector<16xf32> to vector<16xf32>
    %get3A_87 = arith.constant 160 : index
    %get3A_88 = tpu.vector_load %arg8[%get3A_87] {strides = array<i32>} : memref<512xf32, #tpu.memory_space<vmem>>, vector<16xf32>,
    %get3A_89 = vector.shape_cast %get3A_88 : vector<16xf32> to vector<16xf32>
    %get3A_90 = arith.constant 176 : index
    %get3A_91 = tpu.vector_load %arg8[%get3A_90] {strides = array<i32>} : memref<512xf32, #tpu.memory_space<vmem>>, vector<16xf32>,
    %get3A_92 = vector.shape_cast %get3A_91 : vector<16xf32> to vector<16xf32>
    %scan3A_93 = arith.constant 0 : i32
    %scan3A_94 = arith.constant 0 : i32
    %scan3A_95 = arith.constant 256 : i32
    %scan3A_96 = arith.addi %scan3A_94, %scan3A_95 : i32
    %scan3A_97 = arith.constant 1 : i32
    scf.for %scan3A_369 = %scan3A_94 to %scan3A_96 step %scan3A_97  : i32 {
      %add3A_370 = arith.constant 0 : i32
      %add3A_371 = arith.addi %add3A_370, %scan3A_369 : i32
      %mul3A_372 = arith.constant 64 : i32
      %mul3A_373 = arith.muli %scan3A_369, %mul3A_372 : i32
      %add3A_374 = arith.constant 0 : i32
      %add3A_375 = arith.addi %mul3A_373, %add3A_374 : i32
      %get3A_376 = arith.index_cast %add3A_375 : i32 to index
      %get3A_377 = tpu.vector_load %arg9[%get3A_376] {strides = array<i32>} : memref<16384xf32, #tpu.memory_space<vmem>>, vector<16xf32>,
      %get3A_378 = vector.shape_cast %get3A_377 : vector<16xf32> to vector<16xf32>
      %add3A_379 = arith.addf %get3A_378, %get3A_83 : vector<16xf32>
      %swap3A = arith.index_cast %add3A_371 : i32 to index
      %swap3A_380 = arith.constant 0 : index
      %swap3A_381 = tpu.vector_load %arg13[%swap3A, %swap3A_380] {strides = array<i32>} : memref<512x64xf32, #tpu.memory_space<vmem>>, vector<1x16xf32>,
      %swap3A_382 = vector.shape_cast %swap3A_381 : vector<1x16xf32> to vector<16xf32>
      %swap3A_383 = vector.shape_cast %add3A_379 : vector<16xf32> to vector<1x16xf32>
      tpu.vector_store %arg13[%swap3A, %swap3A_380], %swap3A_383 {strides = array<i32>} : memref<512x64xf32, #tpu.memory_space<vmem>>, vector<1x16xf32>,
      %mul3A_384 = arith.constant 64 : i32
      %mul3A_385 = arith.muli %scan3A_369, %mul3A_384 : i32
      %add3A_386 = arith.constant 16 : i32
      %add3A_387 = arith.addi %mul3A_385, %add3A_386 : i32
      %get3A_388 = arith.index_cast %add3A_387 : i32 to index
      %get3A_389 = tpu.vector_load %arg9[%get3A_388] {strides = array<i32>} : memref<16384xf32, #tpu.memory_space<vmem>>, vector<16xf32>,
      %get3A_390 = vector.shape_cast %get3A_389 : vector<16xf32> to vector<16xf32>
      %add3A_391 = arith.addf %get3A_390, %get3A_86 : vector<16xf32>
      %swap3A_392 = arith.index_cast %add3A_371 : i32 to index
      %swap3A_393 = arith.constant 16 : index
      %swap3A_394 = tpu.vector_load %arg13[%swap3A_392, %swap3A_393] {strides = array<i32>} : memref<512x64xf32, #tpu.memory_space<vmem>>, vector<1x16xf32>,
      %swap3A_395 = vector.shape_cast %swap3A_394 : vector<1x16xf32> to vector<16xf32>
      %swap3A_396 = vector.shape_cast %add3A_391 : vector<16xf32> to vector<1x16xf32>
      tpu.vector_store %arg13[%swap3A_392, %swap3A_393], %swap3A_396 {strides = array<i32>} : memref<512x64xf32, #tpu.memory_space<vmem>>, vector<1x16xf32>,
      %mul3A_397 = arith.constant 64 : i32
      %mul3A_398 = arith.muli %scan3A_369, %mul3A_397 : i32
      %add3A_399 = arith.constant 32 : i32
      %add3A_400 = arith.addi %mul3A_398, %add3A_399 : i32
      %get3A_401 = arith.index_cast %add3A_400 : i32 to index
      %get3A_402 = tpu.vector_load %arg9[%get3A_401] {strides = array<i32>} : memref<16384xf32, #tpu.memory_space<vmem>>, vector<16xf32>,
      %get3A_403 = vector.shape_cast %get3A_402 : vector<16xf32> to vector<16xf32>
      %add3A_404 = arith.addf %get3A_403, %get3A_89 : vector<16xf32>
      %swap3A_405 = arith.index_cast %add3A_371 : i32 to index
      %swap3A_406 = arith.constant 32 : index
      %swap3A_407 = tpu.vector_load %arg13[%swap3A_405, %swap3A_406] {strides = array<i32>} : memref<512x64xf32, #tpu.memory_space<vmem>>, vector<1x16xf32>,
      %swap3A_408 = vector.shape_cast %swap3A_407 : vector<1x16xf32> to vector<16xf32>
      %swap3A_409 = vector.shape_cast %add3A_404 : vector<16xf32> to vector<1x16xf32>
      tpu.vector_store %arg13[%swap3A_405, %swap3A_406], %swap3A_409 {strides = array<i32>} : memref<512x64xf32, #tpu.memory_space<vmem>>, vector<1x16xf32>,
      %mul3A_410 = arith.constant 64 : i32
      %mul3A_411 = arith.muli %scan3A_369, %mul3A_410 : i32
      %add3A_412 = arith.constant 48 : i32
      %add3A_413 = arith.addi %mul3A_411, %add3A_412 : i32
      %get3A_414 = arith.index_cast %add3A_413 : i32 to index
      %get3A_415 = tpu.vector_load %arg9[%get3A_414] {strides = array<i32>} : memref<16384xf32, #tpu.memory_space<vmem>>, vector<16xf32>,
      %get3A_416 = vector.shape_cast %get3A_415 : vector<16xf32> to vector<16xf32>
      %add3A_417 = arith.addf %get3A_416, %get3A_92 : vector<16xf32>
      %swap3A_418 = arith.index_cast %add3A_371 : i32 to index
      %swap3A_419 = arith.constant 48 : index
      %swap3A_420 = tpu.vector_load %arg13[%swap3A_418, %swap3A_419] {strides = array<i32>} : memref<512x64xf32, #tpu.memory_space<vmem>>, vector<1x16xf32>,
      %swap3A_421 = vector.shape_cast %swap3A_420 : vector<1x16xf32> to vector<16xf32>
      %swap3A_422 = vector.shape_cast %add3A_417 : vector<16xf32> to vector<1x16xf32>
      tpu.vector_store %arg13[%swap3A_418, %swap3A_419], %swap3A_422 {strides = array<i32>} : memref<512x64xf32, #tpu.memory_space<vmem>>, vector<1x16xf32>,
    }
    %scan3A_98 = arith.constant 256 : i32
    %mul3A_99 = arith.constant 8 : i32
    %mul3A_100 = arith.muli %add3A, %mul3A_99 : i32
    %add3A_101 = arith.constant 2 : i32
    %add3A_102 = arith.addi %mul3A_100, %add3A_101 : i32
    %mul3A_103 = arith.constant 256 : i32
    %mul3A_104 = arith.muli %add3A_102, %mul3A_103 : i32
    %dma_start3A_105 = arith.constant 0 : i32
    %dma_start3A_106 = arith.constant 0 : i32
    %dma_start3A_107 = tpu.memref_slice %arg13[%dma_start3A_105, %dma_start3A_106] : memref<512x64xf32, #tpu.memory_space<vmem>> -> memref<256x64xf32, #tpu.memory_space<vmem>>
    %dma_start3A_108 = arith.constant 0 : i32
    %dma_start3A_109 = tpu.memref_slice %arg5[%mul3A_104, %dma_start3A_108] : memref<65536x64xf32, #tpu.memory_space<hbm>> -> memref<256x64xf32, #tpu.memory_space<hbm>>
    %dma_start3A_110 = arith.constant 0 : i32
    %dma_start3A_111 = tpu.memref_slice %arg5[%mul3A_104, %dma_start3A_110] : memref<65536x64xf32, #tpu.memory_space<hbm>> -> memref<256x64xf32, #tpu.memory_space<hbm>>
    %dma_start3A_112 = arith.constant 0 : i32
    %dma_start3A_113 = arith.constant 0 : i32
    %dma_start3A_114 = tpu.memref_slice %arg13[%dma_start3A_112, %dma_start3A_113] : memref<512x64xf32, #tpu.memory_space<vmem>> -> memref<256x64xf32, #tpu.memory_space<vmem>>
    tpu.enqueue_dma source(%dma_start3A_114 : memref<256x64xf32, #tpu.memory_space<vmem>>) target(%dma_start3A_111 : memref<256x64xf32, #tpu.memory_space<hbm>>) target_semaphore(%arg14 : memref<!tpu.dma_semaphore, #tpu.memory_space<semaphore_mem>>)
    %dma_wait3A_115 = arith.constant 256 : i32
    %dma_wait3A_116 = arith.constant 0 : i32
    %dma_wait3A_117 = tpu.memref_slice %arg13[%dma_wait3A_115, %dma_wait3A_116] : memref<512x64xf32, #tpu.memory_space<vmem>> -> memref<256x64xf32, #tpu.memory_space<vmem>>
    %dma_wait3A_118 = arith.constant 0 : i32
    %dma_wait3A_119 = arith.constant 0 : i32
    %dma_wait3A_120 = tpu.memref_slice %arg5[%dma_wait3A_118, %dma_wait3A_119] : memref<65536x64xf32, #tpu.memory_space<hbm>> -> memref<256x64xf32, #tpu.memory_space<hbm>>
    %dma_wait3A_121 = arith.constant 256 : i32
    %dma_wait3A_122 = arith.constant 0 : i32
    %dma_wait3A_123 = tpu.memref_slice %arg13[%dma_wait3A_121, %dma_wait3A_122] : memref<512x64xf32, #tpu.memory_space<vmem>> -> memref<256x64xf32, #tpu.memory_space<vmem>>
    %dma_wait3A_124 = arith.constant 0 : i32
    %dma_wait3A_125 = arith.constant 0 : i32
    %dma_wait3A_126 = tpu.memref_slice %arg5[%dma_wait3A_124, %dma_wait3A_125] : memref<65536x64xf32, #tpu.memory_space<hbm>> -> memref<256x64xf32, #tpu.memory_space<hbm>>
    tpu.wait_dma2 semaphore(%arg14 : memref<!tpu.dma_semaphore, #tpu.memory_space<semaphore_mem>>) src(%dma_wait3A_126 : memref<256x64xf32, #tpu.memory_space<hbm>>) dst(%dma_wait3A_123 : memref<256x64xf32, #tpu.memory_space<vmem>>)
    %get3A_127 = arith.constant 192 : index
    %get3A_128 = tpu.vector_load %arg8[%get3A_127] {strides = array<i32>} : memref<512xf32, #tpu.memory_space<vmem>>, vector<16xf32>,
    %get3A_129 = vector.shape_cast %get3A_128 : vector<16xf32> to vector<16xf32>
    %get3A_130 = arith.constant 208 : index
    %get3A_131 = tpu.vector_load %arg8[%get3A_130] {strides = array<i32>} : memref<512xf32, #tpu.memory_space<vmem>>, vector<16xf32>,
    %get3A_132 = vector.shape_cast %get3A_131 : vector<16xf32> to vector<16xf32>
    %get3A_133 = arith.constant 224 : index
    %get3A_134 = tpu.vector_load %arg8[%get3A_133] {strides = array<i32>} : memref<512xf32, #tpu.memory_space<vmem>>, vector<16xf32>,
    %get3A_135 = vector.shape_cast %get3A_134 : vector<16xf32> to vector<16xf32>
    %get3A_136 = arith.constant 240 : index
    %get3A_137 = tpu.vector_load %arg8[%get3A_136] {strides = array<i32>} : memref<512xf32, #tpu.memory_space<vmem>>, vector<16xf32>,
    %get3A_138 = vector.shape_cast %get3A_137 : vector<16xf32> to vector<16xf32>
    %scan3A_139 = arith.constant 0 : i32
    %scan3A_140 = arith.constant 0 : i32
    %scan3A_141 = arith.constant 256 : i32
    %scan3A_142 = arith.addi %scan3A_140, %scan3A_141 : i32
    %scan3A_143 = arith.constant 1 : i32
    scf.for %scan3A_369 = %scan3A_140 to %scan3A_142 step %scan3A_143  : i32 {
      %add3A_370 = arith.constant 256 : i32
      %add3A_371 = arith.addi %add3A_370, %scan3A_369 : i32
      %mul3A_372 = arith.constant 64 : i32
      %mul3A_373 = arith.muli %scan3A_369, %mul3A_372 : i32
      %add3A_374 = arith.constant 0 : i32
      %add3A_375 = arith.addi %mul3A_373, %add3A_374 : i32
      %get3A_376 = arith.index_cast %add3A_375 : i32 to index
      %get3A_377 = tpu.vector_load %arg9[%get3A_376] {strides = array<i32>} : memref<16384xf32, #tpu.memory_space<vmem>>, vector<16xf32>,
      %get3A_378 = vector.shape_cast %get3A_377 : vector<16xf32> to vector<16xf32>
      %add3A_379 = arith.addf %get3A_378, %get3A_129 : vector<16xf32>
      %swap3A = arith.index_cast %add3A_371 : i32 to index
      %swap3A_380 = arith.constant 0 : index
      %swap3A_381 = tpu.vector_load %arg13[%swap3A, %swap3A_380] {strides = array<i32>} : memref<512x64xf32, #tpu.memory_space<vmem>>, vector<1x16xf32>,
      %swap3A_382 = vector.shape_cast %swap3A_381 : vector<1x16xf32> to vector<16xf32>
      %swap3A_383 = vector.shape_cast %add3A_379 : vector<16xf32> to vector<1x16xf32>
      tpu.vector_store %arg13[%swap3A, %swap3A_380], %swap3A_383 {strides = array<i32>} : memref<512x64xf32, #tpu.memory_space<vmem>>, vector<1x16xf32>,
      %mul3A_384 = arith.constant 64 : i32
      %mul3A_385 = arith.muli %scan3A_369, %mul3A_384 : i32
      %add3A_386 = arith.constant 16 : i32
      %add3A_387 = arith.addi %mul3A_385, %add3A_386 : i32
      %get3A_388 = arith.index_cast %add3A_387 : i32 to index
      %get3A_389 = tpu.vector_load %arg9[%get3A_388] {strides = array<i32>} : memref<16384xf32, #tpu.memory_space<vmem>>, vector<16xf32>,
      %get3A_390 = vector.shape_cast %get3A_389 : vector<16xf32> to vector<16xf32>
      %add3A_391 = arith.addf %get3A_390, %get3A_132 : vector<16xf32>
      %swap3A_392 = arith.index_cast %add3A_371 : i32 to index
      %swap3A_393 = arith.constant 16 : index
      %swap3A_394 = tpu.vector_load %arg13[%swap3A_392, %swap3A_393] {strides = array<i32>} : memref<512x64xf32, #tpu.memory_space<vmem>>, vector<1x16xf32>,
      %swap3A_395 = vector.shape_cast %swap3A_394 : vector<1x16xf32> to vector<16xf32>
      %swap3A_396 = vector.shape_cast %add3A_391 : vector<16xf32> to vector<1x16xf32>
      tpu.vector_store %arg13[%swap3A_392, %swap3A_393], %swap3A_396 {strides = array<i32>} : memref<512x64xf32, #tpu.memory_space<vmem>>, vector<1x16xf32>,
      %mul3A_397 = arith.constant 64 : i32
      %mul3A_398 = arith.muli %scan3A_369, %mul3A_397 : i32
      %add3A_399 = arith.constant 32 : i32
      %add3A_400 = arith.addi %mul3A_398, %add3A_399 : i32
      %get3A_401 = arith.index_cast %add3A_400 : i32 to index
      %get3A_402 = tpu.vector_load %arg9[%get3A_401] {strides = array<i32>} : memref<16384xf32, #tpu.memory_space<vmem>>, vector<16xf32>,
      %get3A_403 = vector.shape_cast %get3A_402 : vector<16xf32> to vector<16xf32>
      %add3A_404 = arith.addf %get3A_403, %get3A_135 : vector<16xf32>
      %swap3A_405 = arith.index_cast %add3A_371 : i32 to index
      %swap3A_406 = arith.constant 32 : index
      %swap3A_407 = tpu.vector_load %arg13[%swap3A_405, %swap3A_406] {strides = array<i32>} : memref<512x64xf32, #tpu.memory_space<vmem>>, vector<1x16xf32>,
      %swap3A_408 = vector.shape_cast %swap3A_407 : vector<1x16xf32> to vector<16xf32>
      %swap3A_409 = vector.shape_cast %add3A_404 : vector<16xf32> to vector<1x16xf32>
      tpu.vector_store %arg13[%swap3A_405, %swap3A_406], %swap3A_409 {strides = array<i32>} : memref<512x64xf32, #tpu.memory_space<vmem>>, vector<1x16xf32>,
      %mul3A_410 = arith.constant 64 : i32
      %mul3A_411 = arith.muli %scan3A_369, %mul3A_410 : i32
      %add3A_412 = arith.constant 48 : i32
      %add3A_413 = arith.addi %mul3A_411, %add3A_412 : i32
      %get3A_414 = arith.index_cast %add3A_413 : i32 to index
      %get3A_415 = tpu.vector_load %arg9[%get3A_414] {strides = array<i32>} : memref<16384xf32, #tpu.memory_space<vmem>>, vector<16xf32>,
      %get3A_416 = vector.shape_cast %get3A_415 : vector<16xf32> to vector<16xf32>
      %add3A_417 = arith.addf %get3A_416, %get3A_138 : vector<16xf32>
      %swap3A_418 = arith.index_cast %add3A_371 : i32 to index
      %swap3A_419 = arith.constant 48 : index
      %swap3A_420 = tpu.vector_load %arg13[%swap3A_418, %swap3A_419] {strides = array<i32>} : memref<512x64xf32, #tpu.memory_space<vmem>>, vector<1x16xf32>,
      %swap3A_421 = vector.shape_cast %swap3A_420 : vector<1x16xf32> to vector<16xf32>
      %swap3A_422 = vector.shape_cast %add3A_417 : vector<16xf32> to vector<1x16xf32>
      tpu.vector_store %arg13[%swap3A_418, %swap3A_419], %swap3A_422 {strides = array<i32>} : memref<512x64xf32, #tpu.memory_space<vmem>>, vector<1x16xf32>,
    }
    %scan3A_144 = arith.constant 256 : i32
    %mul3A_145 = arith.constant 8 : i32
    %mul3A_146 = arith.muli %add3A, %mul3A_145 : i32
    %add3A_147 = arith.constant 3 : i32
    %add3A_148 = arith.addi %mul3A_146, %add3A_147 : i32
    %mul3A_149 = arith.constant 256 : i32
    %mul3A_150 = arith.muli %add3A_148, %mul3A_149 : i32
    %dma_start3A_151 = arith.constant 256 : i32
    %dma_start3A_152 = arith.constant 0 : i32
    %dma_start3A_153 = tpu.memref_slice %arg13[%dma_start3A_151, %dma_start3A_152] : memref<512x64xf32, #tpu.memory_space<vmem>> -> memref<256x64xf32, #tpu.memory_space<vmem>>
    %dma_start3A_154 = arith.constant 0 : i32
    %dma_start3A_155 = tpu.memref_slice %arg5[%mul3A_150, %dma_start3A_154] : memref<65536x64xf32, #tpu.memory_space<hbm>> -> memref<256x64xf32, #tpu.memory_space<hbm>>
    %dma_start3A_156 = arith.constant 0 : i32
    %dma_start3A_157 = tpu.memref_slice %arg5[%mul3A_150, %dma_start3A_156] : memref<65536x64xf32, #tpu.memory_space<hbm>> -> memref<256x64xf32, #tpu.memory_space<hbm>>
    %dma_start3A_158 = arith.constant 256 : i32
    %dma_start3A_159 = arith.constant 0 : i32
    %dma_start3A_160 = tpu.memref_slice %arg13[%dma_start3A_158, %dma_start3A_159] : memref<512x64xf32, #tpu.memory_space<vmem>> -> memref<256x64xf32, #tpu.memory_space<vmem>>
    tpu.enqueue_dma source(%dma_start3A_160 : memref<256x64xf32, #tpu.memory_space<vmem>>) target(%dma_start3A_157 : memref<256x64xf32, #tpu.memory_space<hbm>>) target_semaphore(%arg14 : memref<!tpu.dma_semaphore, #tpu.memory_space<semaphore_mem>>)
    %dma_wait3A_161 = arith.constant 0 : i32
    %dma_wait3A_162 = arith.constant 0 : i32
    %dma_wait3A_163 = tpu.memref_slice %arg13[%dma_wait3A_161, %dma_wait3A_162] : memref<512x64xf32, #tpu.memory_space<vmem>> -> memref<256x64xf32, #tpu.memory_space<vmem>>
    %dma_wait3A_164 = arith.constant 0 : i32
    %dma_wait3A_165 = arith.constant 0 : i32
    %dma_wait3A_166 = tpu.memref_slice %arg5[%dma_wait3A_164, %dma_wait3A_165] : memref<65536x64xf32, #tpu.memory_space<hbm>> -> memref<256x64xf32, #tpu.memory_space<hbm>>
    %dma_wait3A_167 = arith.constant 0 : i32
    %dma_wait3A_168 = arith.constant 0 : i32
    %dma_wait3A_169 = tpu.memref_slice %arg13[%dma_wait3A_167, %dma_wait3A_168] : memref<512x64xf32, #tpu.memory_space<vmem>> -> memref<256x64xf32, #tpu.memory_space<vmem>>
    %dma_wait3A_170 = arith.constant 0 : i32
    %dma_wait3A_171 = arith.constant 0 : i32
    %dma_wait3A_172 = tpu.memref_slice %arg5[%dma_wait3A_170, %dma_wait3A_171] : memref<65536x64xf32, #tpu.memory_space<hbm>> -> memref<256x64xf32, #tpu.memory_space<hbm>>
    tpu.wait_dma2 semaphore(%arg14 : memref<!tpu.dma_semaphore, #tpu.memory_space<semaphore_mem>>) src(%dma_wait3A_172 : memref<256x64xf32, #tpu.memory_space<hbm>>) dst(%dma_wait3A_169 : memref<256x64xf32, #tpu.memory_space<vmem>>)
    %get3A_173 = arith.constant 256 : index
    %get3A_174 = tpu.vector_load %arg8[%get3A_173] {strides = array<i32>} : memref<512xf32, #tpu.memory_space<vmem>>, vector<16xf32>,
    %get3A_175 = vector.shape_cast %get3A_174 : vector<16xf32> to vector<16xf32>
    %get3A_176 = arith.constant 272 : index
    %get3A_177 = tpu.vector_load %arg8[%get3A_176] {strides = array<i32>} : memref<512xf32, #tpu.memory_space<vmem>>, vector<16xf32>,
    %get3A_178 = vector.shape_cast %get3A_177 : vector<16xf32> to vector<16xf32>
    %get3A_179 = arith.constant 288 : index
    %get3A_180 = tpu.vector_load %arg8[%get3A_179] {strides = array<i32>} : memref<512xf32, #tpu.memory_space<vmem>>, vector<16xf32>,
    %get3A_181 = vector.shape_cast %get3A_180 : vector<16xf32> to vector<16xf32>
    %get3A_182 = arith.constant 304 : index
    %get3A_183 = tpu.vector_load %arg8[%get3A_182] {strides = array<i32>} : memref<512xf32, #tpu.memory_space<vmem>>, vector<16xf32>,
    %get3A_184 = vector.shape_cast %get3A_183 : vector<16xf32> to vector<16xf32>
    %scan3A_185 = arith.constant 0 : i32
    %scan3A_186 = arith.constant 0 : i32
    %scan3A_187 = arith.constant 256 : i32
    %scan3A_188 = arith.addi %scan3A_186, %scan3A_187 : i32
    %scan3A_189 = arith.constant 1 : i32
    scf.for %scan3A_369 = %scan3A_186 to %scan3A_188 step %scan3A_189  : i32 {
      %add3A_370 = arith.constant 0 : i32
      %add3A_371 = arith.addi %add3A_370, %scan3A_369 : i32
      %mul3A_372 = arith.constant 64 : i32
      %mul3A_373 = arith.muli %scan3A_369, %mul3A_372 : i32
      %add3A_374 = arith.constant 0 : i32
      %add3A_375 = arith.addi %mul3A_373, %add3A_374 : i32
      %get3A_376 = arith.index_cast %add3A_375 : i32 to index
      %get3A_377 = tpu.vector_load %arg9[%get3A_376] {strides = array<i32>} : memref<16384xf32, #tpu.memory_space<vmem>>, vector<16xf32>,
      %get3A_378 = vector.shape_cast %get3A_377 : vector<16xf32> to vector<16xf32>
      %add3A_379 = arith.addf %get3A_378, %get3A_175 : vector<16xf32>
      %swap3A = arith.index_cast %add3A_371 : i32 to index
      %swap3A_380 = arith.constant 0 : index
      %swap3A_381 = tpu.vector_load %arg13[%swap3A, %swap3A_380] {strides = array<i32>} : memref<512x64xf32, #tpu.memory_space<vmem>>, vector<1x16xf32>,
      %swap3A_382 = vector.shape_cast %swap3A_381 : vector<1x16xf32> to vector<16xf32>
      %swap3A_383 = vector.shape_cast %add3A_379 : vector<16xf32> to vector<1x16xf32>
      tpu.vector_store %arg13[%swap3A, %swap3A_380], %swap3A_383 {strides = array<i32>} : memref<512x64xf32, #tpu.memory_space<vmem>>, vector<1x16xf32>,
      %mul3A_384 = arith.constant 64 : i32
      %mul3A_385 = arith.muli %scan3A_369, %mul3A_384 : i32
      %add3A_386 = arith.constant 16 : i32
      %add3A_387 = arith.addi %mul3A_385, %add3A_386 : i32
      %get3A_388 = arith.index_cast %add3A_387 : i32 to index
      %get3A_389 = tpu.vector_load %arg9[%get3A_388] {strides = array<i32>} : memref<16384xf32, #tpu.memory_space<vmem>>, vector<16xf32>,
      %get3A_390 = vector.shape_cast %get3A_389 : vector<16xf32> to vector<16xf32>
      %add3A_391 = arith.addf %get3A_390, %get3A_178 : vector<16xf32>
      %swap3A_392 = arith.index_cast %add3A_371 : i32 to index
      %swap3A_393 = arith.constant 16 : index
      %swap3A_394 = tpu.vector_load %arg13[%swap3A_392, %swap3A_393] {strides = array<i32>} : memref<512x64xf32, #tpu.memory_space<vmem>>, vector<1x16xf32>,
      %swap3A_395 = vector.shape_cast %swap3A_394 : vector<1x16xf32> to vector<16xf32>
      %swap3A_396 = vector.shape_cast %add3A_391 : vector<16xf32> to vector<1x16xf32>
      tpu.vector_store %arg13[%swap3A_392, %swap3A_393], %swap3A_396 {strides = array<i32>} : memref<512x64xf32, #tpu.memory_space<vmem>>, vector<1x16xf32>,
      %mul3A_397 = arith.constant 64 : i32
      %mul3A_398 = arith.muli %scan3A_369, %mul3A_397 : i32
      %add3A_399 = arith.constant 32 : i32
      %add3A_400 = arith.addi %mul3A_398, %add3A_399 : i32
      %get3A_401 = arith.index_cast %add3A_400 : i32 to index
      %get3A_402 = tpu.vector_load %arg9[%get3A_401] {strides = array<i32>} : memref<16384xf32, #tpu.memory_space<vmem>>, vector<16xf32>,
      %get3A_403 = vector.shape_cast %get3A_402 : vector<16xf32> to vector<16xf32>
      %add3A_404 = arith.addf %get3A_403, %get3A_181 : vector<16xf32>
      %swap3A_405 = arith.index_cast %add3A_371 : i32 to index
      %swap3A_406 = arith.constant 32 : index
      %swap3A_407 = tpu.vector_load %arg13[%swap3A_405, %swap3A_406] {strides = array<i32>} : memref<512x64xf32, #tpu.memory_space<vmem>>, vector<1x16xf32>,
      %swap3A_408 = vector.shape_cast %swap3A_407 : vector<1x16xf32> to vector<16xf32>
      %swap3A_409 = vector.shape_cast %add3A_404 : vector<16xf32> to vector<1x16xf32>
      tpu.vector_store %arg13[%swap3A_405, %swap3A_406], %swap3A_409 {strides = array<i32>} : memref<512x64xf32, #tpu.memory_space<vmem>>, vector<1x16xf32>,
      %mul3A_410 = arith.constant 64 : i32
      %mul3A_411 = arith.muli %scan3A_369, %mul3A_410 : i32
      %add3A_412 = arith.constant 48 : i32
      %add3A_413 = arith.addi %mul3A_411, %add3A_412 : i32
      %get3A_414 = arith.index_cast %add3A_413 : i32 to index
      %get3A_415 = tpu.vector_load %arg9[%get3A_414] {strides = array<i32>} : memref<16384xf32, #tpu.memory_space<vmem>>, vector<16xf32>,
      %get3A_416 = vector.shape_cast %get3A_415 : vector<16xf32> to vector<16xf32>
      %add3A_417 = arith.addf %get3A_416, %get3A_184 : vector<16xf32>
      %swap3A_418 = arith.index_cast %add3A_371 : i32 to index
      %swap3A_419 = arith.constant 48 : index
      %swap3A_420 = tpu.vector_load %arg13[%swap3A_418, %swap3A_419] {strides = array<i32>} : memref<512x64xf32, #tpu.memory_space<vmem>>, vector<1x16xf32>,
      %swap3A_421 = vector.shape_cast %swap3A_420 : vector<1x16xf32> to vector<16xf32>
      %swap3A_422 = vector.shape_cast %add3A_417 : vector<16xf32> to vector<1x16xf32>
      tpu.vector_store %arg13[%swap3A_418, %swap3A_419], %swap3A_422 {strides = array<i32>} : memref<512x64xf32, #tpu.memory_space<vmem>>, vector<1x16xf32>,
    }
    %scan3A_190 = arith.constant 256 : i32
    %mul3A_191 = arith.constant 8 : i32
    %mul3A_192 = arith.muli %add3A, %mul3A_191 : i32
    %add3A_193 = arith.constant 4 : i32
    %add3A_194 = arith.addi %mul3A_192, %add3A_193 : i32
    %mul3A_195 = arith.constant 256 : i32
    %mul3A_196 = arith.muli %add3A_194, %mul3A_195 : i32
    %dma_start3A_197 = arith.constant 0 : i32
    %dma_start3A_198 = arith.constant 0 : i32
    %dma_start3A_199 = tpu.memref_slice %arg13[%dma_start3A_197, %dma_start3A_198] : memref<512x64xf32, #tpu.memory_space<vmem>> -> memref<256x64xf32, #tpu.memory_space<vmem>>
    %dma_start3A_200 = arith.constant 0 : i32
    %dma_start3A_201 = tpu.memref_slice %arg5[%mul3A_196, %dma_start3A_200] : memref<65536x64xf32, #tpu.memory_space<hbm>> -> memref<256x64xf32, #tpu.memory_space<hbm>>
    %dma_start3A_202 = arith.constant 0 : i32
    %dma_start3A_203 = tpu.memref_slice %arg5[%mul3A_196, %dma_start3A_202] : memref<65536x64xf32, #tpu.memory_space<hbm>> -> memref<256x64xf32, #tpu.memory_space<hbm>>
    %dma_start3A_204 = arith.constant 0 : i32
    %dma_start3A_205 = arith.constant 0 : i32
    %dma_start3A_206 = tpu.memref_slice %arg13[%dma_start3A_204, %dma_start3A_205] : memref<512x64xf32, #tpu.memory_space<vmem>> -> memref<256x64xf32, #tpu.memory_space<vmem>>
    tpu.enqueue_dma source(%dma_start3A_206 : memref<256x64xf32, #tpu.memory_space<vmem>>) target(%dma_start3A_203 : memref<256x64xf32, #tpu.memory_space<hbm>>) target_semaphore(%arg14 : memref<!tpu.dma_semaphore, #tpu.memory_space<semaphore_mem>>)
    %dma_wait3A_207 = arith.constant 256 : i32
    %dma_wait3A_208 = arith.constant 0 : i32
    %dma_wait3A_209 = tpu.memref_slice %arg13[%dma_wait3A_207, %dma_wait3A_208] : memref<512x64xf32, #tpu.memory_space<vmem>> -> memref<256x64xf32, #tpu.memory_space<vmem>>
    %dma_wait3A_210 = arith.constant 0 : i32
    %dma_wait3A_211 = arith.constant 0 : i32
    %dma_wait3A_212 = tpu.memref_slice %arg5[%dma_wait3A_210, %dma_wait3A_211] : memref<65536x64xf32, #tpu.memory_space<hbm>> -> memref<256x64xf32, #tpu.memory_space<hbm>>
    %dma_wait3A_213 = arith.constant 256 : i32
    %dma_wait3A_214 = arith.constant 0 : i32
    %dma_wait3A_215 = tpu.memref_slice %arg13[%dma_wait3A_213, %dma_wait3A_214] : memref<512x64xf32, #tpu.memory_space<vmem>> -> memref<256x64xf32, #tpu.memory_space<vmem>>
    %dma_wait3A_216 = arith.constant 0 : i32
    %dma_wait3A_217 = arith.constant 0 : i32
    %dma_wait3A_218 = tpu.memref_slice %arg5[%dma_wait3A_216, %dma_wait3A_217] : memref<65536x64xf32, #tpu.memory_space<hbm>> -> memref<256x64xf32, #tpu.memory_space<hbm>>
    tpu.wait_dma2 semaphore(%arg14 : memref<!tpu.dma_semaphore, #tpu.memory_space<semaphore_mem>>) src(%dma_wait3A_218 : memref<256x64xf32, #tpu.memory_space<hbm>>) dst(%dma_wait3A_215 : memref<256x64xf32, #tpu.memory_space<vmem>>)
    %get3A_219 = arith.constant 320 : index
    %get3A_220 = tpu.vector_load %arg8[%get3A_219] {strides = array<i32>} : memref<512xf32, #tpu.memory_space<vmem>>, vector<16xf32>,
    %get3A_221 = vector.shape_cast %get3A_220 : vector<16xf32> to vector<16xf32>
    %get3A_222 = arith.constant 336 : index
    %get3A_223 = tpu.vector_load %arg8[%get3A_222] {strides = array<i32>} : memref<512xf32, #tpu.memory_space<vmem>>, vector<16xf32>,
    %get3A_224 = vector.shape_cast %get3A_223 : vector<16xf32> to vector<16xf32>
    %get3A_225 = arith.constant 352 : index
    %get3A_226 = tpu.vector_load %arg8[%get3A_225] {strides = array<i32>} : memref<512xf32, #tpu.memory_space<vmem>>, vector<16xf32>,
    %get3A_227 = vector.shape_cast %get3A_226 : vector<16xf32> to vector<16xf32>
    %get3A_228 = arith.constant 368 : index
    %get3A_229 = tpu.vector_load %arg8[%get3A_228] {strides = array<i32>} : memref<512xf32, #tpu.memory_space<vmem>>, vector<16xf32>,
    %get3A_230 = vector.shape_cast %get3A_229 : vector<16xf32> to vector<16xf32>
    %scan3A_231 = arith.constant 0 : i32
    %scan3A_232 = arith.constant 0 : i32
    %scan3A_233 = arith.constant 256 : i32
    %scan3A_234 = arith.addi %scan3A_232, %scan3A_233 : i32
    %scan3A_235 = arith.constant 1 : i32
    scf.for %scan3A_369 = %scan3A_232 to %scan3A_234 step %scan3A_235  : i32 {
      %add3A_370 = arith.constant 256 : i32
      %add3A_371 = arith.addi %add3A_370, %scan3A_369 : i32
      %mul3A_372 = arith.constant 64 : i32
      %mul3A_373 = arith.muli %scan3A_369, %mul3A_372 : i32
      %add3A_374 = arith.constant 0 : i32
      %add3A_375 = arith.addi %mul3A_373, %add3A_374 : i32
      %get3A_376 = arith.index_cast %add3A_375 : i32 to index
      %get3A_377 = tpu.vector_load %arg9[%get3A_376] {strides = array<i32>} : memref<16384xf32, #tpu.memory_space<vmem>>, vector<16xf32>,
      %get3A_378 = vector.shape_cast %get3A_377 : vector<16xf32> to vector<16xf32>
      %add3A_379 = arith.addf %get3A_378, %get3A_221 : vector<16xf32>
      %swap3A = arith.index_cast %add3A_371 : i32 to index
      %swap3A_380 = arith.constant 0 : index
      %swap3A_381 = tpu.vector_load %arg13[%swap3A, %swap3A_380] {strides = array<i32>} : memref<512x64xf32, #tpu.memory_space<vmem>>, vector<1x16xf32>,
      %swap3A_382 = vector.shape_cast %swap3A_381 : vector<1x16xf32> to vector<16xf32>
      %swap3A_383 = vector.shape_cast %add3A_379 : vector<16xf32> to vector<1x16xf32>
      tpu.vector_store %arg13[%swap3A, %swap3A_380], %swap3A_383 {strides = array<i32>} : memref<512x64xf32, #tpu.memory_space<vmem>>, vector<1x16xf32>,
      %mul3A_384 = arith.constant 64 : i32
      %mul3A_385 = arith.muli %scan3A_369, %mul3A_384 : i32
      %add3A_386 = arith.constant 16 : i32
      %add3A_387 = arith.addi %mul3A_385, %add3A_386 : i32
      %get3A_388 = arith.index_cast %add3A_387 : i32 to index
      %get3A_389 = tpu.vector_load %arg9[%get3A_388] {strides = array<i32>} : memref<16384xf32, #tpu.memory_space<vmem>>, vector<16xf32>,
      %get3A_390 = vector.shape_cast %get3A_389 : vector<16xf32> to vector<16xf32>
      %add3A_391 = arith.addf %get3A_390, %get3A_224 : vector<16xf32>
      %swap3A_392 = arith.index_cast %add3A_371 : i32 to index
      %swap3A_393 = arith.constant 16 : index
      %swap3A_394 = tpu.vector_load %arg13[%swap3A_392, %swap3A_393] {strides = array<i32>} : memref<512x64xf32, #tpu.memory_space<vmem>>, vector<1x16xf32>,
      %swap3A_395 = vector.shape_cast %swap3A_394 : vector<1x16xf32> to vector<16xf32>
      %swap3A_396 = vector.shape_cast %add3A_391 : vector<16xf32> to vector<1x16xf32>
      tpu.vector_store %arg13[%swap3A_392, %swap3A_393], %swap3A_396 {strides = array<i32>} : memref<512x64xf32, #tpu.memory_space<vmem>>, vector<1x16xf32>,
      %mul3A_397 = arith.constant 64 : i32
      %mul3A_398 = arith.muli %scan3A_369, %mul3A_397 : i32
      %add3A_399 = arith.constant 32 : i32
      %add3A_400 = arith.addi %mul3A_398, %add3A_399 : i32
      %get3A_401 = arith.index_cast %add3A_400 : i32 to index
      %get3A_402 = tpu.vector_load %arg9[%get3A_401] {strides = array<i32>} : memref<16384xf32, #tpu.memory_space<vmem>>, vector<16xf32>,
      %get3A_403 = vector.shape_cast %get3A_402 : vector<16xf32> to vector<16xf32>
      %add3A_404 = arith.addf %get3A_403, %get3A_227 : vector<16xf32>
      %swap3A_405 = arith.index_cast %add3A_371 : i32 to index
      %swap3A_406 = arith.constant 32 : index
      %swap3A_407 = tpu.vector_load %arg13[%swap3A_405, %swap3A_406] {strides = array<i32>} : memref<512x64xf32, #tpu.memory_space<vmem>>, vector<1x16xf32>,
      %swap3A_408 = vector.shape_cast %swap3A_407 : vector<1x16xf32> to vector<16xf32>
      %swap3A_409 = vector.shape_cast %add3A_404 : vector<16xf32> to vector<1x16xf32>
      tpu.vector_store %arg13[%swap3A_405, %swap3A_406], %swap3A_409 {strides = array<i32>} : memref<512x64xf32, #tpu.memory_space<vmem>>, vector<1x16xf32>,
      %mul3A_410 = arith.constant 64 : i32
      %mul3A_411 = arith.muli %scan3A_369, %mul3A_410 : i32
      %add3A_412 = arith.constant 48 : i32
      %add3A_413 = arith.addi %mul3A_411, %add3A_412 : i32
      %get3A_414 = arith.index_cast %add3A_413 : i32 to index
      %get3A_415 = tpu.vector_load %arg9[%get3A_414] {strides = array<i32>} : memref<16384xf32, #tpu.memory_space<vmem>>, vector<16xf32>,
      %get3A_416 = vector.shape_cast %get3A_415 : vector<16xf32> to vector<16xf32>
      %add3A_417 = arith.addf %get3A_416, %get3A_230 : vector<16xf32>
      %swap3A_418 = arith.index_cast %add3A_371 : i32 to index
      %swap3A_419 = arith.constant 48 : index
      %swap3A_420 = tpu.vector_load %arg13[%swap3A_418, %swap3A_419] {strides = array<i32>} : memref<512x64xf32, #tpu.memory_space<vmem>>, vector<1x16xf32>,
      %swap3A_421 = vector.shape_cast %swap3A_420 : vector<1x16xf32> to vector<16xf32>
      %swap3A_422 = vector.shape_cast %add3A_417 : vector<16xf32> to vector<1x16xf32>
      tpu.vector_store %arg13[%swap3A_418, %swap3A_419], %swap3A_422 {strides = array<i32>} : memref<512x64xf32, #tpu.memory_space<vmem>>, vector<1x16xf32>,
    }
    %scan3A_236 = arith.constant 256 : i32
    %mul3A_237 = arith.constant 8 : i32
    %mul3A_238 = arith.muli %add3A, %mul3A_237 : i32
    %add3A_239 = arith.constant 5 : i32
    %add3A_240 = arith.addi %mul3A_238, %add3A_239 : i32
    %mul3A_241 = arith.constant 256 : i32
    %mul3A_242 = arith.muli %add3A_240, %mul3A_241 : i32
    %dma_start3A_243 = arith.constant 256 : i32
    %dma_start3A_244 = arith.constant 0 : i32
    %dma_start3A_245 = tpu.memref_slice %arg13[%dma_start3A_243, %dma_start3A_244] : memref<512x64xf32, #tpu.memory_space<vmem>> -> memref<256x64xf32, #tpu.memory_space<vmem>>
    %dma_start3A_246 = arith.constant 0 : i32
    %dma_start3A_247 = tpu.memref_slice %arg5[%mul3A_242, %dma_start3A_246] : memref<65536x64xf32, #tpu.memory_space<hbm>> -> memref<256x64xf32, #tpu.memory_space<hbm>>
    %dma_start3A_248 = arith.constant 0 : i32
    %dma_start3A_249 = tpu.memref_slice %arg5[%mul3A_242, %dma_start3A_248] : memref<65536x64xf32, #tpu.memory_space<hbm>> -> memref<256x64xf32, #tpu.memory_space<hbm>>
    %dma_start3A_250 = arith.constant 256 : i32
    %dma_start3A_251 = arith.constant 0 : i32
    %dma_start3A_252 = tpu.memref_slice %arg13[%dma_start3A_250, %dma_start3A_251] : memref<512x64xf32, #tpu.memory_space<vmem>> -> memref<256x64xf32, #tpu.memory_space<vmem>>
    tpu.enqueue_dma source(%dma_start3A_252 : memref<256x64xf32, #tpu.memory_space<vmem>>) target(%dma_start3A_249 : memref<256x64xf32, #tpu.memory_space<hbm>>) target_semaphore(%arg14 : memref<!tpu.dma_semaphore, #tpu.memory_space<semaphore_mem>>)
    %dma_wait3A_253 = arith.constant 0 : i32
    %dma_wait3A_254 = arith.constant 0 : i32
    %dma_wait3A_255 = tpu.memref_slice %arg13[%dma_wait3A_253, %dma_wait3A_254] : memref<512x64xf32, #tpu.memory_space<vmem>> -> memref<256x64xf32, #tpu.memory_space<vmem>>
    %dma_wait3A_256 = arith.constant 0 : i32
    %dma_wait3A_257 = arith.constant 0 : i32
    %dma_wait3A_258 = tpu.memref_slice %arg5[%dma_wait3A_256, %dma_wait3A_257] : memref<65536x64xf32, #tpu.memory_space<hbm>> -> memref<256x64xf32, #tpu.memory_space<hbm>>
    %dma_wait3A_259 = arith.constant 0 : i32
    %dma_wait3A_260 = arith.constant 0 : i32
    %dma_wait3A_261 = tpu.memref_slice %arg13[%dma_wait3A_259, %dma_wait3A_260] : memref<512x64xf32, #tpu.memory_space<vmem>> -> memref<256x64xf32, #tpu.memory_space<vmem>>
    %dma_wait3A_262 = arith.constant 0 : i32
    %dma_wait3A_263 = arith.constant 0 : i32
    %dma_wait3A_264 = tpu.memref_slice %arg5[%dma_wait3A_262, %dma_wait3A_263] : memref<65536x64xf32, #tpu.memory_space<hbm>> -> memref<256x64xf32, #tpu.memory_space<hbm>>
    tpu.wait_dma2 semaphore(%arg14 : memref<!tpu.dma_semaphore, #tpu.memory_space<semaphore_mem>>) src(%dma_wait3A_264 : memref<256x64xf32, #tpu.memory_space<hbm>>) dst(%dma_wait3A_261 : memref<256x64xf32, #tpu.memory_space<vmem>>)
    %get3A_265 = arith.constant 384 : index
    %get3A_266 = tpu.vector_load %arg8[%get3A_265] {strides = array<i32>} : memref<512xf32, #tpu.memory_space<vmem>>, vector<16xf32>,
    %get3A_267 = vector.shape_cast %get3A_266 : vector<16xf32> to vector<16xf32>
    %get3A_268 = arith.constant 400 : index
    %get3A_269 = tpu.vector_load %arg8[%get3A_268] {strides = array<i32>} : memref<512xf32, #tpu.memory_space<vmem>>, vector<16xf32>,
    %get3A_270 = vector.shape_cast %get3A_269 : vector<16xf32> to vector<16xf32>
    %get3A_271 = arith.constant 416 : index
    %get3A_272 = tpu.vector_load %arg8[%get3A_271] {strides = array<i32>} : memref<512xf32, #tpu.memory_space<vmem>>, vector<16xf32>,
    %get3A_273 = vector.shape_cast %get3A_272 : vector<16xf32> to vector<16xf32>
    %get3A_274 = arith.constant 432 : index
    %get3A_275 = tpu.vector_load %arg8[%get3A_274] {strides = array<i32>} : memref<512xf32, #tpu.memory_space<vmem>>, vector<16xf32>,
    %get3A_276 = vector.shape_cast %get3A_275 : vector<16xf32> to vector<16xf32>
    %scan3A_277 = arith.constant 0 : i32
    %scan3A_278 = arith.constant 0 : i32
    %scan3A_279 = arith.constant 256 : i32
    %scan3A_280 = arith.addi %scan3A_278, %scan3A_279 : i32
    %scan3A_281 = arith.constant 1 : i32
    scf.for %scan3A_369 = %scan3A_278 to %scan3A_280 step %scan3A_281  : i32 {
      %add3A_370 = arith.constant 0 : i32
      %add3A_371 = arith.addi %add3A_370, %scan3A_369 : i32
      %mul3A_372 = arith.constant 64 : i32
      %mul3A_373 = arith.muli %scan3A_369, %mul3A_372 : i32
      %add3A_374 = arith.constant 0 : i32
      %add3A_375 = arith.addi %mul3A_373, %add3A_374 : i32
      %get3A_376 = arith.index_cast %add3A_375 : i32 to index
      %get3A_377 = tpu.vector_load %arg9[%get3A_376] {strides = array<i32>} : memref<16384xf32, #tpu.memory_space<vmem>>, vector<16xf32>,
      %get3A_378 = vector.shape_cast %get3A_377 : vector<16xf32> to vector<16xf32>
      %add3A_379 = arith.addf %get3A_378, %get3A_267 : vector<16xf32>
      %swap3A = arith.index_cast %add3A_371 : i32 to index
      %swap3A_380 = arith.constant 0 : index
      %swap3A_381 = tpu.vector_load %arg13[%swap3A, %swap3A_380] {strides = array<i32>} : memref<512x64xf32, #tpu.memory_space<vmem>>, vector<1x16xf32>,
      %swap3A_382 = vector.shape_cast %swap3A_381 : vector<1x16xf32> to vector<16xf32>
      %swap3A_383 = vector.shape_cast %add3A_379 : vector<16xf32> to vector<1x16xf32>
      tpu.vector_store %arg13[%swap3A, %swap3A_380], %swap3A_383 {strides = array<i32>} : memref<512x64xf32, #tpu.memory_space<vmem>>, vector<1x16xf32>,
      %mul3A_384 = arith.constant 64 : i32
      %mul3A_385 = arith.muli %scan3A_369, %mul3A_384 : i32
      %add3A_386 = arith.constant 16 : i32
      %add3A_387 = arith.addi %mul3A_385, %add3A_386 : i32
      %get3A_388 = arith.index_cast %add3A_387 : i32 to index
      %get3A_389 = tpu.vector_load %arg9[%get3A_388] {strides = array<i32>} : memref<16384xf32, #tpu.memory_space<vmem>>, vector<16xf32>,
      %get3A_390 = vector.shape_cast %get3A_389 : vector<16xf32> to vector<16xf32>
      %add3A_391 = arith.addf %get3A_390, %get3A_270 : vector<16xf32>
      %swap3A_392 = arith.index_cast %add3A_371 : i32 to index
      %swap3A_393 = arith.constant 16 : index
      %swap3A_394 = tpu.vector_load %arg13[%swap3A_392, %swap3A_393] {strides = array<i32>} : memref<512x64xf32, #tpu.memory_space<vmem>>, vector<1x16xf32>,
      %swap3A_395 = vector.shape_cast %swap3A_394 : vector<1x16xf32> to vector<16xf32>
      %swap3A_396 = vector.shape_cast %add3A_391 : vector<16xf32> to vector<1x16xf32>
      tpu.vector_store %arg13[%swap3A_392, %swap3A_393], %swap3A_396 {strides = array<i32>} : memref<512x64xf32, #tpu.memory_space<vmem>>, vector<1x16xf32>,
      %mul3A_397 = arith.constant 64 : i32
      %mul3A_398 = arith.muli %scan3A_369, %mul3A_397 : i32
      %add3A_399 = arith.constant 32 : i32
      %add3A_400 = arith.addi %mul3A_398, %add3A_399 : i32
      %get3A_401 = arith.index_cast %add3A_400 : i32 to index
      %get3A_402 = tpu.vector_load %arg9[%get3A_401] {strides = array<i32>} : memref<16384xf32, #tpu.memory_space<vmem>>, vector<16xf32>,
      %get3A_403 = vector.shape_cast %get3A_402 : vector<16xf32> to vector<16xf32>
      %add3A_404 = arith.addf %get3A_403, %get3A_273 : vector<16xf32>
      %swap3A_405 = arith.index_cast %add3A_371 : i32 to index
      %swap3A_406 = arith.constant 32 : index
      %swap3A_407 = tpu.vector_load %arg13[%swap3A_405, %swap3A_406] {strides = array<i32>} : memref<512x64xf32, #tpu.memory_space<vmem>>, vector<1x16xf32>,
      %swap3A_408 = vector.shape_cast %swap3A_407 : vector<1x16xf32> to vector<16xf32>
      %swap3A_409 = vector.shape_cast %add3A_404 : vector<16xf32> to vector<1x16xf32>
      tpu.vector_store %arg13[%swap3A_405, %swap3A_406], %swap3A_409 {strides = array<i32>} : memref<512x64xf32, #tpu.memory_space<vmem>>, vector<1x16xf32>,
      %mul3A_410 = arith.constant 64 : i32
      %mul3A_411 = arith.muli %scan3A_369, %mul3A_410 : i32
      %add3A_412 = arith.constant 48 : i32
      %add3A_413 = arith.addi %mul3A_411, %add3A_412 : i32
      %get3A_414 = arith.index_cast %add3A_413 : i32 to index
      %get3A_415 = tpu.vector_load %arg9[%get3A_414] {strides = array<i32>} : memref<16384xf32, #tpu.memory_space<vmem>>, vector<16xf32>,
      %get3A_416 = vector.shape_cast %get3A_415 : vector<16xf32> to vector<16xf32>
      %add3A_417 = arith.addf %get3A_416, %get3A_276 : vector<16xf32>
      %swap3A_418 = arith.index_cast %add3A_371 : i32 to index
      %swap3A_419 = arith.constant 48 : index
      %swap3A_420 = tpu.vector_load %arg13[%swap3A_418, %swap3A_419] {strides = array<i32>} : memref<512x64xf32, #tpu.memory_space<vmem>>, vector<1x16xf32>,
      %swap3A_421 = vector.shape_cast %swap3A_420 : vector<1x16xf32> to vector<16xf32>
      %swap3A_422 = vector.shape_cast %add3A_417 : vector<16xf32> to vector<1x16xf32>
      tpu.vector_store %arg13[%swap3A_418, %swap3A_419], %swap3A_422 {strides = array<i32>} : memref<512x64xf32, #tpu.memory_space<vmem>>, vector<1x16xf32>,
    }
    %scan3A_282 = arith.constant 256 : i32
    %mul3A_283 = arith.constant 8 : i32
    %mul3A_284 = arith.muli %add3A, %mul3A_283 : i32
    %add3A_285 = arith.constant 6 : i32
    %add3A_286 = arith.addi %mul3A_284, %add3A_285 : i32
    %mul3A_287 = arith.constant 256 : i32
    %mul3A_288 = arith.muli %add3A_286, %mul3A_287 : i32
    %dma_start3A_289 = arith.constant 0 : i32
    %dma_start3A_290 = arith.constant 0 : i32
    %dma_start3A_291 = tpu.memref_slice %arg13[%dma_start3A_289, %dma_start3A_290] : memref<512x64xf32, #tpu.memory_space<vmem>> -> memref<256x64xf32, #tpu.memory_space<vmem>>
    %dma_start3A_292 = arith.constant 0 : i32
    %dma_start3A_293 = tpu.memref_slice %arg5[%mul3A_288, %dma_start3A_292] : memref<65536x64xf32, #tpu.memory_space<hbm>> -> memref<256x64xf32, #tpu.memory_space<hbm>>
    %dma_start3A_294 = arith.constant 0 : i32
    %dma_start3A_295 = tpu.memref_slice %arg5[%mul3A_288, %dma_start3A_294] : memref<65536x64xf32, #tpu.memory_space<hbm>> -> memref<256x64xf32, #tpu.memory_space<hbm>>
    %dma_start3A_296 = arith.constant 0 : i32
    %dma_start3A_297 = arith.constant 0 : i32
    %dma_start3A_298 = tpu.memref_slice %arg13[%dma_start3A_296, %dma_start3A_297] : memref<512x64xf32, #tpu.memory_space<vmem>> -> memref<256x64xf32, #tpu.memory_space<vmem>>
    tpu.enqueue_dma source(%dma_start3A_298 : memref<256x64xf32, #tpu.memory_space<vmem>>) target(%dma_start3A_295 : memref<256x64xf32, #tpu.memory_space<hbm>>) target_semaphore(%arg14 : memref<!tpu.dma_semaphore, #tpu.memory_space<semaphore_mem>>)
    %dma_wait3A_299 = arith.constant 256 : i32
    %dma_wait3A_300 = arith.constant 0 : i32
    %dma_wait3A_301 = tpu.memref_slice %arg13[%dma_wait3A_299, %dma_wait3A_300] : memref<512x64xf32, #tpu.memory_space<vmem>> -> memref<256x64xf32, #tpu.memory_space<vmem>>
    %dma_wait3A_302 = arith.constant 0 : i32
    %dma_wait3A_303 = arith.constant 0 : i32
    %dma_wait3A_304 = tpu.memref_slice %arg5[%dma_wait3A_302, %dma_wait3A_303] : memref<65536x64xf32, #tpu.memory_space<hbm>> -> memref<256x64xf32, #tpu.memory_space<hbm>>
    %dma_wait3A_305 = arith.constant 256 : i32
    %dma_wait3A_306 = arith.constant 0 : i32
    %dma_wait3A_307 = tpu.memref_slice %arg13[%dma_wait3A_305, %dma_wait3A_306] : memref<512x64xf32, #tpu.memory_space<vmem>> -> memref<256x64xf32, #tpu.memory_space<vmem>>
    %dma_wait3A_308 = arith.constant 0 : i32
    %dma_wait3A_309 = arith.constant 0 : i32
    %dma_wait3A_310 = tpu.memref_slice %arg5[%dma_wait3A_308, %dma_wait3A_309] : memref<65536x64xf32, #tpu.memory_space<hbm>> -> memref<256x64xf32, #tpu.memory_space<hbm>>
    tpu.wait_dma2 semaphore(%arg14 : memref<!tpu.dma_semaphore, #tpu.memory_space<semaphore_mem>>) src(%dma_wait3A_310 : memref<256x64xf32, #tpu.memory_space<hbm>>) dst(%dma_wait3A_307 : memref<256x64xf32, #tpu.memory_space<vmem>>)
    %get3A_311 = arith.constant 448 : index
    %get3A_312 = tpu.vector_load %arg8[%get3A_311] {strides = array<i32>} : memref<512xf32, #tpu.memory_space<vmem>>, vector<16xf32>,
    %get3A_313 = vector.shape_cast %get3A_312 : vector<16xf32> to vector<16xf32>
    %get3A_314 = arith.constant 464 : index
    %get3A_315 = tpu.vector_load %arg8[%get3A_314] {strides = array<i32>} : memref<512xf32, #tpu.memory_space<vmem>>, vector<16xf32>,
    %get3A_316 = vector.shape_cast %get3A_315 : vector<16xf32> to vector<16xf32>
    %get3A_317 = arith.constant 480 : index
    %get3A_318 = tpu.vector_load %arg8[%get3A_317] {strides = array<i32>} : memref<512xf32, #tpu.memory_space<vmem>>, vector<16xf32>,
    %get3A_319 = vector.shape_cast %get3A_318 : vector<16xf32> to vector<16xf32>
    %get3A_320 = arith.constant 496 : index
    %get3A_321 = tpu.vector_load %arg8[%get3A_320] {strides = array<i32>} : memref<512xf32, #tpu.memory_space<vmem>>, vector<16xf32>,
    %get3A_322 = vector.shape_cast %get3A_321 : vector<16xf32> to vector<16xf32>
    %scan3A_323 = arith.constant 0 : i32
    %scan3A_324 = arith.constant 0 : i32
    %scan3A_325 = arith.constant 256 : i32
    %scan3A_326 = arith.addi %scan3A_324, %scan3A_325 : i32
    %scan3A_327 = arith.constant 1 : i32
    scf.for %scan3A_369 = %scan3A_324 to %scan3A_326 step %scan3A_327  : i32 {
      %add3A_370 = arith.constant 256 : i32
      %add3A_371 = arith.addi %add3A_370, %scan3A_369 : i32
      %mul3A_372 = arith.constant 64 : i32
      %mul3A_373 = arith.muli %scan3A_369, %mul3A_372 : i32
      %add3A_374 = arith.constant 0 : i32
      %add3A_375 = arith.addi %mul3A_373, %add3A_374 : i32
      %get3A_376 = arith.index_cast %add3A_375 : i32 to index
      %get3A_377 = tpu.vector_load %arg9[%get3A_376] {strides = array<i32>} : memref<16384xf32, #tpu.memory_space<vmem>>, vector<16xf32>,
      %get3A_378 = vector.shape_cast %get3A_377 : vector<16xf32> to vector<16xf32>
      %add3A_379 = arith.addf %get3A_378, %get3A_313 : vector<16xf32>
      %swap3A = arith.index_cast %add3A_371 : i32 to index
      %swap3A_380 = arith.constant 0 : index
      %swap3A_381 = tpu.vector_load %arg13[%swap3A, %swap3A_380] {strides = array<i32>} : memref<512x64xf32, #tpu.memory_space<vmem>>, vector<1x16xf32>,
      %swap3A_382 = vector.shape_cast %swap3A_381 : vector<1x16xf32> to vector<16xf32>
      %swap3A_383 = vector.shape_cast %add3A_379 : vector<16xf32> to vector<1x16xf32>
      tpu.vector_store %arg13[%swap3A, %swap3A_380], %swap3A_383 {strides = array<i32>} : memref<512x64xf32, #tpu.memory_space<vmem>>, vector<1x16xf32>,
      %mul3A_384 = arith.constant 64 : i32
      %mul3A_385 = arith.muli %scan3A_369, %mul3A_384 : i32
      %add3A_386 = arith.constant 16 : i32
      %add3A_387 = arith.addi %mul3A_385, %add3A_386 : i32
      %get3A_388 = arith.index_cast %add3A_387 : i32 to index
      %get3A_389 = tpu.vector_load %arg9[%get3A_388] {strides = array<i32>} : memref<16384xf32, #tpu.memory_space<vmem>>, vector<16xf32>,
      %get3A_390 = vector.shape_cast %get3A_389 : vector<16xf32> to vector<16xf32>
      %add3A_391 = arith.addf %get3A_390, %get3A_316 : vector<16xf32>
      %swap3A_392 = arith.index_cast %add3A_371 : i32 to index
      %swap3A_393 = arith.constant 16 : index
      %swap3A_394 = tpu.vector_load %arg13[%swap3A_392, %swap3A_393] {strides = array<i32>} : memref<512x64xf32, #tpu.memory_space<vmem>>, vector<1x16xf32>,
      %swap3A_395 = vector.shape_cast %swap3A_394 : vector<1x16xf32> to vector<16xf32>
      %swap3A_396 = vector.shape_cast %add3A_391 : vector<16xf32> to vector<1x16xf32>
      tpu.vector_store %arg13[%swap3A_392, %swap3A_393], %swap3A_396 {strides = array<i32>} : memref<512x64xf32, #tpu.memory_space<vmem>>, vector<1x16xf32>,
      %mul3A_397 = arith.constant 64 : i32
      %mul3A_398 = arith.muli %scan3A_369, %mul3A_397 : i32
      %add3A_399 = arith.constant 32 : i32
      %add3A_400 = arith.addi %mul3A_398, %add3A_399 : i32
      %get3A_401 = arith.index_cast %add3A_400 : i32 to index
      %get3A_402 = tpu.vector_load %arg9[%get3A_401] {strides = array<i32>} : memref<16384xf32, #tpu.memory_space<vmem>>, vector<16xf32>,
      %get3A_403 = vector.shape_cast %get3A_402 : vector<16xf32> to vector<16xf32>
      %add3A_404 = arith.addf %get3A_403, %get3A_319 : vector<16xf32>
      %swap3A_405 = arith.index_cast %add3A_371 : i32 to index
      %swap3A_406 = arith.constant 32 : index
      %swap3A_407 = tpu.vector_load %arg13[%swap3A_405, %swap3A_406] {strides = array<i32>} : memref<512x64xf32, #tpu.memory_space<vmem>>, vector<1x16xf32>,
      %swap3A_408 = vector.shape_cast %swap3A_407 : vector<1x16xf32> to vector<16xf32>
      %swap3A_409 = vector.shape_cast %add3A_404 : vector<16xf32> to vector<1x16xf32>
      tpu.vector_store %arg13[%swap3A_405, %swap3A_406], %swap3A_409 {strides = array<i32>} : memref<512x64xf32, #tpu.memory_space<vmem>>, vector<1x16xf32>,
      %mul3A_410 = arith.constant 64 : i32
      %mul3A_411 = arith.muli %scan3A_369, %mul3A_410 : i32
      %add3A_412 = arith.constant 48 : i32
      %add3A_413 = arith.addi %mul3A_411, %add3A_412 : i32
      %get3A_414 = arith.index_cast %add3A_413 : i32 to index
      %get3A_415 = tpu.vector_load %arg9[%get3A_414] {strides = array<i32>} : memref<16384xf32, #tpu.memory_space<vmem>>, vector<16xf32>,
      %get3A_416 = vector.shape_cast %get3A_415 : vector<16xf32> to vector<16xf32>
      %add3A_417 = arith.addf %get3A_416, %get3A_322 : vector<16xf32>
      %swap3A_418 = arith.index_cast %add3A_371 : i32 to index
      %swap3A_419 = arith.constant 48 : index
      %swap3A_420 = tpu.vector_load %arg13[%swap3A_418, %swap3A_419] {strides = array<i32>} : memref<512x64xf32, #tpu.memory_space<vmem>>, vector<1x16xf32>,
      %swap3A_421 = vector.shape_cast %swap3A_420 : vector<1x16xf32> to vector<16xf32>
      %swap3A_422 = vector.shape_cast %add3A_417 : vector<16xf32> to vector<1x16xf32>
      tpu.vector_store %arg13[%swap3A_418, %swap3A_419], %swap3A_422 {strides = array<i32>} : memref<512x64xf32, #tpu.memory_space<vmem>>, vector<1x16xf32>,
    }
    %scan3A_328 = arith.constant 256 : i32
    %mul3A_329 = arith.constant 8 : i32
    %mul3A_330 = arith.muli %add3A, %mul3A_329 : i32
    %add3A_331 = arith.constant 7 : i32
    %add3A_332 = arith.addi %mul3A_330, %add3A_331 : i32
    %mul3A_333 = arith.constant 256 : i32
    %mul3A_334 = arith.muli %add3A_332, %mul3A_333 : i32
    %dma_start3A_335 = arith.constant 256 : i32
    %dma_start3A_336 = arith.constant 0 : i32
    %dma_start3A_337 = tpu.memref_slice %arg13[%dma_start3A_335, %dma_start3A_336] : memref<512x64xf32, #tpu.memory_space<vmem>> -> memref<256x64xf32, #tpu.memory_space<vmem>>
    %dma_start3A_338 = arith.constant 0 : i32
    %dma_start3A_339 = tpu.memref_slice %arg5[%mul3A_334, %dma_start3A_338] : memref<65536x64xf32, #tpu.memory_space<hbm>> -> memref<256x64xf32, #tpu.memory_space<hbm>>
    %dma_start3A_340 = arith.constant 0 : i32
    %dma_start3A_341 = tpu.memref_slice %arg5[%mul3A_334, %dma_start3A_340] : memref<65536x64xf32, #tpu.memory_space<hbm>> -> memref<256x64xf32, #tpu.memory_space<hbm>>
    %dma_start3A_342 = arith.constant 256 : i32
    %dma_start3A_343 = arith.constant 0 : i32
    %dma_start3A_344 = tpu.memref_slice %arg13[%dma_start3A_342, %dma_start3A_343] : memref<512x64xf32, #tpu.memory_space<vmem>> -> memref<256x64xf32, #tpu.memory_space<vmem>>
    tpu.enqueue_dma source(%dma_start3A_344 : memref<256x64xf32, #tpu.memory_space<vmem>>) target(%dma_start3A_341 : memref<256x64xf32, #tpu.memory_space<hbm>>) target_semaphore(%arg14 : memref<!tpu.dma_semaphore, #tpu.memory_space<semaphore_mem>>)
    %dma_wait3A_345 = arith.constant 0 : i32
    %dma_wait3A_346 = arith.constant 0 : i32
    %dma_wait3A_347 = tpu.memref_slice %arg13[%dma_wait3A_345, %dma_wait3A_346] : memref<512x64xf32, #tpu.memory_space<vmem>> -> memref<256x64xf32, #tpu.memory_space<vmem>>
    %dma_wait3A_348 = arith.constant 0 : i32
    %dma_wait3A_349 = arith.constant 0 : i32
    %dma_wait3A_350 = tpu.memref_slice %arg5[%dma_wait3A_348, %dma_wait3A_349] : memref<65536x64xf32, #tpu.memory_space<hbm>> -> memref<256x64xf32, #tpu.memory_space<hbm>>
    %dma_wait3A_351 = arith.constant 0 : i32
    %dma_wait3A_352 = arith.constant 0 : i32
    %dma_wait3A_353 = tpu.memref_slice %arg13[%dma_wait3A_351, %dma_wait3A_352] : memref<512x64xf32, #tpu.memory_space<vmem>> -> memref<256x64xf32, #tpu.memory_space<vmem>>
    %dma_wait3A_354 = arith.constant 0 : i32
    %dma_wait3A_355 = arith.constant 0 : i32
    %dma_wait3A_356 = tpu.memref_slice %arg5[%dma_wait3A_354, %dma_wait3A_355] : memref<65536x64xf32, #tpu.memory_space<hbm>> -> memref<256x64xf32, #tpu.memory_space<hbm>>
    tpu.wait_dma2 semaphore(%arg14 : memref<!tpu.dma_semaphore, #tpu.memory_space<semaphore_mem>>) src(%dma_wait3A_356 : memref<256x64xf32, #tpu.memory_space<hbm>>) dst(%dma_wait3A_353 : memref<256x64xf32, #tpu.memory_space<vmem>>)
    %dma_wait3A_357 = arith.constant 256 : i32
    %dma_wait3A_358 = arith.constant 0 : i32
    %dma_wait3A_359 = tpu.memref_slice %arg13[%dma_wait3A_357, %dma_wait3A_358] : memref<512x64xf32, #tpu.memory_space<vmem>> -> memref<256x64xf32, #tpu.memory_space<vmem>>
    %dma_wait3A_360 = arith.constant 0 : i32
    %dma_wait3A_361 = arith.constant 0 : i32
    %dma_wait3A_362 = tpu.memref_slice %arg5[%dma_wait3A_360, %dma_wait3A_361] : memref<65536x64xf32, #tpu.memory_space<hbm>> -> memref<256x64xf32, #tpu.memory_space<hbm>>
    %dma_wait3A_363 = arith.constant 256 : i32
    %dma_wait3A_364 = arith.constant 0 : i32
    %dma_wait3A_365 = tpu.memref_slice %arg13[%dma_wait3A_363, %dma_wait3A_364] : memref<512x64xf32, #tpu.memory_space<vmem>> -> memref<256x64xf32, #tpu.memory_space<vmem>>
    %dma_wait3A_366 = arith.constant 0 : i32
    %dma_wait3A_367 = arith.constant 0 : i32
    %dma_wait3A_368 = tpu.memref_slice %arg5[%dma_wait3A_366, %dma_wait3A_367] : memref<65536x64xf32, #tpu.memory_space<hbm>> -> memref<256x64xf32, #tpu.memory_space<hbm>>
    tpu.wait_dma2 semaphore(%arg14 : memref<!tpu.dma_semaphore, #tpu.memory_space<semaphore_mem>>) src(%dma_wait3A_368 : memref<256x64xf32, #tpu.memory_space<hbm>>) dst(%dma_wait3A_365 : memref<256x64xf32, #tpu.memory_space<vmem>>)
    return
  }
}

#map = affine_map<(d0, d1) -> (0, 0)>
#map1 = affine_map<(d0, d1) -> (0, 0, 0)>
module attributes {stable_mosaic.version = 14 : i64} {
  func.func @_sc_body(%arg0: i32, %arg1: i32, %arg2: memref<65536x64xf32, #tpu.memory_space<hbm>>, %arg3: memref<16x224xf32, #tpu.memory_space<hbm>>, %arg4: memref<16x224xf32, #tpu.memory_space<hbm>>, %arg5: memref<16x200x12800xf32, #tpu.memory_space<hbm>>, %arg6: memref<224xf32, #tpu.memory_space<vmem>>, %arg7: memref<224xf32, #tpu.memory_space<vmem>>, %arg8: memref<20800xi32, #tpu.memory_space<vmem>>, %arg9: memref<832x64xf32, #tpu.memory_space<vmem>>, %arg10: memref<25600xf32, #tpu.memory_space<vmem>>, %arg11: memref<!tpu.dma_semaphore, #tpu.memory_space<semaphore_mem>>, %arg12: memref<!tpu.dma_semaphore, #tpu.memory_space<semaphore_mem>>) attributes {dimension_semantics = [#tpu.dimension_semantics<core_parallel>, #tpu.dimension_semantics<subcore_parallel>], iteration_bounds = array<i64: 2, 16>, scalar_prefetch = 0 : i64, scratch_operands = 7 : i64, tpu.core_type = #tpu.core_type<sc_vector_subcore>, window_params = [{transform_indices = #map}, {transform_indices = #map}, {transform_indices = #map}, {transform_indices = #map1}]} {
    %mul3A = arith.constant 100 : i32
    %mul3A_0 = arith.muli %arg0, %mul3A : i32
    "tpu.region"() ({
      %run_scoped3A = tpu.sem_alloc : memref<!tpu.dma_semaphore, #tpu.memory_space<semaphore_mem>>
      %dma_start3A_137 = arith.constant 0 : i32
      %dma_start3A_138 = tpu.memref_slice %arg3[%arg1, %dma_start3A_137] : memref<16x224xf32, #tpu.memory_space<hbm>> -> memref<1x224xf32, #tpu.memory_space<hbm>>
      %dma_start3A_139 = tpu.memref_squeeze %dma_start3A_138 : memref<1x224xf32, #tpu.memory_space<hbm>> -> memref<224xf32, #tpu.memory_space<hbm>>
      %dma_start3A_140 = arith.constant 0 : i32
      %dma_start3A_141 = tpu.memref_slice %arg3[%arg1, %dma_start3A_140] : memref<16x224xf32, #tpu.memory_space<hbm>> -> memref<1x224xf32, #tpu.memory_space<hbm>>
      %dma_start3A_142 = tpu.memref_squeeze %dma_start3A_141 : memref<1x224xf32, #tpu.memory_space<hbm>> -> memref<224xf32, #tpu.memory_space<hbm>>
      tpu.enqueue_dma source(%dma_start3A_142 : memref<224xf32, #tpu.memory_space<hbm>>) target(%arg6 : memref<224xf32, #tpu.memory_space<vmem>>) target_semaphore(%run_scoped3A : memref<!tpu.dma_semaphore, #tpu.memory_space<semaphore_mem>>)
      %dma_wait3A_143 = arith.constant 0 : i32
      %dma_wait3A_144 = tpu.memref_slice %arg3[%arg1, %dma_wait3A_143] : memref<16x224xf32, #tpu.memory_space<hbm>> -> memref<1x224xf32, #tpu.memory_space<hbm>>
      %dma_wait3A_145 = tpu.memref_squeeze %dma_wait3A_144 : memref<1x224xf32, #tpu.memory_space<hbm>> -> memref<224xf32, #tpu.memory_space<hbm>>
      %dma_wait3A_146 = arith.constant 0 : i32
      %dma_wait3A_147 = tpu.memref_slice %arg3[%arg1, %dma_wait3A_146] : memref<16x224xf32, #tpu.memory_space<hbm>> -> memref<1x224xf32, #tpu.memory_space<hbm>>
      %dma_wait3A_148 = tpu.memref_squeeze %dma_wait3A_147 : memref<1x224xf32, #tpu.memory_space<hbm>> -> memref<224xf32, #tpu.memory_space<hbm>>
      tpu.wait_dma2 semaphore(%run_scoped3A : memref<!tpu.dma_semaphore, #tpu.memory_space<semaphore_mem>>) src(%dma_wait3A_148 : memref<224xf32, #tpu.memory_space<hbm>>) dst(%arg6 : memref<224xf32, #tpu.memory_space<vmem>>)
      tpu.yield
    }) : () -> ()
    "tpu.region"() ({
      %run_scoped3A = tpu.sem_alloc : memref<!tpu.dma_semaphore, #tpu.memory_space<semaphore_mem>>
      %dma_start3A_137 = arith.constant 0 : i32
      %dma_start3A_138 = tpu.memref_slice %arg4[%arg1, %dma_start3A_137] : memref<16x224xf32, #tpu.memory_space<hbm>> -> memref<1x224xf32, #tpu.memory_space<hbm>>
      %dma_start3A_139 = tpu.memref_squeeze %dma_start3A_138 : memref<1x224xf32, #tpu.memory_space<hbm>> -> memref<224xf32, #tpu.memory_space<hbm>>
      %dma_start3A_140 = arith.constant 0 : i32
      %dma_start3A_141 = tpu.memref_slice %arg4[%arg1, %dma_start3A_140] : memref<16x224xf32, #tpu.memory_space<hbm>> -> memref<1x224xf32, #tpu.memory_space<hbm>>
      %dma_start3A_142 = tpu.memref_squeeze %dma_start3A_141 : memref<1x224xf32, #tpu.memory_space<hbm>> -> memref<224xf32, #tpu.memory_space<hbm>>
      tpu.enqueue_dma source(%dma_start3A_142 : memref<224xf32, #tpu.memory_space<hbm>>) target(%arg7 : memref<224xf32, #tpu.memory_space<vmem>>) target_semaphore(%run_scoped3A : memref<!tpu.dma_semaphore, #tpu.memory_space<semaphore_mem>>)
      %dma_wait3A_143 = arith.constant 0 : i32
      %dma_wait3A_144 = tpu.memref_slice %arg4[%arg1, %dma_wait3A_143] : memref<16x224xf32, #tpu.memory_space<hbm>> -> memref<1x224xf32, #tpu.memory_space<hbm>>
      %dma_wait3A_145 = tpu.memref_squeeze %dma_wait3A_144 : memref<1x224xf32, #tpu.memory_space<hbm>> -> memref<224xf32, #tpu.memory_space<hbm>>
      %dma_wait3A_146 = arith.constant 0 : i32
      %dma_wait3A_147 = tpu.memref_slice %arg4[%arg1, %dma_wait3A_146] : memref<16x224xf32, #tpu.memory_space<hbm>> -> memref<1x224xf32, #tpu.memory_space<hbm>>
      %dma_wait3A_148 = tpu.memref_squeeze %dma_wait3A_147 : memref<1x224xf32, #tpu.memory_space<hbm>> -> memref<224xf32, #tpu.memory_space<hbm>>
      tpu.wait_dma2 semaphore(%run_scoped3A : memref<!tpu.dma_semaphore, #tpu.memory_space<semaphore_mem>>) src(%dma_wait3A_148 : memref<224xf32, #tpu.memory_space<hbm>>) dst(%arg7 : memref<224xf32, #tpu.memory_space<vmem>>)
      tpu.yield
    }) : () -> ()
    %scan3A = arith.constant 0 : i32
    %scan3A_1 = arith.constant 0 : i32
    %scan3A_2 = arith.constant 100 : i32
    %scan3A_3 = arith.addi %scan3A_1, %scan3A_2 : i32
    %scan3A_4 = arith.constant 1 : i32
    scf.for %scan3A_137 = %scan3A_1 to %scan3A_3 step %scan3A_4  : i32 {
      %add3A_138 = arith.addi %mul3A_0, %scan3A_137 : i32
      %get3A = arith.index_cast %add3A_138 : i32 to index
      %get3A_139 = tpu.vector_load %arg6[%get3A] {strides = array<i32>} : memref<224xf32, #tpu.memory_space<vmem>>, vector<16xf32>,
      %slice3A = vector.extract_strided_slice %get3A_139 {offsets = [0], sizes = [1], strides = [1]} : vector<16xf32> to vector<1xf32>
      %squeeze3A = vector.extract %slice3A[0] : f32 from vector<1xf32>
      %get3A_140 = arith.index_cast %add3A_138 : i32 to index
      %get3A_141 = tpu.vector_load %arg7[%get3A_140] {strides = array<i32>} : memref<224xf32, #tpu.memory_space<vmem>>, vector<16xf32>,
      %slice3A_142 = vector.extract_strided_slice %get3A_141 {offsets = [0], sizes = [1], strides = [1]} : vector<16xf32> to vector<1xf32>
      %squeeze3A_143 = vector.extract %slice3A_142[0] : f32 from vector<1xf32>
      %get3A_144 = arith.constant 0 : index
      %get3A_145 = tpu.vector_load %arg6[%get3A_144] {strides = array<i32>} : memref<224xf32, #tpu.memory_space<vmem>>, vector<16xf32>,
      %sub3A = vector.broadcast %squeeze3A : f32 to vector<16xf32>
      %sub3A_146 = arith.subf %sub3A, %get3A_145 : vector<16xf32>
      %add3A_147 = arith.constant 1.280000e+02 : f32
      %add3A_148 = vector.broadcast %add3A_147 : f32 to vector<16xf32>
      %add3A_149 = arith.addf %sub3A_146, %add3A_148 : vector<16xf32>
      %jit3A = arith.constant 0.000000e+00 : f32
      %jit3A_150 = arith.constant 2.550000e+02 : f32
      %max3A = vector.broadcast %jit3A : f32 to vector<16xf32>
      %max3A_151 = arith.maximumf %max3A, %add3A_149 : vector<16xf32>
      %min3A = vector.broadcast %jit3A_150 : f32 to vector<16xf32>
      %min3A_152 = arith.minimumf %min3A, %max3A_151 : vector<16xf32>
      %convert_element_type3A = arith.fptosi %min3A_152 : vector<16xf32> to vector<16xi32>
      %get3A_153 = arith.constant 0 : index
      %get3A_154 = tpu.vector_load %arg7[%get3A_153] {strides = array<i32>} : memref<224xf32, #tpu.memory_space<vmem>>, vector<16xf32>,
      %sub3A_155 = vector.broadcast %squeeze3A_143 : f32 to vector<16xf32>
      %sub3A_156 = arith.subf %sub3A_155, %get3A_154 : vector<16xf32>
      %add3A_157 = arith.constant 1.280000e+02 : f32
      %add3A_158 = vector.broadcast %add3A_157 : f32 to vector<16xf32>
      %add3A_159 = arith.addf %sub3A_156, %add3A_158 : vector<16xf32>
      %jit3A_160 = arith.constant 0.000000e+00 : f32
      %jit3A_161 = arith.constant 2.550000e+02 : f32
      %max3A_162 = vector.broadcast %jit3A_160 : f32 to vector<16xf32>
      %max3A_163 = arith.maximumf %max3A_162, %add3A_159 : vector<16xf32>
      %min3A_164 = vector.broadcast %jit3A_161 : f32 to vector<16xf32>
      %min3A_165 = arith.minimumf %min3A_164, %max3A_163 : vector<16xf32>
      %convert_element_type3A_166 = arith.fptosi %min3A_165 : vector<16xf32> to vector<16xi32>
      %mul3A_167 = arith.constant 256 : i32
      %mul3A_168 = vector.broadcast %mul3A_167 : i32 to vector<16xi32>
      %mul3A_169 = arith.muli %convert_element_type3A, %mul3A_168 : vector<16xi32>
      %add3A_170 = arith.addi %mul3A_169, %convert_element_type3A_166 : vector<16xi32>
      %mul3A_171 = arith.constant 208 : i32
      %mul3A_172 = arith.muli %scan3A_137, %mul3A_171 : i32
      %add3A_173 = arith.constant 0 : i32
      %add3A_174 = arith.addi %mul3A_172, %add3A_173 : i32
      %swap3A = arith.index_cast %add3A_174 : i32 to index
      %swap3A_175 = tpu.vector_load %arg8[%swap3A] {strides = array<i32>} : memref<20800xi32, #tpu.memory_space<vmem>>, vector<16xi32>,
      tpu.vector_store %arg8[%swap3A], %add3A_170 {strides = array<i32>} : memref<20800xi32, #tpu.memory_space<vmem>>, vector<16xi32>,
      %get3A_176 = arith.constant 16 : index
      %get3A_177 = tpu.vector_load %arg6[%get3A_176] {strides = array<i32>} : memref<224xf32, #tpu.memory_space<vmem>>, vector<16xf32>,
      %sub3A_178 = vector.broadcast %squeeze3A : f32 to vector<16xf32>
      %sub3A_179 = arith.subf %sub3A_178, %get3A_177 : vector<16xf32>
      %add3A_180 = arith.constant 1.280000e+02 : f32
      %add3A_181 = vector.broadcast %add3A_180 : f32 to vector<16xf32>
      %add3A_182 = arith.addf %sub3A_179, %add3A_181 : vector<16xf32>
      %jit3A_183 = arith.constant 0.000000e+00 : f32
      %jit3A_184 = arith.constant 2.550000e+02 : f32
      %max3A_185 = vector.broadcast %jit3A_183 : f32 to vector<16xf32>
      %max3A_186 = arith.maximumf %max3A_185, %add3A_182 : vector<16xf32>
      %min3A_187 = vector.broadcast %jit3A_184 : f32 to vector<16xf32>
      %min3A_188 = arith.minimumf %min3A_187, %max3A_186 : vector<16xf32>
      %convert_element_type3A_189 = arith.fptosi %min3A_188 : vector<16xf32> to vector<16xi32>
      %get3A_190 = arith.constant 16 : index
      %get3A_191 = tpu.vector_load %arg7[%get3A_190] {strides = array<i32>} : memref<224xf32, #tpu.memory_space<vmem>>, vector<16xf32>,
      %sub3A_192 = vector.broadcast %squeeze3A_143 : f32 to vector<16xf32>
      %sub3A_193 = arith.subf %sub3A_192, %get3A_191 : vector<16xf32>
      %add3A_194 = arith.constant 1.280000e+02 : f32
      %add3A_195 = vector.broadcast %add3A_194 : f32 to vector<16xf32>
      %add3A_196 = arith.addf %sub3A_193, %add3A_195 : vector<16xf32>
      %jit3A_197 = arith.constant 0.000000e+00 : f32
      %jit3A_198 = arith.constant 2.550000e+02 : f32
      %max3A_199 = vector.broadcast %jit3A_197 : f32 to vector<16xf32>
      %max3A_200 = arith.maximumf %max3A_199, %add3A_196 : vector<16xf32>
      %min3A_201 = vector.broadcast %jit3A_198 : f32 to vector<16xf32>
      %min3A_202 = arith.minimumf %min3A_201, %max3A_200 : vector<16xf32>
      %convert_element_type3A_203 = arith.fptosi %min3A_202 : vector<16xf32> to vector<16xi32>
      %mul3A_204 = arith.constant 256 : i32
      %mul3A_205 = vector.broadcast %mul3A_204 : i32 to vector<16xi32>
      %mul3A_206 = arith.muli %convert_element_type3A_189, %mul3A_205 : vector<16xi32>
      %add3A_207 = arith.addi %mul3A_206, %convert_element_type3A_203 : vector<16xi32>
      %mul3A_208 = arith.constant 208 : i32
      %mul3A_209 = arith.muli %scan3A_137, %mul3A_208 : i32
      %add3A_210 = arith.constant 16 : i32
      %add3A_211 = arith.addi %mul3A_209, %add3A_210 : i32
      %swap3A_212 = arith.index_cast %add3A_211 : i32 to index
      %swap3A_213 = tpu.vector_load %arg8[%swap3A_212] {strides = array<i32>} : memref<20800xi32, #tpu.memory_space<vmem>>, vector<16xi32>,
      tpu.vector_store %arg8[%swap3A_212], %add3A_207 {strides = array<i32>} : memref<20800xi32, #tpu.memory_space<vmem>>, vector<16xi32>,
      %get3A_214 = arith.constant 32 : index
      %get3A_215 = tpu.vector_load %arg6[%get3A_214] {strides = array<i32>} : memref<224xf32, #tpu.memory_space<vmem>>, vector<16xf32>,
      %sub3A_216 = vector.broadcast %squeeze3A : f32 to vector<16xf32>
      %sub3A_217 = arith.subf %sub3A_216, %get3A_215 : vector<16xf32>
      %add3A_218 = arith.constant 1.280000e+02 : f32
      %add3A_219 = vector.broadcast %add3A_218 : f32 to vector<16xf32>
      %add3A_220 = arith.addf %sub3A_217, %add3A_219 : vector<16xf32>
      %jit3A_221 = arith.constant 0.000000e+00 : f32
      %jit3A_222 = arith.constant 2.550000e+02 : f32
      %max3A_223 = vector.broadcast %jit3A_221 : f32 to vector<16xf32>
      %max3A_224 = arith.maximumf %max3A_223, %add3A_220 : vector<16xf32>
      %min3A_225 = vector.broadcast %jit3A_222 : f32 to vector<16xf32>
      %min3A_226 = arith.minimumf %min3A_225, %max3A_224 : vector<16xf32>
      %convert_element_type3A_227 = arith.fptosi %min3A_226 : vector<16xf32> to vector<16xi32>
      %get3A_228 = arith.constant 32 : index
      %get3A_229 = tpu.vector_load %arg7[%get3A_228] {strides = array<i32>} : memref<224xf32, #tpu.memory_space<vmem>>, vector<16xf32>,
      %sub3A_230 = vector.broadcast %squeeze3A_143 : f32 to vector<16xf32>
      %sub3A_231 = arith.subf %sub3A_230, %get3A_229 : vector<16xf32>
      %add3A_232 = arith.constant 1.280000e+02 : f32
      %add3A_233 = vector.broadcast %add3A_232 : f32 to vector<16xf32>
      %add3A_234 = arith.addf %sub3A_231, %add3A_233 : vector<16xf32>
      %jit3A_235 = arith.constant 0.000000e+00 : f32
      %jit3A_236 = arith.constant 2.550000e+02 : f32
      %max3A_237 = vector.broadcast %jit3A_235 : f32 to vector<16xf32>
      %max3A_238 = arith.maximumf %max3A_237, %add3A_234 : vector<16xf32>
      %min3A_239 = vector.broadcast %jit3A_236 : f32 to vector<16xf32>
      %min3A_240 = arith.minimumf %min3A_239, %max3A_238 : vector<16xf32>
      %convert_element_type3A_241 = arith.fptosi %min3A_240 : vector<16xf32> to vector<16xi32>
      %mul3A_242 = arith.constant 256 : i32
      %mul3A_243 = vector.broadcast %mul3A_242 : i32 to vector<16xi32>
      %mul3A_244 = arith.muli %convert_element_type3A_227, %mul3A_243 : vector<16xi32>
      %add3A_245 = arith.addi %mul3A_244, %convert_element_type3A_241 : vector<16xi32>
      %mul3A_246 = arith.constant 208 : i32
      %mul3A_247 = arith.muli %scan3A_137, %mul3A_246 : i32
      %add3A_248 = arith.constant 32 : i32
      %add3A_249 = arith.addi %mul3A_247, %add3A_248 : i32
      %swap3A_250 = arith.index_cast %add3A_249 : i32 to index
      %swap3A_251 = tpu.vector_load %arg8[%swap3A_250] {strides = array<i32>} : memref<20800xi32, #tpu.memory_space<vmem>>, vector<16xi32>,
      tpu.vector_store %arg8[%swap3A_250], %add3A_245 {strides = array<i32>} : memref<20800xi32, #tpu.memory_space<vmem>>, vector<16xi32>,
      %get3A_252 = arith.constant 48 : index
      %get3A_253 = tpu.vector_load %arg6[%get3A_252] {strides = array<i32>} : memref<224xf32, #tpu.memory_space<vmem>>, vector<16xf32>,
      %sub3A_254 = vector.broadcast %squeeze3A : f32 to vector<16xf32>
      %sub3A_255 = arith.subf %sub3A_254, %get3A_253 : vector<16xf32>
      %add3A_256 = arith.constant 1.280000e+02 : f32
      %add3A_257 = vector.broadcast %add3A_256 : f32 to vector<16xf32>
      %add3A_258 = arith.addf %sub3A_255, %add3A_257 : vector<16xf32>
      %jit3A_259 = arith.constant 0.000000e+00 : f32
      %jit3A_260 = arith.constant 2.550000e+02 : f32
      %max3A_261 = vector.broadcast %jit3A_259 : f32 to vector<16xf32>
      %max3A_262 = arith.maximumf %max3A_261, %add3A_258 : vector<16xf32>
      %min3A_263 = vector.broadcast %jit3A_260 : f32 to vector<16xf32>
      %min3A_264 = arith.minimumf %min3A_263, %max3A_262 : vector<16xf32>
      %convert_element_type3A_265 = arith.fptosi %min3A_264 : vector<16xf32> to vector<16xi32>
      %get3A_266 = arith.constant 48 : index
      %get3A_267 = tpu.vector_load %arg7[%get3A_266] {strides = array<i32>} : memref<224xf32, #tpu.memory_space<vmem>>, vector<16xf32>,
      %sub3A_268 = vector.broadcast %squeeze3A_143 : f32 to vector<16xf32>
      %sub3A_269 = arith.subf %sub3A_268, %get3A_267 : vector<16xf32>
      %add3A_270 = arith.constant 1.280000e+02 : f32
      %add3A_271 = vector.broadcast %add3A_270 : f32 to vector<16xf32>
      %add3A_272 = arith.addf %sub3A_269, %add3A_271 : vector<16xf32>
      %jit3A_273 = arith.constant 0.000000e+00 : f32
      %jit3A_274 = arith.constant 2.550000e+02 : f32
      %max3A_275 = vector.broadcast %jit3A_273 : f32 to vector<16xf32>
      %max3A_276 = arith.maximumf %max3A_275, %add3A_272 : vector<16xf32>
      %min3A_277 = vector.broadcast %jit3A_274 : f32 to vector<16xf32>
      %min3A_278 = arith.minimumf %min3A_277, %max3A_276 : vector<16xf32>
      %convert_element_type3A_279 = arith.fptosi %min3A_278 : vector<16xf32> to vector<16xi32>
      %mul3A_280 = arith.constant 256 : i32
      %mul3A_281 = vector.broadcast %mul3A_280 : i32 to vector<16xi32>
      %mul3A_282 = arith.muli %convert_element_type3A_265, %mul3A_281 : vector<16xi32>
      %add3A_283 = arith.addi %mul3A_282, %convert_element_type3A_279 : vector<16xi32>
      %mul3A_284 = arith.constant 208 : i32
      %mul3A_285 = arith.muli %scan3A_137, %mul3A_284 : i32
      %add3A_286 = arith.constant 48 : i32
      %add3A_287 = arith.addi %mul3A_285, %add3A_286 : i32
      %swap3A_288 = arith.index_cast %add3A_287 : i32 to index
      %swap3A_289 = tpu.vector_load %arg8[%swap3A_288] {strides = array<i32>} : memref<20800xi32, #tpu.memory_space<vmem>>, vector<16xi32>,
      tpu.vector_store %arg8[%swap3A_288], %add3A_283 {strides = array<i32>} : memref<20800xi32, #tpu.memory_space<vmem>>, vector<16xi32>,
      %get3A_290 = arith.constant 64 : index
      %get3A_291 = tpu.vector_load %arg6[%get3A_290] {strides = array<i32>} : memref<224xf32, #tpu.memory_space<vmem>>, vector<16xf32>,
      %sub3A_292 = vector.broadcast %squeeze3A : f32 to vector<16xf32>
      %sub3A_293 = arith.subf %sub3A_292, %get3A_291 : vector<16xf32>
      %add3A_294 = arith.constant 1.280000e+02 : f32
      %add3A_295 = vector.broadcast %add3A_294 : f32 to vector<16xf32>
      %add3A_296 = arith.addf %sub3A_293, %add3A_295 : vector<16xf32>
      %jit3A_297 = arith.constant 0.000000e+00 : f32
      %jit3A_298 = arith.constant 2.550000e+02 : f32
      %max3A_299 = vector.broadcast %jit3A_297 : f32 to vector<16xf32>
      %max3A_300 = arith.maximumf %max3A_299, %add3A_296 : vector<16xf32>
      %min3A_301 = vector.broadcast %jit3A_298 : f32 to vector<16xf32>
      %min3A_302 = arith.minimumf %min3A_301, %max3A_300 : vector<16xf32>
      %convert_element_type3A_303 = arith.fptosi %min3A_302 : vector<16xf32> to vector<16xi32>
      %get3A_304 = arith.constant 64 : index
      %get3A_305 = tpu.vector_load %arg7[%get3A_304] {strides = array<i32>} : memref<224xf32, #tpu.memory_space<vmem>>, vector<16xf32>,
      %sub3A_306 = vector.broadcast %squeeze3A_143 : f32 to vector<16xf32>
      %sub3A_307 = arith.subf %sub3A_306, %get3A_305 : vector<16xf32>
      %add3A_308 = arith.constant 1.280000e+02 : f32
      %add3A_309 = vector.broadcast %add3A_308 : f32 to vector<16xf32>
      %add3A_310 = arith.addf %sub3A_307, %add3A_309 : vector<16xf32>
      %jit3A_311 = arith.constant 0.000000e+00 : f32
      %jit3A_312 = arith.constant 2.550000e+02 : f32
      %max3A_313 = vector.broadcast %jit3A_311 : f32 to vector<16xf32>
      %max3A_314 = arith.maximumf %max3A_313, %add3A_310 : vector<16xf32>
      %min3A_315 = vector.broadcast %jit3A_312 : f32 to vector<16xf32>
      %min3A_316 = arith.minimumf %min3A_315, %max3A_314 : vector<16xf32>
      %convert_element_type3A_317 = arith.fptosi %min3A_316 : vector<16xf32> to vector<16xi32>
      %mul3A_318 = arith.constant 256 : i32
      %mul3A_319 = vector.broadcast %mul3A_318 : i32 to vector<16xi32>
      %mul3A_320 = arith.muli %convert_element_type3A_303, %mul3A_319 : vector<16xi32>
      %add3A_321 = arith.addi %mul3A_320, %convert_element_type3A_317 : vector<16xi32>
      %mul3A_322 = arith.constant 208 : i32
      %mul3A_323 = arith.muli %scan3A_137, %mul3A_322 : i32
      %add3A_324 = arith.constant 64 : i32
      %add3A_325 = arith.addi %mul3A_323, %add3A_324 : i32
      %swap3A_326 = arith.index_cast %add3A_325 : i32 to index
      %swap3A_327 = tpu.vector_load %arg8[%swap3A_326] {strides = array<i32>} : memref<20800xi32, #tpu.memory_space<vmem>>, vector<16xi32>,
      tpu.vector_store %arg8[%swap3A_326], %add3A_321 {strides = array<i32>} : memref<20800xi32, #tpu.memory_space<vmem>>, vector<16xi32>,
      %get3A_328 = arith.constant 80 : index
      %get3A_329 = tpu.vector_load %arg6[%get3A_328] {strides = array<i32>} : memref<224xf32, #tpu.memory_space<vmem>>, vector<16xf32>,
      %sub3A_330 = vector.broadcast %squeeze3A : f32 to vector<16xf32>
      %sub3A_331 = arith.subf %sub3A_330, %get3A_329 : vector<16xf32>
      %add3A_332 = arith.constant 1.280000e+02 : f32
      %add3A_333 = vector.broadcast %add3A_332 : f32 to vector<16xf32>
      %add3A_334 = arith.addf %sub3A_331, %add3A_333 : vector<16xf32>
      %jit3A_335 = arith.constant 0.000000e+00 : f32
      %jit3A_336 = arith.constant 2.550000e+02 : f32
      %max3A_337 = vector.broadcast %jit3A_335 : f32 to vector<16xf32>
      %max3A_338 = arith.maximumf %max3A_337, %add3A_334 : vector<16xf32>
      %min3A_339 = vector.broadcast %jit3A_336 : f32 to vector<16xf32>
      %min3A_340 = arith.minimumf %min3A_339, %max3A_338 : vector<16xf32>
      %convert_element_type3A_341 = arith.fptosi %min3A_340 : vector<16xf32> to vector<16xi32>
      %get3A_342 = arith.constant 80 : index
      %get3A_343 = tpu.vector_load %arg7[%get3A_342] {strides = array<i32>} : memref<224xf32, #tpu.memory_space<vmem>>, vector<16xf32>,
      %sub3A_344 = vector.broadcast %squeeze3A_143 : f32 to vector<16xf32>
      %sub3A_345 = arith.subf %sub3A_344, %get3A_343 : vector<16xf32>
      %add3A_346 = arith.constant 1.280000e+02 : f32
      %add3A_347 = vector.broadcast %add3A_346 : f32 to vector<16xf32>
      %add3A_348 = arith.addf %sub3A_345, %add3A_347 : vector<16xf32>
      %jit3A_349 = arith.constant 0.000000e+00 : f32
      %jit3A_350 = arith.constant 2.550000e+02 : f32
      %max3A_351 = vector.broadcast %jit3A_349 : f32 to vector<16xf32>
      %max3A_352 = arith.maximumf %max3A_351, %add3A_348 : vector<16xf32>
      %min3A_353 = vector.broadcast %jit3A_350 : f32 to vector<16xf32>
      %min3A_354 = arith.minimumf %min3A_353, %max3A_352 : vector<16xf32>
      %convert_element_type3A_355 = arith.fptosi %min3A_354 : vector<16xf32> to vector<16xi32>
      %mul3A_356 = arith.constant 256 : i32
      %mul3A_357 = vector.broadcast %mul3A_356 : i32 to vector<16xi32>
      %mul3A_358 = arith.muli %convert_element_type3A_341, %mul3A_357 : vector<16xi32>
      %add3A_359 = arith.addi %mul3A_358, %convert_element_type3A_355 : vector<16xi32>
      %mul3A_360 = arith.constant 208 : i32
      %mul3A_361 = arith.muli %scan3A_137, %mul3A_360 : i32
      %add3A_362 = arith.constant 80 : i32
      %add3A_363 = arith.addi %mul3A_361, %add3A_362 : i32
      %swap3A_364 = arith.index_cast %add3A_363 : i32 to index
      %swap3A_365 = tpu.vector_load %arg8[%swap3A_364] {strides = array<i32>} : memref<20800xi32, #tpu.memory_space<vmem>>, vector<16xi32>,
      tpu.vector_store %arg8[%swap3A_364], %add3A_359 {strides = array<i32>} : memref<20800xi32, #tpu.memory_space<vmem>>, vector<16xi32>,
      %get3A_366 = arith.constant 96 : index
      %get3A_367 = tpu.vector_load %arg6[%get3A_366] {strides = array<i32>} : memref<224xf32, #tpu.memory_space<vmem>>, vector<16xf32>,
      %sub3A_368 = vector.broadcast %squeeze3A : f32 to vector<16xf32>
      %sub3A_369 = arith.subf %sub3A_368, %get3A_367 : vector<16xf32>
      %add3A_370 = arith.constant 1.280000e+02 : f32
      %add3A_371 = vector.broadcast %add3A_370 : f32 to vector<16xf32>
      %add3A_372 = arith.addf %sub3A_369, %add3A_371 : vector<16xf32>
      %jit3A_373 = arith.constant 0.000000e+00 : f32
      %jit3A_374 = arith.constant 2.550000e+02 : f32
      %max3A_375 = vector.broadcast %jit3A_373 : f32 to vector<16xf32>
      %max3A_376 = arith.maximumf %max3A_375, %add3A_372 : vector<16xf32>
      %min3A_377 = vector.broadcast %jit3A_374 : f32 to vector<16xf32>
      %min3A_378 = arith.minimumf %min3A_377, %max3A_376 : vector<16xf32>
      %convert_element_type3A_379 = arith.fptosi %min3A_378 : vector<16xf32> to vector<16xi32>
      %get3A_380 = arith.constant 96 : index
      %get3A_381 = tpu.vector_load %arg7[%get3A_380] {strides = array<i32>} : memref<224xf32, #tpu.memory_space<vmem>>, vector<16xf32>,
      %sub3A_382 = vector.broadcast %squeeze3A_143 : f32 to vector<16xf32>
      %sub3A_383 = arith.subf %sub3A_382, %get3A_381 : vector<16xf32>
      %add3A_384 = arith.constant 1.280000e+02 : f32
      %add3A_385 = vector.broadcast %add3A_384 : f32 to vector<16xf32>
      %add3A_386 = arith.addf %sub3A_383, %add3A_385 : vector<16xf32>
      %jit3A_387 = arith.constant 0.000000e+00 : f32
      %jit3A_388 = arith.constant 2.550000e+02 : f32
      %max3A_389 = vector.broadcast %jit3A_387 : f32 to vector<16xf32>
      %max3A_390 = arith.maximumf %max3A_389, %add3A_386 : vector<16xf32>
      %min3A_391 = vector.broadcast %jit3A_388 : f32 to vector<16xf32>
      %min3A_392 = arith.minimumf %min3A_391, %max3A_390 : vector<16xf32>
      %convert_element_type3A_393 = arith.fptosi %min3A_392 : vector<16xf32> to vector<16xi32>
      %mul3A_394 = arith.constant 256 : i32
      %mul3A_395 = vector.broadcast %mul3A_394 : i32 to vector<16xi32>
      %mul3A_396 = arith.muli %convert_element_type3A_379, %mul3A_395 : vector<16xi32>
      %add3A_397 = arith.addi %mul3A_396, %convert_element_type3A_393 : vector<16xi32>
      %mul3A_398 = arith.constant 208 : i32
      %mul3A_399 = arith.muli %scan3A_137, %mul3A_398 : i32
      %add3A_400 = arith.constant 96 : i32
      %add3A_401 = arith.addi %mul3A_399, %add3A_400 : i32
      %swap3A_402 = arith.index_cast %add3A_401 : i32 to index
      %swap3A_403 = tpu.vector_load %arg8[%swap3A_402] {strides = array<i32>} : memref<20800xi32, #tpu.memory_space<vmem>>, vector<16xi32>,
      tpu.vector_store %arg8[%swap3A_402], %add3A_397 {strides = array<i32>} : memref<20800xi32, #tpu.memory_space<vmem>>, vector<16xi32>,
      %get3A_404 = arith.constant 112 : index
      %get3A_405 = tpu.vector_load %arg6[%get3A_404] {strides = array<i32>} : memref<224xf32, #tpu.memory_space<vmem>>, vector<16xf32>,
      %sub3A_406 = vector.broadcast %squeeze3A : f32 to vector<16xf32>
      %sub3A_407 = arith.subf %sub3A_406, %get3A_405 : vector<16xf32>
      %add3A_408 = arith.constant 1.280000e+02 : f32
      %add3A_409 = vector.broadcast %add3A_408 : f32 to vector<16xf32>
      %add3A_410 = arith.addf %sub3A_407, %add3A_409 : vector<16xf32>
      %jit3A_411 = arith.constant 0.000000e+00 : f32
      %jit3A_412 = arith.constant 2.550000e+02 : f32
      %max3A_413 = vector.broadcast %jit3A_411 : f32 to vector<16xf32>
      %max3A_414 = arith.maximumf %max3A_413, %add3A_410 : vector<16xf32>
      %min3A_415 = vector.broadcast %jit3A_412 : f32 to vector<16xf32>
      %min3A_416 = arith.minimumf %min3A_415, %max3A_414 : vector<16xf32>
      %convert_element_type3A_417 = arith.fptosi %min3A_416 : vector<16xf32> to vector<16xi32>
      %get3A_418 = arith.constant 112 : index
      %get3A_419 = tpu.vector_load %arg7[%get3A_418] {strides = array<i32>} : memref<224xf32, #tpu.memory_space<vmem>>, vector<16xf32>,
      %sub3A_420 = vector.broadcast %squeeze3A_143 : f32 to vector<16xf32>
      %sub3A_421 = arith.subf %sub3A_420, %get3A_419 : vector<16xf32>
      %add3A_422 = arith.constant 1.280000e+02 : f32
      %add3A_423 = vector.broadcast %add3A_422 : f32 to vector<16xf32>
      %add3A_424 = arith.addf %sub3A_421, %add3A_423 : vector<16xf32>
      %jit3A_425 = arith.constant 0.000000e+00 : f32
      %jit3A_426 = arith.constant 2.550000e+02 : f32
      %max3A_427 = vector.broadcast %jit3A_425 : f32 to vector<16xf32>
      %max3A_428 = arith.maximumf %max3A_427, %add3A_424 : vector<16xf32>
      %min3A_429 = vector.broadcast %jit3A_426 : f32 to vector<16xf32>
      %min3A_430 = arith.minimumf %min3A_429, %max3A_428 : vector<16xf32>
      %convert_element_type3A_431 = arith.fptosi %min3A_430 : vector<16xf32> to vector<16xi32>
      %mul3A_432 = arith.constant 256 : i32
      %mul3A_433 = vector.broadcast %mul3A_432 : i32 to vector<16xi32>
      %mul3A_434 = arith.muli %convert_element_type3A_417, %mul3A_433 : vector<16xi32>
      %add3A_435 = arith.addi %mul3A_434, %convert_element_type3A_431 : vector<16xi32>
      %mul3A_436 = arith.constant 208 : i32
      %mul3A_437 = arith.muli %scan3A_137, %mul3A_436 : i32
      %add3A_438 = arith.constant 112 : i32
      %add3A_439 = arith.addi %mul3A_437, %add3A_438 : i32
      %swap3A_440 = arith.index_cast %add3A_439 : i32 to index
      %swap3A_441 = tpu.vector_load %arg8[%swap3A_440] {strides = array<i32>} : memref<20800xi32, #tpu.memory_space<vmem>>, vector<16xi32>,
      tpu.vector_store %arg8[%swap3A_440], %add3A_435 {strides = array<i32>} : memref<20800xi32, #tpu.memory_space<vmem>>, vector<16xi32>,
      %get3A_442 = arith.constant 128 : index
      %get3A_443 = tpu.vector_load %arg6[%get3A_442] {strides = array<i32>} : memref<224xf32, #tpu.memory_space<vmem>>, vector<16xf32>,
      %sub3A_444 = vector.broadcast %squeeze3A : f32 to vector<16xf32>
      %sub3A_445 = arith.subf %sub3A_444, %get3A_443 : vector<16xf32>
      %add3A_446 = arith.constant 1.280000e+02 : f32
      %add3A_447 = vector.broadcast %add3A_446 : f32 to vector<16xf32>
      %add3A_448 = arith.addf %sub3A_445, %add3A_447 : vector<16xf32>
      %jit3A_449 = arith.constant 0.000000e+00 : f32
      %jit3A_450 = arith.constant 2.550000e+02 : f32
      %max3A_451 = vector.broadcast %jit3A_449 : f32 to vector<16xf32>
      %max3A_452 = arith.maximumf %max3A_451, %add3A_448 : vector<16xf32>
      %min3A_453 = vector.broadcast %jit3A_450 : f32 to vector<16xf32>
      %min3A_454 = arith.minimumf %min3A_453, %max3A_452 : vector<16xf32>
      %convert_element_type3A_455 = arith.fptosi %min3A_454 : vector<16xf32> to vector<16xi32>
      %get3A_456 = arith.constant 128 : index
      %get3A_457 = tpu.vector_load %arg7[%get3A_456] {strides = array<i32>} : memref<224xf32, #tpu.memory_space<vmem>>, vector<16xf32>,
      %sub3A_458 = vector.broadcast %squeeze3A_143 : f32 to vector<16xf32>
      %sub3A_459 = arith.subf %sub3A_458, %get3A_457 : vector<16xf32>
      %add3A_460 = arith.constant 1.280000e+02 : f32
      %add3A_461 = vector.broadcast %add3A_460 : f32 to vector<16xf32>
      %add3A_462 = arith.addf %sub3A_459, %add3A_461 : vector<16xf32>
      %jit3A_463 = arith.constant 0.000000e+00 : f32
      %jit3A_464 = arith.constant 2.550000e+02 : f32
      %max3A_465 = vector.broadcast %jit3A_463 : f32 to vector<16xf32>
      %max3A_466 = arith.maximumf %max3A_465, %add3A_462 : vector<16xf32>
      %min3A_467 = vector.broadcast %jit3A_464 : f32 to vector<16xf32>
      %min3A_468 = arith.minimumf %min3A_467, %max3A_466 : vector<16xf32>
      %convert_element_type3A_469 = arith.fptosi %min3A_468 : vector<16xf32> to vector<16xi32>
      %mul3A_470 = arith.constant 256 : i32
      %mul3A_471 = vector.broadcast %mul3A_470 : i32 to vector<16xi32>
      %mul3A_472 = arith.muli %convert_element_type3A_455, %mul3A_471 : vector<16xi32>
      %add3A_473 = arith.addi %mul3A_472, %convert_element_type3A_469 : vector<16xi32>
      %mul3A_474 = arith.constant 208 : i32
      %mul3A_475 = arith.muli %scan3A_137, %mul3A_474 : i32
      %add3A_476 = arith.constant 128 : i32
      %add3A_477 = arith.addi %mul3A_475, %add3A_476 : i32
      %swap3A_478 = arith.index_cast %add3A_477 : i32 to index
      %swap3A_479 = tpu.vector_load %arg8[%swap3A_478] {strides = array<i32>} : memref<20800xi32, #tpu.memory_space<vmem>>, vector<16xi32>,
      tpu.vector_store %arg8[%swap3A_478], %add3A_473 {strides = array<i32>} : memref<20800xi32, #tpu.memory_space<vmem>>, vector<16xi32>,
      %get3A_480 = arith.constant 144 : index
      %get3A_481 = tpu.vector_load %arg6[%get3A_480] {strides = array<i32>} : memref<224xf32, #tpu.memory_space<vmem>>, vector<16xf32>,
      %sub3A_482 = vector.broadcast %squeeze3A : f32 to vector<16xf32>
      %sub3A_483 = arith.subf %sub3A_482, %get3A_481 : vector<16xf32>
      %add3A_484 = arith.constant 1.280000e+02 : f32
      %add3A_485 = vector.broadcast %add3A_484 : f32 to vector<16xf32>
      %add3A_486 = arith.addf %sub3A_483, %add3A_485 : vector<16xf32>
      %jit3A_487 = arith.constant 0.000000e+00 : f32
      %jit3A_488 = arith.constant 2.550000e+02 : f32
      %max3A_489 = vector.broadcast %jit3A_487 : f32 to vector<16xf32>
      %max3A_490 = arith.maximumf %max3A_489, %add3A_486 : vector<16xf32>
      %min3A_491 = vector.broadcast %jit3A_488 : f32 to vector<16xf32>
      %min3A_492 = arith.minimumf %min3A_491, %max3A_490 : vector<16xf32>
      %convert_element_type3A_493 = arith.fptosi %min3A_492 : vector<16xf32> to vector<16xi32>
      %get3A_494 = arith.constant 144 : index
      %get3A_495 = tpu.vector_load %arg7[%get3A_494] {strides = array<i32>} : memref<224xf32, #tpu.memory_space<vmem>>, vector<16xf32>,
      %sub3A_496 = vector.broadcast %squeeze3A_143 : f32 to vector<16xf32>
      %sub3A_497 = arith.subf %sub3A_496, %get3A_495 : vector<16xf32>
      %add3A_498 = arith.constant 1.280000e+02 : f32
      %add3A_499 = vector.broadcast %add3A_498 : f32 to vector<16xf32>
      %add3A_500 = arith.addf %sub3A_497, %add3A_499 : vector<16xf32>
      %jit3A_501 = arith.constant 0.000000e+00 : f32
      %jit3A_502 = arith.constant 2.550000e+02 : f32
      %max3A_503 = vector.broadcast %jit3A_501 : f32 to vector<16xf32>
      %max3A_504 = arith.maximumf %max3A_503, %add3A_500 : vector<16xf32>
      %min3A_505 = vector.broadcast %jit3A_502 : f32 to vector<16xf32>
      %min3A_506 = arith.minimumf %min3A_505, %max3A_504 : vector<16xf32>
      %convert_element_type3A_507 = arith.fptosi %min3A_506 : vector<16xf32> to vector<16xi32>
      %mul3A_508 = arith.constant 256 : i32
      %mul3A_509 = vector.broadcast %mul3A_508 : i32 to vector<16xi32>
      %mul3A_510 = arith.muli %convert_element_type3A_493, %mul3A_509 : vector<16xi32>
      %add3A_511 = arith.addi %mul3A_510, %convert_element_type3A_507 : vector<16xi32>
      %mul3A_512 = arith.constant 208 : i32
      %mul3A_513 = arith.muli %scan3A_137, %mul3A_512 : i32
      %add3A_514 = arith.constant 144 : i32
      %add3A_515 = arith.addi %mul3A_513, %add3A_514 : i32
      %swap3A_516 = arith.index_cast %add3A_515 : i32 to index
      %swap3A_517 = tpu.vector_load %arg8[%swap3A_516] {strides = array<i32>} : memref<20800xi32, #tpu.memory_space<vmem>>, vector<16xi32>,
      tpu.vector_store %arg8[%swap3A_516], %add3A_511 {strides = array<i32>} : memref<20800xi32, #tpu.memory_space<vmem>>, vector<16xi32>,
      %get3A_518 = arith.constant 160 : index
      %get3A_519 = tpu.vector_load %arg6[%get3A_518] {strides = array<i32>} : memref<224xf32, #tpu.memory_space<vmem>>, vector<16xf32>,
      %sub3A_520 = vector.broadcast %squeeze3A : f32 to vector<16xf32>
      %sub3A_521 = arith.subf %sub3A_520, %get3A_519 : vector<16xf32>
      %add3A_522 = arith.constant 1.280000e+02 : f32
      %add3A_523 = vector.broadcast %add3A_522 : f32 to vector<16xf32>
      %add3A_524 = arith.addf %sub3A_521, %add3A_523 : vector<16xf32>
      %jit3A_525 = arith.constant 0.000000e+00 : f32
      %jit3A_526 = arith.constant 2.550000e+02 : f32
      %max3A_527 = vector.broadcast %jit3A_525 : f32 to vector<16xf32>
      %max3A_528 = arith.maximumf %max3A_527, %add3A_524 : vector<16xf32>
      %min3A_529 = vector.broadcast %jit3A_526 : f32 to vector<16xf32>
      %min3A_530 = arith.minimumf %min3A_529, %max3A_528 : vector<16xf32>
      %convert_element_type3A_531 = arith.fptosi %min3A_530 : vector<16xf32> to vector<16xi32>
      %get3A_532 = arith.constant 160 : index
      %get3A_533 = tpu.vector_load %arg7[%get3A_532] {strides = array<i32>} : memref<224xf32, #tpu.memory_space<vmem>>, vector<16xf32>,
      %sub3A_534 = vector.broadcast %squeeze3A_143 : f32 to vector<16xf32>
      %sub3A_535 = arith.subf %sub3A_534, %get3A_533 : vector<16xf32>
      %add3A_536 = arith.constant 1.280000e+02 : f32
      %add3A_537 = vector.broadcast %add3A_536 : f32 to vector<16xf32>
      %add3A_538 = arith.addf %sub3A_535, %add3A_537 : vector<16xf32>
      %jit3A_539 = arith.constant 0.000000e+00 : f32
      %jit3A_540 = arith.constant 2.550000e+02 : f32
      %max3A_541 = vector.broadcast %jit3A_539 : f32 to vector<16xf32>
      %max3A_542 = arith.maximumf %max3A_541, %add3A_538 : vector<16xf32>
      %min3A_543 = vector.broadcast %jit3A_540 : f32 to vector<16xf32>
      %min3A_544 = arith.minimumf %min3A_543, %max3A_542 : vector<16xf32>
      %convert_element_type3A_545 = arith.fptosi %min3A_544 : vector<16xf32> to vector<16xi32>
      %mul3A_546 = arith.constant 256 : i32
      %mul3A_547 = vector.broadcast %mul3A_546 : i32 to vector<16xi32>
      %mul3A_548 = arith.muli %convert_element_type3A_531, %mul3A_547 : vector<16xi32>
      %add3A_549 = arith.addi %mul3A_548, %convert_element_type3A_545 : vector<16xi32>
      %mul3A_550 = arith.constant 208 : i32
      %mul3A_551 = arith.muli %scan3A_137, %mul3A_550 : i32
      %add3A_552 = arith.constant 160 : i32
      %add3A_553 = arith.addi %mul3A_551, %add3A_552 : i32
      %swap3A_554 = arith.index_cast %add3A_553 : i32 to index
      %swap3A_555 = tpu.vector_load %arg8[%swap3A_554] {strides = array<i32>} : memref<20800xi32, #tpu.memory_space<vmem>>, vector<16xi32>,
      tpu.vector_store %arg8[%swap3A_554], %add3A_549 {strides = array<i32>} : memref<20800xi32, #tpu.memory_space<vmem>>, vector<16xi32>,
      %get3A_556 = arith.constant 176 : index
      %get3A_557 = tpu.vector_load %arg6[%get3A_556] {strides = array<i32>} : memref<224xf32, #tpu.memory_space<vmem>>, vector<16xf32>,
      %sub3A_558 = vector.broadcast %squeeze3A : f32 to vector<16xf32>
      %sub3A_559 = arith.subf %sub3A_558, %get3A_557 : vector<16xf32>
      %add3A_560 = arith.constant 1.280000e+02 : f32
      %add3A_561 = vector.broadcast %add3A_560 : f32 to vector<16xf32>
      %add3A_562 = arith.addf %sub3A_559, %add3A_561 : vector<16xf32>
      %jit3A_563 = arith.constant 0.000000e+00 : f32
      %jit3A_564 = arith.constant 2.550000e+02 : f32
      %max3A_565 = vector.broadcast %jit3A_563 : f32 to vector<16xf32>
      %max3A_566 = arith.maximumf %max3A_565, %add3A_562 : vector<16xf32>
      %min3A_567 = vector.broadcast %jit3A_564 : f32 to vector<16xf32>
      %min3A_568 = arith.minimumf %min3A_567, %max3A_566 : vector<16xf32>
      %convert_element_type3A_569 = arith.fptosi %min3A_568 : vector<16xf32> to vector<16xi32>
      %get3A_570 = arith.constant 176 : index
      %get3A_571 = tpu.vector_load %arg7[%get3A_570] {strides = array<i32>} : memref<224xf32, #tpu.memory_space<vmem>>, vector<16xf32>,
      %sub3A_572 = vector.broadcast %squeeze3A_143 : f32 to vector<16xf32>
      %sub3A_573 = arith.subf %sub3A_572, %get3A_571 : vector<16xf32>
      %add3A_574 = arith.constant 1.280000e+02 : f32
      %add3A_575 = vector.broadcast %add3A_574 : f32 to vector<16xf32>
      %add3A_576 = arith.addf %sub3A_573, %add3A_575 : vector<16xf32>
      %jit3A_577 = arith.constant 0.000000e+00 : f32
      %jit3A_578 = arith.constant 2.550000e+02 : f32
      %max3A_579 = vector.broadcast %jit3A_577 : f32 to vector<16xf32>
      %max3A_580 = arith.maximumf %max3A_579, %add3A_576 : vector<16xf32>
      %min3A_581 = vector.broadcast %jit3A_578 : f32 to vector<16xf32>
      %min3A_582 = arith.minimumf %min3A_581, %max3A_580 : vector<16xf32>
      %convert_element_type3A_583 = arith.fptosi %min3A_582 : vector<16xf32> to vector<16xi32>
      %mul3A_584 = arith.constant 256 : i32
      %mul3A_585 = vector.broadcast %mul3A_584 : i32 to vector<16xi32>
      %mul3A_586 = arith.muli %convert_element_type3A_569, %mul3A_585 : vector<16xi32>
      %add3A_587 = arith.addi %mul3A_586, %convert_element_type3A_583 : vector<16xi32>
      %mul3A_588 = arith.constant 208 : i32
      %mul3A_589 = arith.muli %scan3A_137, %mul3A_588 : i32
      %add3A_590 = arith.constant 176 : i32
      %add3A_591 = arith.addi %mul3A_589, %add3A_590 : i32
      %swap3A_592 = arith.index_cast %add3A_591 : i32 to index
      %swap3A_593 = tpu.vector_load %arg8[%swap3A_592] {strides = array<i32>} : memref<20800xi32, #tpu.memory_space<vmem>>, vector<16xi32>,
      tpu.vector_store %arg8[%swap3A_592], %add3A_587 {strides = array<i32>} : memref<20800xi32, #tpu.memory_space<vmem>>, vector<16xi32>,
      %get3A_594 = arith.constant 192 : index
      %get3A_595 = tpu.vector_load %arg6[%get3A_594] {strides = array<i32>} : memref<224xf32, #tpu.memory_space<vmem>>, vector<16xf32>,
      %sub3A_596 = vector.broadcast %squeeze3A : f32 to vector<16xf32>
      %sub3A_597 = arith.subf %sub3A_596, %get3A_595 : vector<16xf32>
      %add3A_598 = arith.constant 1.280000e+02 : f32
      %add3A_599 = vector.broadcast %add3A_598 : f32 to vector<16xf32>
      %add3A_600 = arith.addf %sub3A_597, %add3A_599 : vector<16xf32>
      %jit3A_601 = arith.constant 0.000000e+00 : f32
      %jit3A_602 = arith.constant 2.550000e+02 : f32
      %max3A_603 = vector.broadcast %jit3A_601 : f32 to vector<16xf32>
      %max3A_604 = arith.maximumf %max3A_603, %add3A_600 : vector<16xf32>
      %min3A_605 = vector.broadcast %jit3A_602 : f32 to vector<16xf32>
      %min3A_606 = arith.minimumf %min3A_605, %max3A_604 : vector<16xf32>
      %convert_element_type3A_607 = arith.fptosi %min3A_606 : vector<16xf32> to vector<16xi32>
      %get3A_608 = arith.constant 192 : index
      %get3A_609 = tpu.vector_load %arg7[%get3A_608] {strides = array<i32>} : memref<224xf32, #tpu.memory_space<vmem>>, vector<16xf32>,
      %sub3A_610 = vector.broadcast %squeeze3A_143 : f32 to vector<16xf32>
      %sub3A_611 = arith.subf %sub3A_610, %get3A_609 : vector<16xf32>
      %add3A_612 = arith.constant 1.280000e+02 : f32
      %add3A_613 = vector.broadcast %add3A_612 : f32 to vector<16xf32>
      %add3A_614 = arith.addf %sub3A_611, %add3A_613 : vector<16xf32>
      %jit3A_615 = arith.constant 0.000000e+00 : f32
      %jit3A_616 = arith.constant 2.550000e+02 : f32
      %max3A_617 = vector.broadcast %jit3A_615 : f32 to vector<16xf32>
      %max3A_618 = arith.maximumf %max3A_617, %add3A_614 : vector<16xf32>
      %min3A_619 = vector.broadcast %jit3A_616 : f32 to vector<16xf32>
      %min3A_620 = arith.minimumf %min3A_619, %max3A_618 : vector<16xf32>
      %convert_element_type3A_621 = arith.fptosi %min3A_620 : vector<16xf32> to vector<16xi32>
      %mul3A_622 = arith.constant 256 : i32
      %mul3A_623 = vector.broadcast %mul3A_622 : i32 to vector<16xi32>
      %mul3A_624 = arith.muli %convert_element_type3A_607, %mul3A_623 : vector<16xi32>
      %add3A_625 = arith.addi %mul3A_624, %convert_element_type3A_621 : vector<16xi32>
      %mul3A_626 = arith.constant 208 : i32
      %mul3A_627 = arith.muli %scan3A_137, %mul3A_626 : i32
      %add3A_628 = arith.constant 192 : i32
      %add3A_629 = arith.addi %mul3A_627, %add3A_628 : i32
      %swap3A_630 = arith.index_cast %add3A_629 : i32 to index
      %swap3A_631 = tpu.vector_load %arg8[%swap3A_630] {strides = array<i32>} : memref<20800xi32, #tpu.memory_space<vmem>>, vector<16xi32>,
      tpu.vector_store %arg8[%swap3A_630], %add3A_625 {strides = array<i32>} : memref<20800xi32, #tpu.memory_space<vmem>>, vector<16xi32>,
    }
    %scan3A_5 = arith.constant 100 : i32
    %iota3A = tpu.iota {dimensions = array<i32: 0>} : vector<16xi32>
    %add3A = arith.constant 0 : i32
    %add3A_6 = vector.broadcast %add3A : i32 to vector<16xi32>
    %add3A_7 = arith.addi %add3A_6, %iota3A : vector<16xi32>
    %mul3A_8 = arith.constant 200 : i32
    %mul3A_9 = vector.broadcast %mul3A_8 : i32 to vector<16xi32>
    %mul3A_10 = arith.muli %add3A_7, %mul3A_9 : vector<16xi32>
    %add3A_11 = arith.constant 16 : i32
    %add3A_12 = vector.broadcast %add3A_11 : i32 to vector<16xi32>
    %add3A_13 = arith.addi %add3A_12, %iota3A : vector<16xi32>
    %mul3A_14 = arith.constant 200 : i32
    %mul3A_15 = vector.broadcast %mul3A_14 : i32 to vector<16xi32>
    %mul3A_16 = arith.muli %add3A_13, %mul3A_15 : vector<16xi32>
    %add3A_17 = arith.constant 32 : i32
    %add3A_18 = vector.broadcast %add3A_17 : i32 to vector<16xi32>
    %add3A_19 = arith.addi %add3A_18, %iota3A : vector<16xi32>
    %mul3A_20 = arith.constant 200 : i32
    %mul3A_21 = vector.broadcast %mul3A_20 : i32 to vector<16xi32>
    %mul3A_22 = arith.muli %add3A_19, %mul3A_21 : vector<16xi32>
    %add3A_23 = arith.constant 48 : i32
    %add3A_24 = vector.broadcast %add3A_23 : i32 to vector<16xi32>
    %add3A_25 = arith.addi %add3A_24, %iota3A : vector<16xi32>
    %mul3A_26 = arith.constant 200 : i32
    %mul3A_27 = vector.broadcast %mul3A_26 : i32 to vector<16xi32>
    %mul3A_28 = arith.muli %add3A_25, %mul3A_27 : vector<16xi32>
    %dma_start3A = arith.constant 0 : i32
    %dma_start3A_29 = arith.constant 0 : i32
    %dma_start3A_30 = tpu.memref_slice %arg9[%dma_start3A, %dma_start3A_29] : memref<832x64xf32, #tpu.memory_space<vmem>> -> memref<104x64xf32, #tpu.memory_space<vmem>>
    %dma_start3A_31 = arith.constant 0 : i32
    %dma_start3A_32 = tpu.memref_slice %arg8[%dma_start3A_31] : memref<20800xi32, #tpu.memory_space<vmem>> -> memref<104xi32, #tpu.memory_space<vmem>>
    %dma_start3A_33 = arith.constant 0 : i32
    %dma_start3A_34 = arith.constant 0 : i32
    %dma_start3A_35 = tpu.memref_slice %arg2[%dma_start3A_33, %dma_start3A_34] : memref<65536x64xf32, #tpu.memory_space<hbm>> -> memref<65536x64xf32, #tpu.memory_space<hbm>>
    tpu.enqueue_indirect_dma source(%dma_start3A_35 : memref<65536x64xf32, #tpu.memory_space<hbm>>) target(%dma_start3A_30 : memref<104x64xf32, #tpu.memory_space<vmem>>) offsets(%dma_start3A_32 : memref<104xi32, #tpu.memory_space<vmem>>) semaphore(%arg11 : memref<!tpu.dma_semaphore, #tpu.memory_space<semaphore_mem>>)
    %dma_start3A_36 = arith.constant 104 : i32
    %dma_start3A_37 = arith.constant 0 : i32
    %dma_start3A_38 = tpu.memref_slice %arg9[%dma_start3A_36, %dma_start3A_37] : memref<832x64xf32, #tpu.memory_space<vmem>> -> memref<96x64xf32, #tpu.memory_space<vmem>>
    %dma_start3A_39 = arith.constant 104 : i32
    %dma_start3A_40 = tpu.memref_slice %arg8[%dma_start3A_39] : memref<20800xi32, #tpu.memory_space<vmem>> -> memref<96xi32, #tpu.memory_space<vmem>>
    %dma_start3A_41 = arith.constant 0 : i32
    %dma_start3A_42 = arith.constant 0 : i32
    %dma_start3A_43 = tpu.memref_slice %arg2[%dma_start3A_41, %dma_start3A_42] : memref<65536x64xf32, #tpu.memory_space<hbm>> -> memref<65536x64xf32, #tpu.memory_space<hbm>>
    tpu.enqueue_indirect_dma source(%dma_start3A_43 : memref<65536x64xf32, #tpu.memory_space<hbm>>) target(%dma_start3A_38 : memref<96x64xf32, #tpu.memory_space<vmem>>) offsets(%dma_start3A_40 : memref<96xi32, #tpu.memory_space<vmem>>) semaphore(%arg11 : memref<!tpu.dma_semaphore, #tpu.memory_space<semaphore_mem>>)
    %dma_start3A_44 = arith.constant 208 : i32
    %dma_start3A_45 = arith.constant 0 : i32
    %dma_start3A_46 = tpu.memref_slice %arg9[%dma_start3A_44, %dma_start3A_45] : memref<832x64xf32, #tpu.memory_space<vmem>> -> memref<104x64xf32, #tpu.memory_space<vmem>>
    %dma_start3A_47 = arith.constant 208 : i32
    %dma_start3A_48 = tpu.memref_slice %arg8[%dma_start3A_47] : memref<20800xi32, #tpu.memory_space<vmem>> -> memref<104xi32, #tpu.memory_space<vmem>>
    %dma_start3A_49 = arith.constant 0 : i32
    %dma_start3A_50 = arith.constant 0 : i32
    %dma_start3A_51 = tpu.memref_slice %arg2[%dma_start3A_49, %dma_start3A_50] : memref<65536x64xf32, #tpu.memory_space<hbm>> -> memref<65536x64xf32, #tpu.memory_space<hbm>>
    tpu.enqueue_indirect_dma source(%dma_start3A_51 : memref<65536x64xf32, #tpu.memory_space<hbm>>) target(%dma_start3A_46 : memref<104x64xf32, #tpu.memory_space<vmem>>) offsets(%dma_start3A_48 : memref<104xi32, #tpu.memory_space<vmem>>) semaphore(%arg11 : memref<!tpu.dma_semaphore, #tpu.memory_space<semaphore_mem>>)
    %dma_start3A_52 = arith.constant 312 : i32
    %dma_start3A_53 = arith.constant 0 : i32
    %dma_start3A_54 = tpu.memref_slice %arg9[%dma_start3A_52, %dma_start3A_53] : memref<832x64xf32, #tpu.memory_space<vmem>> -> memref<96x64xf32, #tpu.memory_space<vmem>>
    %dma_start3A_55 = arith.constant 312 : i32
    %dma_start3A_56 = tpu.memref_slice %arg8[%dma_start3A_55] : memref<20800xi32, #tpu.memory_space<vmem>> -> memref<96xi32, #tpu.memory_space<vmem>>
    %dma_start3A_57 = arith.constant 0 : i32
    %dma_start3A_58 = arith.constant 0 : i32
    %dma_start3A_59 = tpu.memref_slice %arg2[%dma_start3A_57, %dma_start3A_58] : memref<65536x64xf32, #tpu.memory_space<hbm>> -> memref<65536x64xf32, #tpu.memory_space<hbm>>
    tpu.enqueue_indirect_dma source(%dma_start3A_59 : memref<65536x64xf32, #tpu.memory_space<hbm>>) target(%dma_start3A_54 : memref<96x64xf32, #tpu.memory_space<vmem>>) offsets(%dma_start3A_56 : memref<96xi32, #tpu.memory_space<vmem>>) semaphore(%arg11 : memref<!tpu.dma_semaphore, #tpu.memory_space<semaphore_mem>>)
    %dma_start3A_60 = arith.constant 416 : i32
    %dma_start3A_61 = arith.constant 0 : i32
    %dma_start3A_62 = tpu.memref_slice %arg9[%dma_start3A_60, %dma_start3A_61] : memref<832x64xf32, #tpu.memory_space<vmem>> -> memref<104x64xf32, #tpu.memory_space<vmem>>
    %dma_start3A_63 = arith.constant 416 : i32
    %dma_start3A_64 = tpu.memref_slice %arg8[%dma_start3A_63] : memref<20800xi32, #tpu.memory_space<vmem>> -> memref<104xi32, #tpu.memory_space<vmem>>
    %dma_start3A_65 = arith.constant 0 : i32
    %dma_start3A_66 = arith.constant 0 : i32
    %dma_start3A_67 = tpu.memref_slice %arg2[%dma_start3A_65, %dma_start3A_66] : memref<65536x64xf32, #tpu.memory_space<hbm>> -> memref<65536x64xf32, #tpu.memory_space<hbm>>
    tpu.enqueue_indirect_dma source(%dma_start3A_67 : memref<65536x64xf32, #tpu.memory_space<hbm>>) target(%dma_start3A_62 : memref<104x64xf32, #tpu.memory_space<vmem>>) offsets(%dma_start3A_64 : memref<104xi32, #tpu.memory_space<vmem>>) semaphore(%arg11 : memref<!tpu.dma_semaphore, #tpu.memory_space<semaphore_mem>>)
    %dma_start3A_68 = arith.constant 520 : i32
    %dma_start3A_69 = arith.constant 0 : i32
    %dma_start3A_70 = tpu.memref_slice %arg9[%dma_start3A_68, %dma_start3A_69] : memref<832x64xf32, #tpu.memory_space<vmem>> -> memref<96x64xf32, #tpu.memory_space<vmem>>
    %dma_start3A_71 = arith.constant 520 : i32
    %dma_start3A_72 = tpu.memref_slice %arg8[%dma_start3A_71] : memref<20800xi32, #tpu.memory_space<vmem>> -> memref<96xi32, #tpu.memory_space<vmem>>
    %dma_start3A_73 = arith.constant 0 : i32
    %dma_start3A_74 = arith.constant 0 : i32
    %dma_start3A_75 = tpu.memref_slice %arg2[%dma_start3A_73, %dma_start3A_74] : memref<65536x64xf32, #tpu.memory_space<hbm>> -> memref<65536x64xf32, #tpu.memory_space<hbm>>
    tpu.enqueue_indirect_dma source(%dma_start3A_75 : memref<65536x64xf32, #tpu.memory_space<hbm>>) target(%dma_start3A_70 : memref<96x64xf32, #tpu.memory_space<vmem>>) offsets(%dma_start3A_72 : memref<96xi32, #tpu.memory_space<vmem>>) semaphore(%arg11 : memref<!tpu.dma_semaphore, #tpu.memory_space<semaphore_mem>>)
    %dma_start3A_76 = arith.constant 624 : i32
    %dma_start3A_77 = arith.constant 0 : i32
    %dma_start3A_78 = tpu.memref_slice %arg9[%dma_start3A_76, %dma_start3A_77] : memref<832x64xf32, #tpu.memory_space<vmem>> -> memref<104x64xf32, #tpu.memory_space<vmem>>
    %dma_start3A_79 = arith.constant 624 : i32
    %dma_start3A_80 = tpu.memref_slice %arg8[%dma_start3A_79] : memref<20800xi32, #tpu.memory_space<vmem>> -> memref<104xi32, #tpu.memory_space<vmem>>
    %dma_start3A_81 = arith.constant 0 : i32
    %dma_start3A_82 = arith.constant 0 : i32
    %dma_start3A_83 = tpu.memref_slice %arg2[%dma_start3A_81, %dma_start3A_82] : memref<65536x64xf32, #tpu.memory_space<hbm>> -> memref<65536x64xf32, #tpu.memory_space<hbm>>
    tpu.enqueue_indirect_dma source(%dma_start3A_83 : memref<65536x64xf32, #tpu.memory_space<hbm>>) target(%dma_start3A_78 : memref<104x64xf32, #tpu.memory_space<vmem>>) offsets(%dma_start3A_80 : memref<104xi32, #tpu.memory_space<vmem>>) semaphore(%arg11 : memref<!tpu.dma_semaphore, #tpu.memory_space<semaphore_mem>>)
    %dma_start3A_84 = arith.constant 728 : i32
    %dma_start3A_85 = arith.constant 0 : i32
    %dma_start3A_86 = tpu.memref_slice %arg9[%dma_start3A_84, %dma_start3A_85] : memref<832x64xf32, #tpu.memory_space<vmem>> -> memref<96x64xf32, #tpu.memory_space<vmem>>
    %dma_start3A_87 = arith.constant 728 : i32
    %dma_start3A_88 = tpu.memref_slice %arg8[%dma_start3A_87] : memref<20800xi32, #tpu.memory_space<vmem>> -> memref<96xi32, #tpu.memory_space<vmem>>
    %dma_start3A_89 = arith.constant 0 : i32
    %dma_start3A_90 = arith.constant 0 : i32
    %dma_start3A_91 = tpu.memref_slice %arg2[%dma_start3A_89, %dma_start3A_90] : memref<65536x64xf32, #tpu.memory_space<hbm>> -> memref<65536x64xf32, #tpu.memory_space<hbm>>
    tpu.enqueue_indirect_dma source(%dma_start3A_91 : memref<65536x64xf32, #tpu.memory_space<hbm>>) target(%dma_start3A_86 : memref<96x64xf32, #tpu.memory_space<vmem>>) offsets(%dma_start3A_88 : memref<96xi32, #tpu.memory_space<vmem>>) semaphore(%arg11 : memref<!tpu.dma_semaphore, #tpu.memory_space<semaphore_mem>>)
    %scan3A_92 = arith.constant 0 : i32
    %scan3A_93 = arith.constant 0 : i32
    %scan3A_94 = arith.constant 25 : i32
    %scan3A_95 = arith.addi %scan3A_93, %scan3A_94 : i32
    %scan3A_96 = arith.constant 1 : i32
    scf.for %scan3A_137 = %scan3A_93 to %scan3A_95 step %scan3A_96  : i32 {
      %mul3A_138 = arith.constant 4 : i32
      %mul3A_139 = arith.muli %mul3A_138, %scan3A_137 : i32
      %add3A_140 = arith.constant 0 : i32
      %add3A_141 = arith.addi %mul3A_139, %add3A_140 : i32
      %ge3A = arith.constant 2 : i32
      %ge3A_142 = arith.cmpi sge, %add3A_141, %ge3A : i32
      %convert_element_type3A = arith.extui %ge3A_142 : i1 to i32
      %cond3A = arith.constant 0 : i32
      %cond3A_143 = arith.cmpi ne, %convert_element_type3A, %cond3A : i32
      scf.if %cond3A_143 {
        %dma_wait3A_386 = arith.constant 0 : i32
        %dma_wait3A_387 = arith.constant 0 : i32
        %dma_wait3A_388 = arith.constant 0 : i32
        %dma_wait3A_389 = tpu.memref_slice %arg10[%dma_wait3A_388] : memref<25600xf32, #tpu.memory_space<vmem>> -> memref<12800xf32, #tpu.memory_space<vmem>>
        %dma_wait3A_390 = arith.constant 0 : i32
        %dma_wait3A_391 = arith.constant 0 : i32
        %dma_wait3A_392 = tpu.memref_slice %arg5[%dma_wait3A_386, %dma_wait3A_390, %dma_wait3A_391] : memref<16x200x12800xf32, #tpu.memory_space<hbm>> -> memref<1x200x12800xf32, #tpu.memory_space<hbm>>
        %dma_wait3A_393 = tpu.memref_squeeze %dma_wait3A_392 : memref<1x200x12800xf32, #tpu.memory_space<hbm>> -> memref<200x12800xf32, #tpu.memory_space<hbm>>
        %dma_wait3A_394 = arith.constant 0 : i32
        %dma_wait3A_395 = tpu.memref_slice %dma_wait3A_393[%dma_wait3A_387, %dma_wait3A_394] : memref<200x12800xf32, #tpu.memory_space<hbm>> -> memref<1x12800xf32, #tpu.memory_space<hbm>>
        %dma_wait3A_396 = tpu.memref_squeeze %dma_wait3A_395 : memref<1x12800xf32, #tpu.memory_space<hbm>> -> memref<12800xf32, #tpu.memory_space<hbm>>
        %dma_wait3A_397 = arith.constant 0 : i32
        %dma_wait3A_398 = tpu.memref_slice %arg10[%dma_wait3A_397] : memref<25600xf32, #tpu.memory_space<vmem>> -> memref<12800xf32, #tpu.memory_space<vmem>>
        %dma_wait3A_399 = arith.constant 0 : i32
        %dma_wait3A_400 = arith.constant 0 : i32
        %dma_wait3A_401 = tpu.memref_slice %arg5[%dma_wait3A_386, %dma_wait3A_399, %dma_wait3A_400] : memref<16x200x12800xf32, #tpu.memory_space<hbm>> -> memref<1x200x12800xf32, #tpu.memory_space<hbm>>
        %dma_wait3A_402 = tpu.memref_squeeze %dma_wait3A_401 : memref<1x200x12800xf32, #tpu.memory_space<hbm>> -> memref<200x12800xf32, #tpu.memory_space<hbm>>
        %dma_wait3A_403 = arith.constant 0 : i32
        %dma_wait3A_404 = tpu.memref_slice %dma_wait3A_402[%dma_wait3A_387, %dma_wait3A_403] : memref<200x12800xf32, #tpu.memory_space<hbm>> -> memref<1x12800xf32, #tpu.memory_space<hbm>>
        %dma_wait3A_405 = tpu.memref_squeeze %dma_wait3A_404 : memref<1x12800xf32, #tpu.memory_space<hbm>> -> memref<12800xf32, #tpu.memory_space<hbm>>
        tpu.wait_dma2 semaphore(%arg12 : memref<!tpu.dma_semaphore, #tpu.memory_space<semaphore_mem>>) src(%dma_wait3A_405 : memref<12800xf32, #tpu.memory_space<hbm>>) dst(%dma_wait3A_398 : memref<12800xf32, #tpu.memory_space<vmem>>)
      } else {
      }
      %dma_wait3A_144 = arith.constant 0 : i32
      %dma_wait3A_145 = arith.constant 0 : i32
      %dma_wait3A_146 = tpu.memref_slice %arg9[%dma_wait3A_144, %dma_wait3A_145] : memref<832x64xf32, #tpu.memory_space<vmem>> -> memref<104x64xf32, #tpu.memory_space<vmem>>
      %dma_wait3A_147 = arith.constant 0 : i32
      %dma_wait3A_148 = arith.constant 0 : i32
      %dma_wait3A_149 = tpu.memref_slice %arg2[%dma_wait3A_147, %dma_wait3A_148] : memref<65536x64xf32, #tpu.memory_space<hbm>> -> memref<104x64xf32, #tpu.memory_space<hbm>>
      %dma_wait3A_150 = arith.constant 0 : i32
      %dma_wait3A_151 = arith.constant 0 : i32
      %dma_wait3A_152 = tpu.memref_slice %arg9[%dma_wait3A_150, %dma_wait3A_151] : memref<832x64xf32, #tpu.memory_space<vmem>> -> memref<104x64xf32, #tpu.memory_space<vmem>>
      %dma_wait3A_153 = arith.constant 0 : i32
      %dma_wait3A_154 = arith.constant 0 : i32
      %dma_wait3A_155 = tpu.memref_slice %arg2[%dma_wait3A_153, %dma_wait3A_154] : memref<65536x64xf32, #tpu.memory_space<hbm>> -> memref<104x64xf32, #tpu.memory_space<hbm>>
      tpu.wait_dma2 semaphore(%arg11 : memref<!tpu.dma_semaphore, #tpu.memory_space<semaphore_mem>>) src(%dma_wait3A_155 : memref<104x64xf32, #tpu.memory_space<hbm>>) dst(%dma_wait3A_152 : memref<104x64xf32, #tpu.memory_space<vmem>>)
      %dma_wait3A_156 = arith.constant 104 : i32
      %dma_wait3A_157 = arith.constant 0 : i32
      %dma_wait3A_158 = tpu.memref_slice %arg9[%dma_wait3A_156, %dma_wait3A_157] : memref<832x64xf32, #tpu.memory_space<vmem>> -> memref<96x64xf32, #tpu.memory_space<vmem>>
      %dma_wait3A_159 = arith.constant 0 : i32
      %dma_wait3A_160 = arith.constant 0 : i32
      %dma_wait3A_161 = tpu.memref_slice %arg2[%dma_wait3A_159, %dma_wait3A_160] : memref<65536x64xf32, #tpu.memory_space<hbm>> -> memref<96x64xf32, #tpu.memory_space<hbm>>
      %dma_wait3A_162 = arith.constant 104 : i32
      %dma_wait3A_163 = arith.constant 0 : i32
      %dma_wait3A_164 = tpu.memref_slice %arg9[%dma_wait3A_162, %dma_wait3A_163] : memref<832x64xf32, #tpu.memory_space<vmem>> -> memref<96x64xf32, #tpu.memory_space<vmem>>
      %dma_wait3A_165 = arith.constant 0 : i32
      %dma_wait3A_166 = arith.constant 0 : i32
      %dma_wait3A_167 = tpu.memref_slice %arg2[%dma_wait3A_165, %dma_wait3A_166] : memref<65536x64xf32, #tpu.memory_space<hbm>> -> memref<96x64xf32, #tpu.memory_space<hbm>>
      tpu.wait_dma2 semaphore(%arg11 : memref<!tpu.dma_semaphore, #tpu.memory_space<semaphore_mem>>) src(%dma_wait3A_167 : memref<96x64xf32, #tpu.memory_space<hbm>>) dst(%dma_wait3A_164 : memref<96x64xf32, #tpu.memory_space<vmem>>)
      %scan3A_168 = arith.constant 0 : i32
      %scan3A_169 = arith.constant 0 : i32
      %scan3A_170 = arith.constant 50 : i32
      %scan3A_171 = arith.addi %scan3A_169, %scan3A_170 : i32
      %scan3A_172 = arith.constant 1 : i32
      scf.for %scan3A_386 = %scan3A_169 to %scan3A_171 step %scan3A_172  : i32 {
        %mul3A_387 = arith.constant 4 : i32
        %mul3A_388 = arith.muli %scan3A_386, %mul3A_387 : i32
        %add3A_389 = arith.constant 0 : i32
        %add3A_390 = arith.addi %mul3A_388, %add3A_389 : i32
        %add3A_391 = arith.constant 0 : i32
        %add3A_392 = arith.addi %add3A_391, %add3A_390 : i32
        %add3A_393 = arith.constant 0 : i32
        %add3A_394 = arith.addi %add3A_393, %add3A_390 : i32
        %get3A = arith.index_cast %add3A_392 : i32 to index
        %get3A_395 = arith.constant 0 : index
        %get3A_396 = tpu.vector_load %arg9[%get3A, %get3A_395] {strides = array<i32>} : memref<832x64xf32, #tpu.memory_space<vmem>>, vector<16xf32>,
        %add3A_397 = vector.broadcast %add3A_394 : i32 to vector<16xi32>
        %add3A_398 = arith.addi %mul3A_10, %add3A_397 : vector<16xi32>
        tpu.vector_store_idx %arg10[%add3A_398], %get3A_396 : memref<25600xf32, #tpu.memory_space<vmem>>[vector<16xi32>], vector<16xf32>,
        %get3A_399 = arith.index_cast %add3A_392 : i32 to index
        %get3A_400 = arith.constant 16 : index
        %get3A_401 = tpu.vector_load %arg9[%get3A_399, %get3A_400] {strides = array<i32>} : memref<832x64xf32, #tpu.memory_space<vmem>>, vector<16xf32>,
        %add3A_402 = vector.broadcast %add3A_394 : i32 to vector<16xi32>
        %add3A_403 = arith.addi %mul3A_16, %add3A_402 : vector<16xi32>
        tpu.vector_store_idx %arg10[%add3A_403], %get3A_401 : memref<25600xf32, #tpu.memory_space<vmem>>[vector<16xi32>], vector<16xf32>,
        %get3A_404 = arith.index_cast %add3A_392 : i32 to index
        %get3A_405 = arith.constant 32 : index
        %get3A_406 = tpu.vector_load %arg9[%get3A_404, %get3A_405] {strides = array<i32>} : memref<832x64xf32, #tpu.memory_space<vmem>>, vector<16xf32>,
        %add3A_407 = vector.broadcast %add3A_394 : i32 to vector<16xi32>
        %add3A_408 = arith.addi %mul3A_22, %add3A_407 : vector<16xi32>
        tpu.vector_store_idx %arg10[%add3A_408], %get3A_406 : memref<25600xf32, #tpu.memory_space<vmem>>[vector<16xi32>], vector<16xf32>,
        %get3A_409 = arith.index_cast %add3A_392 : i32 to index
        %get3A_410 = arith.constant 48 : index
        %get3A_411 = tpu.vector_load %arg9[%get3A_409, %get3A_410] {strides = array<i32>} : memref<832x64xf32, #tpu.memory_space<vmem>>, vector<16xf32>,
        %add3A_412 = vector.broadcast %add3A_394 : i32 to vector<16xi32>
        %add3A_413 = arith.addi %mul3A_28, %add3A_412 : vector<16xi32>
        tpu.vector_store_idx %arg10[%add3A_413], %get3A_411 : memref<25600xf32, #tpu.memory_space<vmem>>[vector<16xi32>], vector<16xf32>,
        %mul3A_414 = arith.constant 4 : i32
        %mul3A_415 = arith.muli %scan3A_386, %mul3A_414 : i32
        %add3A_416 = arith.constant 1 : i32
        %add3A_417 = arith.addi %mul3A_415, %add3A_416 : i32
        %add3A_418 = arith.constant 0 : i32
        %add3A_419 = arith.addi %add3A_418, %add3A_417 : i32
        %add3A_420 = arith.constant 0 : i32
        %add3A_421 = arith.addi %add3A_420, %add3A_417 : i32
        %get3A_422 = arith.index_cast %add3A_419 : i32 to index
        %get3A_423 = arith.constant 0 : index
        %get3A_424 = tpu.vector_load %arg9[%get3A_422, %get3A_423] {strides = array<i32>} : memref<832x64xf32, #tpu.memory_space<vmem>>, vector<16xf32>,
        %add3A_425 = vector.broadcast %add3A_421 : i32 to vector<16xi32>
        %add3A_426 = arith.addi %mul3A_10, %add3A_425 : vector<16xi32>
        tpu.vector_store_idx %arg10[%add3A_426], %get3A_424 : memref<25600xf32, #tpu.memory_space<vmem>>[vector<16xi32>], vector<16xf32>,
        %get3A_427 = arith.index_cast %add3A_419 : i32 to index
        %get3A_428 = arith.constant 16 : index
        %get3A_429 = tpu.vector_load %arg9[%get3A_427, %get3A_428] {strides = array<i32>} : memref<832x64xf32, #tpu.memory_space<vmem>>, vector<16xf32>,
        %add3A_430 = vector.broadcast %add3A_421 : i32 to vector<16xi32>
        %add3A_431 = arith.addi %mul3A_16, %add3A_430 : vector<16xi32>
        tpu.vector_store_idx %arg10[%add3A_431], %get3A_429 : memref<25600xf32, #tpu.memory_space<vmem>>[vector<16xi32>], vector<16xf32>,
        %get3A_432 = arith.index_cast %add3A_419 : i32 to index
        %get3A_433 = arith.constant 32 : index
        %get3A_434 = tpu.vector_load %arg9[%get3A_432, %get3A_433] {strides = array<i32>} : memref<832x64xf32, #tpu.memory_space<vmem>>, vector<16xf32>,
        %add3A_435 = vector.broadcast %add3A_421 : i32 to vector<16xi32>
        %add3A_436 = arith.addi %mul3A_22, %add3A_435 : vector<16xi32>
        tpu.vector_store_idx %arg10[%add3A_436], %get3A_434 : memref<25600xf32, #tpu.memory_space<vmem>>[vector<16xi32>], vector<16xf32>,
        %get3A_437 = arith.index_cast %add3A_419 : i32 to index
        %get3A_438 = arith.constant 48 : index
        %get3A_439 = tpu.vector_load %arg9[%get3A_437, %get3A_438] {strides = array<i32>} : memref<832x64xf32, #tpu.memory_space<vmem>>, vector<16xf32>,
        %add3A_440 = vector.broadcast %add3A_421 : i32 to vector<16xi32>
        %add3A_441 = arith.addi %mul3A_28, %add3A_440 : vector<16xi32>
        tpu.vector_store_idx %arg10[%add3A_441], %get3A_439 : memref<25600xf32, #tpu.memory_space<vmem>>[vector<16xi32>], vector<16xf32>,
        %mul3A_442 = arith.constant 4 : i32
        %mul3A_443 = arith.muli %scan3A_386, %mul3A_442 : i32
        %add3A_444 = arith.constant 2 : i32
        %add3A_445 = arith.addi %mul3A_443, %add3A_444 : i32
        %add3A_446 = arith.constant 0 : i32
        %add3A_447 = arith.addi %add3A_446, %add3A_445 : i32
        %add3A_448 = arith.constant 0 : i32
        %add3A_449 = arith.addi %add3A_448, %add3A_445 : i32
        %get3A_450 = arith.index_cast %add3A_447 : i32 to index
        %get3A_451 = arith.constant 0 : index
        %get3A_452 = tpu.vector_load %arg9[%get3A_450, %get3A_451] {strides = array<i32>} : memref<832x64xf32, #tpu.memory_space<vmem>>, vector<16xf32>,
        %add3A_453 = vector.broadcast %add3A_449 : i32 to vector<16xi32>
        %add3A_454 = arith.addi %mul3A_10, %add3A_453 : vector<16xi32>
        tpu.vector_store_idx %arg10[%add3A_454], %get3A_452 : memref<25600xf32, #tpu.memory_space<vmem>>[vector<16xi32>], vector<16xf32>,
        %get3A_455 = arith.index_cast %add3A_447 : i32 to index
        %get3A_456 = arith.constant 16 : index
        %get3A_457 = tpu.vector_load %arg9[%get3A_455, %get3A_456] {strides = array<i32>} : memref<832x64xf32, #tpu.memory_space<vmem>>, vector<16xf32>,
        %add3A_458 = vector.broadcast %add3A_449 : i32 to vector<16xi32>
        %add3A_459 = arith.addi %mul3A_16, %add3A_458 : vector<16xi32>
        tpu.vector_store_idx %arg10[%add3A_459], %get3A_457 : memref<25600xf32, #tpu.memory_space<vmem>>[vector<16xi32>], vector<16xf32>,
        %get3A_460 = arith.index_cast %add3A_447 : i32 to index
        %get3A_461 = arith.constant 32 : index
        %get3A_462 = tpu.vector_load %arg9[%get3A_460, %get3A_461] {strides = array<i32>} : memref<832x64xf32, #tpu.memory_space<vmem>>, vector<16xf32>,
        %add3A_463 = vector.broadcast %add3A_449 : i32 to vector<16xi32>
        %add3A_464 = arith.addi %mul3A_22, %add3A_463 : vector<16xi32>
        tpu.vector_store_idx %arg10[%add3A_464], %get3A_462 : memref<25600xf32, #tpu.memory_space<vmem>>[vector<16xi32>], vector<16xf32>,
        %get3A_465 = arith.index_cast %add3A_447 : i32 to index
        %get3A_466 = arith.constant 48 : index
        %get3A_467 = tpu.vector_load %arg9[%get3A_465, %get3A_466] {strides = array<i32>} : memref<832x64xf32, #tpu.memory_space<vmem>>, vector<16xf32>,
        %add3A_468 = vector.broadcast %add3A_449 : i32 to vector<16xi32>
        %add3A_469 = arith.addi %mul3A_28, %add3A_468 : vector<16xi32>
        tpu.vector_store_idx %arg10[%add3A_469], %get3A_467 : memref<25600xf32, #tpu.memory_space<vmem>>[vector<16xi32>], vector<16xf32>,
        %mul3A_470 = arith.constant 4 : i32
        %mul3A_471 = arith.muli %scan3A_386, %mul3A_470 : i32
        %add3A_472 = arith.constant 3 : i32
        %add3A_473 = arith.addi %mul3A_471, %add3A_472 : i32
        %add3A_474 = arith.constant 0 : i32
        %add3A_475 = arith.addi %add3A_474, %add3A_473 : i32
        %add3A_476 = arith.constant 0 : i32
        %add3A_477 = arith.addi %add3A_476, %add3A_473 : i32
        %get3A_478 = arith.index_cast %add3A_475 : i32 to index
        %get3A_479 = arith.constant 0 : index
        %get3A_480 = tpu.vector_load %arg9[%get3A_478, %get3A_479] {strides = array<i32>} : memref<832x64xf32, #tpu.memory_space<vmem>>, vector<16xf32>,
        %add3A_481 = vector.broadcast %add3A_477 : i32 to vector<16xi32>
        %add3A_482 = arith.addi %mul3A_10, %add3A_481 : vector<16xi32>
        tpu.vector_store_idx %arg10[%add3A_482], %get3A_480 : memref<25600xf32, #tpu.memory_space<vmem>>[vector<16xi32>], vector<16xf32>,
        %get3A_483 = arith.index_cast %add3A_475 : i32 to index
        %get3A_484 = arith.constant 16 : index
        %get3A_485 = tpu.vector_load %arg9[%get3A_483, %get3A_484] {strides = array<i32>} : memref<832x64xf32, #tpu.memory_space<vmem>>, vector<16xf32>,
        %add3A_486 = vector.broadcast %add3A_477 : i32 to vector<16xi32>
        %add3A_487 = arith.addi %mul3A_16, %add3A_486 : vector<16xi32>
        tpu.vector_store_idx %arg10[%add3A_487], %get3A_485 : memref<25600xf32, #tpu.memory_space<vmem>>[vector<16xi32>], vector<16xf32>,
        %get3A_488 = arith.index_cast %add3A_475 : i32 to index
        %get3A_489 = arith.constant 32 : index
        %get3A_490 = tpu.vector_load %arg9[%get3A_488, %get3A_489] {strides = array<i32>} : memref<832x64xf32, #tpu.memory_space<vmem>>, vector<16xf32>,
        %add3A_491 = vector.broadcast %add3A_477 : i32 to vector<16xi32>
        %add3A_492 = arith.addi %mul3A_22, %add3A_491 : vector<16xi32>
        tpu.vector_store_idx %arg10[%add3A_492], %get3A_490 : memref<25600xf32, #tpu.memory_space<vmem>>[vector<16xi32>], vector<16xf32>,
        %get3A_493 = arith.index_cast %add3A_475 : i32 to index
        %get3A_494 = arith.constant 48 : index
        %get3A_495 = tpu.vector_load %arg9[%get3A_493, %get3A_494] {strides = array<i32>} : memref<832x64xf32, #tpu.memory_space<vmem>>, vector<16xf32>,
        %add3A_496 = vector.broadcast %add3A_477 : i32 to vector<16xi32>
        %add3A_497 = arith.addi %mul3A_28, %add3A_496 : vector<16xi32>
        tpu.vector_store_idx %arg10[%add3A_497], %get3A_495 : memref<25600xf32, #tpu.memory_space<vmem>>[vector<16xi32>], vector<16xf32>,
      }
      %scan3A_173 = arith.constant 50 : i32
      %lt3A = arith.constant 96 : i32
      %lt3A_174 = arith.cmpi slt, %add3A_141, %lt3A : i32
      %convert_element_type3A_175 = arith.extui %lt3A_174 : i1 to i32
      %cond3A_176 = arith.constant 0 : i32
      %cond3A_177 = arith.cmpi ne, %convert_element_type3A_175, %cond3A_176 : i32
      scf.if %cond3A_177 {
        %add3A_386 = arith.constant 4 : i32
        %add3A_387 = arith.addi %add3A_141, %add3A_386 : i32
        %mul3A_388 = arith.constant 208 : i32
        %mul3A_389 = arith.muli %add3A_387, %mul3A_388 : i32
        %dma_start3A_390 = arith.constant 0 : i32
        %dma_start3A_391 = arith.constant 0 : i32
        %dma_start3A_392 = tpu.memref_slice %arg9[%dma_start3A_390, %dma_start3A_391] : memref<832x64xf32, #tpu.memory_space<vmem>> -> memref<104x64xf32, #tpu.memory_space<vmem>>
        %dma_start3A_393 = tpu.memref_slice %arg8[%mul3A_389] : memref<20800xi32, #tpu.memory_space<vmem>> -> memref<104xi32, #tpu.memory_space<vmem>>
        %dma_start3A_394 = arith.constant 0 : i32
        %dma_start3A_395 = arith.constant 0 : i32
        %dma_start3A_396 = tpu.memref_slice %arg2[%dma_start3A_394, %dma_start3A_395] : memref<65536x64xf32, #tpu.memory_space<hbm>> -> memref<65536x64xf32, #tpu.memory_space<hbm>>
        tpu.enqueue_indirect_dma source(%dma_start3A_396 : memref<65536x64xf32, #tpu.memory_space<hbm>>) target(%dma_start3A_392 : memref<104x64xf32, #tpu.memory_space<vmem>>) offsets(%dma_start3A_393 : memref<104xi32, #tpu.memory_space<vmem>>) semaphore(%arg11 : memref<!tpu.dma_semaphore, #tpu.memory_space<semaphore_mem>>)
        %add3A_397 = arith.constant 104 : i32
        %add3A_398 = arith.addi %mul3A_389, %add3A_397 : i32
        %dma_start3A_399 = arith.constant 104 : i32
        %dma_start3A_400 = arith.constant 0 : i32
        %dma_start3A_401 = tpu.memref_slice %arg9[%dma_start3A_399, %dma_start3A_400] : memref<832x64xf32, #tpu.memory_space<vmem>> -> memref<96x64xf32, #tpu.memory_space<vmem>>
        %dma_start3A_402 = tpu.memref_slice %arg8[%add3A_398] : memref<20800xi32, #tpu.memory_space<vmem>> -> memref<96xi32, #tpu.memory_space<vmem>>
        %dma_start3A_403 = arith.constant 0 : i32
        %dma_start3A_404 = arith.constant 0 : i32
        %dma_start3A_405 = tpu.memref_slice %arg2[%dma_start3A_403, %dma_start3A_404] : memref<65536x64xf32, #tpu.memory_space<hbm>> -> memref<65536x64xf32, #tpu.memory_space<hbm>>
        tpu.enqueue_indirect_dma source(%dma_start3A_405 : memref<65536x64xf32, #tpu.memory_space<hbm>>) target(%dma_start3A_401 : memref<96x64xf32, #tpu.memory_space<vmem>>) offsets(%dma_start3A_402 : memref<96xi32, #tpu.memory_space<vmem>>) semaphore(%arg11 : memref<!tpu.dma_semaphore, #tpu.memory_space<semaphore_mem>>)
      } else {
      }
      %add3A_178 = arith.addi %mul3A_0, %add3A_141 : i32
      %dma_start3A_179 = arith.constant 0 : i32
      %dma_start3A_180 = tpu.memref_slice %arg10[%dma_start3A_179] : memref<25600xf32, #tpu.memory_space<vmem>> -> memref<12800xf32, #tpu.memory_space<vmem>>
      %dma_start3A_181 = arith.constant 0 : i32
      %dma_start3A_182 = arith.constant 0 : i32
      %dma_start3A_183 = tpu.memref_slice %arg5[%arg1, %dma_start3A_181, %dma_start3A_182] : memref<16x200x12800xf32, #tpu.memory_space<hbm>> -> memref<1x200x12800xf32, #tpu.memory_space<hbm>>
      %dma_start3A_184 = tpu.memref_squeeze %dma_start3A_183 : memref<1x200x12800xf32, #tpu.memory_space<hbm>> -> memref<200x12800xf32, #tpu.memory_space<hbm>>
      %dma_start3A_185 = arith.constant 0 : i32
      %dma_start3A_186 = tpu.memref_slice %dma_start3A_184[%add3A_178, %dma_start3A_185] : memref<200x12800xf32, #tpu.memory_space<hbm>> -> memref<1x12800xf32, #tpu.memory_space<hbm>>
      %dma_start3A_187 = tpu.memref_squeeze %dma_start3A_186 : memref<1x12800xf32, #tpu.memory_space<hbm>> -> memref<12800xf32, #tpu.memory_space<hbm>>
      %dma_start3A_188 = arith.constant 0 : i32
      %dma_start3A_189 = arith.constant 0 : i32
      %dma_start3A_190 = tpu.memref_slice %arg5[%arg1, %dma_start3A_188, %dma_start3A_189] : memref<16x200x12800xf32, #tpu.memory_space<hbm>> -> memref<1x200x12800xf32, #tpu.memory_space<hbm>>
      %dma_start3A_191 = tpu.memref_squeeze %dma_start3A_190 : memref<1x200x12800xf32, #tpu.memory_space<hbm>> -> memref<200x12800xf32, #tpu.memory_space<hbm>>
      %dma_start3A_192 = arith.constant 0 : i32
      %dma_start3A_193 = tpu.memref_slice %dma_start3A_191[%add3A_178, %dma_start3A_192] : memref<200x12800xf32, #tpu.memory_space<hbm>> -> memref<1x12800xf32, #tpu.memory_space<hbm>>
      %dma_start3A_194 = tpu.memref_squeeze %dma_start3A_193 : memref<1x12800xf32, #tpu.memory_space<hbm>> -> memref<12800xf32, #tpu.memory_space<hbm>>
      %dma_start3A_195 = arith.constant 0 : i32
      %dma_start3A_196 = tpu.memref_slice %arg10[%dma_start3A_195] : memref<25600xf32, #tpu.memory_space<vmem>> -> memref<12800xf32, #tpu.memory_space<vmem>>
      tpu.enqueue_dma source(%dma_start3A_196 : memref<12800xf32, #tpu.memory_space<vmem>>) target(%dma_start3A_194 : memref<12800xf32, #tpu.memory_space<hbm>>) target_semaphore(%arg12 : memref<!tpu.dma_semaphore, #tpu.memory_space<semaphore_mem>>)
      %mul3A_197 = arith.constant 4 : i32
      %mul3A_198 = arith.muli %mul3A_197, %scan3A_137 : i32
      %add3A_199 = arith.constant 1 : i32
      %add3A_200 = arith.addi %mul3A_198, %add3A_199 : i32
      %ge3A_201 = arith.constant 2 : i32
      %ge3A_202 = arith.cmpi sge, %add3A_200, %ge3A_201 : i32
      %convert_element_type3A_203 = arith.extui %ge3A_202 : i1 to i32
      %cond3A_204 = arith.constant 0 : i32
      %cond3A_205 = arith.cmpi ne, %convert_element_type3A_203, %cond3A_204 : i32
      scf.if %cond3A_205 {
        %dma_wait3A_386 = arith.constant 0 : i32
        %dma_wait3A_387 = arith.constant 0 : i32
        %dma_wait3A_388 = arith.constant 12800 : i32
        %dma_wait3A_389 = tpu.memref_slice %arg10[%dma_wait3A_388] : memref<25600xf32, #tpu.memory_space<vmem>> -> memref<12800xf32, #tpu.memory_space<vmem>>
        %dma_wait3A_390 = arith.constant 0 : i32
        %dma_wait3A_391 = arith.constant 0 : i32
        %dma_wait3A_392 = tpu.memref_slice %arg5[%dma_wait3A_386, %dma_wait3A_390, %dma_wait3A_391] : memref<16x200x12800xf32, #tpu.memory_space<hbm>> -> memref<1x200x12800xf32, #tpu.memory_space<hbm>>
        %dma_wait3A_393 = tpu.memref_squeeze %dma_wait3A_392 : memref<1x200x12800xf32, #tpu.memory_space<hbm>> -> memref<200x12800xf32, #tpu.memory_space<hbm>>
        %dma_wait3A_394 = arith.constant 0 : i32
        %dma_wait3A_395 = tpu.memref_slice %dma_wait3A_393[%dma_wait3A_387, %dma_wait3A_394] : memref<200x12800xf32, #tpu.memory_space<hbm>> -> memref<1x12800xf32, #tpu.memory_space<hbm>>
        %dma_wait3A_396 = tpu.memref_squeeze %dma_wait3A_395 : memref<1x12800xf32, #tpu.memory_space<hbm>> -> memref<12800xf32, #tpu.memory_space<hbm>>
        %dma_wait3A_397 = arith.constant 12800 : i32
        %dma_wait3A_398 = tpu.memref_slice %arg10[%dma_wait3A_397] : memref<25600xf32, #tpu.memory_space<vmem>> -> memref<12800xf32, #tpu.memory_space<vmem>>
        %dma_wait3A_399 = arith.constant 0 : i32
        %dma_wait3A_400 = arith.constant 0 : i32
        %dma_wait3A_401 = tpu.memref_slice %arg5[%dma_wait3A_386, %dma_wait3A_399, %dma_wait3A_400] : memref<16x200x12800xf32, #tpu.memory_space<hbm>> -> memref<1x200x12800xf32, #tpu.memory_space<hbm>>
        %dma_wait3A_402 = tpu.memref_squeeze %dma_wait3A_401 : memref<1x200x12800xf32, #tpu.memory_space<hbm>> -> memref<200x12800xf32, #tpu.memory_space<hbm>>
        %dma_wait3A_403 = arith.constant 0 : i32
        %dma_wait3A_404 = tpu.memref_slice %dma_wait3A_402[%dma_wait3A_387, %dma_wait3A_403] : memref<200x12800xf32, #tpu.memory_space<hbm>> -> memref<1x12800xf32, #tpu.memory_space<hbm>>
        %dma_wait3A_405 = tpu.memref_squeeze %dma_wait3A_404 : memref<1x12800xf32, #tpu.memory_space<hbm>> -> memref<12800xf32, #tpu.memory_space<hbm>>
        tpu.wait_dma2 semaphore(%arg12 : memref<!tpu.dma_semaphore, #tpu.memory_space<semaphore_mem>>) src(%dma_wait3A_405 : memref<12800xf32, #tpu.memory_space<hbm>>) dst(%dma_wait3A_398 : memref<12800xf32, #tpu.memory_space<vmem>>)
      } else {
      }
      %dma_wait3A_206 = arith.constant 208 : i32
      %dma_wait3A_207 = arith.constant 0 : i32
      %dma_wait3A_208 = tpu.memref_slice %arg9[%dma_wait3A_206, %dma_wait3A_207] : memref<832x64xf32, #tpu.memory_space<vmem>> -> memref<104x64xf32, #tpu.memory_space<vmem>>
      %dma_wait3A_209 = arith.constant 0 : i32
      %dma_wait3A_210 = arith.constant 0 : i32
      %dma_wait3A_211 = tpu.memref_slice %arg2[%dma_wait3A_209, %dma_wait3A_210] : memref<65536x64xf32, #tpu.memory_space<hbm>> -> memref<104x64xf32, #tpu.memory_space<hbm>>
      %dma_wait3A_212 = arith.constant 208 : i32
      %dma_wait3A_213 = arith.constant 0 : i32
      %dma_wait3A_214 = tpu.memref_slice %arg9[%dma_wait3A_212, %dma_wait3A_213] : memref<832x64xf32, #tpu.memory_space<vmem>> -> memref<104x64xf32, #tpu.memory_space<vmem>>
      %dma_wait3A_215 = arith.constant 0 : i32
      %dma_wait3A_216 = arith.constant 0 : i32
      %dma_wait3A_217 = tpu.memref_slice %arg2[%dma_wait3A_215, %dma_wait3A_216] : memref<65536x64xf32, #tpu.memory_space<hbm>> -> memref<104x64xf32, #tpu.memory_space<hbm>>
      tpu.wait_dma2 semaphore(%arg11 : memref<!tpu.dma_semaphore, #tpu.memory_space<semaphore_mem>>) src(%dma_wait3A_217 : memref<104x64xf32, #tpu.memory_space<hbm>>) dst(%dma_wait3A_214 : memref<104x64xf32, #tpu.memory_space<vmem>>)
      %dma_wait3A_218 = arith.constant 312 : i32
      %dma_wait3A_219 = arith.constant 0 : i32
      %dma_wait3A_220 = tpu.memref_slice %arg9[%dma_wait3A_218, %dma_wait3A_219] : memref<832x64xf32, #tpu.memory_space<vmem>> -> memref<96x64xf32, #tpu.memory_space<vmem>>
      %dma_wait3A_221 = arith.constant 0 : i32
      %dma_wait3A_222 = arith.constant 0 : i32
      %dma_wait3A_223 = tpu.memref_slice %arg2[%dma_wait3A_221, %dma_wait3A_222] : memref<65536x64xf32, #tpu.memory_space<hbm>> -> memref<96x64xf32, #tpu.memory_space<hbm>>
      %dma_wait3A_224 = arith.constant 312 : i32
      %dma_wait3A_225 = arith.constant 0 : i32
      %dma_wait3A_226 = tpu.memref_slice %arg9[%dma_wait3A_224, %dma_wait3A_225] : memref<832x64xf32, #tpu.memory_space<vmem>> -> memref<96x64xf32, #tpu.memory_space<vmem>>
      %dma_wait3A_227 = arith.constant 0 : i32
      %dma_wait3A_228 = arith.constant 0 : i32
      %dma_wait3A_229 = tpu.memref_slice %arg2[%dma_wait3A_227, %dma_wait3A_228] : memref<65536x64xf32, #tpu.memory_space<hbm>> -> memref<96x64xf32, #tpu.memory_space<hbm>>
      tpu.wait_dma2 semaphore(%arg11 : memref<!tpu.dma_semaphore, #tpu.memory_space<semaphore_mem>>) src(%dma_wait3A_229 : memref<96x64xf32, #tpu.memory_space<hbm>>) dst(%dma_wait3A_226 : memref<96x64xf32, #tpu.memory_space<vmem>>)
      %scan3A_230 = arith.constant 0 : i32
      %scan3A_231 = arith.constant 0 : i32
      %scan3A_232 = arith.constant 50 : i32
      %scan3A_233 = arith.addi %scan3A_231, %scan3A_232 : i32
      %scan3A_234 = arith.constant 1 : i32
      scf.for %scan3A_386 = %scan3A_231 to %scan3A_233 step %scan3A_234  : i32 {
        %mul3A_387 = arith.constant 4 : i32
        %mul3A_388 = arith.muli %scan3A_386, %mul3A_387 : i32
        %add3A_389 = arith.constant 0 : i32
        %add3A_390 = arith.addi %mul3A_388, %add3A_389 : i32
        %add3A_391 = arith.constant 208 : i32
        %add3A_392 = arith.addi %add3A_391, %add3A_390 : i32
        %add3A_393 = arith.constant 12800 : i32
        %add3A_394 = arith.addi %add3A_393, %add3A_390 : i32
        %get3A = arith.index_cast %add3A_392 : i32 to index
        %get3A_395 = arith.constant 0 : index
        %get3A_396 = tpu.vector_load %arg9[%get3A, %get3A_395] {strides = array<i32>} : memref<832x64xf32, #tpu.memory_space<vmem>>, vector<16xf32>,
        %add3A_397 = vector.broadcast %add3A_394 : i32 to vector<16xi32>
        %add3A_398 = arith.addi %mul3A_10, %add3A_397 : vector<16xi32>
        tpu.vector_store_idx %arg10[%add3A_398], %get3A_396 : memref<25600xf32, #tpu.memory_space<vmem>>[vector<16xi32>], vector<16xf32>,
        %get3A_399 = arith.index_cast %add3A_392 : i32 to index
        %get3A_400 = arith.constant 16 : index
        %get3A_401 = tpu.vector_load %arg9[%get3A_399, %get3A_400] {strides = array<i32>} : memref<832x64xf32, #tpu.memory_space<vmem>>, vector<16xf32>,
        %add3A_402 = vector.broadcast %add3A_394 : i32 to vector<16xi32>
        %add3A_403 = arith.addi %mul3A_16, %add3A_402 : vector<16xi32>
        tpu.vector_store_idx %arg10[%add3A_403], %get3A_401 : memref<25600xf32, #tpu.memory_space<vmem>>[vector<16xi32>], vector<16xf32>,
        %get3A_404 = arith.index_cast %add3A_392 : i32 to index
        %get3A_405 = arith.constant 32 : index
        %get3A_406 = tpu.vector_load %arg9[%get3A_404, %get3A_405] {strides = array<i32>} : memref<832x64xf32, #tpu.memory_space<vmem>>, vector<16xf32>,
        %add3A_407 = vector.broadcast %add3A_394 : i32 to vector<16xi32>
        %add3A_408 = arith.addi %mul3A_22, %add3A_407 : vector<16xi32>
        tpu.vector_store_idx %arg10[%add3A_408], %get3A_406 : memref<25600xf32, #tpu.memory_space<vmem>>[vector<16xi32>], vector<16xf32>,
        %get3A_409 = arith.index_cast %add3A_392 : i32 to index
        %get3A_410 = arith.constant 48 : index
        %get3A_411 = tpu.vector_load %arg9[%get3A_409, %get3A_410] {strides = array<i32>} : memref<832x64xf32, #tpu.memory_space<vmem>>, vector<16xf32>,
        %add3A_412 = vector.broadcast %add3A_394 : i32 to vector<16xi32>
        %add3A_413 = arith.addi %mul3A_28, %add3A_412 : vector<16xi32>
        tpu.vector_store_idx %arg10[%add3A_413], %get3A_411 : memref<25600xf32, #tpu.memory_space<vmem>>[vector<16xi32>], vector<16xf32>,
        %mul3A_414 = arith.constant 4 : i32
        %mul3A_415 = arith.muli %scan3A_386, %mul3A_414 : i32
        %add3A_416 = arith.constant 1 : i32
        %add3A_417 = arith.addi %mul3A_415, %add3A_416 : i32
        %add3A_418 = arith.constant 208 : i32
        %add3A_419 = arith.addi %add3A_418, %add3A_417 : i32
        %add3A_420 = arith.constant 12800 : i32
        %add3A_421 = arith.addi %add3A_420, %add3A_417 : i32
        %get3A_422 = arith.index_cast %add3A_419 : i32 to index
        %get3A_423 = arith.constant 0 : index
        %get3A_424 = tpu.vector_load %arg9[%get3A_422, %get3A_423] {strides = array<i32>} : memref<832x64xf32, #tpu.memory_space<vmem>>, vector<16xf32>,
        %add3A_425 = vector.broadcast %add3A_421 : i32 to vector<16xi32>
        %add3A_426 = arith.addi %mul3A_10, %add3A_425 : vector<16xi32>
        tpu.vector_store_idx %arg10[%add3A_426], %get3A_424 : memref<25600xf32, #tpu.memory_space<vmem>>[vector<16xi32>], vector<16xf32>,
        %get3A_427 = arith.index_cast %add3A_419 : i32 to index
        %get3A_428 = arith.constant 16 : index
        %get3A_429 = tpu.vector_load %arg9[%get3A_427, %get3A_428] {strides = array<i32>} : memref<832x64xf32, #tpu.memory_space<vmem>>, vector<16xf32>,
        %add3A_430 = vector.broadcast %add3A_421 : i32 to vector<16xi32>
        %add3A_431 = arith.addi %mul3A_16, %add3A_430 : vector<16xi32>
        tpu.vector_store_idx %arg10[%add3A_431], %get3A_429 : memref<25600xf32, #tpu.memory_space<vmem>>[vector<16xi32>], vector<16xf32>,
        %get3A_432 = arith.index_cast %add3A_419 : i32 to index
        %get3A_433 = arith.constant 32 : index
        %get3A_434 = tpu.vector_load %arg9[%get3A_432, %get3A_433] {strides = array<i32>} : memref<832x64xf32, #tpu.memory_space<vmem>>, vector<16xf32>,
        %add3A_435 = vector.broadcast %add3A_421 : i32 to vector<16xi32>
        %add3A_436 = arith.addi %mul3A_22, %add3A_435 : vector<16xi32>
        tpu.vector_store_idx %arg10[%add3A_436], %get3A_434 : memref<25600xf32, #tpu.memory_space<vmem>>[vector<16xi32>], vector<16xf32>,
        %get3A_437 = arith.index_cast %add3A_419 : i32 to index
        %get3A_438 = arith.constant 48 : index
        %get3A_439 = tpu.vector_load %arg9[%get3A_437, %get3A_438] {strides = array<i32>} : memref<832x64xf32, #tpu.memory_space<vmem>>, vector<16xf32>,
        %add3A_440 = vector.broadcast %add3A_421 : i32 to vector<16xi32>
        %add3A_441 = arith.addi %mul3A_28, %add3A_440 : vector<16xi32>
        tpu.vector_store_idx %arg10[%add3A_441], %get3A_439 : memref<25600xf32, #tpu.memory_space<vmem>>[vector<16xi32>], vector<16xf32>,
        %mul3A_442 = arith.constant 4 : i32
        %mul3A_443 = arith.muli %scan3A_386, %mul3A_442 : i32
        %add3A_444 = arith.constant 2 : i32
        %add3A_445 = arith.addi %mul3A_443, %add3A_444 : i32
        %add3A_446 = arith.constant 208 : i32
        %add3A_447 = arith.addi %add3A_446, %add3A_445 : i32
        %add3A_448 = arith.constant 12800 : i32
        %add3A_449 = arith.addi %add3A_448, %add3A_445 : i32
        %get3A_450 = arith.index_cast %add3A_447 : i32 to index
        %get3A_451 = arith.constant 0 : index
        %get3A_452 = tpu.vector_load %arg9[%get3A_450, %get3A_451] {strides = array<i32>} : memref<832x64xf32, #tpu.memory_space<vmem>>, vector<16xf32>,
        %add3A_453 = vector.broadcast %add3A_449 : i32 to vector<16xi32>
        %add3A_454 = arith.addi %mul3A_10, %add3A_453 : vector<16xi32>
        tpu.vector_store_idx %arg10[%add3A_454], %get3A_452 : memref<25600xf32, #tpu.memory_space<vmem>>[vector<16xi32>], vector<16xf32>,
        %get3A_455 = arith.index_cast %add3A_447 : i32 to index
        %get3A_456 = arith.constant 16 : index
        %get3A_457 = tpu.vector_load %arg9[%get3A_455, %get3A_456] {strides = array<i32>} : memref<832x64xf32, #tpu.memory_space<vmem>>, vector<16xf32>,
        %add3A_458 = vector.broadcast %add3A_449 : i32 to vector<16xi32>
        %add3A_459 = arith.addi %mul3A_16, %add3A_458 : vector<16xi32>
        tpu.vector_store_idx %arg10[%add3A_459], %get3A_457 : memref<25600xf32, #tpu.memory_space<vmem>>[vector<16xi32>], vector<16xf32>,
        %get3A_460 = arith.index_cast %add3A_447 : i32 to index
        %get3A_461 = arith.constant 32 : index
        %get3A_462 = tpu.vector_load %arg9[%get3A_460, %get3A_461] {strides = array<i32>} : memref<832x64xf32, #tpu.memory_space<vmem>>, vector<16xf32>,
        %add3A_463 = vector.broadcast %add3A_449 : i32 to vector<16xi32>
        %add3A_464 = arith.addi %mul3A_22, %add3A_463 : vector<16xi32>
        tpu.vector_store_idx %arg10[%add3A_464], %get3A_462 : memref<25600xf32, #tpu.memory_space<vmem>>[vector<16xi32>], vector<16xf32>,
        %get3A_465 = arith.index_cast %add3A_447 : i32 to index
        %get3A_466 = arith.constant 48 : index
        %get3A_467 = tpu.vector_load %arg9[%get3A_465, %get3A_466] {strides = array<i32>} : memref<832x64xf32, #tpu.memory_space<vmem>>, vector<16xf32>,
        %add3A_468 = vector.broadcast %add3A_449 : i32 to vector<16xi32>
        %add3A_469 = arith.addi %mul3A_28, %add3A_468 : vector<16xi32>
        tpu.vector_store_idx %arg10[%add3A_469], %get3A_467 : memref<25600xf32, #tpu.memory_space<vmem>>[vector<16xi32>], vector<16xf32>,
        %mul3A_470 = arith.constant 4 : i32
        %mul3A_471 = arith.muli %scan3A_386, %mul3A_470 : i32
        %add3A_472 = arith.constant 3 : i32
        %add3A_473 = arith.addi %mul3A_471, %add3A_472 : i32
        %add3A_474 = arith.constant 208 : i32
        %add3A_475 = arith.addi %add3A_474, %add3A_473 : i32
        %add3A_476 = arith.constant 12800 : i32
        %add3A_477 = arith.addi %add3A_476, %add3A_473 : i32
        %get3A_478 = arith.index_cast %add3A_475 : i32 to index
        %get3A_479 = arith.constant 0 : index
        %get3A_480 = tpu.vector_load %arg9[%get3A_478, %get3A_479] {strides = array<i32>} : memref<832x64xf32, #tpu.memory_space<vmem>>, vector<16xf32>,
        %add3A_481 = vector.broadcast %add3A_477 : i32 to vector<16xi32>
        %add3A_482 = arith.addi %mul3A_10, %add3A_481 : vector<16xi32>
        tpu.vector_store_idx %arg10[%add3A_482], %get3A_480 : memref<25600xf32, #tpu.memory_space<vmem>>[vector<16xi32>], vector<16xf32>,
        %get3A_483 = arith.index_cast %add3A_475 : i32 to index
        %get3A_484 = arith.constant 16 : index
        %get3A_485 = tpu.vector_load %arg9[%get3A_483, %get3A_484] {strides = array<i32>} : memref<832x64xf32, #tpu.memory_space<vmem>>, vector<16xf32>,
        %add3A_486 = vector.broadcast %add3A_477 : i32 to vector<16xi32>
        %add3A_487 = arith.addi %mul3A_16, %add3A_486 : vector<16xi32>
        tpu.vector_store_idx %arg10[%add3A_487], %get3A_485 : memref<25600xf32, #tpu.memory_space<vmem>>[vector<16xi32>], vector<16xf32>,
        %get3A_488 = arith.index_cast %add3A_475 : i32 to index
        %get3A_489 = arith.constant 32 : index
        %get3A_490 = tpu.vector_load %arg9[%get3A_488, %get3A_489] {strides = array<i32>} : memref<832x64xf32, #tpu.memory_space<vmem>>, vector<16xf32>,
        %add3A_491 = vector.broadcast %add3A_477 : i32 to vector<16xi32>
        %add3A_492 = arith.addi %mul3A_22, %add3A_491 : vector<16xi32>
        tpu.vector_store_idx %arg10[%add3A_492], %get3A_490 : memref<25600xf32, #tpu.memory_space<vmem>>[vector<16xi32>], vector<16xf32>,
        %get3A_493 = arith.index_cast %add3A_475 : i32 to index
        %get3A_494 = arith.constant 48 : index
        %get3A_495 = tpu.vector_load %arg9[%get3A_493, %get3A_494] {strides = array<i32>} : memref<832x64xf32, #tpu.memory_space<vmem>>, vector<16xf32>,
        %add3A_496 = vector.broadcast %add3A_477 : i32 to vector<16xi32>
        %add3A_497 = arith.addi %mul3A_28, %add3A_496 : vector<16xi32>
        tpu.vector_store_idx %arg10[%add3A_497], %get3A_495 : memref<25600xf32, #tpu.memory_space<vmem>>[vector<16xi32>], vector<16xf32>,
      }
      %scan3A_235 = arith.constant 50 : i32
      %lt3A_236 = arith.constant 96 : i32
      %lt3A_237 = arith.cmpi slt, %add3A_200, %lt3A_236 : i32
      %convert_element_type3A_238 = arith.extui %lt3A_237 : i1 to i32
      %cond3A_239 = arith.constant 0 : i32
      %cond3A_240 = arith.cmpi ne, %convert_element_type3A_238, %cond3A_239 : i32
      scf.if %cond3A_240 {
        %add3A_386 = arith.constant 4 : i32
        %add3A_387 = arith.addi %add3A_200, %add3A_386 : i32
        %mul3A_388 = arith.constant 208 : i32
        %mul3A_389 = arith.muli %add3A_387, %mul3A_388 : i32
        %dma_start3A_390 = arith.constant 208 : i32
        %dma_start3A_391 = arith.constant 0 : i32
        %dma_start3A_392 = tpu.memref_slice %arg9[%dma_start3A_390, %dma_start3A_391] : memref<832x64xf32, #tpu.memory_space<vmem>> -> memref<104x64xf32, #tpu.memory_space<vmem>>
        %dma_start3A_393 = tpu.memref_slice %arg8[%mul3A_389] : memref<20800xi32, #tpu.memory_space<vmem>> -> memref<104xi32, #tpu.memory_space<vmem>>
        %dma_start3A_394 = arith.constant 0 : i32
        %dma_start3A_395 = arith.constant 0 : i32
        %dma_start3A_396 = tpu.memref_slice %arg2[%dma_start3A_394, %dma_start3A_395] : memref<65536x64xf32, #tpu.memory_space<hbm>> -> memref<65536x64xf32, #tpu.memory_space<hbm>>
        tpu.enqueue_indirect_dma source(%dma_start3A_396 : memref<65536x64xf32, #tpu.memory_space<hbm>>) target(%dma_start3A_392 : memref<104x64xf32, #tpu.memory_space<vmem>>) offsets(%dma_start3A_393 : memref<104xi32, #tpu.memory_space<vmem>>) semaphore(%arg11 : memref<!tpu.dma_semaphore, #tpu.memory_space<semaphore_mem>>)
        %add3A_397 = arith.constant 104 : i32
        %add3A_398 = arith.addi %mul3A_389, %add3A_397 : i32
        %dma_start3A_399 = arith.constant 312 : i32
        %dma_start3A_400 = arith.constant 0 : i32
        %dma_start3A_401 = tpu.memref_slice %arg9[%dma_start3A_399, %dma_start3A_400] : memref<832x64xf32, #tpu.memory_space<vmem>> -> memref<96x64xf32, #tpu.memory_space<vmem>>
        %dma_start3A_402 = tpu.memref_slice %arg8[%add3A_398] : memref<20800xi32, #tpu.memory_space<vmem>> -> memref<96xi32, #tpu.memory_space<vmem>>
        %dma_start3A_403 = arith.constant 0 : i32
        %dma_start3A_404 = arith.constant 0 : i32
        %dma_start3A_405 = tpu.memref_slice %arg2[%dma_start3A_403, %dma_start3A_404] : memref<65536x64xf32, #tpu.memory_space<hbm>> -> memref<65536x64xf32, #tpu.memory_space<hbm>>
        tpu.enqueue_indirect_dma source(%dma_start3A_405 : memref<65536x64xf32, #tpu.memory_space<hbm>>) target(%dma_start3A_401 : memref<96x64xf32, #tpu.memory_space<vmem>>) offsets(%dma_start3A_402 : memref<96xi32, #tpu.memory_space<vmem>>) semaphore(%arg11 : memref<!tpu.dma_semaphore, #tpu.memory_space<semaphore_mem>>)
      } else {
      }
      %add3A_241 = arith.addi %mul3A_0, %add3A_200 : i32
      %dma_start3A_242 = arith.constant 12800 : i32
      %dma_start3A_243 = tpu.memref_slice %arg10[%dma_start3A_242] : memref<25600xf32, #tpu.memory_space<vmem>> -> memref<12800xf32, #tpu.memory_space<vmem>>
      %dma_start3A_244 = arith.constant 0 : i32
      %dma_start3A_245 = arith.constant 0 : i32
      %dma_start3A_246 = tpu.memref_slice %arg5[%arg1, %dma_start3A_244, %dma_start3A_245] : memref<16x200x12800xf32, #tpu.memory_space<hbm>> -> memref<1x200x12800xf32, #tpu.memory_space<hbm>>
      %dma_start3A_247 = tpu.memref_squeeze %dma_start3A_246 : memref<1x200x12800xf32, #tpu.memory_space<hbm>> -> memref<200x12800xf32, #tpu.memory_space<hbm>>
      %dma_start3A_248 = arith.constant 0 : i32
      %dma_start3A_249 = tpu.memref_slice %dma_start3A_247[%add3A_241, %dma_start3A_248] : memref<200x12800xf32, #tpu.memory_space<hbm>> -> memref<1x12800xf32, #tpu.memory_space<hbm>>
      %dma_start3A_250 = tpu.memref_squeeze %dma_start3A_249 : memref<1x12800xf32, #tpu.memory_space<hbm>> -> memref<12800xf32, #tpu.memory_space<hbm>>
      %dma_start3A_251 = arith.constant 0 : i32
      %dma_start3A_252 = arith.constant 0 : i32
      %dma_start3A_253 = tpu.memref_slice %arg5[%arg1, %dma_start3A_251, %dma_start3A_252] : memref<16x200x12800xf32, #tpu.memory_space<hbm>> -> memref<1x200x12800xf32, #tpu.memory_space<hbm>>
      %dma_start3A_254 = tpu.memref_squeeze %dma_start3A_253 : memref<1x200x12800xf32, #tpu.memory_space<hbm>> -> memref<200x12800xf32, #tpu.memory_space<hbm>>
      %dma_start3A_255 = arith.constant 0 : i32
      %dma_start3A_256 = tpu.memref_slice %dma_start3A_254[%add3A_241, %dma_start3A_255] : memref<200x12800xf32, #tpu.memory_space<hbm>> -> memref<1x12800xf32, #tpu.memory_space<hbm>>
      %dma_start3A_257 = tpu.memref_squeeze %dma_start3A_256 : memref<1x12800xf32, #tpu.memory_space<hbm>> -> memref<12800xf32, #tpu.memory_space<hbm>>
      %dma_start3A_258 = arith.constant 12800 : i32
      %dma_start3A_259 = tpu.memref_slice %arg10[%dma_start3A_258] : memref<25600xf32, #tpu.memory_space<vmem>> -> memref<12800xf32, #tpu.memory_space<vmem>>
      tpu.enqueue_dma source(%dma_start3A_259 : memref<12800xf32, #tpu.memory_space<vmem>>) target(%dma_start3A_257 : memref<12800xf32, #tpu.memory_space<hbm>>) target_semaphore(%arg12 : memref<!tpu.dma_semaphore, #tpu.memory_space<semaphore_mem>>)
      %mul3A_260 = arith.constant 4 : i32
      %mul3A_261 = arith.muli %mul3A_260, %scan3A_137 : i32
      %add3A_262 = arith.constant 2 : i32
      %add3A_263 = arith.addi %mul3A_261, %add3A_262 : i32
      %ge3A_264 = arith.constant 2 : i32
      %ge3A_265 = arith.cmpi sge, %add3A_263, %ge3A_264 : i32
      %convert_element_type3A_266 = arith.extui %ge3A_265 : i1 to i32
      %cond3A_267 = arith.constant 0 : i32
      %cond3A_268 = arith.cmpi ne, %convert_element_type3A_266, %cond3A_267 : i32
      scf.if %cond3A_268 {
        %dma_wait3A_386 = arith.constant 0 : i32
        %dma_wait3A_387 = arith.constant 0 : i32
        %dma_wait3A_388 = arith.constant 0 : i32
        %dma_wait3A_389 = tpu.memref_slice %arg10[%dma_wait3A_388] : memref<25600xf32, #tpu.memory_space<vmem>> -> memref<12800xf32, #tpu.memory_space<vmem>>
        %dma_wait3A_390 = arith.constant 0 : i32
        %dma_wait3A_391 = arith.constant 0 : i32
        %dma_wait3A_392 = tpu.memref_slice %arg5[%dma_wait3A_386, %dma_wait3A_390, %dma_wait3A_391] : memref<16x200x12800xf32, #tpu.memory_space<hbm>> -> memref<1x200x12800xf32, #tpu.memory_space<hbm>>
        %dma_wait3A_393 = tpu.memref_squeeze %dma_wait3A_392 : memref<1x200x12800xf32, #tpu.memory_space<hbm>> -> memref<200x12800xf32, #tpu.memory_space<hbm>>
        %dma_wait3A_394 = arith.constant 0 : i32
        %dma_wait3A_395 = tpu.memref_slice %dma_wait3A_393[%dma_wait3A_387, %dma_wait3A_394] : memref<200x12800xf32, #tpu.memory_space<hbm>> -> memref<1x12800xf32, #tpu.memory_space<hbm>>
        %dma_wait3A_396 = tpu.memref_squeeze %dma_wait3A_395 : memref<1x12800xf32, #tpu.memory_space<hbm>> -> memref<12800xf32, #tpu.memory_space<hbm>>
        %dma_wait3A_397 = arith.constant 0 : i32
        %dma_wait3A_398 = tpu.memref_slice %arg10[%dma_wait3A_397] : memref<25600xf32, #tpu.memory_space<vmem>> -> memref<12800xf32, #tpu.memory_space<vmem>>
        %dma_wait3A_399 = arith.constant 0 : i32
        %dma_wait3A_400 = arith.constant 0 : i32
        %dma_wait3A_401 = tpu.memref_slice %arg5[%dma_wait3A_386, %dma_wait3A_399, %dma_wait3A_400] : memref<16x200x12800xf32, #tpu.memory_space<hbm>> -> memref<1x200x12800xf32, #tpu.memory_space<hbm>>
        %dma_wait3A_402 = tpu.memref_squeeze %dma_wait3A_401 : memref<1x200x12800xf32, #tpu.memory_space<hbm>> -> memref<200x12800xf32, #tpu.memory_space<hbm>>
        %dma_wait3A_403 = arith.constant 0 : i32
        %dma_wait3A_404 = tpu.memref_slice %dma_wait3A_402[%dma_wait3A_387, %dma_wait3A_403] : memref<200x12800xf32, #tpu.memory_space<hbm>> -> memref<1x12800xf32, #tpu.memory_space<hbm>>
        %dma_wait3A_405 = tpu.memref_squeeze %dma_wait3A_404 : memref<1x12800xf32, #tpu.memory_space<hbm>> -> memref<12800xf32, #tpu.memory_space<hbm>>
        tpu.wait_dma2 semaphore(%arg12 : memref<!tpu.dma_semaphore, #tpu.memory_space<semaphore_mem>>) src(%dma_wait3A_405 : memref<12800xf32, #tpu.memory_space<hbm>>) dst(%dma_wait3A_398 : memref<12800xf32, #tpu.memory_space<vmem>>)
      } else {
      }
      %dma_wait3A_269 = arith.constant 416 : i32
      %dma_wait3A_270 = arith.constant 0 : i32
      %dma_wait3A_271 = tpu.memref_slice %arg9[%dma_wait3A_269, %dma_wait3A_270] : memref<832x64xf32, #tpu.memory_space<vmem>> -> memref<104x64xf32, #tpu.memory_space<vmem>>
      %dma_wait3A_272 = arith.constant 0 : i32
      %dma_wait3A_273 = arith.constant 0 : i32
      %dma_wait3A_274 = tpu.memref_slice %arg2[%dma_wait3A_272, %dma_wait3A_273] : memref<65536x64xf32, #tpu.memory_space<hbm>> -> memref<104x64xf32, #tpu.memory_space<hbm>>
      %dma_wait3A_275 = arith.constant 416 : i32
      %dma_wait3A_276 = arith.constant 0 : i32
      %dma_wait3A_277 = tpu.memref_slice %arg9[%dma_wait3A_275, %dma_wait3A_276] : memref<832x64xf32, #tpu.memory_space<vmem>> -> memref<104x64xf32, #tpu.memory_space<vmem>>
      %dma_wait3A_278 = arith.constant 0 : i32
      %dma_wait3A_279 = arith.constant 0 : i32
      %dma_wait3A_280 = tpu.memref_slice %arg2[%dma_wait3A_278, %dma_wait3A_279] : memref<65536x64xf32, #tpu.memory_space<hbm>> -> memref<104x64xf32, #tpu.memory_space<hbm>>
      tpu.wait_dma2 semaphore(%arg11 : memref<!tpu.dma_semaphore, #tpu.memory_space<semaphore_mem>>) src(%dma_wait3A_280 : memref<104x64xf32, #tpu.memory_space<hbm>>) dst(%dma_wait3A_277 : memref<104x64xf32, #tpu.memory_space<vmem>>)
      %dma_wait3A_281 = arith.constant 520 : i32
      %dma_wait3A_282 = arith.constant 0 : i32
      %dma_wait3A_283 = tpu.memref_slice %arg9[%dma_wait3A_281, %dma_wait3A_282] : memref<832x64xf32, #tpu.memory_space<vmem>> -> memref<96x64xf32, #tpu.memory_space<vmem>>
      %dma_wait3A_284 = arith.constant 0 : i32
      %dma_wait3A_285 = arith.constant 0 : i32
      %dma_wait3A_286 = tpu.memref_slice %arg2[%dma_wait3A_284, %dma_wait3A_285] : memref<65536x64xf32, #tpu.memory_space<hbm>> -> memref<96x64xf32, #tpu.memory_space<hbm>>
      %dma_wait3A_287 = arith.constant 520 : i32
      %dma_wait3A_288 = arith.constant 0 : i32
      %dma_wait3A_289 = tpu.memref_slice %arg9[%dma_wait3A_287, %dma_wait3A_288] : memref<832x64xf32, #tpu.memory_space<vmem>> -> memref<96x64xf32, #tpu.memory_space<vmem>>
      %dma_wait3A_290 = arith.constant 0 : i32
      %dma_wait3A_291 = arith.constant 0 : i32
      %dma_wait3A_292 = tpu.memref_slice %arg2[%dma_wait3A_290, %dma_wait3A_291] : memref<65536x64xf32, #tpu.memory_space<hbm>> -> memref<96x64xf32, #tpu.memory_space<hbm>>
      tpu.wait_dma2 semaphore(%arg11 : memref<!tpu.dma_semaphore, #tpu.memory_space<semaphore_mem>>) src(%dma_wait3A_292 : memref<96x64xf32, #tpu.memory_space<hbm>>) dst(%dma_wait3A_289 : memref<96x64xf32, #tpu.memory_space<vmem>>)
      %scan3A_293 = arith.constant 0 : i32
      %scan3A_294 = arith.constant 0 : i32
      %scan3A_295 = arith.constant 50 : i32
      %scan3A_296 = arith.addi %scan3A_294, %scan3A_295 : i32
      %scan3A_297 = arith.constant 1 : i32
      scf.for %scan3A_386 = %scan3A_294 to %scan3A_296 step %scan3A_297  : i32 {
        %mul3A_387 = arith.constant 4 : i32
        %mul3A_388 = arith.muli %scan3A_386, %mul3A_387 : i32
        %add3A_389 = arith.constant 0 : i32
        %add3A_390 = arith.addi %mul3A_388, %add3A_389 : i32
        %add3A_391 = arith.constant 416 : i32
        %add3A_392 = arith.addi %add3A_391, %add3A_390 : i32
        %add3A_393 = arith.constant 0 : i32
        %add3A_394 = arith.addi %add3A_393, %add3A_390 : i32
        %get3A = arith.index_cast %add3A_392 : i32 to index
        %get3A_395 = arith.constant 0 : index
        %get3A_396 = tpu.vector_load %arg9[%get3A, %get3A_395] {strides = array<i32>} : memref<832x64xf32, #tpu.memory_space<vmem>>, vector<16xf32>,
        %add3A_397 = vector.broadcast %add3A_394 : i32 to vector<16xi32>
        %add3A_398 = arith.addi %mul3A_10, %add3A_397 : vector<16xi32>
        tpu.vector_store_idx %arg10[%add3A_398], %get3A_396 : memref<25600xf32, #tpu.memory_space<vmem>>[vector<16xi32>], vector<16xf32>,
        %get3A_399 = arith.index_cast %add3A_392 : i32 to index
        %get3A_400 = arith.constant 16 : index
        %get3A_401 = tpu.vector_load %arg9[%get3A_399, %get3A_400] {strides = array<i32>} : memref<832x64xf32, #tpu.memory_space<vmem>>, vector<16xf32>,
        %add3A_402 = vector.broadcast %add3A_394 : i32 to vector<16xi32>
        %add3A_403 = arith.addi %mul3A_16, %add3A_402 : vector<16xi32>
        tpu.vector_store_idx %arg10[%add3A_403], %get3A_401 : memref<25600xf32, #tpu.memory_space<vmem>>[vector<16xi32>], vector<16xf32>,
        %get3A_404 = arith.index_cast %add3A_392 : i32 to index
        %get3A_405 = arith.constant 32 : index
        %get3A_406 = tpu.vector_load %arg9[%get3A_404, %get3A_405] {strides = array<i32>} : memref<832x64xf32, #tpu.memory_space<vmem>>, vector<16xf32>,
        %add3A_407 = vector.broadcast %add3A_394 : i32 to vector<16xi32>
        %add3A_408 = arith.addi %mul3A_22, %add3A_407 : vector<16xi32>
        tpu.vector_store_idx %arg10[%add3A_408], %get3A_406 : memref<25600xf32, #tpu.memory_space<vmem>>[vector<16xi32>], vector<16xf32>,
        %get3A_409 = arith.index_cast %add3A_392 : i32 to index
        %get3A_410 = arith.constant 48 : index
        %get3A_411 = tpu.vector_load %arg9[%get3A_409, %get3A_410] {strides = array<i32>} : memref<832x64xf32, #tpu.memory_space<vmem>>, vector<16xf32>,
        %add3A_412 = vector.broadcast %add3A_394 : i32 to vector<16xi32>
        %add3A_413 = arith.addi %mul3A_28, %add3A_412 : vector<16xi32>
        tpu.vector_store_idx %arg10[%add3A_413], %get3A_411 : memref<25600xf32, #tpu.memory_space<vmem>>[vector<16xi32>], vector<16xf32>,
        %mul3A_414 = arith.constant 4 : i32
        %mul3A_415 = arith.muli %scan3A_386, %mul3A_414 : i32
        %add3A_416 = arith.constant 1 : i32
        %add3A_417 = arith.addi %mul3A_415, %add3A_416 : i32
        %add3A_418 = arith.constant 416 : i32
        %add3A_419 = arith.addi %add3A_418, %add3A_417 : i32
        %add3A_420 = arith.constant 0 : i32
        %add3A_421 = arith.addi %add3A_420, %add3A_417 : i32
        %get3A_422 = arith.index_cast %add3A_419 : i32 to index
        %get3A_423 = arith.constant 0 : index
        %get3A_424 = tpu.vector_load %arg9[%get3A_422, %get3A_423] {strides = array<i32>} : memref<832x64xf32, #tpu.memory_space<vmem>>, vector<16xf32>,
        %add3A_425 = vector.broadcast %add3A_421 : i32 to vector<16xi32>
        %add3A_426 = arith.addi %mul3A_10, %add3A_425 : vector<16xi32>
        tpu.vector_store_idx %arg10[%add3A_426], %get3A_424 : memref<25600xf32, #tpu.memory_space<vmem>>[vector<16xi32>], vector<16xf32>,
        %get3A_427 = arith.index_cast %add3A_419 : i32 to index
        %get3A_428 = arith.constant 16 : index
        %get3A_429 = tpu.vector_load %arg9[%get3A_427, %get3A_428] {strides = array<i32>} : memref<832x64xf32, #tpu.memory_space<vmem>>, vector<16xf32>,
        %add3A_430 = vector.broadcast %add3A_421 : i32 to vector<16xi32>
        %add3A_431 = arith.addi %mul3A_16, %add3A_430 : vector<16xi32>
        tpu.vector_store_idx %arg10[%add3A_431], %get3A_429 : memref<25600xf32, #tpu.memory_space<vmem>>[vector<16xi32>], vector<16xf32>,
        %get3A_432 = arith.index_cast %add3A_419 : i32 to index
        %get3A_433 = arith.constant 32 : index
        %get3A_434 = tpu.vector_load %arg9[%get3A_432, %get3A_433] {strides = array<i32>} : memref<832x64xf32, #tpu.memory_space<vmem>>, vector<16xf32>,
        %add3A_435 = vector.broadcast %add3A_421 : i32 to vector<16xi32>
        %add3A_436 = arith.addi %mul3A_22, %add3A_435 : vector<16xi32>
        tpu.vector_store_idx %arg10[%add3A_436], %get3A_434 : memref<25600xf32, #tpu.memory_space<vmem>>[vector<16xi32>], vector<16xf32>,
        %get3A_437 = arith.index_cast %add3A_419 : i32 to index
        %get3A_438 = arith.constant 48 : index
        %get3A_439 = tpu.vector_load %arg9[%get3A_437, %get3A_438] {strides = array<i32>} : memref<832x64xf32, #tpu.memory_space<vmem>>, vector<16xf32>,
        %add3A_440 = vector.broadcast %add3A_421 : i32 to vector<16xi32>
        %add3A_441 = arith.addi %mul3A_28, %add3A_440 : vector<16xi32>
        tpu.vector_store_idx %arg10[%add3A_441], %get3A_439 : memref<25600xf32, #tpu.memory_space<vmem>>[vector<16xi32>], vector<16xf32>,
        %mul3A_442 = arith.constant 4 : i32
        %mul3A_443 = arith.muli %scan3A_386, %mul3A_442 : i32
        %add3A_444 = arith.constant 2 : i32
        %add3A_445 = arith.addi %mul3A_443, %add3A_444 : i32
        %add3A_446 = arith.constant 416 : i32
        %add3A_447 = arith.addi %add3A_446, %add3A_445 : i32
        %add3A_448 = arith.constant 0 : i32
        %add3A_449 = arith.addi %add3A_448, %add3A_445 : i32
        %get3A_450 = arith.index_cast %add3A_447 : i32 to index
        %get3A_451 = arith.constant 0 : index
        %get3A_452 = tpu.vector_load %arg9[%get3A_450, %get3A_451] {strides = array<i32>} : memref<832x64xf32, #tpu.memory_space<vmem>>, vector<16xf32>,
        %add3A_453 = vector.broadcast %add3A_449 : i32 to vector<16xi32>
        %add3A_454 = arith.addi %mul3A_10, %add3A_453 : vector<16xi32>
        tpu.vector_store_idx %arg10[%add3A_454], %get3A_452 : memref<25600xf32, #tpu.memory_space<vmem>>[vector<16xi32>], vector<16xf32>,
        %get3A_455 = arith.index_cast %add3A_447 : i32 to index
        %get3A_456 = arith.constant 16 : index
        %get3A_457 = tpu.vector_load %arg9[%get3A_455, %get3A_456] {strides = array<i32>} : memref<832x64xf32, #tpu.memory_space<vmem>>, vector<16xf32>,
        %add3A_458 = vector.broadcast %add3A_449 : i32 to vector<16xi32>
        %add3A_459 = arith.addi %mul3A_16, %add3A_458 : vector<16xi32>
        tpu.vector_store_idx %arg10[%add3A_459], %get3A_457 : memref<25600xf32, #tpu.memory_space<vmem>>[vector<16xi32>], vector<16xf32>,
        %get3A_460 = arith.index_cast %add3A_447 : i32 to index
        %get3A_461 = arith.constant 32 : index
        %get3A_462 = tpu.vector_load %arg9[%get3A_460, %get3A_461] {strides = array<i32>} : memref<832x64xf32, #tpu.memory_space<vmem>>, vector<16xf32>,
        %add3A_463 = vector.broadcast %add3A_449 : i32 to vector<16xi32>
        %add3A_464 = arith.addi %mul3A_22, %add3A_463 : vector<16xi32>
        tpu.vector_store_idx %arg10[%add3A_464], %get3A_462 : memref<25600xf32, #tpu.memory_space<vmem>>[vector<16xi32>], vector<16xf32>,
        %get3A_465 = arith.index_cast %add3A_447 : i32 to index
        %get3A_466 = arith.constant 48 : index
        %get3A_467 = tpu.vector_load %arg9[%get3A_465, %get3A_466] {strides = array<i32>} : memref<832x64xf32, #tpu.memory_space<vmem>>, vector<16xf32>,
        %add3A_468 = vector.broadcast %add3A_449 : i32 to vector<16xi32>
        %add3A_469 = arith.addi %mul3A_28, %add3A_468 : vector<16xi32>
        tpu.vector_store_idx %arg10[%add3A_469], %get3A_467 : memref<25600xf32, #tpu.memory_space<vmem>>[vector<16xi32>], vector<16xf32>,
        %mul3A_470 = arith.constant 4 : i32
        %mul3A_471 = arith.muli %scan3A_386, %mul3A_470 : i32
        %add3A_472 = arith.constant 3 : i32
        %add3A_473 = arith.addi %mul3A_471, %add3A_472 : i32
        %add3A_474 = arith.constant 416 : i32
        %add3A_475 = arith.addi %add3A_474, %add3A_473 : i32
        %add3A_476 = arith.constant 0 : i32
        %add3A_477 = arith.addi %add3A_476, %add3A_473 : i32
        %get3A_478 = arith.index_cast %add3A_475 : i32 to index
        %get3A_479 = arith.constant 0 : index
        %get3A_480 = tpu.vector_load %arg9[%get3A_478, %get3A_479] {strides = array<i32>} : memref<832x64xf32, #tpu.memory_space<vmem>>, vector<16xf32>,
        %add3A_481 = vector.broadcast %add3A_477 : i32 to vector<16xi32>
        %add3A_482 = arith.addi %mul3A_10, %add3A_481 : vector<16xi32>
        tpu.vector_store_idx %arg10[%add3A_482], %get3A_480 : memref<25600xf32, #tpu.memory_space<vmem>>[vector<16xi32>], vector<16xf32>,
        %get3A_483 = arith.index_cast %add3A_475 : i32 to index
        %get3A_484 = arith.constant 16 : index
        %get3A_485 = tpu.vector_load %arg9[%get3A_483, %get3A_484] {strides = array<i32>} : memref<832x64xf32, #tpu.memory_space<vmem>>, vector<16xf32>,
        %add3A_486 = vector.broadcast %add3A_477 : i32 to vector<16xi32>
        %add3A_487 = arith.addi %mul3A_16, %add3A_486 : vector<16xi32>
        tpu.vector_store_idx %arg10[%add3A_487], %get3A_485 : memref<25600xf32, #tpu.memory_space<vmem>>[vector<16xi32>], vector<16xf32>,
        %get3A_488 = arith.index_cast %add3A_475 : i32 to index
        %get3A_489 = arith.constant 32 : index
        %get3A_490 = tpu.vector_load %arg9[%get3A_488, %get3A_489] {strides = array<i32>} : memref<832x64xf32, #tpu.memory_space<vmem>>, vector<16xf32>,
        %add3A_491 = vector.broadcast %add3A_477 : i32 to vector<16xi32>
        %add3A_492 = arith.addi %mul3A_22, %add3A_491 : vector<16xi32>
        tpu.vector_store_idx %arg10[%add3A_492], %get3A_490 : memref<25600xf32, #tpu.memory_space<vmem>>[vector<16xi32>], vector<16xf32>,
        %get3A_493 = arith.index_cast %add3A_475 : i32 to index
        %get3A_494 = arith.constant 48 : index
        %get3A_495 = tpu.vector_load %arg9[%get3A_493, %get3A_494] {strides = array<i32>} : memref<832x64xf32, #tpu.memory_space<vmem>>, vector<16xf32>,
        %add3A_496 = vector.broadcast %add3A_477 : i32 to vector<16xi32>
        %add3A_497 = arith.addi %mul3A_28, %add3A_496 : vector<16xi32>
        tpu.vector_store_idx %arg10[%add3A_497], %get3A_495 : memref<25600xf32, #tpu.memory_space<vmem>>[vector<16xi32>], vector<16xf32>,
      }
      %scan3A_298 = arith.constant 50 : i32
      %lt3A_299 = arith.constant 96 : i32
      %lt3A_300 = arith.cmpi slt, %add3A_263, %lt3A_299 : i32
      %convert_element_type3A_301 = arith.extui %lt3A_300 : i1 to i32
      %cond3A_302 = arith.constant 0 : i32
      %cond3A_303 = arith.cmpi ne, %convert_element_type3A_301, %cond3A_302 : i32
      scf.if %cond3A_303 {
        %add3A_386 = arith.constant 4 : i32
        %add3A_387 = arith.addi %add3A_263, %add3A_386 : i32
        %mul3A_388 = arith.constant 208 : i32
        %mul3A_389 = arith.muli %add3A_387, %mul3A_388 : i32
        %dma_start3A_390 = arith.constant 416 : i32
        %dma_start3A_391 = arith.constant 0 : i32
        %dma_start3A_392 = tpu.memref_slice %arg9[%dma_start3A_390, %dma_start3A_391] : memref<832x64xf32, #tpu.memory_space<vmem>> -> memref<104x64xf32, #tpu.memory_space<vmem>>
        %dma_start3A_393 = tpu.memref_slice %arg8[%mul3A_389] : memref<20800xi32, #tpu.memory_space<vmem>> -> memref<104xi32, #tpu.memory_space<vmem>>
        %dma_start3A_394 = arith.constant 0 : i32
        %dma_start3A_395 = arith.constant 0 : i32
        %dma_start3A_396 = tpu.memref_slice %arg2[%dma_start3A_394, %dma_start3A_395] : memref<65536x64xf32, #tpu.memory_space<hbm>> -> memref<65536x64xf32, #tpu.memory_space<hbm>>
        tpu.enqueue_indirect_dma source(%dma_start3A_396 : memref<65536x64xf32, #tpu.memory_space<hbm>>) target(%dma_start3A_392 : memref<104x64xf32, #tpu.memory_space<vmem>>) offsets(%dma_start3A_393 : memref<104xi32, #tpu.memory_space<vmem>>) semaphore(%arg11 : memref<!tpu.dma_semaphore, #tpu.memory_space<semaphore_mem>>)
        %add3A_397 = arith.constant 104 : i32
        %add3A_398 = arith.addi %mul3A_389, %add3A_397 : i32
        %dma_start3A_399 = arith.constant 520 : i32
        %dma_start3A_400 = arith.constant 0 : i32
        %dma_start3A_401 = tpu.memref_slice %arg9[%dma_start3A_399, %dma_start3A_400] : memref<832x64xf32, #tpu.memory_space<vmem>> -> memref<96x64xf32, #tpu.memory_space<vmem>>
        %dma_start3A_402 = tpu.memref_slice %arg8[%add3A_398] : memref<20800xi32, #tpu.memory_space<vmem>> -> memref<96xi32, #tpu.memory_space<vmem>>
        %dma_start3A_403 = arith.constant 0 : i32
        %dma_start3A_404 = arith.constant 0 : i32
        %dma_start3A_405 = tpu.memref_slice %arg2[%dma_start3A_403, %dma_start3A_404] : memref<65536x64xf32, #tpu.memory_space<hbm>> -> memref<65536x64xf32, #tpu.memory_space<hbm>>
        tpu.enqueue_indirect_dma source(%dma_start3A_405 : memref<65536x64xf32, #tpu.memory_space<hbm>>) target(%dma_start3A_401 : memref<96x64xf32, #tpu.memory_space<vmem>>) offsets(%dma_start3A_402 : memref<96xi32, #tpu.memory_space<vmem>>) semaphore(%arg11 : memref<!tpu.dma_semaphore, #tpu.memory_space<semaphore_mem>>)
      } else {
      }
      %add3A_304 = arith.addi %mul3A_0, %add3A_263 : i32
      %dma_start3A_305 = arith.constant 0 : i32
      %dma_start3A_306 = tpu.memref_slice %arg10[%dma_start3A_305] : memref<25600xf32, #tpu.memory_space<vmem>> -> memref<12800xf32, #tpu.memory_space<vmem>>
      %dma_start3A_307 = arith.constant 0 : i32
      %dma_start3A_308 = arith.constant 0 : i32
      %dma_start3A_309 = tpu.memref_slice %arg5[%arg1, %dma_start3A_307, %dma_start3A_308] : memref<16x200x12800xf32, #tpu.memory_space<hbm>> -> memref<1x200x12800xf32, #tpu.memory_space<hbm>>
      %dma_start3A_310 = tpu.memref_squeeze %dma_start3A_309 : memref<1x200x12800xf32, #tpu.memory_space<hbm>> -> memref<200x12800xf32, #tpu.memory_space<hbm>>
      %dma_start3A_311 = arith.constant 0 : i32
      %dma_start3A_312 = tpu.memref_slice %dma_start3A_310[%add3A_304, %dma_start3A_311] : memref<200x12800xf32, #tpu.memory_space<hbm>> -> memref<1x12800xf32, #tpu.memory_space<hbm>>
      %dma_start3A_313 = tpu.memref_squeeze %dma_start3A_312 : memref<1x12800xf32, #tpu.memory_space<hbm>> -> memref<12800xf32, #tpu.memory_space<hbm>>
      %dma_start3A_314 = arith.constant 0 : i32
      %dma_start3A_315 = arith.constant 0 : i32
      %dma_start3A_316 = tpu.memref_slice %arg5[%arg1, %dma_start3A_314, %dma_start3A_315] : memref<16x200x12800xf32, #tpu.memory_space<hbm>> -> memref<1x200x12800xf32, #tpu.memory_space<hbm>>
      %dma_start3A_317 = tpu.memref_squeeze %dma_start3A_316 : memref<1x200x12800xf32, #tpu.memory_space<hbm>> -> memref<200x12800xf32, #tpu.memory_space<hbm>>
      %dma_start3A_318 = arith.constant 0 : i32
      %dma_start3A_319 = tpu.memref_slice %dma_start3A_317[%add3A_304, %dma_start3A_318] : memref<200x12800xf32, #tpu.memory_space<hbm>> -> memref<1x12800xf32, #tpu.memory_space<hbm>>
      %dma_start3A_320 = tpu.memref_squeeze %dma_start3A_319 : memref<1x12800xf32, #tpu.memory_space<hbm>> -> memref<12800xf32, #tpu.memory_space<hbm>>
      %dma_start3A_321 = arith.constant 0 : i32
      %dma_start3A_322 = tpu.memref_slice %arg10[%dma_start3A_321] : memref<25600xf32, #tpu.memory_space<vmem>> -> memref<12800xf32, #tpu.memory_space<vmem>>
      tpu.enqueue_dma source(%dma_start3A_322 : memref<12800xf32, #tpu.memory_space<vmem>>) target(%dma_start3A_320 : memref<12800xf32, #tpu.memory_space<hbm>>) target_semaphore(%arg12 : memref<!tpu.dma_semaphore, #tpu.memory_space<semaphore_mem>>)
      %mul3A_323 = arith.constant 4 : i32
      %mul3A_324 = arith.muli %mul3A_323, %scan3A_137 : i32
      %add3A_325 = arith.constant 3 : i32
      %add3A_326 = arith.addi %mul3A_324, %add3A_325 : i32
      %ge3A_327 = arith.constant 2 : i32
      %ge3A_328 = arith.cmpi sge, %add3A_326, %ge3A_327 : i32
      %convert_element_type3A_329 = arith.extui %ge3A_328 : i1 to i32
      %cond3A_330 = arith.constant 0 : i32
      %cond3A_331 = arith.cmpi ne, %convert_element_type3A_329, %cond3A_330 : i32
      scf.if %cond3A_331 {
        %dma_wait3A_386 = arith.constant 0 : i32
        %dma_wait3A_387 = arith.constant 0 : i32
        %dma_wait3A_388 = arith.constant 12800 : i32
        %dma_wait3A_389 = tpu.memref_slice %arg10[%dma_wait3A_388] : memref<25600xf32, #tpu.memory_space<vmem>> -> memref<12800xf32, #tpu.memory_space<vmem>>
        %dma_wait3A_390 = arith.constant 0 : i32
        %dma_wait3A_391 = arith.constant 0 : i32
        %dma_wait3A_392 = tpu.memref_slice %arg5[%dma_wait3A_386, %dma_wait3A_390, %dma_wait3A_391] : memref<16x200x12800xf32, #tpu.memory_space<hbm>> -> memref<1x200x12800xf32, #tpu.memory_space<hbm>>
        %dma_wait3A_393 = tpu.memref_squeeze %dma_wait3A_392 : memref<1x200x12800xf32, #tpu.memory_space<hbm>> -> memref<200x12800xf32, #tpu.memory_space<hbm>>
        %dma_wait3A_394 = arith.constant 0 : i32
        %dma_wait3A_395 = tpu.memref_slice %dma_wait3A_393[%dma_wait3A_387, %dma_wait3A_394] : memref<200x12800xf32, #tpu.memory_space<hbm>> -> memref<1x12800xf32, #tpu.memory_space<hbm>>
        %dma_wait3A_396 = tpu.memref_squeeze %dma_wait3A_395 : memref<1x12800xf32, #tpu.memory_space<hbm>> -> memref<12800xf32, #tpu.memory_space<hbm>>
        %dma_wait3A_397 = arith.constant 12800 : i32
        %dma_wait3A_398 = tpu.memref_slice %arg10[%dma_wait3A_397] : memref<25600xf32, #tpu.memory_space<vmem>> -> memref<12800xf32, #tpu.memory_space<vmem>>
        %dma_wait3A_399 = arith.constant 0 : i32
        %dma_wait3A_400 = arith.constant 0 : i32
        %dma_wait3A_401 = tpu.memref_slice %arg5[%dma_wait3A_386, %dma_wait3A_399, %dma_wait3A_400] : memref<16x200x12800xf32, #tpu.memory_space<hbm>> -> memref<1x200x12800xf32, #tpu.memory_space<hbm>>
        %dma_wait3A_402 = tpu.memref_squeeze %dma_wait3A_401 : memref<1x200x12800xf32, #tpu.memory_space<hbm>> -> memref<200x12800xf32, #tpu.memory_space<hbm>>
        %dma_wait3A_403 = arith.constant 0 : i32
        %dma_wait3A_404 = tpu.memref_slice %dma_wait3A_402[%dma_wait3A_387, %dma_wait3A_403] : memref<200x12800xf32, #tpu.memory_space<hbm>> -> memref<1x12800xf32, #tpu.memory_space<hbm>>
        %dma_wait3A_405 = tpu.memref_squeeze %dma_wait3A_404 : memref<1x12800xf32, #tpu.memory_space<hbm>> -> memref<12800xf32, #tpu.memory_space<hbm>>
        tpu.wait_dma2 semaphore(%arg12 : memref<!tpu.dma_semaphore, #tpu.memory_space<semaphore_mem>>) src(%dma_wait3A_405 : memref<12800xf32, #tpu.memory_space<hbm>>) dst(%dma_wait3A_398 : memref<12800xf32, #tpu.memory_space<vmem>>)
      } else {
      }
      %dma_wait3A_332 = arith.constant 624 : i32
      %dma_wait3A_333 = arith.constant 0 : i32
      %dma_wait3A_334 = tpu.memref_slice %arg9[%dma_wait3A_332, %dma_wait3A_333] : memref<832x64xf32, #tpu.memory_space<vmem>> -> memref<104x64xf32, #tpu.memory_space<vmem>>
      %dma_wait3A_335 = arith.constant 0 : i32
      %dma_wait3A_336 = arith.constant 0 : i32
      %dma_wait3A_337 = tpu.memref_slice %arg2[%dma_wait3A_335, %dma_wait3A_336] : memref<65536x64xf32, #tpu.memory_space<hbm>> -> memref<104x64xf32, #tpu.memory_space<hbm>>
      %dma_wait3A_338 = arith.constant 624 : i32
      %dma_wait3A_339 = arith.constant 0 : i32
      %dma_wait3A_340 = tpu.memref_slice %arg9[%dma_wait3A_338, %dma_wait3A_339] : memref<832x64xf32, #tpu.memory_space<vmem>> -> memref<104x64xf32, #tpu.memory_space<vmem>>
      %dma_wait3A_341 = arith.constant 0 : i32
      %dma_wait3A_342 = arith.constant 0 : i32
      %dma_wait3A_343 = tpu.memref_slice %arg2[%dma_wait3A_341, %dma_wait3A_342] : memref<65536x64xf32, #tpu.memory_space<hbm>> -> memref<104x64xf32, #tpu.memory_space<hbm>>
      tpu.wait_dma2 semaphore(%arg11 : memref<!tpu.dma_semaphore, #tpu.memory_space<semaphore_mem>>) src(%dma_wait3A_343 : memref<104x64xf32, #tpu.memory_space<hbm>>) dst(%dma_wait3A_340 : memref<104x64xf32, #tpu.memory_space<vmem>>)
      %dma_wait3A_344 = arith.constant 728 : i32
      %dma_wait3A_345 = arith.constant 0 : i32
      %dma_wait3A_346 = tpu.memref_slice %arg9[%dma_wait3A_344, %dma_wait3A_345] : memref<832x64xf32, #tpu.memory_space<vmem>> -> memref<96x64xf32, #tpu.memory_space<vmem>>
      %dma_wait3A_347 = arith.constant 0 : i32
      %dma_wait3A_348 = arith.constant 0 : i32
      %dma_wait3A_349 = tpu.memref_slice %arg2[%dma_wait3A_347, %dma_wait3A_348] : memref<65536x64xf32, #tpu.memory_space<hbm>> -> memref<96x64xf32, #tpu.memory_space<hbm>>
      %dma_wait3A_350 = arith.constant 728 : i32
      %dma_wait3A_351 = arith.constant 0 : i32
      %dma_wait3A_352 = tpu.memref_slice %arg9[%dma_wait3A_350, %dma_wait3A_351] : memref<832x64xf32, #tpu.memory_space<vmem>> -> memref<96x64xf32, #tpu.memory_space<vmem>>
      %dma_wait3A_353 = arith.constant 0 : i32
      %dma_wait3A_354 = arith.constant 0 : i32
      %dma_wait3A_355 = tpu.memref_slice %arg2[%dma_wait3A_353, %dma_wait3A_354] : memref<65536x64xf32, #tpu.memory_space<hbm>> -> memref<96x64xf32, #tpu.memory_space<hbm>>
      tpu.wait_dma2 semaphore(%arg11 : memref<!tpu.dma_semaphore, #tpu.memory_space<semaphore_mem>>) src(%dma_wait3A_355 : memref<96x64xf32, #tpu.memory_space<hbm>>) dst(%dma_wait3A_352 : memref<96x64xf32, #tpu.memory_space<vmem>>)
      %scan3A_356 = arith.constant 0 : i32
      %scan3A_357 = arith.constant 0 : i32
      %scan3A_358 = arith.constant 50 : i32
      %scan3A_359 = arith.addi %scan3A_357, %scan3A_358 : i32
      %scan3A_360 = arith.constant 1 : i32
      scf.for %scan3A_386 = %scan3A_357 to %scan3A_359 step %scan3A_360  : i32 {
        %mul3A_387 = arith.constant 4 : i32
        %mul3A_388 = arith.muli %scan3A_386, %mul3A_387 : i32
        %add3A_389 = arith.constant 0 : i32
        %add3A_390 = arith.addi %mul3A_388, %add3A_389 : i32
        %add3A_391 = arith.constant 624 : i32
        %add3A_392 = arith.addi %add3A_391, %add3A_390 : i32
        %add3A_393 = arith.constant 12800 : i32
        %add3A_394 = arith.addi %add3A_393, %add3A_390 : i32
        %get3A = arith.index_cast %add3A_392 : i32 to index
        %get3A_395 = arith.constant 0 : index
        %get3A_396 = tpu.vector_load %arg9[%get3A, %get3A_395] {strides = array<i32>} : memref<832x64xf32, #tpu.memory_space<vmem>>, vector<16xf32>,
        %add3A_397 = vector.broadcast %add3A_394 : i32 to vector<16xi32>
        %add3A_398 = arith.addi %mul3A_10, %add3A_397 : vector<16xi32>
        tpu.vector_store_idx %arg10[%add3A_398], %get3A_396 : memref<25600xf32, #tpu.memory_space<vmem>>[vector<16xi32>], vector<16xf32>,
        %get3A_399 = arith.index_cast %add3A_392 : i32 to index
        %get3A_400 = arith.constant 16 : index
        %get3A_401 = tpu.vector_load %arg9[%get3A_399, %get3A_400] {strides = array<i32>} : memref<832x64xf32, #tpu.memory_space<vmem>>, vector<16xf32>,
        %add3A_402 = vector.broadcast %add3A_394 : i32 to vector<16xi32>
        %add3A_403 = arith.addi %mul3A_16, %add3A_402 : vector<16xi32>
        tpu.vector_store_idx %arg10[%add3A_403], %get3A_401 : memref<25600xf32, #tpu.memory_space<vmem>>[vector<16xi32>], vector<16xf32>,
        %get3A_404 = arith.index_cast %add3A_392 : i32 to index
        %get3A_405 = arith.constant 32 : index
        %get3A_406 = tpu.vector_load %arg9[%get3A_404, %get3A_405] {strides = array<i32>} : memref<832x64xf32, #tpu.memory_space<vmem>>, vector<16xf32>,
        %add3A_407 = vector.broadcast %add3A_394 : i32 to vector<16xi32>
        %add3A_408 = arith.addi %mul3A_22, %add3A_407 : vector<16xi32>
        tpu.vector_store_idx %arg10[%add3A_408], %get3A_406 : memref<25600xf32, #tpu.memory_space<vmem>>[vector<16xi32>], vector<16xf32>,
        %get3A_409 = arith.index_cast %add3A_392 : i32 to index
        %get3A_410 = arith.constant 48 : index
        %get3A_411 = tpu.vector_load %arg9[%get3A_409, %get3A_410] {strides = array<i32>} : memref<832x64xf32, #tpu.memory_space<vmem>>, vector<16xf32>,
        %add3A_412 = vector.broadcast %add3A_394 : i32 to vector<16xi32>
        %add3A_413 = arith.addi %mul3A_28, %add3A_412 : vector<16xi32>
        tpu.vector_store_idx %arg10[%add3A_413], %get3A_411 : memref<25600xf32, #tpu.memory_space<vmem>>[vector<16xi32>], vector<16xf32>,
        %mul3A_414 = arith.constant 4 : i32
        %mul3A_415 = arith.muli %scan3A_386, %mul3A_414 : i32
        %add3A_416 = arith.constant 1 : i32
        %add3A_417 = arith.addi %mul3A_415, %add3A_416 : i32
        %add3A_418 = arith.constant 624 : i32
        %add3A_419 = arith.addi %add3A_418, %add3A_417 : i32
        %add3A_420 = arith.constant 12800 : i32
        %add3A_421 = arith.addi %add3A_420, %add3A_417 : i32
        %get3A_422 = arith.index_cast %add3A_419 : i32 to index
        %get3A_423 = arith.constant 0 : index
        %get3A_424 = tpu.vector_load %arg9[%get3A_422, %get3A_423] {strides = array<i32>} : memref<832x64xf32, #tpu.memory_space<vmem>>, vector<16xf32>,
        %add3A_425 = vector.broadcast %add3A_421 : i32 to vector<16xi32>
        %add3A_426 = arith.addi %mul3A_10, %add3A_425 : vector<16xi32>
        tpu.vector_store_idx %arg10[%add3A_426], %get3A_424 : memref<25600xf32, #tpu.memory_space<vmem>>[vector<16xi32>], vector<16xf32>,
        %get3A_427 = arith.index_cast %add3A_419 : i32 to index
        %get3A_428 = arith.constant 16 : index
        %get3A_429 = tpu.vector_load %arg9[%get3A_427, %get3A_428] {strides = array<i32>} : memref<832x64xf32, #tpu.memory_space<vmem>>, vector<16xf32>,
        %add3A_430 = vector.broadcast %add3A_421 : i32 to vector<16xi32>
        %add3A_431 = arith.addi %mul3A_16, %add3A_430 : vector<16xi32>
        tpu.vector_store_idx %arg10[%add3A_431], %get3A_429 : memref<25600xf32, #tpu.memory_space<vmem>>[vector<16xi32>], vector<16xf32>,
        %get3A_432 = arith.index_cast %add3A_419 : i32 to index
        %get3A_433 = arith.constant 32 : index
        %get3A_434 = tpu.vector_load %arg9[%get3A_432, %get3A_433] {strides = array<i32>} : memref<832x64xf32, #tpu.memory_space<vmem>>, vector<16xf32>,
        %add3A_435 = vector.broadcast %add3A_421 : i32 to vector<16xi32>
        %add3A_436 = arith.addi %mul3A_22, %add3A_435 : vector<16xi32>
        tpu.vector_store_idx %arg10[%add3A_436], %get3A_434 : memref<25600xf32, #tpu.memory_space<vmem>>[vector<16xi32>], vector<16xf32>,
        %get3A_437 = arith.index_cast %add3A_419 : i32 to index
        %get3A_438 = arith.constant 48 : index
        %get3A_439 = tpu.vector_load %arg9[%get3A_437, %get3A_438] {strides = array<i32>} : memref<832x64xf32, #tpu.memory_space<vmem>>, vector<16xf32>,
        %add3A_440 = vector.broadcast %add3A_421 : i32 to vector<16xi32>
        %add3A_441 = arith.addi %mul3A_28, %add3A_440 : vector<16xi32>
        tpu.vector_store_idx %arg10[%add3A_441], %get3A_439 : memref<25600xf32, #tpu.memory_space<vmem>>[vector<16xi32>], vector<16xf32>,
        %mul3A_442 = arith.constant 4 : i32
        %mul3A_443 = arith.muli %scan3A_386, %mul3A_442 : i32
        %add3A_444 = arith.constant 2 : i32
        %add3A_445 = arith.addi %mul3A_443, %add3A_444 : i32
        %add3A_446 = arith.constant 624 : i32
        %add3A_447 = arith.addi %add3A_446, %add3A_445 : i32
        %add3A_448 = arith.constant 12800 : i32
        %add3A_449 = arith.addi %add3A_448, %add3A_445 : i32
        %get3A_450 = arith.index_cast %add3A_447 : i32 to index
        %get3A_451 = arith.constant 0 : index
        %get3A_452 = tpu.vector_load %arg9[%get3A_450, %get3A_451] {strides = array<i32>} : memref<832x64xf32, #tpu.memory_space<vmem>>, vector<16xf32>,
        %add3A_453 = vector.broadcast %add3A_449 : i32 to vector<16xi32>
        %add3A_454 = arith.addi %mul3A_10, %add3A_453 : vector<16xi32>
        tpu.vector_store_idx %arg10[%add3A_454], %get3A_452 : memref<25600xf32, #tpu.memory_space<vmem>>[vector<16xi32>], vector<16xf32>,
        %get3A_455 = arith.index_cast %add3A_447 : i32 to index
        %get3A_456 = arith.constant 16 : index
        %get3A_457 = tpu.vector_load %arg9[%get3A_455, %get3A_456] {strides = array<i32>} : memref<832x64xf32, #tpu.memory_space<vmem>>, vector<16xf32>,
        %add3A_458 = vector.broadcast %add3A_449 : i32 to vector<16xi32>
        %add3A_459 = arith.addi %mul3A_16, %add3A_458 : vector<16xi32>
        tpu.vector_store_idx %arg10[%add3A_459], %get3A_457 : memref<25600xf32, #tpu.memory_space<vmem>>[vector<16xi32>], vector<16xf32>,
        %get3A_460 = arith.index_cast %add3A_447 : i32 to index
        %get3A_461 = arith.constant 32 : index
        %get3A_462 = tpu.vector_load %arg9[%get3A_460, %get3A_461] {strides = array<i32>} : memref<832x64xf32, #tpu.memory_space<vmem>>, vector<16xf32>,
        %add3A_463 = vector.broadcast %add3A_449 : i32 to vector<16xi32>
        %add3A_464 = arith.addi %mul3A_22, %add3A_463 : vector<16xi32>
        tpu.vector_store_idx %arg10[%add3A_464], %get3A_462 : memref<25600xf32, #tpu.memory_space<vmem>>[vector<16xi32>], vector<16xf32>,
        %get3A_465 = arith.index_cast %add3A_447 : i32 to index
        %get3A_466 = arith.constant 48 : index
        %get3A_467 = tpu.vector_load %arg9[%get3A_465, %get3A_466] {strides = array<i32>} : memref<832x64xf32, #tpu.memory_space<vmem>>, vector<16xf32>,
        %add3A_468 = vector.broadcast %add3A_449 : i32 to vector<16xi32>
        %add3A_469 = arith.addi %mul3A_28, %add3A_468 : vector<16xi32>
        tpu.vector_store_idx %arg10[%add3A_469], %get3A_467 : memref<25600xf32, #tpu.memory_space<vmem>>[vector<16xi32>], vector<16xf32>,
        %mul3A_470 = arith.constant 4 : i32
        %mul3A_471 = arith.muli %scan3A_386, %mul3A_470 : i32
        %add3A_472 = arith.constant 3 : i32
        %add3A_473 = arith.addi %mul3A_471, %add3A_472 : i32
        %add3A_474 = arith.constant 624 : i32
        %add3A_475 = arith.addi %add3A_474, %add3A_473 : i32
        %add3A_476 = arith.constant 12800 : i32
        %add3A_477 = arith.addi %add3A_476, %add3A_473 : i32
        %get3A_478 = arith.index_cast %add3A_475 : i32 to index
        %get3A_479 = arith.constant 0 : index
        %get3A_480 = tpu.vector_load %arg9[%get3A_478, %get3A_479] {strides = array<i32>} : memref<832x64xf32, #tpu.memory_space<vmem>>, vector<16xf32>,
        %add3A_481 = vector.broadcast %add3A_477 : i32 to vector<16xi32>
        %add3A_482 = arith.addi %mul3A_10, %add3A_481 : vector<16xi32>
        tpu.vector_store_idx %arg10[%add3A_482], %get3A_480 : memref<25600xf32, #tpu.memory_space<vmem>>[vector<16xi32>], vector<16xf32>,
        %get3A_483 = arith.index_cast %add3A_475 : i32 to index
        %get3A_484 = arith.constant 16 : index
        %get3A_485 = tpu.vector_load %arg9[%get3A_483, %get3A_484] {strides = array<i32>} : memref<832x64xf32, #tpu.memory_space<vmem>>, vector<16xf32>,
        %add3A_486 = vector.broadcast %add3A_477 : i32 to vector<16xi32>
        %add3A_487 = arith.addi %mul3A_16, %add3A_486 : vector<16xi32>
        tpu.vector_store_idx %arg10[%add3A_487], %get3A_485 : memref<25600xf32, #tpu.memory_space<vmem>>[vector<16xi32>], vector<16xf32>,
        %get3A_488 = arith.index_cast %add3A_475 : i32 to index
        %get3A_489 = arith.constant 32 : index
        %get3A_490 = tpu.vector_load %arg9[%get3A_488, %get3A_489] {strides = array<i32>} : memref<832x64xf32, #tpu.memory_space<vmem>>, vector<16xf32>,
        %add3A_491 = vector.broadcast %add3A_477 : i32 to vector<16xi32>
        %add3A_492 = arith.addi %mul3A_22, %add3A_491 : vector<16xi32>
        tpu.vector_store_idx %arg10[%add3A_492], %get3A_490 : memref<25600xf32, #tpu.memory_space<vmem>>[vector<16xi32>], vector<16xf32>,
        %get3A_493 = arith.index_cast %add3A_475 : i32 to index
        %get3A_494 = arith.constant 48 : index
        %get3A_495 = tpu.vector_load %arg9[%get3A_493, %get3A_494] {strides = array<i32>} : memref<832x64xf32, #tpu.memory_space<vmem>>, vector<16xf32>,
        %add3A_496 = vector.broadcast %add3A_477 : i32 to vector<16xi32>
        %add3A_497 = arith.addi %mul3A_28, %add3A_496 : vector<16xi32>
        tpu.vector_store_idx %arg10[%add3A_497], %get3A_495 : memref<25600xf32, #tpu.memory_space<vmem>>[vector<16xi32>], vector<16xf32>,
      }
      %scan3A_361 = arith.constant 50 : i32
      %lt3A_362 = arith.constant 96 : i32
      %lt3A_363 = arith.cmpi slt, %add3A_326, %lt3A_362 : i32
      %convert_element_type3A_364 = arith.extui %lt3A_363 : i1 to i32
      %cond3A_365 = arith.constant 0 : i32
      %cond3A_366 = arith.cmpi ne, %convert_element_type3A_364, %cond3A_365 : i32
      scf.if %cond3A_366 {
        %add3A_386 = arith.constant 4 : i32
        %add3A_387 = arith.addi %add3A_326, %add3A_386 : i32
        %mul3A_388 = arith.constant 208 : i32
        %mul3A_389 = arith.muli %add3A_387, %mul3A_388 : i32
        %dma_start3A_390 = arith.constant 624 : i32
        %dma_start3A_391 = arith.constant 0 : i32
        %dma_start3A_392 = tpu.memref_slice %arg9[%dma_start3A_390, %dma_start3A_391] : memref<832x64xf32, #tpu.memory_space<vmem>> -> memref<104x64xf32, #tpu.memory_space<vmem>>
        %dma_start3A_393 = tpu.memref_slice %arg8[%mul3A_389] : memref<20800xi32, #tpu.memory_space<vmem>> -> memref<104xi32, #tpu.memory_space<vmem>>
        %dma_start3A_394 = arith.constant 0 : i32
        %dma_start3A_395 = arith.constant 0 : i32
        %dma_start3A_396 = tpu.memref_slice %arg2[%dma_start3A_394, %dma_start3A_395] : memref<65536x64xf32, #tpu.memory_space<hbm>> -> memref<65536x64xf32, #tpu.memory_space<hbm>>
        tpu.enqueue_indirect_dma source(%dma_start3A_396 : memref<65536x64xf32, #tpu.memory_space<hbm>>) target(%dma_start3A_392 : memref<104x64xf32, #tpu.memory_space<vmem>>) offsets(%dma_start3A_393 : memref<104xi32, #tpu.memory_space<vmem>>) semaphore(%arg11 : memref<!tpu.dma_semaphore, #tpu.memory_space<semaphore_mem>>)
        %add3A_397 = arith.constant 104 : i32
        %add3A_398 = arith.addi %mul3A_389, %add3A_397 : i32
        %dma_start3A_399 = arith.constant 728 : i32
        %dma_start3A_400 = arith.constant 0 : i32
        %dma_start3A_401 = tpu.memref_slice %arg9[%dma_start3A_399, %dma_start3A_400] : memref<832x64xf32, #tpu.memory_space<vmem>> -> memref<96x64xf32, #tpu.memory_space<vmem>>
        %dma_start3A_402 = tpu.memref_slice %arg8[%add3A_398] : memref<20800xi32, #tpu.memory_space<vmem>> -> memref<96xi32, #tpu.memory_space<vmem>>
        %dma_start3A_403 = arith.constant 0 : i32
        %dma_start3A_404 = arith.constant 0 : i32
        %dma_start3A_405 = tpu.memref_slice %arg2[%dma_start3A_403, %dma_start3A_404] : memref<65536x64xf32, #tpu.memory_space<hbm>> -> memref<65536x64xf32, #tpu.memory_space<hbm>>
        tpu.enqueue_indirect_dma source(%dma_start3A_405 : memref<65536x64xf32, #tpu.memory_space<hbm>>) target(%dma_start3A_401 : memref<96x64xf32, #tpu.memory_space<vmem>>) offsets(%dma_start3A_402 : memref<96xi32, #tpu.memory_space<vmem>>) semaphore(%arg11 : memref<!tpu.dma_semaphore, #tpu.memory_space<semaphore_mem>>)
      } else {
      }
      %add3A_367 = arith.addi %mul3A_0, %add3A_326 : i32
      %dma_start3A_368 = arith.constant 12800 : i32
      %dma_start3A_369 = tpu.memref_slice %arg10[%dma_start3A_368] : memref<25600xf32, #tpu.memory_space<vmem>> -> memref<12800xf32, #tpu.memory_space<vmem>>
      %dma_start3A_370 = arith.constant 0 : i32
      %dma_start3A_371 = arith.constant 0 : i32
      %dma_start3A_372 = tpu.memref_slice %arg5[%arg1, %dma_start3A_370, %dma_start3A_371] : memref<16x200x12800xf32, #tpu.memory_space<hbm>> -> memref<1x200x12800xf32, #tpu.memory_space<hbm>>
      %dma_start3A_373 = tpu.memref_squeeze %dma_start3A_372 : memref<1x200x12800xf32, #tpu.memory_space<hbm>> -> memref<200x12800xf32, #tpu.memory_space<hbm>>
      %dma_start3A_374 = arith.constant 0 : i32
      %dma_start3A_375 = tpu.memref_slice %dma_start3A_373[%add3A_367, %dma_start3A_374] : memref<200x12800xf32, #tpu.memory_space<hbm>> -> memref<1x12800xf32, #tpu.memory_space<hbm>>
      %dma_start3A_376 = tpu.memref_squeeze %dma_start3A_375 : memref<1x12800xf32, #tpu.memory_space<hbm>> -> memref<12800xf32, #tpu.memory_space<hbm>>
      %dma_start3A_377 = arith.constant 0 : i32
      %dma_start3A_378 = arith.constant 0 : i32
      %dma_start3A_379 = tpu.memref_slice %arg5[%arg1, %dma_start3A_377, %dma_start3A_378] : memref<16x200x12800xf32, #tpu.memory_space<hbm>> -> memref<1x200x12800xf32, #tpu.memory_space<hbm>>
      %dma_start3A_380 = tpu.memref_squeeze %dma_start3A_379 : memref<1x200x12800xf32, #tpu.memory_space<hbm>> -> memref<200x12800xf32, #tpu.memory_space<hbm>>
      %dma_start3A_381 = arith.constant 0 : i32
      %dma_start3A_382 = tpu.memref_slice %dma_start3A_380[%add3A_367, %dma_start3A_381] : memref<200x12800xf32, #tpu.memory_space<hbm>> -> memref<1x12800xf32, #tpu.memory_space<hbm>>
      %dma_start3A_383 = tpu.memref_squeeze %dma_start3A_382 : memref<1x12800xf32, #tpu.memory_space<hbm>> -> memref<12800xf32, #tpu.memory_space<hbm>>
      %dma_start3A_384 = arith.constant 12800 : i32
      %dma_start3A_385 = tpu.memref_slice %arg10[%dma_start3A_384] : memref<25600xf32, #tpu.memory_space<vmem>> -> memref<12800xf32, #tpu.memory_space<vmem>>
      tpu.enqueue_dma source(%dma_start3A_385 : memref<12800xf32, #tpu.memory_space<vmem>>) target(%dma_start3A_383 : memref<12800xf32, #tpu.memory_space<hbm>>) target_semaphore(%arg12 : memref<!tpu.dma_semaphore, #tpu.memory_space<semaphore_mem>>)
    }
    %scan3A_97 = arith.constant 25 : i32
    %dma_wait3A = arith.constant 0 : i32
    %dma_wait3A_98 = arith.constant 0 : i32
    %dma_wait3A_99 = arith.constant 0 : i32
    %dma_wait3A_100 = tpu.memref_slice %arg10[%dma_wait3A_99] : memref<25600xf32, #tpu.memory_space<vmem>> -> memref<12800xf32, #tpu.memory_space<vmem>>
    %dma_wait3A_101 = arith.constant 0 : i32
    %dma_wait3A_102 = arith.constant 0 : i32
    %dma_wait3A_103 = tpu.memref_slice %arg5[%dma_wait3A, %dma_wait3A_101, %dma_wait3A_102] : memref<16x200x12800xf32, #tpu.memory_space<hbm>> -> memref<1x200x12800xf32, #tpu.memory_space<hbm>>
    %dma_wait3A_104 = tpu.memref_squeeze %dma_wait3A_103 : memref<1x200x12800xf32, #tpu.memory_space<hbm>> -> memref<200x12800xf32, #tpu.memory_space<hbm>>
    %dma_wait3A_105 = arith.constant 0 : i32
    %dma_wait3A_106 = tpu.memref_slice %dma_wait3A_104[%dma_wait3A_98, %dma_wait3A_105] : memref<200x12800xf32, #tpu.memory_space<hbm>> -> memref<1x12800xf32, #tpu.memory_space<hbm>>
    %dma_wait3A_107 = tpu.memref_squeeze %dma_wait3A_106 : memref<1x12800xf32, #tpu.memory_space<hbm>> -> memref<12800xf32, #tpu.memory_space<hbm>>
    %dma_wait3A_108 = arith.constant 0 : i32
    %dma_wait3A_109 = tpu.memref_slice %arg10[%dma_wait3A_108] : memref<25600xf32, #tpu.memory_space<vmem>> -> memref<12800xf32, #tpu.memory_space<vmem>>
    %dma_wait3A_110 = arith.constant 0 : i32
    %dma_wait3A_111 = arith.constant 0 : i32
    %dma_wait3A_112 = tpu.memref_slice %arg5[%dma_wait3A, %dma_wait3A_110, %dma_wait3A_111] : memref<16x200x12800xf32, #tpu.memory_space<hbm>> -> memref<1x200x12800xf32, #tpu.memory_space<hbm>>
    %dma_wait3A_113 = tpu.memref_squeeze %dma_wait3A_112 : memref<1x200x12800xf32, #tpu.memory_space<hbm>> -> memref<200x12800xf32, #tpu.memory_space<hbm>>
    %dma_wait3A_114 = arith.constant 0 : i32
    %dma_wait3A_115 = tpu.memref_slice %dma_wait3A_113[%dma_wait3A_98, %dma_wait3A_114] : memref<200x12800xf32, #tpu.memory_space<hbm>> -> memref<1x12800xf32, #tpu.memory_space<hbm>>
    %dma_wait3A_116 = tpu.memref_squeeze %dma_wait3A_115 : memref<1x12800xf32, #tpu.memory_space<hbm>> -> memref<12800xf32, #tpu.memory_space<hbm>>
    tpu.wait_dma2 semaphore(%arg12 : memref<!tpu.dma_semaphore, #tpu.memory_space<semaphore_mem>>) src(%dma_wait3A_116 : memref<12800xf32, #tpu.memory_space<hbm>>) dst(%dma_wait3A_109 : memref<12800xf32, #tpu.memory_space<vmem>>)
    %dma_wait3A_117 = arith.constant 0 : i32
    %dma_wait3A_118 = arith.constant 0 : i32
    %dma_wait3A_119 = arith.constant 12800 : i32
    %dma_wait3A_120 = tpu.memref_slice %arg10[%dma_wait3A_119] : memref<25600xf32, #tpu.memory_space<vmem>> -> memref<12800xf32, #tpu.memory_space<vmem>>
    %dma_wait3A_121 = arith.constant 0 : i32
    %dma_wait3A_122 = arith.constant 0 : i32
    %dma_wait3A_123 = tpu.memref_slice %arg5[%dma_wait3A_117, %dma_wait3A_121, %dma_wait3A_122] : memref<16x200x12800xf32, #tpu.memory_space<hbm>> -> memref<1x200x12800xf32, #tpu.memory_space<hbm>>
    %dma_wait3A_124 = tpu.memref_squeeze %dma_wait3A_123 : memref<1x200x12800xf32, #tpu.memory_space<hbm>> -> memref<200x12800xf32, #tpu.memory_space<hbm>>
    %dma_wait3A_125 = arith.constant 0 : i32
    %dma_wait3A_126 = tpu.memref_slice %dma_wait3A_124[%dma_wait3A_118, %dma_wait3A_125] : memref<200x12800xf32, #tpu.memory_space<hbm>> -> memref<1x12800xf32, #tpu.memory_space<hbm>>
    %dma_wait3A_127 = tpu.memref_squeeze %dma_wait3A_126 : memref<1x12800xf32, #tpu.memory_space<hbm>> -> memref<12800xf32, #tpu.memory_space<hbm>>
    %dma_wait3A_128 = arith.constant 12800 : i32
    %dma_wait3A_129 = tpu.memref_slice %arg10[%dma_wait3A_128] : memref<25600xf32, #tpu.memory_space<vmem>> -> memref<12800xf32, #tpu.memory_space<vmem>>
    %dma_wait3A_130 = arith.constant 0 : i32
    %dma_wait3A_131 = arith.constant 0 : i32
    %dma_wait3A_132 = tpu.memref_slice %arg5[%dma_wait3A_117, %dma_wait3A_130, %dma_wait3A_131] : memref<16x200x12800xf32, #tpu.memory_space<hbm>> -> memref<1x200x12800xf32, #tpu.memory_space<hbm>>
    %dma_wait3A_133 = tpu.memref_squeeze %dma_wait3A_132 : memref<1x200x12800xf32, #tpu.memory_space<hbm>> -> memref<200x12800xf32, #tpu.memory_space<hbm>>
    %dma_wait3A_134 = arith.constant 0 : i32
    %dma_wait3A_135 = tpu.memref_slice %dma_wait3A_133[%dma_wait3A_118, %dma_wait3A_134] : memref<200x12800xf32, #tpu.memory_space<hbm>> -> memref<1x12800xf32, #tpu.memory_space<hbm>>
    %dma_wait3A_136 = tpu.memref_squeeze %dma_wait3A_135 : memref<1x12800xf32, #tpu.memory_space<hbm>> -> memref<12800xf32, #tpu.memory_space<hbm>>
    tpu.wait_dma2 semaphore(%arg12 : memref<!tpu.dma_semaphore, #tpu.memory_space<semaphore_mem>>) src(%dma_wait3A_136 : memref<12800xf32, #tpu.memory_space<hbm>>) dst(%dma_wait3A_129 : memref<12800xf32, #tpu.memory_space<vmem>>)
    return
  }
}

</mosaic_0001>

<sc_bundles>
// kernel: kernel.4.cloned.1.call-start
scs
__scs_entry_jumppad:
0x0: {  	(pc) =	sbr.rel $0x88, $3  }
0x1: {  	(tag) =	ssettag $0x0;
	lr =	simm.s32 $0x1  }
0x2: {  	[smem:$0x3F9E] =	sst lr;
	_ =	strace $0xD0000000  }
0x3: {  	_ = 	snop  }
0x4: {  	_ = 	snop  }
0x5: {  	_ = 	snop  }
0x6: {  	_ = 	snop  }
0x7: {  	_ = 	snop  }
__scs_overlays_trampoline_lowered:
0x8: {  	[smem:$0x3FAD] =	sst s0  }
0x9: {  	[smem:$0x3FAE] =	sst s1  }
0xa: {  	[smem:$0x3FAF] =	sst s2  }
0xb: {  	[smem:$0x3FB0] =	sst s3  }
0xc: {  	[smem:$0x3FB1] =	sst s4  }
0xd: {  	[smem:$0x3FB2] =	sst s5  }
0xe: {  	[smem:$0x3FB3] =	sst s6  }
0xf: {  	[smem:$0x3FB4] =	sst s7  }
0x10: {  	[smem:$0x3FB5] =	sst s8  }
0x11: {  	[smem:$0x3FB6] =	sst s9;
	s0 =	simm.s32 @!p0 $0x0  }
0x12: {  	s1 =	sld [smem:$0x3F9C];
	s0 =	simm.s32 @p0 $0x1  }
0x13: {  	[smem:$0x3FB7] =	sst s0;
	s0 =	simm.s32 @!p1 $0x0  }
0x14: {  	s2 =	sld [smem:$0x3F9B];
	s0 =	simm.s32 @p1 $0x1  }
0x15: {  	[smem:$0x3FB8] =	sst s0;
	s0 =	simm.s32 @!p2 $0x0  }
0x16: {  	s3 =	sld [smem:$0x3FDB];
	s0 =	simm.s32 @p2 $0x1  }
0x17: {  	s4 =	simm.s32 $0x1BF5;
	[smem:$0x3FBA] =	sst s0  }
0x18: {  	s0 =	sld [smem:$0x3F9D];
	_ =	swait.ge [sflag:s4], $0x0  }
0x19: {  	s7 =	sld [smem:$0x3F9E]  }
0x1a: {  	s8 =	sadd.s32 $0xFFFFE003, lr  }
0x1b: {  	s9 =	sadd.s32 $0xFFFFFEF7, lr;
	s5 =	simm.s32 $0xFFFFFFFF;
	p2 =	slt.u32 s8, $0xFFFFF086  }
0x1c: {  	p1 =	slt.u32 s9, $0xF7A;
	s5 =	simm.s32 @!p2 $0x0  }
0x1d: {  	s5 =	simm.s32 @p1 $0x1;
	p0 =	seq.s32 s7, s2  }
0x1e: {  	s7 =	smul.u32 @!p0 $0xF7A, s2;
	p2 =	seq.s32 @!p0 s5, $0x0  }
0x1f: {  	s9 =	smul.u32 $0xF7A, s1;
	s8 =	simm.s32 @!p0 $0x1BF5;
	p2 =	por !p2, p0  }
0x20: {  	[sflag:s8] =	ssyncset.s32 @!p0 $0xFFFFF086;
	s6 =	sadd.s32 @!p0 s3, s7;
	s7 =	simm.s32 @!p0 $0x108  }
0x21: {  	s3 =	sadd.s32 s3, s9;
	s6 =	sadd.s32 @!p0 $0x88, s6;
	s7 =	simm.s32 @p2 $0x1082  }
0x22: {  	[simem:s7], [sflag:s8] =	dma.local @!p0 [hbm:s6], $0xF7A  }
0x23: {  	s9 =	sor.u32 $0xD0000000, s2;
	s6 =	simm.s32 $0x108;
	_ =	swait.ge @!p0 [sflag:s8], $0x0  }
0x24: {  	s3 =	sadd.s32 $0x88, s3;
	s6 =	simm.s32 @!p1 $0x1082;
	[sflag:s4] =	ssyncset.s32 $0xFFFFF086  }
0x25: {  	[simem:s6], [sflag:s4] =	dma.local [hbm:s3], $0xF7A  }
0x26: {  	[smem:$0x3F9E] =	sst s1;
	(tag) =	ssettag s2;
	_ =	strace s9  }
0x27: {  	s1 =	sld [smem:$0x3FAE]  }
0x28: {  	s2 =	sld [smem:$0x3FAF]  }
0x29: {  	s4 =	sld [smem:$0x3FB1]  }
0x2a: {  	p0 =	seq.s32 s5, $0x0;
	s5 =	sld [smem:$0x3FB2]  }
0x2b: {  	s6 =	sld [smem:$0x3FB3]  }
0x2c: {  	s7 =	sld [smem:$0x3FB4]  }
0x2d: {  	s3 =	simm.s32 $0x108;
	s8 =	sld [smem:$0x3FB5]  }
0x2e: {  	s3 =	simm.s32 @!p0 $0x1082;
	s9 =	sld [smem:$0x3FB6]  }
0x2f: {  	lr =	sadd.s32 s0, s3;
	s0 =	sld [smem:$0x3FAD]  }
0x30: {  	s3 =	sld [smem:$0x3FB0]  }
0x31: {  	[smem:$0x3FB9] =	sst s10  }
0x32: {  	s10 =	sld [smem:$0x3FB7];
	_ =	sdelay $0x3  }
0x33: {  	p0 =	seq.s32 s10, $0x1;
	s10 =	sld [smem:$0x3FB9];
	_ =	sdelay $0x3  }
0x34: {  	[smem:$0x3FB9] =	sst s10  }
0x35: {  	s10 =	sld [smem:$0x3FB8];
	_ =	sdelay $0x3  }
0x36: {  	p1 =	seq.s32 s10, $0x1;
	s10 =	sld [smem:$0x3FB9];
	_ =	sdelay $0x3  }
0x37: {  	[smem:$0x3FB9] =	sst s10  }
0x38: {  	s10 =	sld [smem:$0x3FBA]  }
0x39: {  	_ = 	snop;
	(pc) =	sbr.ind lr, $3  }
0x3a: {  	_ = 	snop  }
0x3b: {  	_ = 	snop  }
0x3c: {  	p2 =	seq.s32 s10, $0x1;
	s10 =	sld [smem:$0x3FB9]  }
0x3d: {  	_ =	shalt  }
0x3e: {  	_ =	shalt  }
0x3f: {  	_ =	shalt  }
0x40: {  	_ =	shalt  }
0x41: {  	_ =	shalt  }
0x42: {  	_ =	shalt  }
0x43: {  	_ =	shalt  }
0x44: {  	_ =	shalt  }
0x45: {  	_ =	shalt  }
0x46: {  	_ =	shalt  }
0x47: {  	_ =	shalt  }
0x48: {  	_ =	shalt  }
0x49: {  	_ =	shalt  }
0x4a: {  	_ =	shalt  }
0x4b: {  	_ =	shalt  }
0x4c: {  	_ =	shalt  }
0x4d: {  	_ =	shalt  }
0x4e: {  	_ =	shalt  }
0x4f: {  	_ =	shalt  }
0x50: {  	_ =	shalt  }
0x51: {  	_ =	shalt  }
0x52: {  	_ =	shalt  }
0x53: {  	_ =	shalt  }
0x54: {  	_ =	shalt  }
0x55: {  	_ =	shalt  }
0x56: {  	_ =	shalt  }
0x57: {  	_ =	shalt  }
0x58: {  	_ =	shalt  }
0x59: {  	_ =	shalt  }
0x5a: {  	_ =	shalt  }
0x5b: {  	_ =	shalt  }
0x5c: {  	_ =	shalt  }
0x5d: {  	_ =	shalt  }
0x5e: {  	_ =	shalt  }
0x5f: {  	_ =	shalt  }
0x60: {  	_ =	shalt  }
0x61: {  	_ =	shalt  }
0x62: {  	_ =	shalt  }
0x63: {  	_ =	shalt  }
0x64: {  	_ =	shalt  }
0x65: {  	_ =	shalt  }
0x66: {  	_ =	shalt  }
0x67: {  	_ =	shalt  }
0x68: {  	_ =	shalt  }
0x69: {  	_ =	shalt  }
0x6a: {  	_ =	shalt  }
0x6b: {  	_ =	shalt  }
0x6c: {  	_ =	shalt  }
0x6d: {  	_ =	shalt  }
0x6e: {  	_ =	shalt  }
0x6f: {  	_ =	shalt  }
0x70: {  	_ =	shalt  }
0x71: {  	_ =	shalt  }
0x72: {  	_ =	shalt  }
0x73: {  	_ =	shalt  }
0x74: {  	_ =	shalt  }
0x75: {  	_ =	shalt  }
0x76: {  	_ =	shalt  }
0x77: {  	_ =	shalt  }
0x78: {  	_ =	shalt  }
0x79: {  	_ =	shalt  }
0x7a: {  	_ =	shalt  }
0x7b: {  	_ =	shalt  }
0x7c: {  	_ =	shalt  }
0x7d: {  	_ =	shalt  }
0x7e: {  	_ =	shalt  }
0x7f: {  	_ =	shalt  }
0x80: {  	_ =	shalt  }
0x81: {  	_ =	shalt  }
0x82: {  	_ =	shalt  }
0x83: {  	_ =	shalt  }
0x84: {  	_ =	shalt  }
0x85: {  	_ =	shalt  }
0x86: {  	_ =	shalt  }
0x87: {  	_ =	shalt  }
.Lfunc_end0:
.L_simem_size_0:
called_computation_lowered:
.L_overlay_start_0:
0x88: {  	s2 =	sld [smem:$0x3FD9]  }
0x89: {  	s3 =	sld [smem:$0x3FFE];
	_ =	sdelay $0x1  }
0x8a: {  	s1 =	srdreg.scid  }
0x8b: {  	s0 =	sand.u32 $0x1, s1  }
0x8c: {  	s17 =	sshll.u32 s0, $0xA;
	s2 =	sadd.s32 s3, s2  }
0x8d: {  	s2 =	sadd.s32 s2, s17  }
0x8e: {  	[smem:$0x3FC5] =	sst s2  }
0x8f: {  	_ = 	snop  }
0x90: {  	s2 =	sld [smem:$0x3FD0];
	(tm) =	ssettm $0x1  }
0x91: {  	s18 =	sld [smem:$0x3FFB];
	_ =	sdelay $0x3  }
0x92: {  	_ =	strace s18  }
0x93: {  	s3 =	sld [smem:$0x3FFC];
	_ =	sdelay $0x3  }
0x94: {  	_ =	strace s3  }
0x95: {  	s3 =	sld [smem:$0x3FFD];
	_ =	sdelay $0x3  }
0x96: {  	_ =	strace s3  }
0x97: {  	_ =	strace $0x8FFFFFFF  }
0x98: {  	s19 =	sld [smem:$0x3FDB];
	_ =	sdelay $0x1  }
0x99: {  	s4 =	simm.s32 $_scs_section_size  }
0x9a: {  	s5 =	simm.s32 $_size__tile_overlayer_lowered;
	s6 =	simm.s32 $_tile_overlayer_lowered  }
0x9b: {  	s22 =	simm.s32 $0x1BFF;
	s21 =	sshll.u32 s6, $0x1;
	s3 =	sadd.s32 s4, s19  }
0x9c: {  	s7 =	simm.s32 $0x0;
	s20 =	sshll.u32 s5, $0x1;
	s5 =	sadd.s32 s21, s3  }
0x9d: {  	[timem:s7], [sflag:s22] =	dma.local [hbm:s5], s20  }
0x9e: {  	_ =	swait.ge [sflag:s22], s20  }
0x9f: {  	s4 =	ssub.s32 $0x0, s20;
	[sflag:s22] =	ssyncset.done $0x0  }
0xa0: {  	[sflag:s22] =	ssyncadd.s32 s4;
	_ =	sdelay $0x1  }
0xa1: {  	s23 =	simm.s32 $0x1B8B  }
0xa2: {  	_ =	swait.ge [sflag:s23], $0x1  }
0xa3: {  	[sflag:s23] =	ssyncset.done $0x0  }
0xa4: {  	s25 =	simm.s32 $0x1B8E;
	s24 =	sld [smem:$0x3FFE];
	[sflag:s23] =	ssyncadd.s32 $0xFFFFFFFF  }
0xa5: {  	s26 =	simm.s32 $execute0_lowered;
	[smem:$0x3FD2] =	sst s25  }
0xa6: {  	s5 =	sshll.u32 s26, $0x1;
	_ =	strace $0x80000046;
	[dreg:$0x1] =	wrdreg $0xFFFFFFFF  }
0xa7: {  	s28 =	simm.s32 $_size_execute0_lowered;
	s3 =	sadd.s32 s3, s5;
	[dreg:$0x0] =	wrdreg $0x0  }
0xa8: {  	s5 =	sshll.u32 s28, $0x1;
	[dreg:$0x2] =	wrdreg s3  }
0xa9: {  	[dreg:$0x3] =	wrdreg s5  }
0xaa: {  	[dreg:$0x4] =	wrdreg $0xC0  }
0xab: {  	_ =	task [dreg:s7], $0x5FFFF  }
0xac: {  	[dreg:$0x1] =	wrdreg $0xFFFFFFFF  }
0xad: {  	[dreg:$0x0] =	wrdreg $0x60  }
0xae: {  	[dreg:$0x2] =	wrdreg s24  }
0xaf: {  	[dreg:$0x3] =	wrdreg s2  }
0xb0: {  	[dreg:$0x4] =	wrdreg $0x9  }
0xb1: {  	_ =	task.clear_ibuf [dreg:s7], $0x5FFFF;
	_ =	strace $0x90000046  }
0xb2: {  	s29 =	simm.s32 $0x9;
	_ =	strace $0x80000048  }
0xb3: {  	_ =	swait.ge [sflag:s29], $0x1  }
0xb4: {  	[sflag:s29] =	ssyncadd.s32 $0xFFFFFFFF  }
0xb5: {  	_ =	strace $0x90000048  }
0xb6: {  	_ =	sfence  }
0xb7: {  	s30 =	sld [smem:$0x0];
	_ =	sdelay $0x2  }
0xb8: {  	s31 =	sshll.u32 s1, $0xD;
	s1 =	sshrl.u32 s1, $0x2  }
0xb9: {  	s3 =	sand.u32 $0x4000, s31;
	s1 =	sadd.s32 s1, s30  }
0xba: {  	s0 =	sor.u32 s3, s0;
	s1 =	sshll.u32 s1, $0x11  }
0xbb: {  	s0 =	sor.u32 s1, s0  }
0xbc: {  	s0 =	sadd.s32 $0x8F2B, s0  }
0xbd: {  	[sflag:s0] =	ssyncadd.remote.s32 $0x1  }
0xbe: {  	_ =	sfence.sel $0xFFFF  }
0xbf: {  	[dreg:$0x0] =	wrdreg $0xFFFFFFFF;
	(pc) =	sbr.abs _section_cstart, $3  }
0xc0: {  	[dreg:$0x1] =	wrdreg $0xFFFFFFFF  }
0xc1: {  	_ =	task.clear_ibuf [dreg:s7], $0x2FFFF;
	_ =	strace $0x9FFFFFFF  }
0xc2: {  	(tm) =	ssettm $0x7FFFFFFF  }
0xc3: {  	_ =	shalt  }
tec
execute0_lowered:
.L_overlay_start_1:
0x0: {  	(tag) =	ssettag $0x1  }
0x1: {  	s0 =	rddreg [dreg:$0x0];
	s1 =	srdreg.scid  }
0x2: {  	s20 =	stileid.u32;
	s11 =	rddreg [dreg:$0x1];
	s2 =	simm.s32 $0x0  }
0x3: {  	s21 =	simm.s32 $0x2;
	s24 =	simm.s32 $0x43C0;
	s25 =	simm.s32 $0x44A0  }
0x4: {  	s28 =	simm.s32 $0x4660;
	s29 =	simm.s32 $0x4740;
	s30 =	simm.s32 $0x8740  }
0x5: {  	s31 =	simm.s32 $0x1;
	s1 =	sand.u32 $0x1, s1;
	s3 =	sshll.u32 s20, $0x1  }
0x6: {  	[smem:$0x7FF] =	sst s2;
	s7 =	sadd.s32 $0xC00, s0;
	p0 =	sgt.u32 s20, $0x7  }
0x7: {  	s20 =	simm.s32 $0x200;
	s9 =	sor.u32 s1, s3;
	_ =	strace $0x80000047  }
0x8: {  	s1 =	ssub.s32 $0x2, s1;
	s3 =	sshll.u32 s9, $0x6;
	s5 =	smul.u32 $0xE0, s9  }
0x9: {  	s6 =	smul.u32 $0x1C, s9;
	s8 =	sshrl.u32 s1, $0x1;
	s12 =	sshll.u32 s9, $0xE  }
0xa: {  	s4 =	sadd.s32 s3, s0;
	s3 =	sadd.s32 $0x1C00, s0;
	s1 =	ssub.s32 s1, s8  }
0xb: {  	s11 =	sadd.s32 s11, s12;
	s5 =	sshrl.u32 s5, $0x3;
	s0 =	sadd.s32 s6, s0  }
0xc: {  	s4 =	sadd.s32 $0x1400, s4;
	s12 =	sadd.s32 $0x800, s11;
	s13 =	sadd.s32 $0x1000, s11  }
0xd: {  	s14 =	sadd.s32 $0x1800, s11;
	s15 =	sadd.s32 $0x2000, s11;
	s16 =	sadd.s32 $0x2800, s11  }
0xe: {  	s17 =	sadd.s32 $0x3000, s11;
	s18 =	sadd.s32 $0x3800, s11;
	s19 =	smax.u32 s1, $0x1  }
0xf: {  	s1 =	simm.s32 $0x0;
	s26 =	sadd.s32 s7, s5;
	s5 =	sadd.s32 s7, s6  }
0x10: {  	s9 =	sadd.s32 $0x2400, s0;
	s10 =	sadd.s32 $0x2600, s0;
	s6 =	sadd.s32 $0x1C0, s26  }
0x11: {  	s7 =	sadd.s32 $0x380, s26;
	s8 =	sadd.s32 $0x540, s26;
	s26 =	simm.s32 $0x4580  }
.LBB2_1:
0x12: {  	[tilespmem:s20], [sflag:$0x2] =	stream.linear.gather [hbm4b:s3+s2], $0x4000, $0x38;
	[tilespmem:$0xC740] =	vst v63  }
0x13: {  	_ =	swait.ge [sflag:s21], $0x4000  }
0x14: {  	[sflag:s21] =	ssyncset.done $0x0  }
.Ltmp0:
0x15: {  	[sflag:s21] =	ssyncadd.s32 $0xFFFFC000;
	(pc) =	sbr.rel @p0 .LBB2_3-.Ltmp0, $4  }
0x16: {  	[tilespmem:s2], [sflag:$0x2] =	stream.linear.gather [hbm4b:s4+s2], $0x200, $0x38;
	[tilespmem:$0xC740] =	vst v63  }
0x17: {  	_ =	swait.ge [sflag:s21], $0x200  }
0x18: {  	[sflag:s21] =	ssyncset.done $0x0  }
0x19: {  	[sflag:s21] =	ssyncadd.s32 $0xFFFFFE00  }
0x1a: {  	s0 =	simm.s32 $0x4200  }
0x1b: {  	[tilespmem:s0], [sflag:$0x2] =	stream.linear.gather [hbm4b:s5+s2], $0xE0, $0x38;
	[tilespmem:$0xC740] =	vst v63  }
0x1c: {  	_ =	swait.ge [sflag:s21], $0xE0  }
0x1d: {  	[sflag:s21] =	ssyncset.done $0x0  }
0x1e: {  	s23 =	simm.s32 $0x42E0;
	[sflag:s21] =	ssyncadd.s32 $0xFFFFFF20  }
0x1f: {  	[tilespmem:s23], [sflag:$0x2] =	stream.linear.gather [hbm4b:s6+s2], $0xE0, $0x38;
	[tilespmem:$0xC740] =	vst v63  }
0x20: {  	_ =	swait.ge [sflag:s21], $0xE0  }
0x21: {  	[sflag:s21] =	ssyncset.done $0x0  }
0x22: {  	[sflag:s21] =	ssyncadd.s32 $0xFFFFFF20  }
0x23: {  	[tilespmem:s24], [sflag:$0x2] =	stream.linear.gather [hbm4b:s7+s2], $0xE0, $0x38;
	[tilespmem:$0xC740] =	vst v63  }
0x24: {  	_ =	swait.ge [sflag:s21], $0xE0  }
0x25: {  	[sflag:s21] =	ssyncset.done $0x0  }
0x26: {  	[sflag:s21] =	ssyncadd.s32 $0xFFFFFF20  }
0x27: {  	[tilespmem:s25], [sflag:$0x2] =	stream.linear.gather [hbm4b:s8+s2], $0xE0, $0x38;
	[tilespmem:$0xC740] =	vst v63  }
0x28: {  	_ =	swait.ge [sflag:s21], $0xE0  }
0x29: {  	[sflag:s21] =	ssyncset.done $0x0  }
0x2a: {  	[sflag:s21] =	ssyncadd.s32 $0xFFFFFF20  }
0x2b: {  	v0 =	vld [tilespmem:$0x4200]  }
0x2c: {  	v1 =	vld [tilespmem:$0x43C0]  }
0x2d: {  	v2 =	vld [tilespmem:$0x42E0]  }
0x2e: {  	v3 =	vld [tilespmem:$0x44A0]  }
0x2f: {  	v4 =	vld [tilespmem:$0x4210]  }
0x30: {  	v5 =	vld [tilespmem:$0x43D0]  }
0x31: {  	v6 =	vld [tilespmem:$0x42F0]  }
0x32: {  	v7 =	vld [tilespmem:$0x44B0]  }
0x33: {  	v8 =	vld [tilespmem:$0x4220]  }
0x34: {  	v9 =	vld [tilespmem:$0x43E0]  }
0x35: {  	v10 =	vld [tilespmem:$0x4300]  }
0x36: {  	v11 =	vld [tilespmem:$0x44C0]  }
0x37: {  	v12 =	vld [tilespmem:$0x4230]  }
0x38: {  	v13 =	vld [tilespmem:$0x43F0]  }
0x39: {  	v14 =	vld [tilespmem:$0x4310]  }
0x3a: {  	v15 =	vld [tilespmem:$0x44D0]  }
0x3b: {  	v16 =	vld [tilespmem:$0x4240]  }
0x3c: {  	v17 =	vld [tilespmem:$0x4400]  }
0x3d: {  	v18 =	vld [tilespmem:$0x4320]  }
0x3e: {  	v19 =	vld [tilespmem:$0x44E0]  }
0x3f: {  	v20 =	vld [tilespmem:$0x4330]  }
0x40: {  	v21 =	vld [tilespmem:$0x44F0]  }
0x41: {  	v22 =	vld [tilespmem:$0x4260];
	v0 =	vmul.f32 $1.280000000e+02, v0  }
0x42: {  	v23 =	vld [tilespmem:$0x4420];
	v1 =	vmul.f32 $1.280000000e+02, v1;
	v2 =	vmul.f32 $1.280000000e+02, v2  }
0x43: {  	v24 =	vld [tilespmem:$0x4340];
	v3 =	vmul.f32 $1.280000000e+02, v3;
	v4 =	vmul.f32 $1.280000000e+02, v4  }
0x44: {  	v32 =	vld [tilespmem:$0x4500];
	v5 =	vmul.f32 $1.280000000e+02, v5;
	v6 =	vmul.f32 $1.280000000e+02, v6  }
0x45: {  	v35 =	vld [tilespmem:$0x4270];
	v7 =	vmul.f32 $1.280000000e+02, v7;
	v8 =	vmul.f32 $1.280000000e+02, v8  }
0x46: {  	v39 =	vld [tilespmem:$0x4510];
	v9 =	vmul.f32 $1.280000000e+02, v9;
	v10 =	vmul.f32 $1.280000000e+02, v10  }
0x47: {  	v40 =	vld [tilespmem:$0x4280];
	v11 =	vmul.f32 $1.280000000e+02, v11;
	v30 =	vmul.f32 $1.280000000e+02, v12  }
0x48: {  	v25 =	vld [tilespmem:$0x4440];
	v31 =	vmul.f32 $1.280000000e+02, v13;
	v33 =	vmul.f32 $1.280000000e+02, v14  }
0x49: {  	v26 =	vld [tilespmem:$0x4360];
	v34 =	vmul.f32 $1.280000000e+02, v15;
	v16 =	vmul.f32 $1.280000000e+02, v16  }
0x4a: {  	v49 =	vld [tilespmem:$0x4370];
	v17 =	vmul.f32 $1.280000000e+02, v17;
	v18 =	vmul.f32 $1.280000000e+02, v18  }
0x4b: {  	v52 =	vld [tilespmem:$0x4530];
	v19 =	vmul.f32 $1.280000000e+02, v19;
	v42 =	vmul.f32 $1.280000000e+02, v20  }
0x4c: {  	v54 =	vld [tilespmem:$0x42A0];
	v43 =	vmul.f32 $1.280000000e+02, v21;
	v45 =	vmul.f32 $1.280000000e+02, v22  }
0x4d: {  	v62 =	vld [tilespmem:$0x42B0];
	v46 =	vmul.f32 $1.280000000e+02, v23;
	v48 =	vmul.f32 $1.280000000e+02, v24  }
0x4e: {  	v13 =	vmul.f32 $1.280000000e+02, v32;
	v51 =	vmul.f32 $1.280000000e+02, v35  }
0x4f: {  	v12 =	vmul.f32 $1.280000000e+02, v39;
	v63 =	vmul.f32 $1.280000000e+02, v40  }
0x50: {  	v22 =	vmul.f32 $1.280000000e+02, v25;
	v26 =	vmul.f32 $1.280000000e+02, v26  }
0x51: {  	v28 =	vld [tilespmem:$0x4250];
	v32 =	vmul.f32 $1.280000000e+02, v49;
	v15 =	vmul.f32 $1.280000000e+02, v52;
	v0 =	vadd.f32 v1, v0  }
0x52: {  	v29 =	vld [tilespmem:$0x4410];
	v35 =	vmul.f32 $1.280000000e+02, v54;
	v40 =	vmul.f32 $1.280000000e+02, v62;
	v27 =	vadd.f32 v3, v2  }
0x53: {  	v37 =	vld [tilespmem:$0x4430];
	v4 =	vadd.f32 v5, v4;
	v6 =	vadd.f32 v7, v6;
	v0 =	vmul.f32 $5.000000000e-01, v0  }
0x54: {  	v38 =	vld [tilespmem:$0x4350];
	v8 =	vadd.f32 v9, v8;
	v36 =	vadd.f32 v11, v10;
	v1 =	vmul.f32 $5.000000000e-01, v27  }
0x55: {  	v41 =	vld [tilespmem:$0x4520];
	v5 =	vadd.f32 v31, v30;
	v7 =	vadd.f32 v34, v33;
	v4 =	vmul.f32 $5.000000000e-01, v4;
	[tilespmem:$0x4580] =	vst v0  }
0x56: {  	v44 =	vld [tilespmem:$0x4290];
	v16 =	vadd.f32 v17, v16;
	v2 =	vmul.f32 $1.280000000e+02, v28;
	v6 =	vmul.f32 $5.000000000e-01, v6;
	[tilespmem:$0x4660] =	vst v1  }
0x57: {  	v47 =	vld [tilespmem:$0x4450];
	v3 =	vmul.f32 $1.280000000e+02, v29;
	v18 =	vadd.f32 v19, v18;
	v8 =	vmul.f32 $5.000000000e-01, v8;
	[tilespmem:$0x4590] =	vst v4  }
0x58: {  	v57 =	vld [tilespmem:$0x4460];
	v19 =	vadd.f32 v43, v42;
	v10 =	vmul.f32 $1.280000000e+02, v37;
	v9 =	vmul.f32 $5.000000000e-01, v36;
	[tilespmem:$0x4670] =	vst v6  }
0x59: {  	v59 =	vld [tilespmem:$0x4380];
	v50 =	vadd.f32 v46, v45;
	v11 =	vmul.f32 $1.280000000e+02, v38;
	v5 =	vmul.f32 $5.000000000e-01, v5;
	[tilespmem:$0x45A0] =	vst v8  }
0x5a: {  	v25 =	vld [tilespmem:$0x4470];
	v53 =	vadd.f32 v13, v48;
	v17 =	vmul.f32 $1.280000000e+02, v41;
	v7 =	vmul.f32 $5.000000000e-01, v7;
	[tilespmem:$0x4680] =	vst v9  }
0x5b: {  	v60 =	vld [tilespmem:$0x4540];
	v28 =	vadd.f32 v22, v63;
	v29 =	vmul.f32 $1.280000000e+02, v44;
	v55 =	vmul.f32 $5.000000000e-01, v16;
	[tilespmem:$0x45B0] =	vst v5  }
0x5c: {  	v30 =	vmul.f32 $1.280000000e+02, v47;
	v31 =	vld [tilespmem:$0x4550];
	v2 =	vadd.f32 v3, v2;
	v56 =	vmul.f32 $5.000000000e-01, v18;
	[tilespmem:$0x4690] =	vst v7  }
0x5d: {  	v33 =	vld [tilespmem:$0x42C0];
	v3 =	vadd.f32 v10, v51;
	v58 =	vmul.f32 $5.000000000e-01, v19;
	v10 =	vmul.f32 $1.280000000e+02, v57;
	[tilespmem:$0x45C0] =	vst v55  }
0x5e: {  	v38 =	vld [tilespmem:$0x43A0];
	v11 =	vadd.f32 v12, v11;
	v12 =	vmul.f32 $1.280000000e+02, v59;
	v47 =	vmul.f32 $5.000000000e-01, v28;
	[tilespmem:$0x46A0] =	vst v56  }
0x5f: {  	v42 =	vld [tilespmem:$0x4560];
	v41 =	vmul.f32 $1.280000000e+02, v25;
	v2 =	vmul.f32 $5.000000000e-01, v2;
	[tilespmem:$0x46B0] =	vst v58  }
0x60: {  	v37 =	vadd.f32 v15, v32;
	v46 =	vld [tilespmem:$0x42D0];
	v0 =	vmul.f32 $5.000000000e-01, v50;
	v1 =	vmul.f32 $5.000000000e-01, v53;
	[tilespmem:$0x4600] =	vst v47  }
0x61: {  	v49 =	vld [tilespmem:$0x4490];
	v3 =	vmul.f32 $5.000000000e-01, v3;
	v61 =	vmul.f32 $5.000000000e-01, v11;
	[tilespmem:$0x45D0] =	vst v2  }
0x62: {  	v27 =	vld [tilespmem:$0x4390];
	v34 =	vadd.f32 v30, v29;
	v8 =	vmul.f32 $1.280000000e+02, v60;
	v6 =	vmul.f32 $5.000000000e-01, v37;
	[tilespmem:$0x45E0] =	vst v0  }
0x63: {  	v36 =	vld [tilespmem:$0x4480];
	v7 =	vadd.f32 v17, v26;
	v45 =	vmul.f32 $1.280000000e+02, v31;
	v54 =	vmul.f32 $1.280000000e+02, v33;
	[tilespmem:$0x46C0] =	vst v1  }
0x64: {  	v51 =	vld [tilespmem:$0x4570];
	v39 =	vadd.f32 v10, v35;
	v56 =	vmul.f32 $1.280000000e+02, v38;
	v57 =	vmul.f32 $1.280000000e+02, v42;
	[tilespmem:$0x45F0] =	vst v3  }
0x65: {  	v50 =	vld [tilespmem:$0x43B0];
	v5 =	vadd.f32 v41, v40;
	v59 =	vmul.f32 $1.280000000e+02, v46;
	v48 =	vmul.f32 $5.000000000e-01, v7;
	[tilespmem:$0x46D0] =	vst v61  }
0x66: {  	v43 =	vadd.f32 v8, v12;
	v2 =	vmul.f32 $5.000000000e-01, v34;
	v0 =	vmul.f32 $5.000000000e-01, v39;
	[tilespmem:$0x46F0] =	vst v6  }
0x67: {  	v7 =	vmul.f32 $1.280000000e+02, v49;
	v44 =	vmul.f32 $1.280000000e+02, v27;
	[tilespmem:$0x46E0] =	vst v48  }
0x68: {  	v52 =	vmul.f32 $5.000000000e-01, v5;
	v60 =	vadd.f32 v57, v56;
	v1 =	vmul.f32 $5.000000000e-01, v43;
	[tilespmem:$0x4610] =	vst v2  }
0x69: {  	v55 =	vmul.f32 $1.280000000e+02, v36;
	v3 =	vmul.f32 $1.280000000e+02, v51;
	[tilespmem:$0x4620] =	vst v0;
	v2 =	vadd.f32 v7, v59  }
0x6a: {  	v8 =	vadd.f32 v45, v44;
	v61 =	vmul.f32 $1.280000000e+02, v50;
	[tilespmem:$0x4700] =	vst v1;
	v1 =	vmul.f32 $5.000000000e-01, v60  }
0x6b: {  	v58 =	vadd.f32 v55, v54;
	[tilespmem:$0x4630] =	vst v52;
	v62 =	vmul.f32 $5.000000000e-01, v2  }
0x6c: {  	v53 =	vmul.f32 $5.000000000e-01, v8;
	v3 =	vadd.f32 v3, v61;
	[tilespmem:$0x4720] =	vst v1  }
0x6d: {  	v0 =	vmul.f32 $5.000000000e-01, v58;
	[tilespmem:$0x4650] =	vst v62  }
0x6e: {  	[tilespmem:$0x4710] =	vst v53;
	v63 =	vmul.f32 $5.000000000e-01, v3  }
0x6f: {  	[tilespmem:$0x4640] =	vst v0  }
0x70: {  	[tilespmem:$0x4730] =	vst v63  }
0x71: {  	[hbm4b:s9+s2] =	stream.linear.scatter [tilespmem:s26], [sflag:$0x2], $0xE0, $0x38;
	[tilespmem:$0xC740] =	vst v63  }
0x72: {  	_ =	swait.ge [sflag:s21], $0xE0  }
0x73: {  	[sflag:s21] =	ssyncset.done $0x0  }
0x74: {  	[sflag:s21] =	ssyncadd.s32 $0xFFFFFF20  }
0x75: {  	[hbm4b:s10+s2] =	stream.linear.scatter [tilespmem:s28], [sflag:$0x2], $0xE0, $0x38;
	[tilespmem:$0xC740] =	vst v63  }
0x76: {  	_ =	swait.ge [sflag:s21], $0xE0  }
0x77: {  	[sflag:s21] =	ssyncset.done $0x0  }
0x78: {  	[sflag:s21] =	ssyncadd.s32 $0xFFFFFF20  }
.LBB2_3:
0x79: {  	v1 =	vld [tilespmem:$0x0]  }
0x7a: {  	v2 =	vld [tilespmem:$0x10]  }
0x7b: {  	v0 =	vld [tilespmem:$0x20]  }
0x7c: {  	v3 =	vld [tilespmem:$0x30];
	s0 =	simm.s32 $0x0  }
0x7d: {  	v5 =	vld [tilespmem:s0+$0x230]  }
0x7e: {  	v6 =	vld [tilespmem:s0+$0x200]  }
0x7f: {  	v7 =	vld [tilespmem:s0+$0x210]  }
0x80: {  	v4 =	vld [tilespmem:s0+$0x220]  }
0x81: {  	s22 =	simm.s32 $0x100  }
.LBB2_4:
0x82: {  	s23 =	sshra.s32 s22, $0x2;
	p1 =	sne.s32 s22, $0xFF00;
	s22 =	sadd.s32 $0x100, s22;
	v8 =	vadd.f32 v5, v3  }
.Ltmp1:
0x83: {  	v5 =	vld [tilespmem:s23+$0x230];
	v9 =	vadd.f32 v6, v1;
	(pc) =	sbr.rel @p1 .LBB2_4-.Ltmp1, $4  }
0x84: {  	v6 =	vld [tilespmem:s23+$0x200];
	v10 =	vadd.f32 v7, v2;
	[tilespmem:s0+$0x4770] =	vst v8  }
0x85: {  	v7 =	vld [tilespmem:s23+$0x210];
	[tilespmem:s0+$0x4740] =	vst v9;
	v8 =	vadd.f32 v4, v0  }
0x86: {  	v4 =	vld [tilespmem:s23+$0x220];
	[tilespmem:s0+$0x4750] =	vst v10  }
0x87: {  	[tilespmem:s0+$0x4760] =	vst v8;
	s0 =	smov.u32 s23  }
0x88: {  	v3 =	vadd.f32 v5, v3  }
0x89: {  	v1 =	vadd.f32 v6, v1  }
0x8a: {  	v2 =	vadd.f32 v7, v2;
	[tilespmem:s0+$0x4770] =	vst v3  }
0x8b: {  	[tilespmem:s0+$0x4740] =	vst v1;
	v0 =	vadd.f32 v4, v0  }
0x8c: {  	[tilespmem:s0+$0x4750] =	vst v2  }
0x8d: {  	s23 =	simm.s32 $0x0;
	[tilespmem:s0+$0x4760] =	vst v0  }
0x8e: {  	[hbm4b:s11+s23] =	stream.linear.scatter [tilespmem:s29], [sflag:$0x1], $0x4000, $0x38;
	[tilespmem:$0xC740] =	vst v63  }
0x8f: {  	v1 =	vld [tilespmem:$0x40]  }
0x90: {  	v2 =	vld [tilespmem:$0x50]  }
0x91: {  	v0 =	vld [tilespmem:$0x60]  }
0x92: {  	s0 =	simm.s32 $0x0;
	v3 =	vld [tilespmem:$0x70]  }
0x93: {  	v5 =	vld [tilespmem:s0+$0x230]  }
0x94: {  	v6 =	vld [tilespmem:s0+$0x200]  }
0x95: {  	v7 =	vld [tilespmem:s0+$0x210]  }
0x96: {  	v4 =	vld [tilespmem:s0+$0x220]  }
0x97: {  	s22 =	simm.s32 $0x100  }
.LBB2_6:
0x98: {  	s23 =	sshra.s32 s22, $0x2;
	p1 =	sne.s32 s22, $0xFF00;
	s22 =	sadd.s32 $0x100, s22;
	v8 =	vadd.f32 v5, v3  }
.Ltmp2:
0x99: {  	v5 =	vld [tilespmem:s23+$0x230];
	v9 =	vadd.f32 v6, v1;
	(pc) =	sbr.rel @p1 .LBB2_6-.Ltmp2, $4  }
0x9a: {  	v6 =	vld [tilespmem:s23+$0x200];
	v10 =	vadd.f32 v7, v2;
	[tilespmem:s0+$0x8770] =	vst v8  }
0x9b: {  	v7 =	vld [tilespmem:s23+$0x210];
	[tilespmem:s0+$0x8740] =	vst v9;
	v8 =	vadd.f32 v4, v0  }
0x9c: {  	v4 =	vld [tilespmem:s23+$0x220];
	[tilespmem:s0+$0x8750] =	vst v10  }
0x9d: {  	[tilespmem:s0+$0x8760] =	vst v8;
	s0 =	smov.u32 s23  }
0x9e: {  	v3 =	vadd.f32 v5, v3  }
0x9f: {  	v1 =	vadd.f32 v6, v1  }
0xa0: {  	v2 =	vadd.f32 v7, v2;
	[tilespmem:s0+$0x8770] =	vst v3  }
0xa1: {  	[tilespmem:s0+$0x8740] =	vst v1;
	v0 =	vadd.f32 v4, v0  }
0xa2: {  	[tilespmem:s0+$0x8750] =	vst v2  }
0xa3: {  	s23 =	simm.s32 $0x0;
	[tilespmem:s0+$0x8760] =	vst v0  }
0xa4: {  	[hbm4b:s12+s23] =	stream.linear.scatter [tilespmem:s30], [sflag:$0x1], $0x4000, $0x38;
	[tilespmem:$0xC740] =	vst v63  }
0xa5: {  	_ =	swait.ge [sflag:s31], $0x4000  }
0xa6: {  	[sflag:s31] =	ssyncset.done $0x0  }
0xa7: {  	[sflag:s31] =	ssyncadd.s32 $0xFFFFC000  }
0xa8: {  	v1 =	vld [tilespmem:$0x80]  }
0xa9: {  	v2 =	vld [tilespmem:$0x90]  }
0xaa: {  	v0 =	vld [tilespmem:$0xA0]  }
0xab: {  	s0 =	simm.s32 $0x0;
	v3 =	vld [tilespmem:$0xB0]  }
0xac: {  	v5 =	vld [tilespmem:s0+$0x230]  }
0xad: {  	v6 =	vld [tilespmem:s0+$0x200]  }
0xae: {  	v7 =	vld [tilespmem:s0+$0x210]  }
0xaf: {  	v4 =	vld [tilespmem:s0+$0x220]  }
0xb0: {  	s22 =	simm.s32 $0x100  }
.LBB2_8:
0xb1: {  	s23 =	sshra.s32 s22, $0x2;
	p1 =	sne.s32 s22, $0xFF00;
	s22 =	sadd.s32 $0x100, s22;
	v8 =	vadd.f32 v5, v3  }
.Ltmp3:
0xb2: {  	v5 =	vld [tilespmem:s23+$0x230];
	v9 =	vadd.f32 v6, v1;
	(pc) =	sbr.rel @p1 .LBB2_8-.Ltmp3, $4  }
0xb3: {  	v6 =	vld [tilespmem:s23+$0x200];
	v10 =	vadd.f32 v7, v2;
	[tilespmem:s0+$0x4770] =	vst v8  }
0xb4: {  	v7 =	vld [tilespmem:s23+$0x210];
	[tilespmem:s0+$0x4740] =	vst v9;
	v8 =	vadd.f32 v4, v0  }
0xb5: {  	v4 =	vld [tilespmem:s23+$0x220];
	[tilespmem:s0+$0x4750] =	vst v10  }
0xb6: {  	[tilespmem:s0+$0x4760] =	vst v8;
	s0 =	smov.u32 s23  }
0xb7: {  	v3 =	vadd.f32 v5, v3  }
0xb8: {  	v1 =	vadd.f32 v6, v1  }
0xb9: {  	v2 =	vadd.f32 v7, v2;
	[tilespmem:s0+$0x4770] =	vst v3  }
0xba: {  	[tilespmem:s0+$0x4740] =	vst v1;
	v0 =	vadd.f32 v4, v0  }
0xbb: {  	[tilespmem:s0+$0x4750] =	vst v2  }
0xbc: {  	s23 =	simm.s32 $0x0;
	[tilespmem:s0+$0x4760] =	vst v0  }
0xbd: {  	[hbm4b:s13+s23] =	stream.linear.scatter [tilespmem:s29], [sflag:$0x1], $0x4000, $0x38;
	[tilespmem:$0xC740] =	vst v63  }
0xbe: {  	_ =	swait.ge [sflag:s31], $0x4000  }
0xbf: {  	[sflag:s31] =	ssyncset.done $0x0  }
0xc0: {  	[sflag:s31] =	ssyncadd.s32 $0xFFFFC000  }
0xc1: {  	v1 =	vld [tilespmem:$0xC0]  }
0xc2: {  	v2 =	vld [tilespmem:$0xD0]  }
0xc3: {  	v0 =	vld [tilespmem:$0xE0]  }
0xc4: {  	s0 =	simm.s32 $0x0;
	v3 =	vld [tilespmem:$0xF0]  }
0xc5: {  	v5 =	vld [tilespmem:s0+$0x230]  }
0xc6: {  	v6 =	vld [tilespmem:s0+$0x200]  }
0xc7: {  	v7 =	vld [tilespmem:s0+$0x210]  }
0xc8: {  	v4 =	vld [tilespmem:s0+$0x220]  }
0xc9: {  	s22 =	simm.s32 $0x100  }
.LBB2_10:
0xca: {  	s23 =	sshra.s32 s22, $0x2;
	p1 =	sne.s32 s22, $0xFF00;
	s22 =	sadd.s32 $0x100, s22;
	v8 =	vadd.f32 v5, v3  }
.Ltmp4:
0xcb: {  	v5 =	vld [tilespmem:s23+$0x230];
	v9 =	vadd.f32 v6, v1;
	(pc) =	sbr.rel @p1 .LBB2_10-.Ltmp4, $4  }
0xcc: {  	v6 =	vld [tilespmem:s23+$0x200];
	v10 =	vadd.f32 v7, v2;
	[tilespmem:s0+$0x8770] =	vst v8  }
0xcd: {  	v7 =	vld [tilespmem:s23+$0x210];
	[tilespmem:s0+$0x8740] =	vst v9;
	v8 =	vadd.f32 v4, v0  }
0xce: {  	v4 =	vld [tilespmem:s23+$0x220];
	[tilespmem:s0+$0x8750] =	vst v10  }
0xcf: {  	[tilespmem:s0+$0x8760] =	vst v8;
	s0 =	smov.u32 s23  }
0xd0: {  	v3 =	vadd.f32 v5, v3  }
0xd1: {  	v1 =	vadd.f32 v6, v1  }
0xd2: {  	v2 =	vadd.f32 v7, v2;
	[tilespmem:s0+$0x8770] =	vst v3  }
0xd3: {  	[tilespmem:s0+$0x8740] =	vst v1;
	v0 =	vadd.f32 v4, v0  }
0xd4: {  	[tilespmem:s0+$0x8750] =	vst v2  }
0xd5: {  	s23 =	simm.s32 $0x0;
	[tilespmem:s0+$0x8760] =	vst v0  }
0xd6: {  	[hbm4b:s14+s23] =	stream.linear.scatter [tilespmem:s30], [sflag:$0x1], $0x4000, $0x38;
	[tilespmem:$0xC740] =	vst v63  }
0xd7: {  	_ =	swait.ge [sflag:s31], $0x4000  }
0xd8: {  	[sflag:s31] =	ssyncset.done $0x0  }
0xd9: {  	[sflag:s31] =	ssyncadd.s32 $0xFFFFC000  }
0xda: {  	v1 =	vld [tilespmem:$0x100]  }
0xdb: {  	v2 =	vld [tilespmem:$0x110]  }
0xdc: {  	v0 =	vld [tilespmem:$0x120]  }
0xdd: {  	s0 =	simm.s32 $0x0;
	v3 =	vld [tilespmem:$0x130]  }
0xde: {  	v5 =	vld [tilespmem:s0+$0x230]  }
0xdf: {  	v6 =	vld [tilespmem:s0+$0x200]  }
0xe0: {  	v7 =	vld [tilespmem:s0+$0x210]  }
0xe1: {  	v4 =	vld [tilespmem:s0+$0x220]  }
0xe2: {  	s22 =	simm.s32 $0x100  }
.LBB2_12:
0xe3: {  	s23 =	sshra.s32 s22, $0x2;
	p1 =	sne.s32 s22, $0xFF00;
	s22 =	sadd.s32 $0x100, s22;
	v8 =	vadd.f32 v5, v3  }
.Ltmp5:
0xe4: {  	v5 =	vld [tilespmem:s23+$0x230];
	v9 =	vadd.f32 v6, v1;
	(pc) =	sbr.rel @p1 .LBB2_12-.Ltmp5, $4  }
0xe5: {  	v6 =	vld [tilespmem:s23+$0x200];
	v10 =	vadd.f32 v7, v2;
	[tilespmem:s0+$0x4770] =	vst v8  }
0xe6: {  	v7 =	vld [tilespmem:s23+$0x210];
	[tilespmem:s0+$0x4740] =	vst v9;
	v8 =	vadd.f32 v4, v0  }
0xe7: {  	v4 =	vld [tilespmem:s23+$0x220];
	[tilespmem:s0+$0x4750] =	vst v10  }
0xe8: {  	[tilespmem:s0+$0x4760] =	vst v8;
	s0 =	smov.u32 s23  }
0xe9: {  	v3 =	vadd.f32 v5, v3  }
0xea: {  	v1 =	vadd.f32 v6, v1  }
0xeb: {  	v2 =	vadd.f32 v7, v2;
	[tilespmem:s0+$0x4770] =	vst v3  }
0xec: {  	[tilespmem:s0+$0x4740] =	vst v1;
	v0 =	vadd.f32 v4, v0  }
0xed: {  	[tilespmem:s0+$0x4750] =	vst v2  }
0xee: {  	s23 =	simm.s32 $0x0;
	[tilespmem:s0+$0x4760] =	vst v0  }
0xef: {  	[hbm4b:s15+s23] =	stream.linear.scatter [tilespmem:s29], [sflag:$0x1], $0x4000, $0x38;
	[tilespmem:$0xC740] =	vst v63  }
0xf0: {  	_ =	swait.ge [sflag:s31], $0x4000  }
0xf1: {  	[sflag:s31] =	ssyncset.done $0x0  }
0xf2: {  	[sflag:s31] =	ssyncadd.s32 $0xFFFFC000  }
0xf3: {  	v1 =	vld [tilespmem:$0x140]  }
0xf4: {  	v2 =	vld [tilespmem:$0x150]  }
0xf5: {  	v0 =	vld [tilespmem:$0x160]  }
0xf6: {  	s0 =	simm.s32 $0x0;
	v3 =	vld [tilespmem:$0x170]  }
0xf7: {  	v5 =	vld [tilespmem:s0+$0x230]  }
0xf8: {  	v6 =	vld [tilespmem:s0+$0x200]  }
0xf9: {  	v7 =	vld [tilespmem:s0+$0x210]  }
0xfa: {  	v4 =	vld [tilespmem:s0+$0x220]  }
0xfb: {  	s22 =	simm.s32 $0x100  }
.LBB2_14:
0xfc: {  	s23 =	sshra.s32 s22, $0x2;
	p1 =	sne.s32 s22, $0xFF00;
	s22 =	sadd.s32 $0x100, s22;
	v8 =	vadd.f32 v5, v3  }
.Ltmp6:
0xfd: {  	v5 =	vld [tilespmem:s23+$0x230];
	v9 =	vadd.f32 v6, v1;
	(pc) =	sbr.rel @p1 .LBB2_14-.Ltmp6, $4  }
0xfe: {  	v6 =	vld [tilespmem:s23+$0x200];
	v10 =	vadd.f32 v7, v2;
	[tilespmem:s0+$0x8770] =	vst v8  }
0xff: {  	v7 =	vld [tilespmem:s23+$0x210];
	[tilespmem:s0+$0x8740] =	vst v9;
	v8 =	vadd.f32 v4, v0  }
0x100: {  	v4 =	vld [tilespmem:s23+$0x220];
	[tilespmem:s0+$0x8750] =	vst v10  }
0x101: {  	[tilespmem:s0+$0x8760] =	vst v8;
	s0 =	smov.u32 s23  }
0x102: {  	v3 =	vadd.f32 v5, v3  }
0x103: {  	v1 =	vadd.f32 v6, v1  }
0x104: {  	v2 =	vadd.f32 v7, v2;
	[tilespmem:s0+$0x8770] =	vst v3  }
0x105: {  	[tilespmem:s0+$0x8740] =	vst v1;
	v0 =	vadd.f32 v4, v0  }
0x106: {  	[tilespmem:s0+$0x8750] =	vst v2  }
0x107: {  	s23 =	simm.s32 $0x0;
	[tilespmem:s0+$0x8760] =	vst v0  }
0x108: {  	[hbm4b:s16+s23] =	stream.linear.scatter [tilespmem:s30], [sflag:$0x1], $0x4000, $0x38;
	[tilespmem:$0xC740] =	vst v63  }
0x109: {  	_ =	swait.ge [sflag:s31], $0x4000  }
0x10a: {  	[sflag:s31] =	ssyncset.done $0x0  }
0x10b: {  	[sflag:s31] =	ssyncadd.s32 $0xFFFFC000  }
0x10c: {  	v1 =	vld [tilespmem:$0x180]  }
0x10d: {  	v2 =	vld [tilespmem:$0x190]  }
0x10e: {  	v0 =	vld [tilespmem:$0x1A0]  }
0x10f: {  	s0 =	simm.s32 $0x0;
	v3 =	vld [tilespmem:$0x1B0]  }
0x110: {  	v5 =	vld [tilespmem:s0+$0x230]  }
0x111: {  	v6 =	vld [tilespmem:s0+$0x200]  }
0x112: {  	v7 =	vld [tilespmem:s0+$0x210]  }
0x113: {  	v4 =	vld [tilespmem:s0+$0x220]  }
0x114: {  	s22 =	simm.s32 $0x100  }
.LBB2_16:
0x115: {  	s23 =	sshra.s32 s22, $0x2;
	p1 =	sne.s32 s22, $0xFF00;
	s22 =	sadd.s32 $0x100, s22;
	v8 =	vadd.f32 v5, v3  }
.Ltmp7:
0x116: {  	v5 =	vld [tilespmem:s23+$0x230];
	v9 =	vadd.f32 v6, v1;
	(pc) =	sbr.rel @p1 .LBB2_16-.Ltmp7, $4  }
0x117: {  	v6 =	vld [tilespmem:s23+$0x200];
	v10 =	vadd.f32 v7, v2;
	[tilespmem:s0+$0x4770] =	vst v8  }
0x118: {  	v7 =	vld [tilespmem:s23+$0x210];
	[tilespmem:s0+$0x4740] =	vst v9;
	v8 =	vadd.f32 v4, v0  }
0x119: {  	v4 =	vld [tilespmem:s23+$0x220];
	[tilespmem:s0+$0x4750] =	vst v10  }
0x11a: {  	[tilespmem:s0+$0x4760] =	vst v8;
	s0 =	smov.u32 s23  }
0x11b: {  	v3 =	vadd.f32 v5, v3  }
0x11c: {  	v1 =	vadd.f32 v6, v1  }
0x11d: {  	v2 =	vadd.f32 v7, v2;
	[tilespmem:s0+$0x4770] =	vst v3  }
0x11e: {  	[tilespmem:s0+$0x4740] =	vst v1;
	v0 =	vadd.f32 v4, v0  }
0x11f: {  	[tilespmem:s0+$0x4750] =	vst v2  }
0x120: {  	s23 =	simm.s32 $0x0;
	[tilespmem:s0+$0x4760] =	vst v0  }
0x121: {  	[hbm4b:s17+s23] =	stream.linear.scatter [tilespmem:s29], [sflag:$0x1], $0x4000, $0x38;
	[tilespmem:$0xC740] =	vst v63  }
0x122: {  	_ =	swait.ge [sflag:s31], $0x4000  }
0x123: {  	[sflag:s31] =	ssyncset.done $0x0  }
0x124: {  	[sflag:s31] =	ssyncadd.s32 $0xFFFFC000  }
0x125: {  	v1 =	vld [tilespmem:$0x1C0]  }
0x126: {  	v2 =	vld [tilespmem:$0x1D0]  }
0x127: {  	v0 =	vld [tilespmem:$0x1E0]  }
0x128: {  	s0 =	simm.s32 $0x0;
	v3 =	vld [tilespmem:$0x1F0]  }
0x129: {  	v5 =	vld [tilespmem:s0+$0x230]  }
0x12a: {  	v6 =	vld [tilespmem:s0+$0x200]  }
0x12b: {  	v7 =	vld [tilespmem:s0+$0x210]  }
0x12c: {  	v4 =	vld [tilespmem:s0+$0x220]  }
0x12d: {  	s22 =	simm.s32 $0x100  }
.LBB2_18:
0x12e: {  	s23 =	sshra.s32 s22, $0x2;
	p1 =	sne.s32 s22, $0xFF00;
	s22 =	sadd.s32 $0x100, s22;
	v8 =	vadd.f32 v5, v3  }
.Ltmp8:
0x12f: {  	v5 =	vld [tilespmem:s23+$0x230];
	v9 =	vadd.f32 v6, v1;
	(pc) =	sbr.rel @p1 .LBB2_18-.Ltmp8, $4  }
0x130: {  	v6 =	vld [tilespmem:s23+$0x200];
	v10 =	vadd.f32 v7, v2;
	[tilespmem:s0+$0x8770] =	vst v8  }
0x131: {  	v7 =	vld [tilespmem:s23+$0x210];
	[tilespmem:s0+$0x8740] =	vst v9;
	v8 =	vadd.f32 v4, v0  }
0x132: {  	v4 =	vld [tilespmem:s23+$0x220];
	[tilespmem:s0+$0x8750] =	vst v10  }
0x133: {  	[tilespmem:s0+$0x8760] =	vst v8;
	s0 =	smov.u32 s23  }
0x134: {  	v3 =	vadd.f32 v5, v3  }
0x135: {  	v1 =	vadd.f32 v6, v1  }
0x136: {  	v2 =	vadd.f32 v7, v2;
	[tilespmem:s0+$0x8770] =	vst v3  }
0x137: {  	[tilespmem:s0+$0x8740] =	vst v1;
	v0 =	vadd.f32 v4, v0  }
0x138: {  	[tilespmem:s0+$0x8750] =	vst v2  }
0x139: {  	s1 =	sadd.s32 $0x1, s1;
	[tilespmem:s0+$0x8760] =	vst v0  }
0x13a: {  	[hbm4b:s18+s2] =	stream.linear.scatter [tilespmem:s30], [sflag:$0x1], $0x4000, $0x38;
	[tilespmem:$0xC740] =	vst v63  }
0x13b: {  	p1 =	sne.s32 s1, s19;
	_ =	swait.ge [sflag:s31], $0x4000  }
.Ltmp9:
0x13c: {  	[sflag:s31] =	ssyncset.done $0x0;
	(pc) =	sbr.rel @p1 .LBB2_1-.Ltmp9, $4  }
0x13d: {  	[sflag:s31] =	ssyncadd.s32 $0xFFFFC000  }
0x13e: {  	_ =	swait.ge [sflag:s31], $0x4000  }
0x13f: {  	[sflag:s31] =	ssyncset.done $0x0  }
0x140: {  	[sflag:s31] =	ssyncadd.s32 $0xFFFFC000  }
0x141: {  	_ =	sfence.sel $0x180000  }
0x142: {  	[bflag:$0x0] =	sbarrier.arrive $0xFFFF  }
0x143: {  	_ =	strace $0x90000047  }
0x144: {  	s0 =	stileid.u32;
	[bflag:$0x2] =	sbarrier.arrive $0xFFFF  }
0x145: {  	p0 =	sne.s32 s0, $0x0;
	s0 =	rddreg [dreg:$0x2]  }
0x146: {  	s0 =	sadd.s32 @!p0 $0x100000, s0  }
0x147: {  	[sflag:s0] =	ssyncadd.tile.s32 @!p0 $0x1;
	_ =	shalt  }
.Lfunc_end2:
_tile_overlayer_lowered:
.L_overlay_start_2:
0x148: {  	(tag) =	ssettag $0x2  }
0x149: {  	s0 =	rddreg [dreg:$0x0];
	s2 =	stileid.u32  }
0x14a: {  	s1 =	rddreg [dreg:$0x1];
	p0 =	sne.s32 s2, $0x0  }
0x14b: {  	s3 =	rddreg [dreg:$0x2];
	[bflag:$0x3] =	sbarrier.arrive $0xFFFF;
	s2 =	simm.s32 @!p0 $0x1C02  }
0x14c: {  	[timem:s3], [sflag:s2] =	dma.local @!p0 [hbm:s0], s1  }
0x14d: {  	s0 =	simm.s32 @!p0 $0x2  }
0x14e: {  	_ =	swait.ge @!p0 [sflag:s0], s1  }
0x14f: {  	s1 =	ssub.s32 @!p0 $0x0, s1;
	[sflag:s0] =	ssyncset.done @!p0 $0x0  }
0x150: {  	[sflag:s0] =	ssyncadd.s32 @!p0 s1  }
0x151: {  	[bflag:$0x3] =	sbarrier.arrive $0xFFFF  }
0x152: {  	_ =	shalt  }

// kernel: kernel.7.cloned.1.call-start
scs
__scs_entry_jumppad:
0x0: {  	(pc) =	sbr.rel $0x88, $3  }
0x1: {  	(tag) =	ssettag $0x0;
	lr =	simm.s32 $0x1  }
0x2: {  	[smem:$0x3F9E] =	sst lr;
	_ =	strace $0xD0000000  }
0x3: {  	_ = 	snop  }
0x4: {  	_ = 	snop  }
0x5: {  	_ = 	snop  }
0x6: {  	_ = 	snop  }
0x7: {  	_ = 	snop  }
__scs_overlays_trampoline_lowered:
0x8: {  	[smem:$0x3FAD] =	sst s0  }
0x9: {  	[smem:$0x3FAE] =	sst s1  }
0xa: {  	[smem:$0x3FAF] =	sst s2  }
0xb: {  	[smem:$0x3FB0] =	sst s3  }
0xc: {  	[smem:$0x3FB1] =	sst s4  }
0xd: {  	[smem:$0x3FB2] =	sst s5  }
0xe: {  	[smem:$0x3FB3] =	sst s6  }
0xf: {  	[smem:$0x3FB4] =	sst s7  }
0x10: {  	[smem:$0x3FB5] =	sst s8  }
0x11: {  	[smem:$0x3FB6] =	sst s9;
	s0 =	simm.s32 @!p0 $0x0  }
0x12: {  	s1 =	sld [smem:$0x3F9C];
	s0 =	simm.s32 @p0 $0x1  }
0x13: {  	[smem:$0x3FB7] =	sst s0;
	s0 =	simm.s32 @!p1 $0x0  }
0x14: {  	s2 =	sld [smem:$0x3F9B];
	s0 =	simm.s32 @p1 $0x1  }
0x15: {  	[smem:$0x3FB8] =	sst s0;
	s0 =	simm.s32 @!p2 $0x0  }
0x16: {  	s3 =	sld [smem:$0x3FDB];
	s0 =	simm.s32 @p2 $0x1  }
0x17: {  	s4 =	simm.s32 $0x1BF5;
	[smem:$0x3FBA] =	sst s0  }
0x18: {  	s0 =	sld [smem:$0x3F9D];
	_ =	swait.ge [sflag:s4], $0x0  }
0x19: {  	s7 =	sld [smem:$0x3F9E]  }
0x1a: {  	s8 =	sadd.s32 $0xFFFFE003, lr  }
0x1b: {  	s9 =	sadd.s32 $0xFFFFFEF7, lr;
	s5 =	simm.s32 $0xFFFFFFFF;
	p2 =	slt.u32 s8, $0xFFFFF086  }
0x1c: {  	p1 =	slt.u32 s9, $0xF7A;
	s5 =	simm.s32 @!p2 $0x0  }
0x1d: {  	s5 =	simm.s32 @p1 $0x1;
	p0 =	seq.s32 s7, s2  }
0x1e: {  	s7 =	smul.u32 @!p0 $0xF7A, s2;
	p2 =	seq.s32 @!p0 s5, $0x0  }
0x1f: {  	s9 =	smul.u32 $0xF7A, s1;
	s8 =	simm.s32 @!p0 $0x1BF5;
	p2 =	por !p2, p0  }
0x20: {  	[sflag:s8] =	ssyncset.s32 @!p0 $0xFFFFF086;
	s6 =	sadd.s32 @!p0 s3, s7;
	s7 =	simm.s32 @!p0 $0x108  }
0x21: {  	s3 =	sadd.s32 s3, s9;
	s6 =	sadd.s32 @!p0 $0x88, s6;
	s7 =	simm.s32 @p2 $0x1082  }
0x22: {  	[simem:s7], [sflag:s8] =	dma.local @!p0 [hbm:s6], $0xF7A  }
0x23: {  	s9 =	sor.u32 $0xD0000000, s2;
	s6 =	simm.s32 $0x108;
	_ =	swait.ge @!p0 [sflag:s8], $0x0  }
0x24: {  	s3 =	sadd.s32 $0x88, s3;
	s6 =	simm.s32 @!p1 $0x1082;
	[sflag:s4] =	ssyncset.s32 $0xFFFFF086  }
0x25: {  	[simem:s6], [sflag:s4] =	dma.local [hbm:s3], $0xF7A  }
0x26: {  	[smem:$0x3F9E] =	sst s1;
	(tag) =	ssettag s2;
	_ =	strace s9  }
0x27: {  	s1 =	sld [smem:$0x3FAE]  }
0x28: {  	s2 =	sld [smem:$0x3FAF]  }
0x29: {  	s4 =	sld [smem:$0x3FB1]  }
0x2a: {  	p0 =	seq.s32 s5, $0x0;
	s5 =	sld [smem:$0x3FB2]  }
0x2b: {  	s6 =	sld [smem:$0x3FB3]  }
0x2c: {  	s7 =	sld [smem:$0x3FB4]  }
0x2d: {  	s3 =	simm.s32 $0x108;
	s8 =	sld [smem:$0x3FB5]  }
0x2e: {  	s3 =	simm.s32 @!p0 $0x1082;
	s9 =	sld [smem:$0x3FB6]  }
0x2f: {  	lr =	sadd.s32 s0, s3;
	s0 =	sld [smem:$0x3FAD]  }
0x30: {  	s3 =	sld [smem:$0x3FB0]  }
0x31: {  	[smem:$0x3FB9] =	sst s10  }
0x32: {  	s10 =	sld [smem:$0x3FB7];
	_ =	sdelay $0x3  }
0x33: {  	p0 =	seq.s32 s10, $0x1;
	s10 =	sld [smem:$0x3FB9];
	_ =	sdelay $0x3  }
0x34: {  	[smem:$0x3FB9] =	sst s10  }
0x35: {  	s10 =	sld [smem:$0x3FB8];
	_ =	sdelay $0x3  }
0x36: {  	p1 =	seq.s32 s10, $0x1;
	s10 =	sld [smem:$0x3FB9];
	_ =	sdelay $0x3  }
0x37: {  	[smem:$0x3FB9] =	sst s10  }
0x38: {  	s10 =	sld [smem:$0x3FBA]  }
0x39: {  	_ = 	snop;
	(pc) =	sbr.ind lr, $3  }
0x3a: {  	_ = 	snop  }
0x3b: {  	_ = 	snop  }
0x3c: {  	p2 =	seq.s32 s10, $0x1;
	s10 =	sld [smem:$0x3FB9]  }
0x3d: {  	_ =	shalt  }
0x3e: {  	_ =	shalt  }
0x3f: {  	_ =	shalt  }
0x40: {  	_ =	shalt  }
0x41: {  	_ =	shalt  }
0x42: {  	_ =	shalt  }
0x43: {  	_ =	shalt  }
0x44: {  	_ =	shalt  }
0x45: {  	_ =	shalt  }
0x46: {  	_ =	shalt  }
0x47: {  	_ =	shalt  }
0x48: {  	_ =	shalt  }
0x49: {  	_ =	shalt  }
0x4a: {  	_ =	shalt  }
0x4b: {  	_ =	shalt  }
0x4c: {  	_ =	shalt  }
0x4d: {  	_ =	shalt  }
0x4e: {  	_ =	shalt  }
0x4f: {  	_ =	shalt  }
0x50: {  	_ =	shalt  }
0x51: {  	_ =	shalt  }
0x52: {  	_ =	shalt  }
0x53: {  	_ =	shalt  }
0x54: {  	_ =	shalt  }
0x55: {  	_ =	shalt  }
0x56: {  	_ =	shalt  }
0x57: {  	_ =	shalt  }
0x58: {  	_ =	shalt  }
0x59: {  	_ =	shalt  }
0x5a: {  	_ =	shalt  }
0x5b: {  	_ =	shalt  }
0x5c: {  	_ =	shalt  }
0x5d: {  	_ =	shalt  }
0x5e: {  	_ =	shalt  }
0x5f: {  	_ =	shalt  }
0x60: {  	_ =	shalt  }
0x61: {  	_ =	shalt  }
0x62: {  	_ =	shalt  }
0x63: {  	_ =	shalt  }
0x64: {  	_ =	shalt  }
0x65: {  	_ =	shalt  }
0x66: {  	_ =	shalt  }
0x67: {  	_ =	shalt  }
0x68: {  	_ =	shalt  }
0x69: {  	_ =	shalt  }
0x6a: {  	_ =	shalt  }
0x6b: {  	_ =	shalt  }
0x6c: {  	_ =	shalt  }
0x6d: {  	_ =	shalt  }
0x6e: {  	_ =	shalt  }
0x6f: {  	_ =	shalt  }
0x70: {  	_ =	shalt  }
0x71: {  	_ =	shalt  }
0x72: {  	_ =	shalt  }
0x73: {  	_ =	shalt  }
0x74: {  	_ =	shalt  }
0x75: {  	_ =	shalt  }
0x76: {  	_ =	shalt  }
0x77: {  	_ =	shalt  }
0x78: {  	_ =	shalt  }
0x79: {  	_ =	shalt  }
0x7a: {  	_ =	shalt  }
0x7b: {  	_ =	shalt  }
0x7c: {  	_ =	shalt  }
0x7d: {  	_ =	shalt  }
0x7e: {  	_ =	shalt  }
0x7f: {  	_ =	shalt  }
0x80: {  	_ =	shalt  }
0x81: {  	_ =	shalt  }
0x82: {  	_ =	shalt  }
0x83: {  	_ =	shalt  }
0x84: {  	_ =	shalt  }
0x85: {  	_ =	shalt  }
0x86: {  	_ =	shalt  }
0x87: {  	_ =	shalt  }
.Lfunc_end0:
.L_simem_size_0:
called_computation.1_lowered:
.L_overlay_start_0:
0x88: {  	s2 =	sld [smem:$0x3FD9]  }
0x89: {  	s3 =	sld [smem:$0x3FFE];
	_ =	sdelay $0x1  }
0x8a: {  	s1 =	srdreg.scid  }
0x8b: {  	s0 =	sand.u32 $0x1, s1  }
0x8c: {  	s17 =	sshll.u32 s0, $0xA;
	s2 =	sadd.s32 s3, s2  }
0x8d: {  	s2 =	sadd.s32 s2, s17  }
0x8e: {  	[smem:$0x3FC5] =	sst s2  }
0x8f: {  	_ = 	snop  }
0x90: {  	s2 =	sld [smem:$0x3FD0];
	(tm) =	ssettm $0x1  }
0x91: {  	s18 =	sld [smem:$0x3FFB];
	_ =	sdelay $0x3  }
0x92: {  	_ =	strace s18  }
0x93: {  	s3 =	sld [smem:$0x3FFC];
	_ =	sdelay $0x3  }
0x94: {  	_ =	strace s3  }
0x95: {  	s3 =	sld [smem:$0x3FFD];
	_ =	sdelay $0x3  }
0x96: {  	_ =	strace s3  }
0x97: {  	_ =	strace $0x8FFFFFFF  }
0x98: {  	s19 =	sld [smem:$0x3FDB];
	_ =	sdelay $0x1  }
0x99: {  	s4 =	simm.s32 $_scs_section_size  }
0x9a: {  	s5 =	simm.s32 $_size__tile_overlayer_lowered;
	s6 =	simm.s32 $_tile_overlayer_lowered  }
0x9b: {  	s22 =	simm.s32 $0x1BFF;
	s21 =	sshll.u32 s6, $0x1;
	s3 =	sadd.s32 s4, s19  }
0x9c: {  	s7 =	simm.s32 $0x0;
	s20 =	sshll.u32 s5, $0x1;
	s5 =	sadd.s32 s21, s3  }
0x9d: {  	[timem:s7], [sflag:s22] =	dma.local [hbm:s5], s20  }
0x9e: {  	_ =	swait.ge [sflag:s22], s20  }
0x9f: {  	s4 =	ssub.s32 $0x0, s20;
	[sflag:s22] =	ssyncset.done $0x0  }
0xa0: {  	[sflag:s22] =	ssyncadd.s32 s4;
	_ =	sdelay $0x1  }
0xa1: {  	s23 =	simm.s32 $0x1B8B  }
0xa2: {  	_ =	swait.ge [sflag:s23], $0x1  }
0xa3: {  	[sflag:s23] =	ssyncset.done $0x0  }
0xa4: {  	s25 =	simm.s32 $0x1B8E;
	s24 =	sld [smem:$0x3FFE];
	[sflag:s23] =	ssyncadd.s32 $0xFFFFFFFF  }
0xa5: {  	s26 =	simm.s32 $execute0_lowered;
	[smem:$0x3FD2] =	sst s25  }
0xa6: {  	s5 =	sshll.u32 s26, $0x1;
	_ =	strace $0x80000049;
	[dreg:$0x1] =	wrdreg $0xFFFFFFFF  }
0xa7: {  	s28 =	simm.s32 $_size_execute0_lowered;
	s3 =	sadd.s32 s3, s5;
	[dreg:$0x0] =	wrdreg $0x0  }
0xa8: {  	s5 =	sshll.u32 s28, $0x1;
	[dreg:$0x2] =	wrdreg s3  }
0xa9: {  	[dreg:$0x3] =	wrdreg s5  }
0xaa: {  	[dreg:$0x4] =	wrdreg $0xC0  }
0xab: {  	_ =	task [dreg:s7], $0x5FFFF  }
0xac: {  	[dreg:$0x1] =	wrdreg $0xFFFFFFFF  }
0xad: {  	[dreg:$0x0] =	wrdreg $0x60  }
0xae: {  	[dreg:$0x2] =	wrdreg s2  }
0xaf: {  	[dreg:$0x3] =	wrdreg s24  }
0xb0: {  	[dreg:$0x4] =	wrdreg $0x9  }
0xb1: {  	_ =	task.clear_ibuf [dreg:s7], $0x5FFFF;
	_ =	strace $0x90000049  }
0xb2: {  	s29 =	simm.s32 $0x9;
	_ =	strace $0x8000004B  }
0xb3: {  	_ =	swait.ge [sflag:s29], $0x1  }
0xb4: {  	[sflag:s29] =	ssyncadd.s32 $0xFFFFFFFF  }
0xb5: {  	_ =	strace $0x9000004B  }
0xb6: {  	_ =	sfence  }
0xb7: {  	s30 =	sld [smem:$0x0];
	_ =	sdelay $0x2  }
0xb8: {  	s31 =	sshll.u32 s1, $0xD;
	s1 =	sshrl.u32 s1, $0x2  }
0xb9: {  	s3 =	sand.u32 $0x4000, s31;
	s1 =	sadd.s32 s1, s30  }
0xba: {  	s0 =	sor.u32 s3, s0;
	s1 =	sshll.u32 s1, $0x11  }
0xbb: {  	s0 =	sor.u32 s1, s0  }
0xbc: {  	s0 =	sadd.s32 $0x8F2B, s0  }
0xbd: {  	[sflag:s0] =	ssyncadd.remote.s32 $0x1  }
0xbe: {  	_ =	sfence.sel $0xFFFF  }
0xbf: {  	[dreg:$0x0] =	wrdreg $0xFFFFFFFF;
	(pc) =	sbr.abs _section_cstart, $3  }
0xc0: {  	[dreg:$0x1] =	wrdreg $0xFFFFFFFF  }
0xc1: {  	_ =	task.clear_ibuf [dreg:s7], $0x2FFFF;
	_ =	strace $0x9FFFFFFF  }
0xc2: {  	(tm) =	ssettm $0x7FFFFFFF  }
0xc3: {  	_ =	shalt  }
tec
execute0_lowered:
.L_overlay_start_1:
0x0: {  	(tag) =	ssettag $0x1  }
0x1: {  	s2 =	rddreg [dreg:$0x0]  }
0x2: {  	s0 =	rddreg [dreg:$0x1];
	s5 =	stileid.u32;
	s3 =	simm.s32 $0x0  }
0x3: {  	s4 =	srdreg.scid;
	s14 =	simm.s32 $0x3;
	s16 =	simm.s32 $0x68  }
0x4: {  	s19 =	simm.s32 $0x60;
	s15 =	simm.s32 $0x10900;
	s17 =	simm.s32 $0x1  }
0x5: {  	s18 =	simm.s32 $0x12300;
	s20 =	simm.s32 $0x15500;
	s1 =	smul.u32 $0x1C, s5  }
0x6: {  	s21 =	simm.s32 $0x2;
	s5 =	smul.u32 $0x4E200, s5;
	s6 =	sand.u32 $0x1, s4  }
0x7: {  	s22 =	simm.s32 $0x0;
	[smem:$0x7FF] =	sst s3;
	s4 =	smul.u32 $0x64, s6  }
0x8: {  	_ =	strace $0x8000004A;
	s7 =	ssub.s32 $0x2, s6;
	s11 =	smul.u32 $0x190, s6  }
0x9: {  	s1 =	sadd.s32 s1, s0;
	s0 =	sadd.s32 s5, s0;
	s31 =	sshrl.u32 s7, $0x1  }
0xa: {  	v0 =	vlaneseq.u32;
	s12 =	ssub.s32 s7, s31;
	s5 =	sadd.s32 $0x2400, s1;
	s6 =	sadd.s32 $0x2600, s1  }
0xb: {  	v0 =	vmul.u32 $0xC8, v0;
	s7 =	sadd.s32 $0x2800, s0;
	s8 =	sor.u32 $0x1, s4;
	s9 =	sor.u32 $0x2, s4  }
0xc: {  	s10 =	sor.u32 $0x3, s4;
	s11 =	sshrl.u32 s11, $0x2;
	s0 =	simm.s32 $0xEF00  }
0xd: {  	v1 =	vadd.s32 $0xC80, v0;
	v2 =	vadd.s32 $0x1900, v0;
	v3 =	vadd.s32 $0x2580, v0;
	s1 =	simm.s32 $0x498;
	s12 =	smax.u32 s12, $0x1;
	s13 =	sadd.s32 $0xE0, s11  }
.LBB2_1:
0xe: {  	[tilespmem:s3], [sflag:$0x3] =	stream.linear.gather [hbm4b:s5+s3], $0xE0, $0x38;
	[tilespmem:$0x18700] =	vst v63  }
0xf: {  	_ =	swait.ge [sflag:s14], $0xE0  }
0x10: {  	[sflag:s14] =	ssyncset.done $0x0  }
0x11: {  	s23 =	simm.s32 $0xE0;
	[sflag:s14] =	ssyncadd.s32 $0xFFFFFF20  }
0x12: {  	[tilespmem:s23], [sflag:$0x3] =	stream.linear.gather [hbm4b:s6+s3], $0xE0, $0x38;
	[tilespmem:$0x18700] =	vst v63  }
0x13: {  	_ =	swait.ge [sflag:s14], $0xE0  }
0x14: {  	[sflag:s14] =	ssyncset.done $0x0  }
0x15: {  	[sflag:s14] =	ssyncadd.s32 $0xFFFFFF20  }
0x16: {  	s31 =	sadd.s32 $0x0, s11;
	v6 =	vld [tilespmem:$0x0]  }
0x17: {  	s24 =	sadd.s32 $0x0, s13;
	v4 =	vld.msk [tilespmem:s31+$0x0 ss:$0x0], $0xffff  }
0x18: {  	v5 =	vld.msk [tilespmem:s24+$0x0 ss:$0x0], $0xffff  }
0x19: {  	v7 =	vld [tilespmem:$0xE0];
	_ =	sdelay $0x3  }
0x1a: {  	v6 =	vsub.f32 v4, v6  }
0x1b: {  	v7 =	vsub.f32 v5, v7  }
0x1c: {  	v6 =	vadd.f32 $1.280000000e+02, v6  }
0x1d: {  	v7 =	vadd.f32 $1.280000000e+02, v7  }
0x1e: {  	v6 =	vmax.f32 v6, $0.0e+00  }
0x1f: {  	v7 =	vmax.f32 v7, $0.0e+00;
	v6 =	vmin.f32 v6, $2.550000000e+02  }
0x20: {  	v7 =	vmin.f32 v7, $2.550000000e+02;
	v6 =	vtrunc.f32 v6  }
0x21: {  	v7 =	vtrunc.f32 v7;
	v6 =	vcvt.f32.s32 v6  }
0x22: {  	v7 =	vcvt.f32.s32 v7  }
0x23: {  	v6 =	vshll.u32 v6, $0x8  }
0x24: {  	s23 =	simm.s32 $0x220;
	v6 =	vadd.s32 v7, v6  }
0x25: {  	[tilespmem:s23+$0xFFFFFFA0] =	vst v6  }
0x26: {  	v6 =	vld [tilespmem:$0x10]  }
0x27: {  	v7 =	vld [tilespmem:$0xF0];
	_ =	sdelay $0x3  }
0x28: {  	v6 =	vsub.f32 v4, v6  }
0x29: {  	v7 =	vsub.f32 v5, v7  }
0x2a: {  	v6 =	vadd.f32 $1.280000000e+02, v6  }
0x2b: {  	v7 =	vadd.f32 $1.280000000e+02, v7  }
0x2c: {  	v6 =	vmax.f32 v6, $0.0e+00  }
0x2d: {  	v7 =	vmax.f32 v7, $0.0e+00;
	v6 =	vmin.f32 v6, $2.550000000e+02  }
0x2e: {  	v7 =	vmin.f32 v7, $2.550000000e+02;
	v6 =	vtrunc.f32 v6  }
0x2f: {  	v7 =	vtrunc.f32 v7;
	v6 =	vcvt.f32.s32 v6  }
0x30: {  	v7 =	vcvt.f32.s32 v7  }
0x31: {  	v6 =	vshll.u32 v6, $0x8  }
0x32: {  	v6 =	vadd.s32 v7, v6  }
0x33: {  	[tilespmem:s23+$0xFFFFFFB0] =	vst v6  }
0x34: {  	v6 =	vld [tilespmem:$0x20]  }
0x35: {  	v7 =	vld [tilespmem:$0x100];
	_ =	sdelay $0x3  }
0x36: {  	v6 =	vsub.f32 v4, v6  }
0x37: {  	v7 =	vsub.f32 v5, v7  }
0x38: {  	v6 =	vadd.f32 $1.280000000e+02, v6  }
0x39: {  	v7 =	vadd.f32 $1.280000000e+02, v7  }
0x3a: {  	v6 =	vmax.f32 v6, $0.0e+00  }
0x3b: {  	v7 =	vmax.f32 v7, $0.0e+00;
	v6 =	vmin.f32 v6, $2.550000000e+02  }
0x3c: {  	v7 =	vmin.f32 v7, $2.550000000e+02;
	v6 =	vtrunc.f32 v6  }
0x3d: {  	v7 =	vtrunc.f32 v7;
	v6 =	vcvt.f32.s32 v6  }
0x3e: {  	v7 =	vcvt.f32.s32 v7  }
0x3f: {  	v6 =	vshll.u32 v6, $0x8  }
0x40: {  	v6 =	vadd.s32 v7, v6  }
0x41: {  	[tilespmem:s23+$0xFFFFFFC0] =	vst v6  }
0x42: {  	v6 =	vld [tilespmem:$0x30]  }
0x43: {  	v7 =	vld [tilespmem:$0x110];
	_ =	sdelay $0x3  }
0x44: {  	v6 =	vsub.f32 v4, v6  }
0x45: {  	v7 =	vsub.f32 v5, v7  }
0x46: {  	v6 =	vadd.f32 $1.280000000e+02, v6  }
0x47: {  	v7 =	vadd.f32 $1.280000000e+02, v7  }
0x48: {  	v6 =	vmax.f32 v6, $0.0e+00  }
0x49: {  	v7 =	vmax.f32 v7, $0.0e+00;
	v6 =	vmin.f32 v6, $2.550000000e+02  }
0x4a: {  	v7 =	vmin.f32 v7, $2.550000000e+02;
	v6 =	vtrunc.f32 v6  }
0x4b: {  	v7 =	vtrunc.f32 v7;
	v6 =	vcvt.f32.s32 v6  }
0x4c: {  	v7 =	vcvt.f32.s32 v7  }
0x4d: {  	v6 =	vshll.u32 v6, $0x8  }
0x4e: {  	v6 =	vadd.s32 v7, v6  }
0x4f: {  	[tilespmem:s23+$0xFFFFFFD0] =	vst v6  }
0x50: {  	v6 =	vld [tilespmem:$0x40]  }
0x51: {  	v7 =	vld [tilespmem:$0x120];
	_ =	sdelay $0x3  }
0x52: {  	v6 =	vsub.f32 v4, v6  }
0x53: {  	v7 =	vsub.f32 v5, v7  }
0x54: {  	v6 =	vadd.f32 $1.280000000e+02, v6  }
0x55: {  	v7 =	vadd.f32 $1.280000000e+02, v7  }
0x56: {  	v6 =	vmax.f32 v6, $0.0e+00  }
0x57: {  	v7 =	vmax.f32 v7, $0.0e+00;
	v6 =	vmin.f32 v6, $2.550000000e+02  }
0x58: {  	v7 =	vmin.f32 v7, $2.550000000e+02;
	v6 =	vtrunc.f32 v6  }
0x59: {  	v7 =	vtrunc.f32 v7;
	v6 =	vcvt.f32.s32 v6  }
0x5a: {  	v7 =	vcvt.f32.s32 v7  }
0x5b: {  	v6 =	vshll.u32 v6, $0x8  }
0x5c: {  	v6 =	vadd.s32 v7, v6  }
0x5d: {  	[tilespmem:s23+$0xFFFFFFE0] =	vst v6  }
0x5e: {  	v6 =	vld [tilespmem:$0x50]  }
0x5f: {  	v7 =	vld [tilespmem:$0x130];
	_ =	sdelay $0x3  }
0x60: {  	v6 =	vsub.f32 v4, v6  }
0x61: {  	v7 =	vsub.f32 v5, v7  }
0x62: {  	v6 =	vadd.f32 $1.280000000e+02, v6  }
0x63: {  	v7 =	vadd.f32 $1.280000000e+02, v7  }
0x64: {  	v6 =	vmax.f32 v6, $0.0e+00  }
0x65: {  	v7 =	vmax.f32 v7, $0.0e+00;
	v6 =	vmin.f32 v6, $2.550000000e+02  }
0x66: {  	v7 =	vmin.f32 v7, $2.550000000e+02;
	v6 =	vtrunc.f32 v6  }
0x67: {  	v7 =	vtrunc.f32 v7;
	v6 =	vcvt.f32.s32 v6  }
0x68: {  	v7 =	vcvt.f32.s32 v7  }
0x69: {  	v6 =	vshll.u32 v6, $0x8  }
0x6a: {  	v6 =	vadd.s32 v7, v6  }
0x6b: {  	[tilespmem:s23+$0xFFFFFFF0] =	vst v6  }
0x6c: {  	v6 =	vld [tilespmem:$0x60]  }
0x6d: {  	v7 =	vld [tilespmem:$0x140];
	_ =	sdelay $0x3  }
0x6e: {  	v6 =	vsub.f32 v4, v6  }
0x6f: {  	v7 =	vsub.f32 v5, v7  }
0x70: {  	v6 =	vadd.f32 $1.280000000e+02, v6  }
0x71: {  	v7 =	vadd.f32 $1.280000000e+02, v7  }
0x72: {  	v6 =	vmax.f32 v6, $0.0e+00  }
0x73: {  	v7 =	vmax.f32 v7, $0.0e+00;
	v6 =	vmin.f32 v6, $2.550000000e+02  }
0x74: {  	v7 =	vmin.f32 v7, $2.550000000e+02;
	v6 =	vtrunc.f32 v6  }
0x75: {  	v7 =	vtrunc.f32 v7;
	v6 =	vcvt.f32.s32 v6  }
0x76: {  	v7 =	vcvt.f32.s32 v7  }
0x77: {  	v6 =	vshll.u32 v6, $0x8  }
0x78: {  	v6 =	vadd.s32 v7, v6  }
0x79: {  	[tilespmem:s23+$0x0] =	vst v6  }
0x7a: {  	v6 =	vld [tilespmem:$0x70]  }
0x7b: {  	v7 =	vld [tilespmem:$0x150];
	_ =	sdelay $0x3  }
0x7c: {  	v6 =	vsub.f32 v4, v6  }
0x7d: {  	v7 =	vsub.f32 v5, v7  }
0x7e: {  	v6 =	vadd.f32 $1.280000000e+02, v6  }
0x7f: {  	v7 =	vadd.f32 $1.280000000e+02, v7  }
0x80: {  	v6 =	vmax.f32 v6, $0.0e+00  }
0x81: {  	v7 =	vmax.f32 v7, $0.0e+00;
	v6 =	vmin.f32 v6, $2.550000000e+02  }
0x82: {  	v7 =	vmin.f32 v7, $2.550000000e+02;
	v6 =	vtrunc.f32 v6  }
0x83: {  	v7 =	vtrunc.f32 v7;
	v6 =	vcvt.f32.s32 v6  }
0x84: {  	v7 =	vcvt.f32.s32 v7  }
0x85: {  	v6 =	vshll.u32 v6, $0x8  }
0x86: {  	v6 =	vadd.s32 v7, v6  }
0x87: {  	[tilespmem:s23+$0x10] =	vst v6  }
0x88: {  	v6 =	vld [tilespmem:$0x80]  }
0x89: {  	v7 =	vld [tilespmem:$0x160];
	_ =	sdelay $0x3  }
0x8a: {  	v6 =	vsub.f32 v4, v6  }
0x8b: {  	v7 =	vsub.f32 v5, v7  }
0x8c: {  	v6 =	vadd.f32 $1.280000000e+02, v6  }
0x8d: {  	v7 =	vadd.f32 $1.280000000e+02, v7  }
0x8e: {  	v6 =	vmax.f32 v6, $0.0e+00  }
0x8f: {  	v7 =	vmax.f32 v7, $0.0e+00;
	v6 =	vmin.f32 v6, $2.550000000e+02  }
0x90: {  	v7 =	vmin.f32 v7, $2.550000000e+02;
	v6 =	vtrunc.f32 v6  }
0x91: {  	v7 =	vtrunc.f32 v7;
	v6 =	vcvt.f32.s32 v6  }
0x92: {  	v7 =	vcvt.f32.s32 v7  }
0x93: {  	v6 =	vshll.u32 v6, $0x8  }
0x94: {  	v6 =	vadd.s32 v7, v6  }
0x95: {  	[tilespmem:s23+$0x20] =	vst v6  }
0x96: {  	v6 =	vld [tilespmem:$0x90]  }
0x97: {  	v7 =	vld [tilespmem:$0x170];
	_ =	sdelay $0x3  }
0x98: {  	v6 =	vsub.f32 v4, v6  }
0x99: {  	v7 =	vsub.f32 v5, v7  }
0x9a: {  	v6 =	vadd.f32 $1.280000000e+02, v6  }
0x9b: {  	v7 =	vadd.f32 $1.280000000e+02, v7  }
0x9c: {  	v6 =	vmax.f32 v6, $0.0e+00  }
0x9d: {  	v7 =	vmax.f32 v7, $0.0e+00;
	v6 =	vmin.f32 v6, $2.550000000e+02  }
0x9e: {  	v7 =	vmin.f32 v7, $2.550000000e+02;
	v6 =	vtrunc.f32 v6  }
0x9f: {  	v7 =	vtrunc.f32 v7;
	v6 =	vcvt.f32.s32 v6  }
0xa0: {  	v7 =	vcvt.f32.s32 v7  }
0xa1: {  	v6 =	vshll.u32 v6, $0x8  }
0xa2: {  	v6 =	vadd.s32 v7, v6  }
0xa3: {  	[tilespmem:s23+$0x30] =	vst v6  }
0xa4: {  	v6 =	vld [tilespmem:$0xA0]  }
0xa5: {  	v7 =	vld [tilespmem:$0x180];
	_ =	sdelay $0x3  }
0xa6: {  	v6 =	vsub.f32 v4, v6  }
0xa7: {  	v7 =	vsub.f32 v5, v7  }
0xa8: {  	v6 =	vadd.f32 $1.280000000e+02, v6  }
0xa9: {  	v7 =	vadd.f32 $1.280000000e+02, v7  }
0xaa: {  	v6 =	vmax.f32 v6, $0.0e+00  }
0xab: {  	v7 =	vmax.f32 v7, $0.0e+00;
	v6 =	vmin.f32 v6, $2.550000000e+02  }
0xac: {  	v7 =	vmin.f32 v7, $2.550000000e+02;
	v6 =	vtrunc.f32 v6  }
0xad: {  	v7 =	vtrunc.f32 v7;
	v6 =	vcvt.f32.s32 v6  }
0xae: {  	v7 =	vcvt.f32.s32 v7  }
0xaf: {  	v6 =	vshll.u32 v6, $0x8  }
0xb0: {  	v6 =	vadd.s32 v7, v6  }
0xb1: {  	[tilespmem:s23+$0x40] =	vst v6  }
0xb2: {  	v6 =	vld [tilespmem:$0xB0]  }
0xb3: {  	v7 =	vld [tilespmem:$0x190];
	_ =	sdelay $0x3  }
0xb4: {  	v6 =	vsub.f32 v4, v6  }
0xb5: {  	v7 =	vsub.f32 v5, v7  }
0xb6: {  	v6 =	vadd.f32 $1.280000000e+02, v6  }
0xb7: {  	v7 =	vadd.f32 $1.280000000e+02, v7  }
0xb8: {  	v6 =	vmax.f32 v6, $0.0e+00  }
0xb9: {  	v7 =	vmax.f32 v7, $0.0e+00;
	v6 =	vmin.f32 v6, $2.550000000e+02  }
0xba: {  	v7 =	vmin.f32 v7, $2.550000000e+02;
	v6 =	vtrunc.f32 v6  }
0xbb: {  	v7 =	vtrunc.f32 v7;
	v6 =	vcvt.f32.s32 v6  }
0xbc: {  	v7 =	vcvt.f32.s32 v7  }
0xbd: {  	v6 =	vshll.u32 v6, $0x8  }
0xbe: {  	v6 =	vadd.s32 v7, v6  }
0xbf: {  	[tilespmem:s23+$0x50] =	vst v6  }
0xc0: {  	v6 =	vld [tilespmem:$0xC0]  }
0xc1: {  	v7 =	vld [tilespmem:$0x1A0];
	_ =	sdelay $0x3  }
0xc2: {  	v4 =	vsub.f32 v4, v6  }
0xc3: {  	v5 =	vsub.f32 v5, v7  }
0xc4: {  	v4 =	vadd.f32 $1.280000000e+02, v4  }
0xc5: {  	v5 =	vadd.f32 $1.280000000e+02, v5  }
0xc6: {  	v4 =	vmax.f32 v4, $0.0e+00  }
0xc7: {  	v5 =	vmax.f32 v5, $0.0e+00;
	v4 =	vmin.f32 v4, $2.550000000e+02  }
0xc8: {  	v5 =	vmin.f32 v5, $2.550000000e+02;
	v4 =	vtrunc.f32 v4  }
0xc9: {  	v5 =	vtrunc.f32 v5;
	v4 =	vcvt.f32.s32 v4  }
0xca: {  	v5 =	vcvt.f32.s32 v5  }
0xcb: {  	v4 =	vshll.u32 v4, $0x8  }
0xcc: {  	s26 =	simm.s32 $0x8;
	s24 =	simm.s32 $0x4;
	v4 =	vadd.s32 v5, v4  }
.LBB2_2:
0xcd: {  	s28 =	sshra.s32 s24, $0x2  }
0xce: {  	[tilespmem:s23+$0x60] =	vst v4;
	s23 =	sadd.s32 $0xD0, s23;
	s24 =	smov.u32 s26;
	s25 =	sadd.s32 $0x4, s26  }
0xcf: {  	p0 =	sne.s32 s26, $0x18C;
	s26 =	sadd.s32 s28, s11;
	s28 =	sadd.s32 s28, s13;
	v6 =	vld [tilespmem:$0x0]  }
0xd0: {  	v4 =	vld.msk [tilespmem:s26+$0x0 ss:$0x0], $0xffff  }
0xd1: {  	v5 =	vld.msk [tilespmem:s28+$0x0 ss:$0x0], $0xffff  }
0xd2: {  	v7 =	vld [tilespmem:$0xE0];
	_ =	sdelay $0x3  }
0xd3: {  	v6 =	vsub.f32 v4, v6  }
0xd4: {  	v7 =	vsub.f32 v5, v7  }
0xd5: {  	v6 =	vadd.f32 $1.280000000e+02, v6  }
0xd6: {  	v7 =	vadd.f32 $1.280000000e+02, v7  }
0xd7: {  	v6 =	vmax.f32 v6, $0.0e+00  }
0xd8: {  	v6 =	vmin.f32 v6, $2.550000000e+02;
	v7 =	vmax.f32 v7, $0.0e+00  }
0xd9: {  	v6 =	vtrunc.f32 v6;
	v7 =	vmin.f32 v7, $2.550000000e+02  }
0xda: {  	v6 =	vcvt.f32.s32 v6;
	v7 =	vtrunc.f32 v7  }
0xdb: {  	v7 =	vcvt.f32.s32 v7  }
0xdc: {  	v6 =	vshll.u32 v6, $0x8  }
0xdd: {  	v6 =	vadd.s32 v7, v6  }
0xde: {  	[tilespmem:s23+$0xFFFFFFA0] =	vst v6  }
0xdf: {  	v6 =	vld [tilespmem:$0x10]  }
0xe0: {  	v7 =	vld [tilespmem:$0xF0];
	_ =	sdelay $0x3  }
0xe1: {  	v6 =	vsub.f32 v4, v6  }
0xe2: {  	v7 =	vsub.f32 v5, v7  }
0xe3: {  	v6 =	vadd.f32 $1.280000000e+02, v6  }
0xe4: {  	v7 =	vadd.f32 $1.280000000e+02, v7  }
0xe5: {  	v6 =	vmax.f32 v6, $0.0e+00  }
0xe6: {  	v6 =	vmin.f32 v6, $2.550000000e+02;
	v7 =	vmax.f32 v7, $0.0e+00  }
0xe7: {  	v6 =	vtrunc.f32 v6;
	v7 =	vmin.f32 v7, $2.550000000e+02  }
0xe8: {  	v6 =	vcvt.f32.s32 v6;
	v7 =	vtrunc.f32 v7  }
0xe9: {  	v7 =	vcvt.f32.s32 v7  }
0xea: {  	v6 =	vshll.u32 v6, $0x8  }
0xeb: {  	v6 =	vadd.s32 v7, v6  }
0xec: {  	[tilespmem:s23+$0xFFFFFFB0] =	vst v6  }
0xed: {  	v6 =	vld [tilespmem:$0x20]  }
0xee: {  	v7 =	vld [tilespmem:$0x100];
	_ =	sdelay $0x3  }
0xef: {  	v6 =	vsub.f32 v4, v6  }
0xf0: {  	v7 =	vsub.f32 v5, v7  }
0xf1: {  	v6 =	vadd.f32 $1.280000000e+02, v6  }
0xf2: {  	v7 =	vadd.f32 $1.280000000e+02, v7  }
0xf3: {  	v6 =	vmax.f32 v6, $0.0e+00  }
0xf4: {  	v6 =	vmin.f32 v6, $2.550000000e+02;
	v7 =	vmax.f32 v7, $0.0e+00  }
0xf5: {  	v6 =	vtrunc.f32 v6;
	v7 =	vmin.f32 v7, $2.550000000e+02  }
0xf6: {  	v6 =	vcvt.f32.s32 v6;
	v7 =	vtrunc.f32 v7  }
0xf7: {  	v7 =	vcvt.f32.s32 v7  }
0xf8: {  	v6 =	vshll.u32 v6, $0x8  }
0xf9: {  	v6 =	vadd.s32 v7, v6  }
0xfa: {  	[tilespmem:s23+$0xFFFFFFC0] =	vst v6  }
0xfb: {  	v6 =	vld [tilespmem:$0x30]  }
0xfc: {  	v7 =	vld [tilespmem:$0x110];
	_ =	sdelay $0x3  }
0xfd: {  	v6 =	vsub.f32 v4, v6  }
0xfe: {  	v7 =	vsub.f32 v5, v7  }
0xff: {  	v6 =	vadd.f32 $1.280000000e+02, v6  }
0x100: {  	v7 =	vadd.f32 $1.280000000e+02, v7  }
0x101: {  	v6 =	vmax.f32 v6, $0.0e+00  }
0x102: {  	v6 =	vmin.f32 v6, $2.550000000e+02;
	v7 =	vmax.f32 v7, $0.0e+00  }
0x103: {  	v6 =	vtrunc.f32 v6;
	v7 =	vmin.f32 v7, $2.550000000e+02  }
0x104: {  	v6 =	vcvt.f32.s32 v6;
	v7 =	vtrunc.f32 v7  }
0x105: {  	v7 =	vcvt.f32.s32 v7  }
0x106: {  	v6 =	vshll.u32 v6, $0x8  }
0x107: {  	v6 =	vadd.s32 v7, v6  }
0x108: {  	[tilespmem:s23+$0xFFFFFFD0] =	vst v6  }
0x109: {  	v6 =	vld [tilespmem:$0x40]  }
0x10a: {  	v7 =	vld [tilespmem:$0x120];
	_ =	sdelay $0x3  }
0x10b: {  	v6 =	vsub.f32 v4, v6  }
0x10c: {  	v7 =	vsub.f32 v5, v7  }
0x10d: {  	v6 =	vadd.f32 $1.280000000e+02, v6  }
0x10e: {  	v7 =	vadd.f32 $1.280000000e+02, v7  }
0x10f: {  	v6 =	vmax.f32 v6, $0.0e+00  }
0x110: {  	v6 =	vmin.f32 v6, $2.550000000e+02;
	v7 =	vmax.f32 v7, $0.0e+00  }
0x111: {  	v6 =	vtrunc.f32 v6;
	v7 =	vmin.f32 v7, $2.550000000e+02  }
0x112: {  	v6 =	vcvt.f32.s32 v6;
	v7 =	vtrunc.f32 v7  }
0x113: {  	v7 =	vcvt.f32.s32 v7  }
0x114: {  	v6 =	vshll.u32 v6, $0x8  }
0x115: {  	v6 =	vadd.s32 v7, v6  }
0x116: {  	[tilespmem:s23+$0xFFFFFFE0] =	vst v6  }
0x117: {  	v6 =	vld [tilespmem:$0x50]  }
0x118: {  	v7 =	vld [tilespmem:$0x130];
	_ =	sdelay $0x3  }
0x119: {  	v6 =	vsub.f32 v4, v6  }
0x11a: {  	v7 =	vsub.f32 v5, v7  }
0x11b: {  	v6 =	vadd.f32 $1.280000000e+02, v6  }
0x11c: {  	v7 =	vadd.f32 $1.280000000e+02, v7  }
0x11d: {  	v6 =	vmax.f32 v6, $0.0e+00  }
0x11e: {  	v6 =	vmin.f32 v6, $2.550000000e+02;
	v7 =	vmax.f32 v7, $0.0e+00  }
0x11f: {  	v6 =	vtrunc.f32 v6;
	v7 =	vmin.f32 v7, $2.550000000e+02  }
0x120: {  	v6 =	vcvt.f32.s32 v6;
	v7 =	vtrunc.f32 v7  }
0x121: {  	v7 =	vcvt.f32.s32 v7  }
0x122: {  	v6 =	vshll.u32 v6, $0x8  }
0x123: {  	v6 =	vadd.s32 v7, v6  }
0x124: {  	[tilespmem:s23+$0xFFFFFFF0] =	vst v6  }
0x125: {  	v6 =	vld [tilespmem:$0x60]  }
0x126: {  	v7 =	vld [tilespmem:$0x140];
	_ =	sdelay $0x3  }
0x127: {  	v6 =	vsub.f32 v4, v6  }
0x128: {  	v7 =	vsub.f32 v5, v7  }
0x129: {  	v6 =	vadd.f32 $1.280000000e+02, v6  }
0x12a: {  	v7 =	vadd.f32 $1.280000000e+02, v7  }
0x12b: {  	v6 =	vmax.f32 v6, $0.0e+00  }
0x12c: {  	v6 =	vmin.f32 v6, $2.550000000e+02;
	v7 =	vmax.f32 v7, $0.0e+00  }
0x12d: {  	v6 =	vtrunc.f32 v6;
	v7 =	vmin.f32 v7, $2.550000000e+02  }
0x12e: {  	v6 =	vcvt.f32.s32 v6;
	v7 =	vtrunc.f32 v7  }
0x12f: {  	v7 =	vcvt.f32.s32 v7  }
0x130: {  	v6 =	vshll.u32 v6, $0x8  }
0x131: {  	v6 =	vadd.s32 v7, v6  }
0x132: {  	[tilespmem:s23+$0x0] =	vst v6  }
0x133: {  	v6 =	vld [tilespmem:$0x70]  }
0x134: {  	v7 =	vld [tilespmem:$0x150];
	_ =	sdelay $0x3  }
0x135: {  	v6 =	vsub.f32 v4, v6  }
0x136: {  	v7 =	vsub.f32 v5, v7  }
0x137: {  	v6 =	vadd.f32 $1.280000000e+02, v6  }
0x138: {  	v7 =	vadd.f32 $1.280000000e+02, v7  }
0x139: {  	v6 =	vmax.f32 v6, $0.0e+00  }
0x13a: {  	v6 =	vmin.f32 v6, $2.550000000e+02;
	v7 =	vmax.f32 v7, $0.0e+00  }
0x13b: {  	v6 =	vtrunc.f32 v6;
	v7 =	vmin.f32 v7, $2.550000000e+02  }
0x13c: {  	v6 =	vcvt.f32.s32 v6;
	v7 =	vtrunc.f32 v7  }
0x13d: {  	v7 =	vcvt.f32.s32 v7  }
0x13e: {  	v6 =	vshll.u32 v6, $0x8  }
0x13f: {  	v6 =	vadd.s32 v7, v6  }
0x140: {  	[tilespmem:s23+$0x10] =	vst v6  }
0x141: {  	v6 =	vld [tilespmem:$0x80]  }
0x142: {  	v7 =	vld [tilespmem:$0x160];
	_ =	sdelay $0x3  }
0x143: {  	v6 =	vsub.f32 v4, v6  }
0x144: {  	v7 =	vsub.f32 v5, v7  }
0x145: {  	v6 =	vadd.f32 $1.280000000e+02, v6  }
0x146: {  	v7 =	vadd.f32 $1.280000000e+02, v7  }
0x147: {  	v6 =	vmax.f32 v6, $0.0e+00  }
0x148: {  	v6 =	vmin.f32 v6, $2.550000000e+02;
	v7 =	vmax.f32 v7, $0.0e+00  }
0x149: {  	v6 =	vtrunc.f32 v6;
	v7 =	vmin.f32 v7, $2.550000000e+02  }
0x14a: {  	v6 =	vcvt.f32.s32 v6;
	v7 =	vtrunc.f32 v7  }
0x14b: {  	v7 =	vcvt.f32.s32 v7  }
0x14c: {  	v6 =	vshll.u32 v6, $0x8  }
0x14d: {  	v6 =	vadd.s32 v7, v6  }
0x14e: {  	[tilespmem:s23+$0x20] =	vst v6  }
0x14f: {  	v6 =	vld [tilespmem:$0x90]  }
0x150: {  	v7 =	vld [tilespmem:$0x170];
	_ =	sdelay $0x3  }
0x151: {  	v6 =	vsub.f32 v4, v6  }
0x152: {  	v7 =	vsub.f32 v5, v7  }
0x153: {  	v6 =	vadd.f32 $1.280000000e+02, v6  }
0x154: {  	v7 =	vadd.f32 $1.280000000e+02, v7  }
0x155: {  	v6 =	vmax.f32 v6, $0.0e+00  }
0x156: {  	v6 =	vmin.f32 v6, $2.550000000e+02;
	v7 =	vmax.f32 v7, $0.0e+00  }
0x157: {  	v6 =	vtrunc.f32 v6;
	v7 =	vmin.f32 v7, $2.550000000e+02  }
0x158: {  	v6 =	vcvt.f32.s32 v6;
	v7 =	vtrunc.f32 v7  }
0x159: {  	v7 =	vcvt.f32.s32 v7  }
0x15a: {  	v6 =	vshll.u32 v6, $0x8  }
0x15b: {  	v6 =	vadd.s32 v7, v6  }
0x15c: {  	[tilespmem:s23+$0x30] =	vst v6  }
0x15d: {  	v6 =	vld [tilespmem:$0xA0]  }
0x15e: {  	v7 =	vld [tilespmem:$0x180];
	_ =	sdelay $0x3  }
0x15f: {  	v6 =	vsub.f32 v4, v6  }
0x160: {  	v7 =	vsub.f32 v5, v7  }
0x161: {  	v6 =	vadd.f32 $1.280000000e+02, v6  }
0x162: {  	v7 =	vadd.f32 $1.280000000e+02, v7  }
0x163: {  	v6 =	vmax.f32 v6, $0.0e+00  }
0x164: {  	v6 =	vmin.f32 v6, $2.550000000e+02;
	v7 =	vmax.f32 v7, $0.0e+00  }
0x165: {  	v6 =	vtrunc.f32 v6;
	v7 =	vmin.f32 v7, $2.550000000e+02  }
0x166: {  	v6 =	vcvt.f32.s32 v6;
	v7 =	vtrunc.f32 v7  }
0x167: {  	v7 =	vcvt.f32.s32 v7  }
0x168: {  	v6 =	vshll.u32 v6, $0x8  }
0x169: {  	v6 =	vadd.s32 v7, v6  }
0x16a: {  	[tilespmem:s23+$0x40] =	vst v6  }
0x16b: {  	v6 =	vld [tilespmem:$0xB0]  }
0x16c: {  	v7 =	vld [tilespmem:$0x190];
	_ =	sdelay $0x3  }
0x16d: {  	v6 =	vsub.f32 v4, v6  }
0x16e: {  	v7 =	vsub.f32 v5, v7  }
0x16f: {  	v6 =	vadd.f32 $1.280000000e+02, v6  }
0x170: {  	v7 =	vadd.f32 $1.280000000e+02, v7  }
0x171: {  	v6 =	vmax.f32 v6, $0.0e+00  }
0x172: {  	v6 =	vmin.f32 v6, $2.550000000e+02;
	v7 =	vmax.f32 v7, $0.0e+00  }
0x173: {  	v6 =	vtrunc.f32 v6;
	v7 =	vmin.f32 v7, $2.550000000e+02  }
0x174: {  	v6 =	vcvt.f32.s32 v6;
	v7 =	vtrunc.f32 v7  }
0x175: {  	v7 =	vcvt.f32.s32 v7  }
0x176: {  	v6 =	vshll.u32 v6, $0x8  }
0x177: {  	v6 =	vadd.s32 v7, v6  }
0x178: {  	[tilespmem:s23+$0x50] =	vst v6  }
0x179: {  	v6 =	vld [tilespmem:$0xC0]  }
0x17a: {  	v7 =	vld [tilespmem:$0x1A0];
	_ =	sdelay $0x3  }
0x17b: {  	v4 =	vsub.f32 v4, v6  }
0x17c: {  	v5 =	vsub.f32 v5, v7  }
0x17d: {  	v4 =	vadd.f32 $1.280000000e+02, v4  }
0x17e: {  	v5 =	vadd.f32 $1.280000000e+02, v5  }
0x17f: {  	v4 =	vmax.f32 v4, $0.0e+00  }
0x180: {  	v4 =	vmin.f32 v4, $2.550000000e+02;
	v5 =	vmax.f32 v5, $0.0e+00  }
.Ltmp0:
0x181: {  	v4 =	vtrunc.f32 v4;
	v5 =	vmin.f32 v5, $2.550000000e+02;
	(pc) =	sbr.rel @p0 .LBB2_2-.Ltmp0, $4  }
0x182: {  	v4 =	vcvt.f32.s32 v4;
	v5 =	vtrunc.f32 v5  }
0x183: {  	v5 =	vcvt.f32.s32 v5  }
0x184: {  	v4 =	vshll.u32 v4, $0x8  }
0x185: {  	s26 =	smov.u32 s25;
	v4 =	vadd.s32 v5, v4  }
0x186: {  	[tilespmem:s23+$0x60] =	vst v4  }
0x187: {  	s24 =	sshra.s32 s24, $0x2;
	v6 =	vld [tilespmem:$0x0]  }
0x188: {  	s25 =	sadd.s32 s24, s11;
	v7 =	vld [tilespmem:$0xE0]  }
0x189: {  	s24 =	sadd.s32 s24, s13;
	v4 =	vld.msk [tilespmem:s25+$0x0 ss:$0x0], $0xffff  }
0x18a: {  	v5 =	vld.msk [tilespmem:s24+$0x0 ss:$0x0], $0xffff;
	_ =	sdelay $0x3  }
0x18b: {  	v6 =	vsub.f32 v4, v6  }
0x18c: {  	v7 =	vsub.f32 v5, v7  }
0x18d: {  	v6 =	vadd.f32 $1.280000000e+02, v6  }
0x18e: {  	v7 =	vadd.f32 $1.280000000e+02, v7  }
0x18f: {  	v6 =	vmax.f32 v6, $0.0e+00  }
0x190: {  	v7 =	vmax.f32 v7, $0.0e+00;
	v6 =	vmin.f32 v6, $2.550000000e+02  }
0x191: {  	v7 =	vmin.f32 v7, $2.550000000e+02;
	v6 =	vtrunc.f32 v6  }
0x192: {  	v7 =	vtrunc.f32 v7;
	v6 =	vcvt.f32.s32 v6  }
0x193: {  	v7 =	vcvt.f32.s32 v7  }
0x194: {  	v6 =	vshll.u32 v6, $0x8  }
0x195: {  	s24 =	sadd.s32 $0xD0, s23;
	v6 =	vadd.s32 v7, v6  }
0x196: {  	[tilespmem:s24+$0xFFFFFFA0] =	vst v6  }
0x197: {  	v6 =	vld [tilespmem:$0x10]  }
0x198: {  	v52 =	vld [tilespmem:$0xF0];
	_ =	sdelay $0x3  }
0x199: {  	v6 =	vsub.f32 v4, v6  }
0x19a: {  	v7 =	vsub.f32 v5, v52  }
0x19b: {  	v6 =	vadd.f32 $1.280000000e+02, v6  }
0x19c: {  	v7 =	vadd.f32 $1.280000000e+02, v7  }
0x19d: {  	v6 =	vmax.f32 v6, $0.0e+00  }
0x19e: {  	v7 =	vmax.f32 v7, $0.0e+00;
	v6 =	vmin.f32 v6, $2.550000000e+02  }
0x19f: {  	v7 =	vmin.f32 v7, $2.550000000e+02;
	v6 =	vtrunc.f32 v6  }
0x1a0: {  	v7 =	vtrunc.f32 v7;
	v6 =	vcvt.f32.s32 v6  }
0x1a1: {  	v7 =	vcvt.f32.s32 v7  }
0x1a2: {  	v6 =	vshll.u32 v6, $0x8  }
0x1a3: {  	v6 =	vadd.s32 v7, v6  }
0x1a4: {  	[tilespmem:s24+$0xFFFFFFB0] =	vst v6  }
0x1a5: {  	v6 =	vld [tilespmem:$0x20]  }
0x1a6: {  	v53 =	vld [tilespmem:$0x100];
	_ =	sdelay $0x3  }
0x1a7: {  	v6 =	vsub.f32 v4, v6  }
0x1a8: {  	v7 =	vsub.f32 v5, v53  }
0x1a9: {  	v6 =	vadd.f32 $1.280000000e+02, v6  }
0x1aa: {  	v7 =	vadd.f32 $1.280000000e+02, v7  }
0x1ab: {  	v6 =	vmax.f32 v6, $0.0e+00  }
0x1ac: {  	v7 =	vmax.f32 v7, $0.0e+00;
	v6 =	vmin.f32 v6, $2.550000000e+02  }
0x1ad: {  	v7 =	vmin.f32 v7, $2.550000000e+02;
	v6 =	vtrunc.f32 v6  }
0x1ae: {  	v7 =	vtrunc.f32 v7;
	v6 =	vcvt.f32.s32 v6  }
0x1af: {  	v7 =	vcvt.f32.s32 v7  }
0x1b0: {  	v6 =	vshll.u32 v6, $0x8  }
0x1b1: {  	v6 =	vadd.s32 v7, v6  }
0x1b2: {  	[tilespmem:s24+$0xFFFFFFC0] =	vst v6  }
0x1b3: {  	v6 =	vld [tilespmem:$0x30]  }
0x1b4: {  	v54 =	vld [tilespmem:$0x110];
	_ =	sdelay $0x3  }
0x1b5: {  	v6 =	vsub.f32 v4, v6  }
0x1b6: {  	v7 =	vsub.f32 v5, v54  }
0x1b7: {  	v6 =	vadd.f32 $1.280000000e+02, v6  }
0x1b8: {  	v7 =	vadd.f32 $1.280000000e+02, v7  }
0x1b9: {  	v6 =	vmax.f32 v6, $0.0e+00  }
0x1ba: {  	v7 =	vmax.f32 v7, $0.0e+00;
	v6 =	vmin.f32 v6, $2.550000000e+02  }
0x1bb: {  	v7 =	vmin.f32 v7, $2.550000000e+02;
	v6 =	vtrunc.f32 v6  }
0x1bc: {  	v7 =	vtrunc.f32 v7;
	v6 =	vcvt.f32.s32 v6  }
0x1bd: {  	v7 =	vcvt.f32.s32 v7  }
0x1be: {  	v6 =	vshll.u32 v6, $0x8  }
0x1bf: {  	v6 =	vadd.s32 v7, v6  }
0x1c0: {  	[tilespmem:s24+$0xFFFFFFD0] =	vst v6  }
0x1c1: {  	v6 =	vld [tilespmem:$0x40]  }
0x1c2: {  	v55 =	vld [tilespmem:$0x120];
	_ =	sdelay $0x3  }
0x1c3: {  	v6 =	vsub.f32 v4, v6  }
0x1c4: {  	v7 =	vsub.f32 v5, v55  }
0x1c5: {  	v6 =	vadd.f32 $1.280000000e+02, v6  }
0x1c6: {  	v7 =	vadd.f32 $1.280000000e+02, v7  }
0x1c7: {  	v6 =	vmax.f32 v6, $0.0e+00  }
0x1c8: {  	v7 =	vmax.f32 v7, $0.0e+00;
	v6 =	vmin.f32 v6, $2.550000000e+02  }
0x1c9: {  	v7 =	vmin.f32 v7, $2.550000000e+02;
	v6 =	vtrunc.f32 v6  }
0x1ca: {  	v7 =	vtrunc.f32 v7;
	v6 =	vcvt.f32.s32 v6  }
0x1cb: {  	v7 =	vcvt.f32.s32 v7  }
0x1cc: {  	v6 =	vshll.u32 v6, $0x8  }
0x1cd: {  	v6 =	vadd.s32 v7, v6  }
0x1ce: {  	[tilespmem:s24+$0xFFFFFFE0] =	vst v6  }
0x1cf: {  	v6 =	vld [tilespmem:$0x50]  }
0x1d0: {  	v56 =	vld [tilespmem:$0x130];
	_ =	sdelay $0x3  }
0x1d1: {  	v6 =	vsub.f32 v4, v6  }
0x1d2: {  	v7 =	vsub.f32 v5, v56  }
0x1d3: {  	v6 =	vadd.f32 $1.280000000e+02, v6  }
0x1d4: {  	v7 =	vadd.f32 $1.280000000e+02, v7  }
0x1d5: {  	v6 =	vmax.f32 v6, $0.0e+00  }
0x1d6: {  	v7 =	vmax.f32 v7, $0.0e+00;
	v6 =	vmin.f32 v6, $2.550000000e+02  }
0x1d7: {  	v7 =	vmin.f32 v7, $2.550000000e+02;
	v6 =	vtrunc.f32 v6  }
0x1d8: {  	v7 =	vtrunc.f32 v7;
	v6 =	vcvt.f32.s32 v6  }
0x1d9: {  	v7 =	vcvt.f32.s32 v7  }
0x1da: {  	v6 =	vshll.u32 v6, $0x8  }
0x1db: {  	v6 =	vadd.s32 v7, v6  }
0x1dc: {  	[tilespmem:s24+$0xFFFFFFF0] =	vst v6  }
0x1dd: {  	v6 =	vld [tilespmem:$0x60]  }
0x1de: {  	v57 =	vld [tilespmem:$0x140];
	_ =	sdelay $0x3  }
0x1df: {  	v6 =	vsub.f32 v4, v6  }
0x1e0: {  	v7 =	vsub.f32 v5, v57  }
0x1e1: {  	v6 =	vadd.f32 $1.280000000e+02, v6  }
0x1e2: {  	v7 =	vadd.f32 $1.280000000e+02, v7  }
0x1e3: {  	v6 =	vmax.f32 v6, $0.0e+00  }
0x1e4: {  	v7 =	vmax.f32 v7, $0.0e+00;
	v6 =	vmin.f32 v6, $2.550000000e+02  }
0x1e5: {  	v7 =	vmin.f32 v7, $2.550000000e+02;
	v6 =	vtrunc.f32 v6  }
0x1e6: {  	v7 =	vtrunc.f32 v7;
	v6 =	vcvt.f32.s32 v6  }
0x1e7: {  	v7 =	vcvt.f32.s32 v7  }
0x1e8: {  	v6 =	vshll.u32 v6, $0x8  }
0x1e9: {  	v6 =	vadd.s32 v7, v6  }
0x1ea: {  	[tilespmem:s24+$0x0] =	vst v6  }
0x1eb: {  	v6 =	vld [tilespmem:$0x70]  }
0x1ec: {  	v58 =	vld [tilespmem:$0x150];
	_ =	sdelay $0x3  }
0x1ed: {  	v6 =	vsub.f32 v4, v6  }
0x1ee: {  	v7 =	vsub.f32 v5, v58  }
0x1ef: {  	v6 =	vadd.f32 $1.280000000e+02, v6  }
0x1f0: {  	v7 =	vadd.f32 $1.280000000e+02, v7  }
0x1f1: {  	v6 =	vmax.f32 v6, $0.0e+00  }
0x1f2: {  	v7 =	vmax.f32 v7, $0.0e+00;
	v6 =	vmin.f32 v6, $2.550000000e+02  }
0x1f3: {  	v7 =	vmin.f32 v7, $2.550000000e+02;
	v6 =	vtrunc.f32 v6  }
0x1f4: {  	v7 =	vtrunc.f32 v7;
	v6 =	vcvt.f32.s32 v6  }
0x1f5: {  	v7 =	vcvt.f32.s32 v7  }
0x1f6: {  	v6 =	vshll.u32 v6, $0x8  }
0x1f7: {  	v6 =	vadd.s32 v7, v6  }
0x1f8: {  	[tilespmem:s24+$0x10] =	vst v6  }
0x1f9: {  	v6 =	vld [tilespmem:$0x80]  }
0x1fa: {  	v59 =	vld [tilespmem:$0x160];
	_ =	sdelay $0x3  }
0x1fb: {  	v6 =	vsub.f32 v4, v6  }
0x1fc: {  	v7 =	vsub.f32 v5, v59  }
0x1fd: {  	v6 =	vadd.f32 $1.280000000e+02, v6  }
0x1fe: {  	v7 =	vadd.f32 $1.280000000e+02, v7  }
0x1ff: {  	v6 =	vmax.f32 v6, $0.0e+00  }
0x200: {  	v7 =	vmax.f32 v7, $0.0e+00;
	v6 =	vmin.f32 v6, $2.550000000e+02  }
0x201: {  	v7 =	vmin.f32 v7, $2.550000000e+02;
	v6 =	vtrunc.f32 v6  }
0x202: {  	v7 =	vtrunc.f32 v7;
	v6 =	vcvt.f32.s32 v6  }
0x203: {  	v7 =	vcvt.f32.s32 v7  }
0x204: {  	v6 =	vshll.u32 v6, $0x8  }
0x205: {  	v6 =	vadd.s32 v7, v6  }
0x206: {  	[tilespmem:s24+$0x20] =	vst v6  }
0x207: {  	v6 =	vld [tilespmem:$0x90]  }
0x208: {  	v60 =	vld [tilespmem:$0x170];
	_ =	sdelay $0x3  }
0x209: {  	v6 =	vsub.f32 v4, v6  }
0x20a: {  	v7 =	vsub.f32 v5, v60  }
0x20b: {  	v6 =	vadd.f32 $1.280000000e+02, v6  }
0x20c: {  	v7 =	vadd.f32 $1.280000000e+02, v7  }
0x20d: {  	v6 =	vmax.f32 v6, $0.0e+00  }
0x20e: {  	v7 =	vmax.f32 v7, $0.0e+00;
	v6 =	vmin.f32 v6, $2.550000000e+02  }
0x20f: {  	v7 =	vmin.f32 v7, $2.550000000e+02;
	v6 =	vtrunc.f32 v6  }
0x210: {  	v7 =	vtrunc.f32 v7;
	v6 =	vcvt.f32.s32 v6  }
0x211: {  	v7 =	vcvt.f32.s32 v7  }
0x212: {  	v6 =	vshll.u32 v6, $0x8  }
0x213: {  	v6 =	vadd.s32 v7, v6  }
0x214: {  	[tilespmem:s24+$0x30] =	vst v6  }
0x215: {  	v6 =	vld [tilespmem:$0xA0]  }
0x216: {  	v61 =	vld [tilespmem:$0x180];
	_ =	sdelay $0x3  }
0x217: {  	v6 =	vsub.f32 v4, v6  }
0x218: {  	v7 =	vsub.f32 v5, v61  }
0x219: {  	v6 =	vadd.f32 $1.280000000e+02, v6  }
0x21a: {  	v7 =	vadd.f32 $1.280000000e+02, v7  }
0x21b: {  	v6 =	vmax.f32 v6, $0.0e+00  }
0x21c: {  	v7 =	vmax.f32 v7, $0.0e+00;
	v6 =	vmin.f32 v6, $2.550000000e+02  }
0x21d: {  	v7 =	vmin.f32 v7, $2.550000000e+02;
	v6 =	vtrunc.f32 v6  }
0x21e: {  	v7 =	vtrunc.f32 v7;
	v6 =	vcvt.f32.s32 v6  }
0x21f: {  	v7 =	vcvt.f32.s32 v7  }
0x220: {  	v6 =	vshll.u32 v6, $0x8  }
0x221: {  	v6 =	vadd.s32 v7, v6  }
0x222: {  	[tilespmem:s24+$0x40] =	vst v6  }
0x223: {  	v6 =	vld [tilespmem:$0xB0]  }
0x224: {  	v62 =	vld [tilespmem:$0x190];
	_ =	sdelay $0x3  }
0x225: {  	v6 =	vsub.f32 v4, v6  }
0x226: {  	v7 =	vsub.f32 v5, v62  }
0x227: {  	v6 =	vadd.f32 $1.280000000e+02, v6  }
0x228: {  	v7 =	vadd.f32 $1.280000000e+02, v7  }
0x229: {  	v6 =	vmax.f32 v6, $0.0e+00  }
0x22a: {  	v7 =	vmax.f32 v7, $0.0e+00;
	v6 =	vmin.f32 v6, $2.550000000e+02  }
0x22b: {  	v7 =	vmin.f32 v7, $2.550000000e+02;
	v6 =	vtrunc.f32 v6  }
0x22c: {  	v7 =	vtrunc.f32 v7;
	v6 =	vcvt.f32.s32 v6  }
0x22d: {  	v7 =	vcvt.f32.s32 v7  }
0x22e: {  	v6 =	vshll.u32 v6, $0x8  }
0x22f: {  	v6 =	vadd.s32 v7, v6  }
0x230: {  	[tilespmem:s24+$0x50] =	vst v6  }
0x231: {  	v6 =	vld [tilespmem:$0xC0]  }
0x232: {  	v63 =	vld [tilespmem:$0x1A0];
	_ =	sdelay $0x3  }
0x233: {  	v4 =	vsub.f32 v4, v6  }
0x234: {  	v5 =	vsub.f32 v5, v63  }
0x235: {  	v4 =	vadd.f32 $1.280000000e+02, v4  }
0x236: {  	v5 =	vadd.f32 $1.280000000e+02, v5  }
0x237: {  	v4 =	vmax.f32 v4, $0.0e+00  }
0x238: {  	v5 =	vmax.f32 v5, $0.0e+00;
	v4 =	vmin.f32 v4, $2.550000000e+02  }
0x239: {  	v5 =	vmin.f32 v5, $2.550000000e+02;
	v4 =	vtrunc.f32 v4  }
0x23a: {  	v5 =	vtrunc.f32 v5;
	v4 =	vcvt.f32.s32 v4  }
0x23b: {  	v5 =	vcvt.f32.s32 v5  }
0x23c: {  	v4 =	vshll.u32 v4, $0x8  }
0x23d: {  	v4 =	vadd.s32 v5, v4  }
0x23e: {  	s26 =	simm.s32 $0x5300;
	s25 =	simm.s32 $0x1C0;
	[tilespmem:s24+$0x60] =	vst v4  }
0x23f: {  	[tilespmem:s26], [sflag:$0x1] =	stream.indirect.gather [hbm4b:s2+s16], $0x40, s25, s16, $0xb8;
	[tilespmem:$0x18700] =	vst v63  }
0x240: {  	s28 =	simm.s32 $0x228;
	s29 =	simm.s32 $0x6D00  }
0x241: {  	[tilespmem:s29], [sflag:$0x1] =	stream.indirect.gather [hbm4b:s2+s19], $0x40, s28, s19, $0xb8;
	[tilespmem:$0x18700] =	vst v63  }
0x242: {  	s30 =	simm.s32 $0x290;
	s31 =	simm.s32 $0x8700  }
0x243: {  	[tilespmem:s31], [sflag:$0x1] =	stream.indirect.gather [hbm4b:s2+s16], $0x40, s30, s16, $0xb8;
	[tilespmem:$0x18700] =	vst v63  }
0x244: {  	s24 =	simm.s32 $0x2F8;
	s25 =	simm.s32 $0xA100  }
0x245: {  	[tilespmem:s25], [sflag:$0x1] =	stream.indirect.gather [hbm4b:s2+s19], $0x40, s24, s19, $0xb8;
	[tilespmem:$0x18700] =	vst v63  }
0x246: {  	s26 =	simm.s32 $0x360;
	s28 =	simm.s32 $0xBB00  }
0x247: {  	[tilespmem:s28], [sflag:$0x1] =	stream.indirect.gather [hbm4b:s2+s16], $0x40, s26, s16, $0xb8;
	[tilespmem:$0x18700] =	vst v63  }
0x248: {  	s29 =	simm.s32 $0x3C8;
	s30 =	simm.s32 $0xD500  }
0x249: {  	[tilespmem:s30], [sflag:$0x1] =	stream.indirect.gather [hbm4b:s2+s19], $0x40, s29, s19, $0xb8;
	[tilespmem:$0x18700] =	vst v63  }
0x24a: {  	s31 =	simm.s32 $0x430  }
0x24b: {  	[tilespmem:s0], [sflag:$0x1] =	stream.indirect.gather [hbm4b:s2+s16], $0x40, s31, s16, $0xb8;
	[tilespmem:$0x18700] =	vst v63  }
0x24c: {  	s23 =	simm.s32 $0x0  }
0x24d: {  	[tilespmem:s15], [sflag:$0x1] =	stream.indirect.gather [hbm4b:s2+s19], $0x40, s1, s19, $0xb8;
	[tilespmem:$0x18700] =	vst v63  }
.LBB2_4:
0x24e: {  	p1 =	seq.s32 s23, $0x0  }
0x24f: {  	s24 =	simm.s32 @!p1 $0x2  }
0x250: {  	_ =	swait.ge @!p1 [sflag:s24], $0x3200  }
0x251: {  	[sflag:s24] =	ssyncset.done @!p1 $0x0  }
0x252: {  	[sflag:s24] =	ssyncadd.s32 @!p1 $0xFFFFCE00  }
0x253: {  	_ =	swait.ge [sflag:s17], $0x1A00  }
0x254: {  	[sflag:s17] =	ssyncset.done $0x0  }
0x255: {  	[sflag:s17] =	ssyncadd.s32 $0xFFFFE600  }
0x256: {  	s26 =	simm.s32 $0x0;
	_ =	swait.ge [sflag:s17], $0x1800  }
0x257: {  	v4 =	vmov s26;
	v5 =	vadd.s32 s26, v0;
	[sflag:s17] =	ssyncset.done $0x0  }
0x258: {  	s25 =	simm.s32 $0x5380;
	v5 =	vand.u32 $0x1FF8, v5;
	v4 =	vand.u32 $0x4, v4;
	[sflag:s17] =	ssyncadd.s32 $0xFFFFE800  }
0x259: {  	v5 =	vor.u32 v4, v5;
	v6 =	vld [tilespmem:s25+$0xFFFFFF80];
	_ =	sdelay $0x3  }
0x25a: {  	v7 =	vadd.s32 s26, v1  }
0x25b: {  	[tilespmem:v5+s18+$0x0] =	vst.idx.msk $0xffff, v6;
	v5 =	vand.u32 $0x3FF8, v7  }
0x25c: {  	v6 =	vld [tilespmem:s25+$0xFFFFFF90];
	v5 =	vor.u32 v4, v5;
	_ =	sdelay $0x3  }
0x25d: {  	v7 =	vadd.s32 s26, v2  }
0x25e: {  	[tilespmem:v5+s18+$0x0] =	vst.idx.msk $0xffff, v6;
	v5 =	vand.u32 $0x7FF8, v7  }
0x25f: {  	v6 =	vld [tilespmem:s25+$0xFFFFFFA0];
	v5 =	vor.u32 v4, v5;
	_ =	sdelay $0x3  }
0x260: {  	v7 =	vadd.s32 s26, v3  }
0x261: {  	[tilespmem:v5+s18+$0x0] =	vst.idx.msk $0xffff, v6;
	v5 =	vand.u32 $0x7FF8, v7  }
0x262: {  	v6 =	vld [tilespmem:s25+$0xFFFFFFB0];
	v4 =	vor.u32 v4, v5;
	_ =	sdelay $0x2  }
0x263: {  	s30 =	simm.s32 $0x1  }
0x264: {  	v7 =	vadd.s32 s30, v0;
	v5 =	vmov s30  }
0x265: {  	v5 =	vand.u32 $0x5, v5;
	[tilespmem:v4+s18+$0x0] =	vst.idx.msk $0xffff, v6;
	v4 =	vand.u32 $0x1FF8, v7  }
0x266: {  	v6 =	vld [tilespmem:s25+$0xFFFFFFC0];
	v4 =	vor.u32 v5, v4;
	_ =	sdelay $0x3  }
0x267: {  	v7 =	vadd.s32 s30, v1  }
0x268: {  	[tilespmem:v4+s18+$0x0] =	vst.idx.msk $0xffff, v6;
	v4 =	vand.u32 $0x3FF8, v7  }
0x269: {  	v6 =	vld [tilespmem:s25+$0xFFFFFFD0];
	v4 =	vor.u32 v5, v4;
	_ =	sdelay $0x3  }
0x26a: {  	v7 =	vadd.s32 s30, v2  }
0x26b: {  	[tilespmem:v4+s18+$0x0] =	vst.idx.msk $0xffff, v6;
	v4 =	vand.u32 $0x7FF8, v7  }
0x26c: {  	v6 =	vld [tilespmem:s25+$0xFFFFFFE0];
	v4 =	vor.u32 v5, v4;
	_ =	sdelay $0x3  }
0x26d: {  	v7 =	vadd.s32 s30, v3  }
0x26e: {  	[tilespmem:v4+s18+$0x0] =	vst.idx.msk $0xffff, v6;
	v4 =	vand.u32 $0x7FF8, v7  }
0x26f: {  	v6 =	vld [tilespmem:s25+$0xFFFFFFF0];
	v4 =	vor.u32 v5, v4;
	_ =	sdelay $0x2  }
0x270: {  	s31 =	simm.s32 $0x2  }
0x271: {  	v7 =	vadd.s32 s31, v0;
	v5 =	vmov s31  }
0x272: {  	v5 =	vand.u32 $0x6, v5;
	[tilespmem:v4+s18+$0x0] =	vst.idx.msk $0xffff, v6;
	v4 =	vand.u32 $0x1FF8, v7  }
0x273: {  	v6 =	vld [tilespmem:s25+$0x0];
	v4 =	vor.u32 v5, v4;
	_ =	sdelay $0x3  }
0x274: {  	v7 =	vadd.s32 s31, v1  }
0x275: {  	[tilespmem:v4+s18+$0x0] =	vst.idx.msk $0xffff, v6;
	v4 =	vand.u32 $0x3FF8, v7  }
0x276: {  	v6 =	vld [tilespmem:s25+$0x10];
	v4 =	vor.u32 v5, v4;
	_ =	sdelay $0x3  }
0x277: {  	v7 =	vadd.s32 s31, v2  }
0x278: {  	[tilespmem:v4+s18+$0x0] =	vst.idx.msk $0xffff, v6;
	v4 =	vand.u32 $0x7FF8, v7  }
0x279: {  	v6 =	vld [tilespmem:s25+$0x20];
	v4 =	vor.u32 v5, v4;
	_ =	sdelay $0x3  }
0x27a: {  	v7 =	vadd.s32 s31, v3  }
0x27b: {  	[tilespmem:v4+s18+$0x0] =	vst.idx.msk $0xffff, v6;
	v4 =	vand.u32 $0x7FF8, v7  }
0x27c: {  	v6 =	vld [tilespmem:s25+$0x30];
	v4 =	vor.u32 v5, v4;
	_ =	sdelay $0x4  }
0x27d: {  	s28 =	simm.s32 $0x3;
	[tilespmem:v4+s18+$0x0] =	vst.idx.msk $0xffff, v6  }
0x27e: {  	v5 =	vadd.s32 s28, v0;
	v4 =	vld [tilespmem:s25+$0x40];
	_ =	sdelay $0x4  }
0x27f: {  	[tilespmem:v5+s18+$0x0] =	vst.idx.msk $0xffff, v4  }
0x280: {  	v5 =	vadd.s32 s28, v1;
	v4 =	vld [tilespmem:s25+$0x50];
	_ =	sdelay $0x4  }
0x281: {  	[tilespmem:v5+s18+$0x0] =	vst.idx.msk $0xffff, v4  }
0x282: {  	v5 =	vadd.s32 s28, v2;
	v4 =	vld [tilespmem:s25+$0x60];
	_ =	sdelay $0x4  }
0x283: {  	[tilespmem:v5+s18+$0x0] =	vst.idx.msk $0xffff, v4  }
0x284: {  	v5 =	vadd.s32 s28, v3;
	v4 =	vld [tilespmem:s25+$0x70];
	_ =	sdelay $0x1  }
0x285: {  	s29 =	simm.s32 $0x4  }
0x286: {  	s24 =	sshll.u32 s23, $0x2;
	s26 =	simm.s32 $0x7;
	s28 =	simm.s32 $0xB  }
.LBB2_5:
0x287: {  	p0 =	sne.s32 s28, $0xC7;
	v6 =	vmov s29;
	v7 =	vadd.s32 s29, v0  }
0x288: {  	s25 =	sadd.s32 $0x100, s25;
	v7 =	vand.u32 $0x1FF8, v7;
	v6 =	vand.u32 $0x4, v6;
	[tilespmem:v5+s18+$0x0] =	vst.idx.msk $0xffff, v4  }
0x289: {  	v4 =	vld [tilespmem:s25+$0xFFFFFF80];
	v5 =	vor.u32 v6, v7;
	_ =	sdelay $0x3  }
0x28a: {  	v7 =	vadd.s32 s29, v1  }
0x28b: {  	[tilespmem:v5+s18+$0x0] =	vst.idx.msk $0xffff, v4;
	v4 =	vand.u32 $0x3FF8, v7  }
0x28c: {  	v5 =	vld [tilespmem:s25+$0xFFFFFF90];
	v4 =	vor.u32 v6, v4;
	_ =	sdelay $0x3  }
0x28d: {  	v7 =	vadd.s32 s29, v2  }
0x28e: {  	[tilespmem:v4+s18+$0x0] =	vst.idx.msk $0xffff, v5;
	v4 =	vand.u32 $0x7FF8, v7  }
0x28f: {  	v5 =	vld [tilespmem:s25+$0xFFFFFFA0];
	v4 =	vor.u32 v6, v4;
	_ =	sdelay $0x3  }
0x290: {  	v7 =	vadd.s32 s29, v3  }
0x291: {  	[tilespmem:v4+s18+$0x0] =	vst.idx.msk $0xffff, v5;
	v4 =	vand.u32 $0x7FF8, v7  }
0x292: {  	v5 =	vld [tilespmem:s25+$0xFFFFFFB0];
	v4 =	vor.u32 v6, v4;
	_ =	sdelay $0x2  }
0x293: {  	s29 =	sadd.s32 $0xFFFFFFFE, s26  }
0x294: {  	v7 =	vadd.s32 s29, v0;
	v6 =	vmov s29  }
0x295: {  	[tilespmem:v4+s18+$0x0] =	vst.idx.msk $0xffff, v5;
	v4 =	vand.u32 $0x1FF8, v7;
	v5 =	vand.u32 $0x5, v6  }
0x296: {  	v6 =	vld [tilespmem:s25+$0xFFFFFFC0];
	v4 =	vor.u32 v5, v4;
	_ =	sdelay $0x3  }
0x297: {  	v7 =	vadd.s32 s29, v1  }
0x298: {  	[tilespmem:v4+s18+$0x0] =	vst.idx.msk $0xffff, v6;
	v4 =	vand.u32 $0x3FF8, v7  }
0x299: {  	v6 =	vld [tilespmem:s25+$0xFFFFFFD0];
	v4 =	vor.u32 v5, v4;
	_ =	sdelay $0x3  }
0x29a: {  	v7 =	vadd.s32 s29, v2  }
0x29b: {  	[tilespmem:v4+s18+$0x0] =	vst.idx.msk $0xffff, v6;
	v4 =	vand.u32 $0x7FF8, v7  }
0x29c: {  	v6 =	vld [tilespmem:s25+$0xFFFFFFE0];
	v4 =	vor.u32 v5, v4;
	_ =	sdelay $0x3  }
0x29d: {  	v7 =	vadd.s32 s29, v3  }
0x29e: {  	[tilespmem:v4+s18+$0x0] =	vst.idx.msk $0xffff, v6;
	v4 =	vand.u32 $0x7FF8, v7  }
0x29f: {  	v6 =	vld [tilespmem:s25+$0xFFFFFFF0];
	v4 =	vor.u32 v5, v4;
	_ =	sdelay $0x2  }
0x2a0: {  	s29 =	sadd.s32 $0xFFFFFFFF, s26  }
0x2a1: {  	v7 =	vadd.s32 s29, v0;
	v5 =	vmov s29  }
0x2a2: {  	v5 =	vand.u32 $0x6, v5;
	[tilespmem:v4+s18+$0x0] =	vst.idx.msk $0xffff, v6;
	v4 =	vand.u32 $0x1FF8, v7  }
0x2a3: {  	v6 =	vld [tilespmem:s25+$0x0];
	v4 =	vor.u32 v5, v4;
	_ =	sdelay $0x3  }
0x2a4: {  	v7 =	vadd.s32 s29, v1  }
0x2a5: {  	[tilespmem:v4+s18+$0x0] =	vst.idx.msk $0xffff, v6;
	v4 =	vand.u32 $0x3FF8, v7  }
0x2a6: {  	v6 =	vld [tilespmem:s25+$0x10];
	v4 =	vor.u32 v5, v4;
	_ =	sdelay $0x3  }
0x2a7: {  	v7 =	vadd.s32 s29, v2  }
0x2a8: {  	[tilespmem:v4+s18+$0x0] =	vst.idx.msk $0xffff, v6;
	v4 =	vand.u32 $0x7FF8, v7  }
0x2a9: {  	v6 =	vld [tilespmem:s25+$0x20];
	v4 =	vor.u32 v5, v4;
	_ =	sdelay $0x3  }
0x2aa: {  	v7 =	vadd.s32 s29, v3  }
0x2ab: {  	[tilespmem:v4+s18+$0x0] =	vst.idx.msk $0xffff, v6;
	v4 =	vand.u32 $0x7FF8, v7  }
0x2ac: {  	v6 =	vld [tilespmem:s25+$0x30];
	v4 =	vor.u32 v5, v4;
	_ =	sdelay $0x4  }
0x2ad: {  	[tilespmem:v4+s18+$0x0] =	vst.idx.msk $0xffff, v6  }
0x2ae: {  	v5 =	vadd.s32 s26, v0;
	v4 =	vld [tilespmem:s25+$0x40];
	_ =	sdelay $0x4  }
0x2af: {  	[tilespmem:v5+s18+$0x0] =	vst.idx.msk $0xffff, v4  }
0x2b0: {  	v5 =	vadd.s32 s26, v1;
	v4 =	vld [tilespmem:s25+$0x50];
	_ =	sdelay $0x4  }
0x2b1: {  	[tilespmem:v5+s18+$0x0] =	vst.idx.msk $0xffff, v4  }
0x2b2: {  	v5 =	vadd.s32 s26, v2;
	v4 =	vld [tilespmem:s25+$0x60];
	_ =	sdelay $0x4  }
.Ltmp1:
0x2b3: {  	[tilespmem:v5+s18+$0x0] =	vst.idx.msk $0xffff, v4;
	(pc) =	sbr.rel @p0 .LBB2_5-.Ltmp1, $2  }
0x2b4: {  	v5 =	vadd.s32 s26, v3;
	s26 =	smov.u32 s28;
	v4 =	vld [tilespmem:s25+$0x70];
	_ =	sdelay $0x2  }
0x2b5: {  	s28 =	sadd.s32 $0x4, s28;
	s29 =	sadd.s32 $0xFFFFFFFD, s26  }
0x2b6: {  	_ =	sdelay $0x2  }
0x2b7: {  	v6 =	vmov s29;
	v7 =	vadd.s32 s29, v0  }
0x2b8: {  	s25 =	sadd.s32 $0x100, s25;
	v7 =	vand.u32 $0x1FF8, v7;
	v6 =	vand.u32 $0x4, v6;
	[tilespmem:v5+s18+$0x0] =	vst.idx.msk $0xffff, v4  }
0x2b9: {  	v4 =	vld [tilespmem:s25+$0xFFFFFF80];
	v5 =	vor.u32 v6, v7;
	_ =	sdelay $0x3  }
0x2ba: {  	v7 =	vadd.s32 s29, v1  }
0x2bb: {  	[tilespmem:v5+s18+$0x0] =	vst.idx.msk $0xffff, v4;
	v4 =	vand.u32 $0x3FF8, v7  }
0x2bc: {  	v5 =	vld [tilespmem:s25+$0xFFFFFF90];
	v4 =	vor.u32 v6, v4;
	_ =	sdelay $0x3  }
0x2bd: {  	v7 =	vadd.s32 s29, v2  }
0x2be: {  	[tilespmem:v4+s18+$0x0] =	vst.idx.msk $0xffff, v5;
	v4 =	vand.u32 $0x7FF8, v7  }
0x2bf: {  	v5 =	vld [tilespmem:s25+$0xFFFFFFA0];
	v4 =	vor.u32 v6, v4;
	_ =	sdelay $0x3  }
0x2c0: {  	v7 =	vadd.s32 s29, v3  }
0x2c1: {  	[tilespmem:v4+s18+$0x0] =	vst.idx.msk $0xffff, v5;
	v4 =	vand.u32 $0x7FF8, v7  }
0x2c2: {  	v5 =	vld [tilespmem:s25+$0xFFFFFFB0];
	v4 =	vor.u32 v6, v4;
	_ =	sdelay $0x2  }
0x2c3: {  	s28 =	sadd.s32 $0xFFFFFFFE, s26  }
0x2c4: {  	v7 =	vadd.s32 s28, v0;
	v6 =	vmov s28  }
0x2c5: {  	[tilespmem:v4+s18+$0x0] =	vst.idx.msk $0xffff, v5;
	v4 =	vand.u32 $0x1FF8, v7;
	v5 =	vand.u32 $0x5, v6  }
0x2c6: {  	v6 =	vld [tilespmem:s25+$0xFFFFFFC0];
	v4 =	vor.u32 v5, v4;
	_ =	sdelay $0x3  }
0x2c7: {  	v7 =	vadd.s32 s28, v1  }
0x2c8: {  	[tilespmem:v4+s18+$0x0] =	vst.idx.msk $0xffff, v6;
	v4 =	vand.u32 $0x3FF8, v7  }
0x2c9: {  	v6 =	vld [tilespmem:s25+$0xFFFFFFD0];
	v4 =	vor.u32 v5, v4;
	_ =	sdelay $0x3  }
0x2ca: {  	v7 =	vadd.s32 s28, v2  }
0x2cb: {  	[tilespmem:v4+s18+$0x0] =	vst.idx.msk $0xffff, v6;
	v4 =	vand.u32 $0x7FF8, v7  }
0x2cc: {  	v6 =	vld [tilespmem:s25+$0xFFFFFFE0];
	v4 =	vor.u32 v5, v4;
	_ =	sdelay $0x3  }
0x2cd: {  	v7 =	vadd.s32 s28, v3  }
0x2ce: {  	[tilespmem:v4+s18+$0x0] =	vst.idx.msk $0xffff, v6;
	v4 =	vand.u32 $0x7FF8, v7  }
0x2cf: {  	v6 =	vld [tilespmem:s25+$0xFFFFFFF0];
	v4 =	vor.u32 v5, v4;
	_ =	sdelay $0x2  }
0x2d0: {  	s28 =	sadd.s32 $0xFFFFFFFF, s26  }
0x2d1: {  	v7 =	vadd.s32 s28, v0;
	v5 =	vmov s28  }
0x2d2: {  	v5 =	vand.u32 $0x6, v5;
	[tilespmem:v4+s18+$0x0] =	vst.idx.msk $0xffff, v6;
	v4 =	vand.u32 $0x1FF8, v7  }
0x2d3: {  	v6 =	vld [tilespmem:s25+$0x0];
	v4 =	vor.u32 v5, v4;
	_ =	sdelay $0x3  }
0x2d4: {  	v7 =	vadd.s32 s28, v1  }
0x2d5: {  	[tilespmem:v4+s18+$0x0] =	vst.idx.msk $0xffff, v6;
	v4 =	vand.u32 $0x3FF8, v7  }
0x2d6: {  	v6 =	vld [tilespmem:s25+$0x10];
	v4 =	vor.u32 v5, v4;
	_ =	sdelay $0x3  }
0x2d7: {  	v7 =	vadd.s32 s28, v2  }
0x2d8: {  	[tilespmem:v4+s18+$0x0] =	vst.idx.msk $0xffff, v6;
	v4 =	vand.u32 $0x7FF8, v7  }
0x2d9: {  	v6 =	vld [tilespmem:s25+$0x20];
	v4 =	vor.u32 v5, v4;
	_ =	sdelay $0x3  }
0x2da: {  	v7 =	vadd.s32 s28, v3  }
0x2db: {  	[tilespmem:v4+s18+$0x0] =	vst.idx.msk $0xffff, v6;
	v4 =	vand.u32 $0x7FF8, v7  }
0x2dc: {  	v6 =	vld [tilespmem:s25+$0x30];
	v4 =	vor.u32 v5, v4;
	_ =	sdelay $0x4  }
0x2dd: {  	[tilespmem:v4+s18+$0x0] =	vst.idx.msk $0xffff, v6  }
0x2de: {  	v5 =	vadd.s32 s26, v0;
	v4 =	vld [tilespmem:s25+$0x40];
	_ =	sdelay $0x4  }
0x2df: {  	[tilespmem:v5+s18+$0x0] =	vst.idx.msk $0xffff, v4  }
0x2e0: {  	v5 =	vadd.s32 s26, v1;
	v4 =	vld [tilespmem:s25+$0x50];
	_ =	sdelay $0x4  }
0x2e1: {  	[tilespmem:v5+s18+$0x0] =	vst.idx.msk $0xffff, v4  }
0x2e2: {  	v5 =	vadd.s32 s26, v2;
	v4 =	vld [tilespmem:s25+$0x60];
	_ =	sdelay $0x4  }
0x2e3: {  	[tilespmem:v5+s18+$0x0] =	vst.idx.msk $0xffff, v4  }
0x2e4: {  	v5 =	vadd.s32 s26, v3;
	v4 =	vld [tilespmem:s25+$0x70]  }
0x2e5: {  	p0 =	seq.s32 s23, $0x18  }
0x2e6: {  	s25 =	smul.u32 @!p0 $0xD00, s23;
	_ =	sdelay $0x1  }
0x2e7: {  	s25 =	sshra.s32 @!p0 s25, $0x2  }
0x2e8: {  	s29 =	simm.s32 @!p0 $0x5300;
	s28 =	simm.s32 @!p0 $0x68;
	s26 =	sadd.s32 @!p0 $0x500, s25;
	[tilespmem:v5+s18+$0x0] =	vst.idx.msk $0xffff, v4  }
0x2e9: {  	[tilespmem:s29], [sflag:$0x1] =	stream.indirect.gather @!p0 [hbm4b:s2+s28], $0x40, s26, s28, $0xb8;
	[tilespmem:$0x18700] =	vst v63  }
0x2ea: {  	s30 =	simm.s32 @!p0 $0x6D00;
	s28 =	sadd.s32 s4, s24  }
0x2eb: {  	s26 =	sadd.s32 @!p0 $0x568, s25;
	s29 =	simm.s32 @!p0 $0x60;
	s28 =	smul.u32 $0x640, s28  }
0x2ec: {  	[tilespmem:s30], [sflag:$0x1] =	stream.indirect.gather @!p0 [hbm4b:s2+s29], $0x40, s26, s29, $0xb8;
	[tilespmem:$0x18700] =	vst v63  }
0x2ed: {  	s26 =	simm.s32 @!p1 $0x2;
	s31 =	sadd.s32 s28, s7  }
0x2ee: {  	[hbm4b:s31+s3] =	stream.linear.scatter [tilespmem:s18], [sflag:$0x2], $0x3200, $0x38;
	[tilespmem:$0x18700] =	vst v63  }
0x2ef: {  	_ =	swait.ge @!p1 [sflag:s26], $0x3200  }
0x2f0: {  	[sflag:s26] =	ssyncset.done @!p1 $0x0  }
0x2f1: {  	[sflag:s26] =	ssyncadd.s32 @!p1 $0xFFFFCE00  }
0x2f2: {  	_ =	swait.ge [sflag:s17], $0x1A00  }
0x2f3: {  	[sflag:s17] =	ssyncset.done $0x0  }
0x2f4: {  	[sflag:s17] =	ssyncadd.s32 $0xFFFFE600  }
0x2f5: {  	s28 =	simm.s32 $0x3200;
	_ =	swait.ge [sflag:s17], $0x1800  }
0x2f6: {  	v4 =	vmov s28;
	v5 =	vadd.s32 s28, v0;
	[sflag:s17] =	ssyncset.done $0x0  }
0x2f7: {  	v5 =	vand.u32 $0x7FF8, v5;
	v4 =	vand.u32 $0x4, v4;
	s26 =	simm.s32 $0x87F0;
	[sflag:s17] =	ssyncadd.s32 $0xFFFFE800  }
0x2f8: {  	v5 =	vor.u32 v4, v5;
	v6 =	vld [tilespmem:s26+$0xFFFFFF10];
	_ =	sdelay $0x3  }
0x2f9: {  	v7 =	vadd.s32 s28, v1  }
0x2fa: {  	[tilespmem:v5+s18+$0x0] =	vst.idx.msk $0xffff, v6;
	v5 =	vand.u32 $0x7FF8, v7  }
0x2fb: {  	v6 =	vld [tilespmem:s26+$0xFFFFFF20];
	v5 =	vor.u32 v4, v5;
	_ =	sdelay $0x3  }
0x2fc: {  	v7 =	vadd.s32 s28, v2  }
0x2fd: {  	[tilespmem:v5+s18+$0x0] =	vst.idx.msk $0xffff, v6;
	v5 =	vand.u32 $0x7FF8, v7  }
0x2fe: {  	v6 =	vld [tilespmem:s26+$0xFFFFFF30];
	v5 =	vor.u32 v4, v5;
	_ =	sdelay $0x3  }
0x2ff: {  	v7 =	vadd.s32 s28, v3  }
0x300: {  	[tilespmem:v5+s18+$0x0] =	vst.idx.msk $0xffff, v6;
	v5 =	vand.u32 $0x7FF8, v7  }
0x301: {  	v6 =	vld [tilespmem:s26+$0xFFFFFF40];
	v4 =	vor.u32 v4, v5;
	_ =	sdelay $0x2  }
0x302: {  	s28 =	simm.s32 $0x3201  }
0x303: {  	v7 =	vadd.s32 s28, v0;
	v5 =	vmov s28  }
0x304: {  	v5 =	vand.u32 $0x5, v5;
	[tilespmem:v4+s18+$0x0] =	vst.idx.msk $0xffff, v6;
	v4 =	vand.u32 $0x7FF8, v7  }
0x305: {  	v6 =	vld [tilespmem:s26+$0xFFFFFF50];
	v4 =	vor.u32 v5, v4;
	_ =	sdelay $0x3  }
0x306: {  	v7 =	vadd.s32 s28, v1  }
0x307: {  	[tilespmem:v4+s18+$0x0] =	vst.idx.msk $0xffff, v6;
	v4 =	vand.u32 $0x7FF8, v7  }
0x308: {  	v6 =	vld [tilespmem:s26+$0xFFFFFF60];
	v4 =	vor.u32 v5, v4;
	_ =	sdelay $0x3  }
0x309: {  	v7 =	vadd.s32 s28, v2  }
0x30a: {  	[tilespmem:v4+s18+$0x0] =	vst.idx.msk $0xffff, v6;
	v4 =	vand.u32 $0x7FF8, v7  }
0x30b: {  	v6 =	vld [tilespmem:s26+$0xFFFFFF70];
	v4 =	vor.u32 v5, v4;
	_ =	sdelay $0x3  }
0x30c: {  	v7 =	vadd.s32 s28, v3  }
0x30d: {  	[tilespmem:v4+s18+$0x0] =	vst.idx.msk $0xffff, v6;
	v4 =	vand.u32 $0x7FF8, v7  }
0x30e: {  	v6 =	vld [tilespmem:s26+$0xFFFFFF80];
	v4 =	vor.u32 v5, v4;
	_ =	sdelay $0x2  }
0x30f: {  	s28 =	simm.s32 $0x3202  }
0x310: {  	v7 =	vadd.s32 s28, v0;
	v5 =	vmov s28  }
0x311: {  	v5 =	vand.u32 $0x6, v5;
	[tilespmem:v4+s18+$0x0] =	vst.idx.msk $0xffff, v6;
	v4 =	vand.u32 $0x7FF8, v7  }
0x312: {  	v6 =	vld [tilespmem:s26+$0xFFFFFF90];
	v4 =	vor.u32 v5, v4;
	_ =	sdelay $0x3  }
0x313: {  	v7 =	vadd.s32 s28, v1  }
0x314: {  	[tilespmem:v4+s18+$0x0] =	vst.idx.msk $0xffff, v6;
	v4 =	vand.u32 $0x7FF8, v7  }
0x315: {  	v6 =	vld [tilespmem:s26+$0xFFFFFFA0];
	v4 =	vor.u32 v5, v4;
	_ =	sdelay $0x3  }
0x316: {  	v7 =	vadd.s32 s28, v2  }
0x317: {  	[tilespmem:v4+s18+$0x0] =	vst.idx.msk $0xffff, v6;
	v4 =	vand.u32 $0x7FF8, v7  }
0x318: {  	v6 =	vld [tilespmem:s26+$0xFFFFFFB0];
	v4 =	vor.u32 v5, v4;
	_ =	sdelay $0x3  }
0x319: {  	v7 =	vadd.s32 s28, v3  }
0x31a: {  	[tilespmem:v4+s18+$0x0] =	vst.idx.msk $0xffff, v6;
	v4 =	vand.u32 $0x7FF8, v7  }
0x31b: {  	v6 =	vld [tilespmem:s26+$0xFFFFFFC0];
	v4 =	vor.u32 v5, v4;
	_ =	sdelay $0x4  }
0x31c: {  	s29 =	simm.s32 $0x3203;
	[tilespmem:v4+s18+$0x0] =	vst.idx.msk $0xffff, v6  }
0x31d: {  	v5 =	vadd.s32 s29, v0;
	v4 =	vld [tilespmem:s26+$0xFFFFFFD0];
	_ =	sdelay $0x4  }
0x31e: {  	[tilespmem:v5+s18+$0x0] =	vst.idx.msk $0xffff, v4  }
0x31f: {  	v5 =	vadd.s32 s29, v1;
	v4 =	vld [tilespmem:s26+$0xFFFFFFE0];
	_ =	sdelay $0x4  }
0x320: {  	[tilespmem:v5+s18+$0x0] =	vst.idx.msk $0xffff, v4  }
0x321: {  	v5 =	vadd.s32 s29, v2;
	v4 =	vld [tilespmem:s26+$0xFFFFFFF0];
	_ =	sdelay $0x4  }
0x322: {  	[tilespmem:v5+s18+$0x0] =	vst.idx.msk $0xffff, v4  }
0x323: {  	v5 =	vadd.s32 s29, v3;
	v4 =	vld [tilespmem:s26+$0x0];
	_ =	sdelay $0x2  }
0x324: {  	s28 =	simm.s32 $0x3204  }
0x325: {  	v7 =	vadd.s32 s28, v0;
	v6 =	vmov s28;
	s29 =	simm.s32 $0x3208  }
.LBB2_7:
0x326: {  	p1 =	sne.s32 s29, $0x32C4;
	v7 =	vand.u32 $0x7FF8, v7;
	v6 =	vand.u32 $0x4, v6;
	[tilespmem:v5+s18+$0x0] =	vst.idx.msk $0xffff, v4;
	s26 =	sadd.s32 $0x100, s26  }
0x327: {  	v4 =	vld [tilespmem:s26+$0xFFFFFF10];
	v5 =	vor.u32 v6, v7;
	_ =	sdelay $0x3  }
0x328: {  	v7 =	vadd.s32 s28, v1  }
0x329: {  	[tilespmem:v5+s18+$0x0] =	vst.idx.msk $0xffff, v4;
	v4 =	vand.u32 $0x7FF8, v7  }
0x32a: {  	v5 =	vld [tilespmem:s26+$0xFFFFFF20];
	v4 =	vor.u32 v6, v4;
	_ =	sdelay $0x3  }
0x32b: {  	v7 =	vadd.s32 s28, v2  }
0x32c: {  	[tilespmem:v4+s18+$0x0] =	vst.idx.msk $0xffff, v5;
	v4 =	vand.u32 $0x7FF8, v7  }
0x32d: {  	v5 =	vld [tilespmem:s26+$0xFFFFFF30];
	v4 =	vor.u32 v6, v4;
	_ =	sdelay $0x3  }
0x32e: {  	v7 =	vadd.s32 s28, v3  }
0x32f: {  	[tilespmem:v4+s18+$0x0] =	vst.idx.msk $0xffff, v5;
	v4 =	vand.u32 $0x7FF8, v7  }
0x330: {  	v5 =	vld [tilespmem:s26+$0xFFFFFF40];
	v4 =	vor.u32 v6, v4;
	_ =	sdelay $0x2  }
0x331: {  	s30 =	sadd.s32 $0x1, s28  }
0x332: {  	v7 =	vadd.s32 s30, v0;
	v6 =	vmov s30  }
0x333: {  	[tilespmem:v4+s18+$0x0] =	vst.idx.msk $0xffff, v5;
	v4 =	vand.u32 $0x7FF8, v7;
	v5 =	vand.u32 $0x5, v6  }
0x334: {  	v6 =	vld [tilespmem:s26+$0xFFFFFF50];
	v4 =	vor.u32 v5, v4;
	_ =	sdelay $0x3  }
0x335: {  	v7 =	vadd.s32 s30, v1  }
0x336: {  	[tilespmem:v4+s18+$0x0] =	vst.idx.msk $0xffff, v6;
	v4 =	vand.u32 $0x7FF8, v7  }
0x337: {  	v6 =	vld [tilespmem:s26+$0xFFFFFF60];
	v4 =	vor.u32 v5, v4;
	_ =	sdelay $0x3  }
0x338: {  	v7 =	vadd.s32 s30, v2  }
0x339: {  	[tilespmem:v4+s18+$0x0] =	vst.idx.msk $0xffff, v6;
	v4 =	vand.u32 $0x7FF8, v7  }
0x33a: {  	v6 =	vld [tilespmem:s26+$0xFFFFFF70];
	v4 =	vor.u32 v5, v4;
	_ =	sdelay $0x3  }
0x33b: {  	v7 =	vadd.s32 s30, v3  }
0x33c: {  	[tilespmem:v4+s18+$0x0] =	vst.idx.msk $0xffff, v6;
	v4 =	vand.u32 $0x7FF8, v7  }
0x33d: {  	v6 =	vld [tilespmem:s26+$0xFFFFFF80];
	v4 =	vor.u32 v5, v4;
	_ =	sdelay $0x2  }
0x33e: {  	s30 =	sadd.s32 $0x2, s28  }
0x33f: {  	v7 =	vadd.s32 s30, v0;
	v5 =	vmov s30  }
0x340: {  	v5 =	vand.u32 $0x6, v5;
	[tilespmem:v4+s18+$0x0] =	vst.idx.msk $0xffff, v6;
	v4 =	vand.u32 $0x7FF8, v7  }
0x341: {  	v6 =	vld [tilespmem:s26+$0xFFFFFF90];
	v4 =	vor.u32 v5, v4;
	_ =	sdelay $0x3  }
0x342: {  	v7 =	vadd.s32 s30, v1  }
0x343: {  	[tilespmem:v4+s18+$0x0] =	vst.idx.msk $0xffff, v6;
	v4 =	vand.u32 $0x7FF8, v7  }
0x344: {  	v6 =	vld [tilespmem:s26+$0xFFFFFFA0];
	v4 =	vor.u32 v5, v4;
	_ =	sdelay $0x3  }
0x345: {  	v7 =	vadd.s32 s30, v2  }
0x346: {  	[tilespmem:v4+s18+$0x0] =	vst.idx.msk $0xffff, v6;
	v4 =	vand.u32 $0x7FF8, v7  }
0x347: {  	v6 =	vld [tilespmem:s26+$0xFFFFFFB0];
	v4 =	vor.u32 v5, v4;
	_ =	sdelay $0x3  }
0x348: {  	v7 =	vadd.s32 s30, v3  }
0x349: {  	[tilespmem:v4+s18+$0x0] =	vst.idx.msk $0xffff, v6;
	v4 =	vand.u32 $0x7FF8, v7  }
0x34a: {  	v6 =	vld [tilespmem:s26+$0xFFFFFFC0];
	v4 =	vor.u32 v5, v4;
	_ =	sdelay $0x4  }
0x34b: {  	s30 =	sadd.s32 $0x3, s28;
	s28 =	smov.u32 s29;
	[tilespmem:v4+s18+$0x0] =	vst.idx.msk $0xffff, v6  }
0x34c: {  	v5 =	vadd.s32 s30, v0;
	v4 =	vld [tilespmem:s26+$0xFFFFFFD0];
	_ =	sdelay $0x4  }
0x34d: {  	[tilespmem:v5+s18+$0x0] =	vst.idx.msk $0xffff, v4  }
0x34e: {  	v5 =	vadd.s32 s30, v1;
	v4 =	vld [tilespmem:s26+$0xFFFFFFE0];
	_ =	sdelay $0x4  }
0x34f: {  	[tilespmem:v5+s18+$0x0] =	vst.idx.msk $0xffff, v4  }
0x350: {  	v5 =	vadd.s32 s30, v2;
	v4 =	vld [tilespmem:s26+$0xFFFFFFF0];
	_ =	sdelay $0x4  }
0x351: {  	[tilespmem:v5+s18+$0x0] =	vst.idx.msk $0xffff, v4  }
.Ltmp2:
0x352: {  	v5 =	vadd.s32 s30, v3;
	v4 =	vld [tilespmem:s26+$0x0];
	(pc) =	sbr.rel @p1 .LBB2_7-.Ltmp2, $2  }
0x353: {  	_ =	sdelay $0x2  }
0x354: {  	s29 =	sadd.s32 $0x4, s29;
	v7 =	vadd.s32 s28, v0;
	v6 =	vmov s28  }
0x355: {  	_ =	sdelay $0x3  }
0x356: {  	v7 =	vand.u32 $0x7FF8, v7;
	v6 =	vand.u32 $0x4, v6;
	[tilespmem:v5+s18+$0x0] =	vst.idx.msk $0xffff, v4;
	s26 =	sadd.s32 $0x100, s26  }
0x357: {  	v4 =	vld [tilespmem:s26+$0xFFFFFF10];
	v5 =	vor.u32 v6, v7;
	_ =	sdelay $0x3  }
0x358: {  	v7 =	vadd.s32 s28, v1  }
0x359: {  	[tilespmem:v5+s18+$0x0] =	vst.idx.msk $0xffff, v4;
	v4 =	vand.u32 $0x7FF8, v7  }
0x35a: {  	v5 =	vld [tilespmem:s26+$0xFFFFFF20];
	v4 =	vor.u32 v6, v4;
	_ =	sdelay $0x3  }
0x35b: {  	v7 =	vadd.s32 s28, v2  }
0x35c: {  	[tilespmem:v4+s18+$0x0] =	vst.idx.msk $0xffff, v5;
	v4 =	vand.u32 $0x7FF8, v7  }
0x35d: {  	v5 =	vld [tilespmem:s26+$0xFFFFFF30];
	v4 =	vor.u32 v6, v4;
	_ =	sdelay $0x3  }
0x35e: {  	v7 =	vadd.s32 s28, v3  }
0x35f: {  	[tilespmem:v4+s18+$0x0] =	vst.idx.msk $0xffff, v5;
	v4 =	vand.u32 $0x7FF8, v7  }
0x360: {  	v5 =	vld [tilespmem:s26+$0xFFFFFF40];
	v4 =	vor.u32 v6, v4;
	_ =	sdelay $0x2  }
0x361: {  	s29 =	sadd.s32 $0x1, s28  }
0x362: {  	v7 =	vadd.s32 s29, v0;
	v6 =	vmov s29  }
0x363: {  	[tilespmem:v4+s18+$0x0] =	vst.idx.msk $0xffff, v5;
	v4 =	vand.u32 $0x7FF8, v7;
	v5 =	vand.u32 $0x5, v6  }
0x364: {  	v6 =	vld [tilespmem:s26+$0xFFFFFF50];
	v4 =	vor.u32 v5, v4;
	_ =	sdelay $0x3  }
0x365: {  	v7 =	vadd.s32 s29, v1  }
0x366: {  	[tilespmem:v4+s18+$0x0] =	vst.idx.msk $0xffff, v6;
	v4 =	vand.u32 $0x7FF8, v7  }
0x367: {  	v6 =	vld [tilespmem:s26+$0xFFFFFF60];
	v4 =	vor.u32 v5, v4;
	_ =	sdelay $0x3  }
0x368: {  	v7 =	vadd.s32 s29, v2  }
0x369: {  	[tilespmem:v4+s18+$0x0] =	vst.idx.msk $0xffff, v6;
	v4 =	vand.u32 $0x7FF8, v7  }
0x36a: {  	v6 =	vld [tilespmem:s26+$0xFFFFFF70];
	v4 =	vor.u32 v5, v4;
	_ =	sdelay $0x3  }
0x36b: {  	v7 =	vadd.s32 s29, v3  }
0x36c: {  	[tilespmem:v4+s18+$0x0] =	vst.idx.msk $0xffff, v6;
	v4 =	vand.u32 $0x7FF8, v7  }
0x36d: {  	v6 =	vld [tilespmem:s26+$0xFFFFFF80];
	v4 =	vor.u32 v5, v4;
	_ =	sdelay $0x2  }
0x36e: {  	s29 =	sadd.s32 $0x2, s28  }
0x36f: {  	v7 =	vadd.s32 s29, v0;
	v5 =	vmov s29  }
0x370: {  	v5 =	vand.u32 $0x6, v5;
	[tilespmem:v4+s18+$0x0] =	vst.idx.msk $0xffff, v6;
	v4 =	vand.u32 $0x7FF8, v7  }
0x371: {  	v6 =	vld [tilespmem:s26+$0xFFFFFF90];
	v4 =	vor.u32 v5, v4;
	_ =	sdelay $0x3  }
0x372: {  	v7 =	vadd.s32 s29, v1  }
0x373: {  	[tilespmem:v4+s18+$0x0] =	vst.idx.msk $0xffff, v6;
	v4 =	vand.u32 $0x7FF8, v7  }
0x374: {  	v6 =	vld [tilespmem:s26+$0xFFFFFFA0];
	v4 =	vor.u32 v5, v4;
	_ =	sdelay $0x3  }
0x375: {  	v7 =	vadd.s32 s29, v2  }
0x376: {  	[tilespmem:v4+s18+$0x0] =	vst.idx.msk $0xffff, v6;
	v4 =	vand.u32 $0x7FF8, v7  }
0x377: {  	v6 =	vld [tilespmem:s26+$0xFFFFFFB0];
	v4 =	vor.u32 v5, v4;
	_ =	sdelay $0x3  }
0x378: {  	v7 =	vadd.s32 s29, v3  }
0x379: {  	[tilespmem:v4+s18+$0x0] =	vst.idx.msk $0xffff, v6;
	v4 =	vand.u32 $0x7FF8, v7  }
0x37a: {  	v6 =	vld [tilespmem:s26+$0xFFFFFFC0];
	v4 =	vor.u32 v5, v4;
	_ =	sdelay $0x4  }
0x37b: {  	s28 =	sadd.s32 $0x3, s28;
	[tilespmem:v4+s18+$0x0] =	vst.idx.msk $0xffff, v6  }
0x37c: {  	v5 =	vadd.s32 s28, v0;
	v4 =	vld [tilespmem:s26+$0xFFFFFFD0];
	_ =	sdelay $0x4  }
0x37d: {  	[tilespmem:v5+s18+$0x0] =	vst.idx.msk $0xffff, v4  }
0x37e: {  	v5 =	vadd.s32 s28, v1;
	v4 =	vld [tilespmem:s26+$0xFFFFFFE0];
	_ =	sdelay $0x4  }
0x37f: {  	[tilespmem:v5+s18+$0x0] =	vst.idx.msk $0xffff, v4  }
0x380: {  	v5 =	vadd.s32 s28, v2;
	v4 =	vld [tilespmem:s26+$0xFFFFFFF0];
	_ =	sdelay $0x4  }
0x381: {  	[tilespmem:v5+s18+$0x0] =	vst.idx.msk $0xffff, v4  }
0x382: {  	v5 =	vadd.s32 s28, v3;
	v4 =	vld [tilespmem:s26+$0x0];
	_ =	sdelay $0x4  }
0x383: {  	s29 =	simm.s32 @!p0 $0x8700;
	s28 =	simm.s32 @!p0 $0x68;
	s26 =	sadd.s32 @!p0 $0x5D0, s25;
	[tilespmem:v5+s18+$0x0] =	vst.idx.msk $0xffff, v4  }
0x384: {  	[tilespmem:s29], [sflag:$0x1] =	stream.indirect.gather @!p0 [hbm4b:s2+s28], $0x40, s26, s28, $0xb8;
	[tilespmem:$0x18700] =	vst v63  }
0x385: {  	s30 =	simm.s32 @!p0 $0xA100;
	s28 =	sadd.s32 s24, s8  }
0x386: {  	s26 =	sadd.s32 @!p0 $0x638, s25;
	s29 =	simm.s32 @!p0 $0x60;
	s28 =	smul.u32 $0x640, s28  }
0x387: {  	[tilespmem:s30], [sflag:$0x1] =	stream.indirect.gather @!p0 [hbm4b:s2+s29], $0x40, s26, s29, $0xb8;
	[tilespmem:$0x18700] =	vst v63  }
0x388: {  	s30 =	sadd.s32 s28, s7;
	s28 =	simm.s32 $0x0  }
0x389: {  	[hbm4b:s30+s28] =	stream.linear.scatter [tilespmem:s20], [sflag:$0x2], $0x3200, $0x38;
	[tilespmem:$0x18700] =	vst v63  }
0x38a: {  	_ =	swait.ge [sflag:s21], $0x3200  }
0x38b: {  	[sflag:s21] =	ssyncset.done $0x0  }
0x38c: {  	[sflag:s21] =	ssyncadd.s32 $0xFFFFCE00  }
0x38d: {  	_ =	swait.ge [sflag:s17], $0x1A00  }
0x38e: {  	[sflag:s17] =	ssyncset.done $0x0  }
0x38f: {  	[sflag:s17] =	ssyncadd.s32 $0xFFFFE600  }
0x390: {  	s28 =	simm.s32 $0x0;
	_ =	swait.ge [sflag:s17], $0x1800  }
0x391: {  	v4 =	vmov s28;
	v5 =	vadd.s32 s28, v0;
	[sflag:s17] =	ssyncset.done $0x0  }
0x392: {  	s30 =	simm.s32 $0x0;
	v5 =	vand.u32 $0x1FF8, v5;
	v4 =	vand.u32 $0x4, v4;
	[sflag:s17] =	ssyncadd.s32 $0xFFFFE800  }
0x393: {  	v5 =	vor.u32 v4, v5;
	v6 =	vld [tilespmem:s30+$0xBB00];
	_ =	sdelay $0x3  }
0x394: {  	v7 =	vadd.s32 s28, v1  }
0x395: {  	[tilespmem:v5+s18+$0x0] =	vst.idx.msk $0xffff, v6;
	v5 =	vand.u32 $0x3FF8, v7  }
0x396: {  	v6 =	vld [tilespmem:s30+$0xBB10];
	v5 =	vor.u32 v4, v5;
	_ =	sdelay $0x3  }
0x397: {  	v7 =	vadd.s32 s28, v2  }
0x398: {  	[tilespmem:v5+s18+$0x0] =	vst.idx.msk $0xffff, v6;
	v5 =	vand.u32 $0x7FF8, v7  }
0x399: {  	v6 =	vld [tilespmem:s30+$0xBB20];
	v5 =	vor.u32 v4, v5;
	_ =	sdelay $0x3  }
0x39a: {  	v7 =	vadd.s32 s28, v3  }
0x39b: {  	[tilespmem:v5+s18+$0x0] =	vst.idx.msk $0xffff, v6;
	v5 =	vand.u32 $0x7FF8, v7  }
0x39c: {  	v6 =	vld [tilespmem:s30+$0xBB30];
	v4 =	vor.u32 v4, v5;
	_ =	sdelay $0x2  }
0x39d: {  	s28 =	simm.s32 $0x1  }
0x39e: {  	v7 =	vadd.s32 s28, v0;
	v5 =	vmov s28  }
0x39f: {  	v5 =	vand.u32 $0x5, v5;
	[tilespmem:v4+s18+$0x0] =	vst.idx.msk $0xffff, v6;
	v4 =	vand.u32 $0x1FF8, v7  }
0x3a0: {  	v6 =	vld [tilespmem:s30+$0xBB40];
	v4 =	vor.u32 v5, v4;
	_ =	sdelay $0x3  }
0x3a1: {  	v7 =	vadd.s32 s28, v1  }
0x3a2: {  	[tilespmem:v4+s18+$0x0] =	vst.idx.msk $0xffff, v6;
	v4 =	vand.u32 $0x3FF8, v7  }
0x3a3: {  	v6 =	vld [tilespmem:s30+$0xBB50];
	v4 =	vor.u32 v5, v4;
	_ =	sdelay $0x3  }
0x3a4: {  	v7 =	vadd.s32 s28, v2  }
0x3a5: {  	[tilespmem:v4+s18+$0x0] =	vst.idx.msk $0xffff, v6;
	v4 =	vand.u32 $0x7FF8, v7  }
0x3a6: {  	v6 =	vld [tilespmem:s30+$0xBB60];
	v4 =	vor.u32 v5, v4;
	_ =	sdelay $0x3  }
0x3a7: {  	v7 =	vadd.s32 s28, v3  }
0x3a8: {  	[tilespmem:v4+s18+$0x0] =	vst.idx.msk $0xffff, v6;
	v4 =	vand.u32 $0x7FF8, v7  }
0x3a9: {  	v6 =	vld [tilespmem:s30+$0xBB70];
	v4 =	vor.u32 v5, v4;
	_ =	sdelay $0x2  }
0x3aa: {  	s28 =	simm.s32 $0x2  }
0x3ab: {  	v7 =	vadd.s32 s28, v0;
	v5 =	vmov s28  }
0x3ac: {  	v5 =	vand.u32 $0x6, v5;
	[tilespmem:v4+s18+$0x0] =	vst.idx.msk $0xffff, v6;
	v4 =	vand.u32 $0x1FF8, v7  }
0x3ad: {  	v6 =	vld [tilespmem:s30+$0xBB80];
	v4 =	vor.u32 v5, v4;
	_ =	sdelay $0x3  }
0x3ae: {  	v7 =	vadd.s32 s28, v1  }
0x3af: {  	[tilespmem:v4+s18+$0x0] =	vst.idx.msk $0xffff, v6;
	v4 =	vand.u32 $0x3FF8, v7  }
0x3b0: {  	v6 =	vld [tilespmem:s30+$0xBB90];
	v4 =	vor.u32 v5, v4;
	_ =	sdelay $0x3  }
0x3b1: {  	v7 =	vadd.s32 s28, v2  }
0x3b2: {  	[tilespmem:v4+s18+$0x0] =	vst.idx.msk $0xffff, v6;
	v4 =	vand.u32 $0x7FF8, v7  }
0x3b3: {  	v6 =	vld [tilespmem:s30+$0xBBA0];
	v4 =	vor.u32 v5, v4;
	_ =	sdelay $0x3  }
0x3b4: {  	v7 =	vadd.s32 s28, v3  }
0x3b5: {  	[tilespmem:v4+s18+$0x0] =	vst.idx.msk $0xffff, v6;
	v4 =	vand.u32 $0x7FF8, v7  }
0x3b6: {  	v6 =	vld [tilespmem:s30+$0xBBB0];
	v4 =	vor.u32 v5, v4;
	_ =	sdelay $0x4  }
0x3b7: {  	s29 =	simm.s32 $0x3;
	[tilespmem:v4+s18+$0x0] =	vst.idx.msk $0xffff, v6  }
0x3b8: {  	v5 =	vadd.s32 s29, v0;
	v4 =	vld [tilespmem:s30+$0xBBC0];
	_ =	sdelay $0x4  }
0x3b9: {  	[tilespmem:v5+s18+$0x0] =	vst.idx.msk $0xffff, v4  }
0x3ba: {  	v5 =	vadd.s32 s29, v1;
	v4 =	vld [tilespmem:s30+$0xBBD0];
	_ =	sdelay $0x4  }
0x3bb: {  	[tilespmem:v5+s18+$0x0] =	vst.idx.msk $0xffff, v4  }
0x3bc: {  	v5 =	vadd.s32 s29, v2;
	v4 =	vld [tilespmem:s30+$0xBBE0];
	_ =	sdelay $0x4  }
0x3bd: {  	[tilespmem:v5+s18+$0x0] =	vst.idx.msk $0xffff, v4  }
0x3be: {  	v5 =	vadd.s32 s29, v3;
	v4 =	vld [tilespmem:s30+$0xBBF0];
	_ =	sdelay $0x1  }
0x3bf: {  	s31 =	simm.s32 $0x4  }
0x3c0: {  	s26 =	simm.s32 $0x7;
	s28 =	simm.s32 $0x400;
	s29 =	simm.s32 $0x800  }
.LBB2_9:
0x3c1: {  	p1 =	sne.s32 s29, $0xC400;
	v6 =	vmov s31;
	v7 =	vadd.s32 s31, v0  }
0x3c2: {  	s30 =	sshra.s32 s28, $0x2;
	s28 =	smov.u32 s29;
	v7 =	vand.u32 $0x1FF8, v7;
	v6 =	vand.u32 $0x4, v6;
	[tilespmem:v5+s18+$0x0] =	vst.idx.msk $0xffff, v4  }
0x3c3: {  	v4 =	vld [tilespmem:s30+$0xBB00];
	v5 =	vor.u32 v6, v7;
	_ =	sdelay $0x3  }
0x3c4: {  	v7 =	vadd.s32 s31, v1  }
0x3c5: {  	[tilespmem:v5+s18+$0x0] =	vst.idx.msk $0xffff, v4;
	v4 =	vand.u32 $0x3FF8, v7  }
0x3c6: {  	v5 =	vld [tilespmem:s30+$0xBB10];
	v4 =	vor.u32 v6, v4;
	_ =	sdelay $0x3  }
0x3c7: {  	v7 =	vadd.s32 s31, v2  }
0x3c8: {  	[tilespmem:v4+s18+$0x0] =	vst.idx.msk $0xffff, v5;
	v4 =	vand.u32 $0x7FF8, v7  }
0x3c9: {  	v5 =	vld [tilespmem:s30+$0xBB20];
	v4 =	vor.u32 v6, v4;
	_ =	sdelay $0x3  }
0x3ca: {  	v7 =	vadd.s32 s31, v3  }
0x3cb: {  	[tilespmem:v4+s18+$0x0] =	vst.idx.msk $0xffff, v5;
	v4 =	vand.u32 $0x7FF8, v7  }
0x3cc: {  	v5 =	vld [tilespmem:s30+$0xBB30];
	v4 =	vor.u32 v6, v4;
	_ =	sdelay $0x2  }
0x3cd: {  	s31 =	sadd.s32 $0xFFFFFFFE, s26  }
0x3ce: {  	v7 =	vadd.s32 s31, v0;
	v6 =	vmov s31  }
0x3cf: {  	[tilespmem:v4+s18+$0x0] =	vst.idx.msk $0xffff, v5;
	v4 =	vand.u32 $0x1FF8, v7;
	v5 =	vand.u32 $0x5, v6  }
0x3d0: {  	v6 =	vld [tilespmem:s30+$0xBB40];
	v4 =	vor.u32 v5, v4;
	_ =	sdelay $0x3  }
0x3d1: {  	v7 =	vadd.s32 s31, v1  }
0x3d2: {  	[tilespmem:v4+s18+$0x0] =	vst.idx.msk $0xffff, v6;
	v4 =	vand.u32 $0x3FF8, v7  }
0x3d3: {  	v6 =	vld [tilespmem:s30+$0xBB50];
	v4 =	vor.u32 v5, v4;
	_ =	sdelay $0x3  }
0x3d4: {  	v7 =	vadd.s32 s31, v2  }
0x3d5: {  	[tilespmem:v4+s18+$0x0] =	vst.idx.msk $0xffff, v6;
	v4 =	vand.u32 $0x7FF8, v7  }
0x3d6: {  	v6 =	vld [tilespmem:s30+$0xBB60];
	v4 =	vor.u32 v5, v4;
	_ =	sdelay $0x3  }
0x3d7: {  	v7 =	vadd.s32 s31, v3  }
0x3d8: {  	[tilespmem:v4+s18+$0x0] =	vst.idx.msk $0xffff, v6;
	v4 =	vand.u32 $0x7FF8, v7  }
0x3d9: {  	v6 =	vld [tilespmem:s30+$0xBB70];
	v4 =	vor.u32 v5, v4;
	_ =	sdelay $0x2  }
0x3da: {  	s31 =	sadd.s32 $0xFFFFFFFF, s26  }
0x3db: {  	v7 =	vadd.s32 s31, v0;
	v5 =	vmov s31  }
0x3dc: {  	v5 =	vand.u32 $0x6, v5;
	[tilespmem:v4+s18+$0x0] =	vst.idx.msk $0xffff, v6;
	v4 =	vand.u32 $0x1FF8, v7  }
0x3dd: {  	v6 =	vld [tilespmem:s30+$0xBB80];
	v4 =	vor.u32 v5, v4;
	_ =	sdelay $0x3  }
0x3de: {  	v7 =	vadd.s32 s31, v1  }
0x3df: {  	[tilespmem:v4+s18+$0x0] =	vst.idx.msk $0xffff, v6;
	v4 =	vand.u32 $0x3FF8, v7  }
0x3e0: {  	v6 =	vld [tilespmem:s30+$0xBB90];
	v4 =	vor.u32 v5, v4;
	_ =	sdelay $0x3  }
0x3e1: {  	v7 =	vadd.s32 s31, v2  }
0x3e2: {  	[tilespmem:v4+s18+$0x0] =	vst.idx.msk $0xffff, v6;
	v4 =	vand.u32 $0x7FF8, v7  }
0x3e3: {  	v6 =	vld [tilespmem:s30+$0xBBA0];
	v4 =	vor.u32 v5, v4;
	_ =	sdelay $0x3  }
0x3e4: {  	v7 =	vadd.s32 s31, v3  }
0x3e5: {  	[tilespmem:v4+s18+$0x0] =	vst.idx.msk $0xffff, v6;
	v4 =	vand.u32 $0x7FF8, v7  }
0x3e6: {  	v6 =	vld [tilespmem:s30+$0xBBB0];
	v4 =	vor.u32 v5, v4;
	_ =	sdelay $0x4  }
0x3e7: {  	[tilespmem:v4+s18+$0x0] =	vst.idx.msk $0xffff, v6  }
0x3e8: {  	v5 =	vadd.s32 s26, v0;
	v4 =	vld [tilespmem:s30+$0xBBC0];
	_ =	sdelay $0x4  }
0x3e9: {  	[tilespmem:v5+s18+$0x0] =	vst.idx.msk $0xffff, v4  }
0x3ea: {  	v5 =	vadd.s32 s26, v1;
	v4 =	vld [tilespmem:s30+$0xBBD0];
	_ =	sdelay $0x4  }
0x3eb: {  	[tilespmem:v5+s18+$0x0] =	vst.idx.msk $0xffff, v4  }
0x3ec: {  	v5 =	vadd.s32 s26, v2;
	v4 =	vld [tilespmem:s30+$0xBBE0];
	_ =	sdelay $0x4  }
.Ltmp3:
0x3ed: {  	[tilespmem:v5+s18+$0x0] =	vst.idx.msk $0xffff, v4;
	(pc) =	sbr.rel @p1 .LBB2_9-.Ltmp3, $3  }
0x3ee: {  	v5 =	vadd.s32 s26, v3;
	v4 =	vld [tilespmem:s30+$0xBBF0];
	_ =	sdelay $0x1  }
0x3ef: {  	s26 =	sadd.s32 $0x4, s26  }
0x3f0: {  	s29 =	sadd.s32 $0x400, s29;
	s31 =	sadd.s32 $0xFFFFFFFD, s26  }
0x3f1: {  	_ =	sdelay $0x2  }
0x3f2: {  	v6 =	vmov s31;
	v7 =	vadd.s32 s31, v0  }
0x3f3: {  	s28 =	sshra.s32 s28, $0x2;
	v7 =	vand.u32 $0x1FF8, v7;
	v6 =	vand.u32 $0x4, v6;
	[tilespmem:v5+s18+$0x0] =	vst.idx.msk $0xffff, v4  }
0x3f4: {  	v4 =	vld [tilespmem:s28+$0xBB00];
	v5 =	vor.u32 v6, v7;
	_ =	sdelay $0x3  }
0x3f5: {  	v7 =	vadd.s32 s31, v1  }
0x3f6: {  	[tilespmem:v5+s18+$0x0] =	vst.idx.msk $0xffff, v4;
	v4 =	vand.u32 $0x3FF8, v7  }
0x3f7: {  	v5 =	vld [tilespmem:s28+$0xBB10];
	v4 =	vor.u32 v6, v4;
	_ =	sdelay $0x3  }
0x3f8: {  	v7 =	vadd.s32 s31, v2  }
0x3f9: {  	[tilespmem:v4+s18+$0x0] =	vst.idx.msk $0xffff, v5;
	v4 =	vand.u32 $0x7FF8, v7  }
0x3fa: {  	v5 =	vld [tilespmem:s28+$0xBB20];
	v4 =	vor.u32 v6, v4;
	_ =	sdelay $0x3  }
0x3fb: {  	v7 =	vadd.s32 s31, v3  }
0x3fc: {  	[tilespmem:v4+s18+$0x0] =	vst.idx.msk $0xffff, v5;
	v4 =	vand.u32 $0x7FF8, v7  }
0x3fd: {  	v5 =	vld [tilespmem:s28+$0xBB30];
	v4 =	vor.u32 v6, v4;
	_ =	sdelay $0x2  }
0x3fe: {  	s29 =	sadd.s32 $0xFFFFFFFE, s26  }
0x3ff: {  	v7 =	vadd.s32 s29, v0;
	v6 =	vmov s29  }
0x400: {  	[tilespmem:v4+s18+$0x0] =	vst.idx.msk $0xffff, v5;
	v4 =	vand.u32 $0x1FF8, v7;
	v5 =	vand.u32 $0x5, v6  }
0x401: {  	v6 =	vld [tilespmem:s28+$0xBB40];
	v4 =	vor.u32 v5, v4;
	_ =	sdelay $0x3  }
0x402: {  	v7 =	vadd.s32 s29, v1  }
0x403: {  	[tilespmem:v4+s18+$0x0] =	vst.idx.msk $0xffff, v6;
	v4 =	vand.u32 $0x3FF8, v7  }
0x404: {  	v6 =	vld [tilespmem:s28+$0xBB50];
	v4 =	vor.u32 v5, v4;
	_ =	sdelay $0x3  }
0x405: {  	v7 =	vadd.s32 s29, v2  }
0x406: {  	[tilespmem:v4+s18+$0x0] =	vst.idx.msk $0xffff, v6;
	v4 =	vand.u32 $0x7FF8, v7  }
0x407: {  	v6 =	vld [tilespmem:s28+$0xBB60];
	v4 =	vor.u32 v5, v4;
	_ =	sdelay $0x3  }
0x408: {  	v7 =	vadd.s32 s29, v3  }
0x409: {  	[tilespmem:v4+s18+$0x0] =	vst.idx.msk $0xffff, v6;
	v4 =	vand.u32 $0x7FF8, v7  }
0x40a: {  	v6 =	vld [tilespmem:s28+$0xBB70];
	v4 =	vor.u32 v5, v4;
	_ =	sdelay $0x2  }
0x40b: {  	s29 =	sadd.s32 $0xFFFFFFFF, s26  }
0x40c: {  	v7 =	vadd.s32 s29, v0;
	v5 =	vmov s29  }
0x40d: {  	v5 =	vand.u32 $0x6, v5;
	[tilespmem:v4+s18+$0x0] =	vst.idx.msk $0xffff, v6;
	v4 =	vand.u32 $0x1FF8, v7  }
0x40e: {  	v6 =	vld [tilespmem:s28+$0xBB80];
	v4 =	vor.u32 v5, v4;
	_ =	sdelay $0x3  }
0x40f: {  	v7 =	vadd.s32 s29, v1  }
0x410: {  	[tilespmem:v4+s18+$0x0] =	vst.idx.msk $0xffff, v6;
	v4 =	vand.u32 $0x3FF8, v7  }
0x411: {  	v6 =	vld [tilespmem:s28+$0xBB90];
	v4 =	vor.u32 v5, v4;
	_ =	sdelay $0x3  }
0x412: {  	v7 =	vadd.s32 s29, v2  }
0x413: {  	[tilespmem:v4+s18+$0x0] =	vst.idx.msk $0xffff, v6;
	v4 =	vand.u32 $0x7FF8, v7  }
0x414: {  	v6 =	vld [tilespmem:s28+$0xBBA0];
	v4 =	vor.u32 v5, v4;
	_ =	sdelay $0x3  }
0x415: {  	v7 =	vadd.s32 s29, v3  }
0x416: {  	[tilespmem:v4+s18+$0x0] =	vst.idx.msk $0xffff, v6;
	v4 =	vand.u32 $0x7FF8, v7  }
0x417: {  	v6 =	vld [tilespmem:s28+$0xBBB0];
	v4 =	vor.u32 v5, v4;
	_ =	sdelay $0x4  }
0x418: {  	[tilespmem:v4+s18+$0x0] =	vst.idx.msk $0xffff, v6  }
0x419: {  	v5 =	vadd.s32 s26, v0;
	v4 =	vld [tilespmem:s28+$0xBBC0];
	_ =	sdelay $0x4  }
0x41a: {  	[tilespmem:v5+s18+$0x0] =	vst.idx.msk $0xffff, v4  }
0x41b: {  	v5 =	vadd.s32 s26, v1;
	v4 =	vld [tilespmem:s28+$0xBBD0];
	_ =	sdelay $0x4  }
0x41c: {  	[tilespmem:v5+s18+$0x0] =	vst.idx.msk $0xffff, v4  }
0x41d: {  	v5 =	vadd.s32 s26, v2;
	v4 =	vld [tilespmem:s28+$0xBBE0];
	_ =	sdelay $0x4  }
0x41e: {  	[tilespmem:v5+s18+$0x0] =	vst.idx.msk $0xffff, v4  }
0x41f: {  	v5 =	vadd.s32 s26, v3;
	v4 =	vld [tilespmem:s28+$0xBBF0];
	_ =	sdelay $0x4  }
0x420: {  	s29 =	simm.s32 @!p0 $0xBB00;
	s26 =	sadd.s32 @!p0 $0x6A0, s25;
	s28 =	simm.s32 @!p0 $0x68;
	[tilespmem:v5+s18+$0x0] =	vst.idx.msk $0xffff, v4  }
0x421: {  	[tilespmem:s29], [sflag:$0x1] =	stream.indirect.gather @!p0 [hbm4b:s2+s28], $0x40, s26, s28, $0xb8;
	[tilespmem:$0x18700] =	vst v63  }
0x422: {  	s30 =	simm.s32 @!p0 $0xD500;
	s28 =	sadd.s32 s24, s9  }
0x423: {  	s26 =	sadd.s32 @!p0 $0x708, s25;
	s29 =	simm.s32 @!p0 $0x60;
	s28 =	smul.u32 $0x640, s28  }
0x424: {  	[tilespmem:s30], [sflag:$0x1] =	stream.indirect.gather @!p0 [hbm4b:s2+s29], $0x40, s26, s29, $0xb8;
	[tilespmem:$0x18700] =	vst v63  }
0x425: {  	s30 =	sadd.s32 s28, s7;
	s28 =	simm.s32 $0x0  }
0x426: {  	[hbm4b:s30+s28] =	stream.linear.scatter [tilespmem:s18], [sflag:$0x2], $0x3200, $0x38;
	[tilespmem:$0x18700] =	vst v63  }
0x427: {  	_ =	swait.ge [sflag:s21], $0x3200  }
0x428: {  	[sflag:s21] =	ssyncset.done $0x0  }
0x429: {  	[sflag:s21] =	ssyncadd.s32 $0xFFFFCE00  }
0x42a: {  	_ =	swait.ge [sflag:s17], $0x1A00  }
0x42b: {  	[sflag:s17] =	ssyncset.done $0x0  }
0x42c: {  	[sflag:s17] =	ssyncadd.s32 $0xFFFFE600  }
0x42d: {  	s28 =	simm.s32 $0x3200;
	_ =	swait.ge [sflag:s17], $0x1800  }
0x42e: {  	v4 =	vmov s28;
	v5 =	vadd.s32 s28, v0;
	[sflag:s17] =	ssyncset.done $0x0  }
0x42f: {  	s30 =	simm.s32 $0x0;
	v5 =	vand.u32 $0x7FF8, v5;
	v4 =	vand.u32 $0x4, v4;
	[sflag:s17] =	ssyncadd.s32 $0xFFFFE800  }
0x430: {  	v5 =	vor.u32 v4, v5;
	v6 =	vld [tilespmem:s30+$0xEF00];
	_ =	sdelay $0x3  }
0x431: {  	v7 =	vadd.s32 s28, v1  }
0x432: {  	[tilespmem:v5+s18+$0x0] =	vst.idx.msk $0xffff, v6;
	v5 =	vand.u32 $0x7FF8, v7  }
0x433: {  	v6 =	vld [tilespmem:s30+$0xEF10];
	v5 =	vor.u32 v4, v5;
	_ =	sdelay $0x3  }
0x434: {  	v7 =	vadd.s32 s28, v2  }
0x435: {  	[tilespmem:v5+s18+$0x0] =	vst.idx.msk $0xffff, v6;
	v5 =	vand.u32 $0x7FF8, v7  }
0x436: {  	v6 =	vld [tilespmem:s30+$0xEF20];
	v5 =	vor.u32 v4, v5;
	_ =	sdelay $0x3  }
0x437: {  	v7 =	vadd.s32 s28, v3  }
0x438: {  	[tilespmem:v5+s18+$0x0] =	vst.idx.msk $0xffff, v6;
	v5 =	vand.u32 $0x7FF8, v7  }
0x439: {  	v6 =	vld [tilespmem:s30+$0xEF30];
	v4 =	vor.u32 v4, v5;
	_ =	sdelay $0x2  }
0x43a: {  	s28 =	simm.s32 $0x3201  }
0x43b: {  	v7 =	vadd.s32 s28, v0;
	v5 =	vmov s28  }
0x43c: {  	v5 =	vand.u32 $0x5, v5;
	[tilespmem:v4+s18+$0x0] =	vst.idx.msk $0xffff, v6;
	v4 =	vand.u32 $0x7FF8, v7  }
0x43d: {  	v6 =	vld [tilespmem:s30+$0xEF40];
	v4 =	vor.u32 v5, v4;
	_ =	sdelay $0x3  }
0x43e: {  	v7 =	vadd.s32 s28, v1  }
0x43f: {  	[tilespmem:v4+s18+$0x0] =	vst.idx.msk $0xffff, v6;
	v4 =	vand.u32 $0x7FF8, v7  }
0x440: {  	v6 =	vld [tilespmem:s30+$0xEF50];
	v4 =	vor.u32 v5, v4;
	_ =	sdelay $0x3  }
0x441: {  	v7 =	vadd.s32 s28, v2  }
0x442: {  	[tilespmem:v4+s18+$0x0] =	vst.idx.msk $0xffff, v6;
	v4 =	vand.u32 $0x7FF8, v7  }
0x443: {  	v6 =	vld [tilespmem:s30+$0xEF60];
	v4 =	vor.u32 v5, v4;
	_ =	sdelay $0x3  }
0x444: {  	v7 =	vadd.s32 s28, v3  }
0x445: {  	[tilespmem:v4+s18+$0x0] =	vst.idx.msk $0xffff, v6;
	v4 =	vand.u32 $0x7FF8, v7  }
0x446: {  	v6 =	vld [tilespmem:s30+$0xEF70];
	v4 =	vor.u32 v5, v4;
	_ =	sdelay $0x2  }
0x447: {  	s28 =	simm.s32 $0x3202  }
0x448: {  	v7 =	vadd.s32 s28, v0;
	v5 =	vmov s28  }
0x449: {  	v5 =	vand.u32 $0x6, v5;
	[tilespmem:v4+s18+$0x0] =	vst.idx.msk $0xffff, v6;
	v4 =	vand.u32 $0x7FF8, v7  }
0x44a: {  	v6 =	vld [tilespmem:s30+$0xEF80];
	v4 =	vor.u32 v5, v4;
	_ =	sdelay $0x3  }
0x44b: {  	v7 =	vadd.s32 s28, v1  }
0x44c: {  	[tilespmem:v4+s18+$0x0] =	vst.idx.msk $0xffff, v6;
	v4 =	vand.u32 $0x7FF8, v7  }
0x44d: {  	v6 =	vld [tilespmem:s30+$0xEF90];
	v4 =	vor.u32 v5, v4;
	_ =	sdelay $0x3  }
0x44e: {  	v7 =	vadd.s32 s28, v2  }
0x44f: {  	[tilespmem:v4+s18+$0x0] =	vst.idx.msk $0xffff, v6;
	v4 =	vand.u32 $0x7FF8, v7  }
0x450: {  	v6 =	vld [tilespmem:s30+$0xEFA0];
	v4 =	vor.u32 v5, v4;
	_ =	sdelay $0x3  }
0x451: {  	v7 =	vadd.s32 s28, v3  }
0x452: {  	[tilespmem:v4+s18+$0x0] =	vst.idx.msk $0xffff, v6;
	v4 =	vand.u32 $0x7FF8, v7  }
0x453: {  	v6 =	vld [tilespmem:s30+$0xEFB0];
	v4 =	vor.u32 v5, v4;
	_ =	sdelay $0x4  }
0x454: {  	s29 =	simm.s32 $0x3203;
	[tilespmem:v4+s18+$0x0] =	vst.idx.msk $0xffff, v6  }
0x455: {  	v5 =	vadd.s32 s29, v0;
	v4 =	vld [tilespmem:s30+$0xEFC0];
	_ =	sdelay $0x4  }
0x456: {  	[tilespmem:v5+s18+$0x0] =	vst.idx.msk $0xffff, v4  }
0x457: {  	v5 =	vadd.s32 s29, v1;
	v4 =	vld [tilespmem:s30+$0xEFD0];
	_ =	sdelay $0x4  }
0x458: {  	[tilespmem:v5+s18+$0x0] =	vst.idx.msk $0xffff, v4  }
0x459: {  	v5 =	vadd.s32 s29, v2;
	v4 =	vld [tilespmem:s30+$0xEFE0];
	_ =	sdelay $0x4  }
0x45a: {  	[tilespmem:v5+s18+$0x0] =	vst.idx.msk $0xffff, v4  }
0x45b: {  	v5 =	vadd.s32 s29, v3;
	v4 =	vld [tilespmem:s30+$0xEFF0];
	_ =	sdelay $0x1  }
0x45c: {  	s31 =	simm.s32 $0x3204  }
0x45d: {  	s26 =	simm.s32 $0x3207;
	s28 =	simm.s32 $0x400;
	s29 =	simm.s32 $0x800  }
.LBB2_11:
0x45e: {  	p1 =	sne.s32 s29, $0xC400;
	v6 =	vmov s31;
	v7 =	vadd.s32 s31, v0  }
0x45f: {  	s30 =	sshra.s32 s28, $0x2;
	s28 =	smov.u32 s29;
	v7 =	vand.u32 $0x7FF8, v7;
	v6 =	vand.u32 $0x4, v6;
	[tilespmem:v5+s18+$0x0] =	vst.idx.msk $0xffff, v4  }
0x460: {  	v4 =	vld [tilespmem:s30+$0xEF00];
	v5 =	vor.u32 v6, v7;
	_ =	sdelay $0x3  }
0x461: {  	v7 =	vadd.s32 s31, v1  }
0x462: {  	[tilespmem:v5+s18+$0x0] =	vst.idx.msk $0xffff, v4;
	v4 =	vand.u32 $0x7FF8, v7  }
0x463: {  	v5 =	vld [tilespmem:s30+$0xEF10];
	v4 =	vor.u32 v6, v4;
	_ =	sdelay $0x3  }
0x464: {  	v7 =	vadd.s32 s31, v2  }
0x465: {  	[tilespmem:v4+s18+$0x0] =	vst.idx.msk $0xffff, v5;
	v4 =	vand.u32 $0x7FF8, v7  }
0x466: {  	v5 =	vld [tilespmem:s30+$0xEF20];
	v4 =	vor.u32 v6, v4;
	_ =	sdelay $0x3  }
0x467: {  	v7 =	vadd.s32 s31, v3  }
0x468: {  	[tilespmem:v4+s18+$0x0] =	vst.idx.msk $0xffff, v5;
	v4 =	vand.u32 $0x7FF8, v7  }
0x469: {  	v5 =	vld [tilespmem:s30+$0xEF30];
	v4 =	vor.u32 v6, v4;
	_ =	sdelay $0x2  }
0x46a: {  	s31 =	sadd.s32 $0xFFFFFFFE, s26  }
0x46b: {  	v7 =	vadd.s32 s31, v0;
	v6 =	vmov s31  }
0x46c: {  	[tilespmem:v4+s18+$0x0] =	vst.idx.msk $0xffff, v5;
	v4 =	vand.u32 $0x7FF8, v7;
	v5 =	vand.u32 $0x5, v6  }
0x46d: {  	v6 =	vld [tilespmem:s30+$0xEF40];
	v4 =	vor.u32 v5, v4;
	_ =	sdelay $0x3  }
0x46e: {  	v7 =	vadd.s32 s31, v1  }
0x46f: {  	[tilespmem:v4+s18+$0x0] =	vst.idx.msk $0xffff, v6;
	v4 =	vand.u32 $0x7FF8, v7  }
0x470: {  	v6 =	vld [tilespmem:s30+$0xEF50];
	v4 =	vor.u32 v5, v4;
	_ =	sdelay $0x3  }
0x471: {  	v7 =	vadd.s32 s31, v2  }
0x472: {  	[tilespmem:v4+s18+$0x0] =	vst.idx.msk $0xffff, v6;
	v4 =	vand.u32 $0x7FF8, v7  }
0x473: {  	v6 =	vld [tilespmem:s30+$0xEF60];
	v4 =	vor.u32 v5, v4;
	_ =	sdelay $0x3  }
0x474: {  	v7 =	vadd.s32 s31, v3  }
0x475: {  	[tilespmem:v4+s18+$0x0] =	vst.idx.msk $0xffff, v6;
	v4 =	vand.u32 $0x7FF8, v7  }
0x476: {  	v6 =	vld [tilespmem:s30+$0xEF70];
	v4 =	vor.u32 v5, v4;
	_ =	sdelay $0x2  }
0x477: {  	s31 =	sadd.s32 $0xFFFFFFFF, s26  }
0x478: {  	v7 =	vadd.s32 s31, v0;
	v5 =	vmov s31  }
0x479: {  	v5 =	vand.u32 $0x6, v5;
	[tilespmem:v4+s18+$0x0] =	vst.idx.msk $0xffff, v6;
	v4 =	vand.u32 $0x7FF8, v7  }
0x47a: {  	v6 =	vld [tilespmem:s30+$0xEF80];
	v4 =	vor.u32 v5, v4;
	_ =	sdelay $0x3  }
0x47b: {  	v7 =	vadd.s32 s31, v1  }
0x47c: {  	[tilespmem:v4+s18+$0x0] =	vst.idx.msk $0xffff, v6;
	v4 =	vand.u32 $0x7FF8, v7  }
0x47d: {  	v6 =	vld [tilespmem:s30+$0xEF90];
	v4 =	vor.u32 v5, v4;
	_ =	sdelay $0x3  }
0x47e: {  	v7 =	vadd.s32 s31, v2  }
0x47f: {  	[tilespmem:v4+s18+$0x0] =	vst.idx.msk $0xffff, v6;
	v4 =	vand.u32 $0x7FF8, v7  }
0x480: {  	v6 =	vld [tilespmem:s30+$0xEFA0];
	v4 =	vor.u32 v5, v4;
	_ =	sdelay $0x3  }
0x481: {  	v7 =	vadd.s32 s31, v3  }
0x482: {  	[tilespmem:v4+s18+$0x0] =	vst.idx.msk $0xffff, v6;
	v4 =	vand.u32 $0x7FF8, v7  }
0x483: {  	v6 =	vld [tilespmem:s30+$0xEFB0];
	v4 =	vor.u32 v5, v4;
	_ =	sdelay $0x4  }
0x484: {  	[tilespmem:v4+s18+$0x0] =	vst.idx.msk $0xffff, v6  }
0x485: {  	v5 =	vadd.s32 s26, v0;
	v4 =	vld [tilespmem:s30+$0xEFC0];
	_ =	sdelay $0x4  }
0x486: {  	[tilespmem:v5+s18+$0x0] =	vst.idx.msk $0xffff, v4  }
0x487: {  	v5 =	vadd.s32 s26, v1;
	v4 =	vld [tilespmem:s30+$0xEFD0];
	_ =	sdelay $0x4  }
0x488: {  	[tilespmem:v5+s18+$0x0] =	vst.idx.msk $0xffff, v4  }
0x489: {  	v5 =	vadd.s32 s26, v2;
	v4 =	vld [tilespmem:s30+$0xEFE0];
	_ =	sdelay $0x4  }
.Ltmp4:
0x48a: {  	[tilespmem:v5+s18+$0x0] =	vst.idx.msk $0xffff, v4;
	(pc) =	sbr.rel @p1 .LBB2_11-.Ltmp4, $3  }
0x48b: {  	v5 =	vadd.s32 s26, v3;
	v4 =	vld [tilespmem:s30+$0xEFF0];
	_ =	sdelay $0x1  }
0x48c: {  	s26 =	sadd.s32 $0x4, s26  }
0x48d: {  	s29 =	sadd.s32 $0x400, s29;
	s31 =	sadd.s32 $0xFFFFFFFD, s26  }
0x48e: {  	_ =	sdelay $0x2  }
0x48f: {  	v6 =	vmov s31;
	v7 =	vadd.s32 s31, v0  }
0x490: {  	s28 =	sshra.s32 s28, $0x2;
	v7 =	vand.u32 $0x7FF8, v7;
	v6 =	vand.u32 $0x4, v6;
	[tilespmem:v5+s18+$0x0] =	vst.idx.msk $0xffff, v4  }
0x491: {  	v4 =	vld [tilespmem:s28+$0xEF00];
	v5 =	vor.u32 v6, v7;
	_ =	sdelay $0x3  }
0x492: {  	v51 =	vadd.s32 s31, v1  }
0x493: {  	[tilespmem:v5+s18+$0x0] =	vst.idx.msk $0xffff, v4;
	v4 =	vand.u32 $0x7FF8, v51  }
0x494: {  	v5 =	vld [tilespmem:s28+$0xEF10];
	v4 =	vor.u32 v6, v4;
	_ =	sdelay $0x3  }
0x495: {  	v52 =	vadd.s32 s31, v2  }
0x496: {  	[tilespmem:v4+s18+$0x0] =	vst.idx.msk $0xffff, v5;
	v4 =	vand.u32 $0x7FF8, v52  }
0x497: {  	v5 =	vld [tilespmem:s28+$0xEF20];
	v4 =	vor.u32 v6, v4;
	_ =	sdelay $0x3  }
0x498: {  	v53 =	vadd.s32 s31, v3  }
0x499: {  	[tilespmem:v4+s18+$0x0] =	vst.idx.msk $0xffff, v5;
	v4 =	vand.u32 $0x7FF8, v53  }
0x49a: {  	v5 =	vld [tilespmem:s28+$0xEF30];
	v4 =	vor.u32 v6, v4;
	_ =	sdelay $0x2  }
0x49b: {  	s29 =	sadd.s32 $0xFFFFFFFE, s26  }
0x49c: {  	v54 =	vmov s29;
	v55 =	vadd.s32 s29, v0  }
0x49d: {  	[tilespmem:v4+s18+$0x0] =	vst.idx.msk $0xffff, v5;
	v4 =	vand.u32 $0x7FF8, v55;
	v5 =	vand.u32 $0x5, v54  }
0x49e: {  	v56 =	vld [tilespmem:s28+$0xEF40];
	v4 =	vor.u32 v5, v4;
	_ =	sdelay $0x3  }
0x49f: {  	v57 =	vadd.s32 s29, v1  }
0x4a0: {  	[tilespmem:v4+s18+$0x0] =	vst.idx.msk $0xffff, v56;
	v4 =	vand.u32 $0x7FF8, v57  }
0x4a1: {  	v6 =	vld [tilespmem:s28+$0xEF50];
	v4 =	vor.u32 v5, v4;
	_ =	sdelay $0x3  }
0x4a2: {  	v58 =	vadd.s32 s29, v2  }
0x4a3: {  	[tilespmem:v4+s18+$0x0] =	vst.idx.msk $0xffff, v6;
	v4 =	vand.u32 $0x7FF8, v58  }
0x4a4: {  	v6 =	vld [tilespmem:s28+$0xEF60];
	v4 =	vor.u32 v5, v4;
	_ =	sdelay $0x3  }
0x4a5: {  	v59 =	vadd.s32 s29, v3  }
0x4a6: {  	[tilespmem:v4+s18+$0x0] =	vst.idx.msk $0xffff, v6;
	v4 =	vand.u32 $0x7FF8, v59  }
0x4a7: {  	v6 =	vld [tilespmem:s28+$0xEF70];
	v4 =	vor.u32 v5, v4;
	_ =	sdelay $0x2  }
0x4a8: {  	s31 =	sadd.s32 $0xFFFFFFFF, s26  }
0x4a9: {  	v60 =	vadd.s32 s31, v0;
	v5 =	vmov s31  }
0x4aa: {  	v5 =	vand.u32 $0x6, v5;
	[tilespmem:v4+s18+$0x0] =	vst.idx.msk $0xffff, v6;
	v4 =	vand.u32 $0x7FF8, v60  }
0x4ab: {  	v6 =	vld [tilespmem:s28+$0xEF80];
	v4 =	vor.u32 v5, v4;
	_ =	sdelay $0x3  }
0x4ac: {  	v61 =	vadd.s32 s31, v1  }
0x4ad: {  	[tilespmem:v4+s18+$0x0] =	vst.idx.msk $0xffff, v6;
	v4 =	vand.u32 $0x7FF8, v61  }
0x4ae: {  	v6 =	vld [tilespmem:s28+$0xEF90];
	v4 =	vor.u32 v5, v4;
	_ =	sdelay $0x3  }
0x4af: {  	v62 =	vadd.s32 s31, v2  }
0x4b0: {  	[tilespmem:v4+s18+$0x0] =	vst.idx.msk $0xffff, v6;
	v4 =	vand.u32 $0x7FF8, v62  }
0x4b1: {  	v6 =	vld [tilespmem:s28+$0xEFA0];
	v4 =	vor.u32 v5, v4;
	_ =	sdelay $0x3  }
0x4b2: {  	v63 =	vadd.s32 s31, v3  }
0x4b3: {  	[tilespmem:v4+s18+$0x0] =	vst.idx.msk $0xffff, v6;
	v4 =	vand.u32 $0x7FF8, v63  }
0x4b4: {  	v6 =	vld [tilespmem:s28+$0xEFB0];
	v4 =	vor.u32 v5, v4;
	_ =	sdelay $0x4  }
0x4b5: {  	[tilespmem:v4+s18+$0x0] =	vst.idx.msk $0xffff, v6  }
0x4b6: {  	v5 =	vadd.s32 s26, v0;
	v4 =	vld [tilespmem:s28+$0xEFC0];
	_ =	sdelay $0x4  }
0x4b7: {  	[tilespmem:v5+s18+$0x0] =	vst.idx.msk $0xffff, v4  }
0x4b8: {  	v5 =	vadd.s32 s26, v1;
	v4 =	vld [tilespmem:s28+$0xEFD0];
	_ =	sdelay $0x4  }
0x4b9: {  	[tilespmem:v5+s18+$0x0] =	vst.idx.msk $0xffff, v4  }
0x4ba: {  	v5 =	vadd.s32 s26, v2;
	v4 =	vld [tilespmem:s28+$0xEFE0];
	_ =	sdelay $0x4  }
0x4bb: {  	[tilespmem:v5+s18+$0x0] =	vst.idx.msk $0xffff, v4  }
0x4bc: {  	v5 =	vadd.s32 s26, v3;
	v4 =	vld [tilespmem:s28+$0xEFF0];
	_ =	sdelay $0x3  }
0x4bd: {  	s23 =	sadd.s32 $0x1, s23  }
0x4be: {  	s29 =	simm.s32 @!p0 $0xEF00;
	s26 =	sadd.s32 @!p0 $0x770, s25;
	s28 =	simm.s32 @!p0 $0x68;
	[tilespmem:v5+s18+$0x0] =	vst.idx.msk $0xffff, v4  }
0x4bf: {  	[tilespmem:s29], [sflag:$0x1] =	stream.indirect.gather @!p0 [hbm4b:s2+s28], $0x40, s26, s28, $0xb8;
	[tilespmem:$0x18700] =	vst v63  }
0x4c0: {  	s25 =	sadd.s32 @!p0 $0x7D8, s25;
	s26 =	simm.s32 @!p0 $0x60;
	s28 =	simm.s32 @!p0 $0x10900  }
0x4c1: {  	[tilespmem:s28], [sflag:$0x1] =	stream.indirect.gather @!p0 [hbm4b:s2+s26], $0x40, s25, s26, $0xb8;
	[tilespmem:$0x18700] =	vst v63  }
0x4c2: {  	p0 =	sne.s32 s23, $0x19  }
.Ltmp5:
0x4c3: {  	s24 =	sadd.s32 s24, s10;
	(pc) =	sbr.rel @p0 .LBB2_4-.Ltmp5, $3  }
0x4c4: {  	s24 =	smul.u32 $0x640, s24;
	_ =	sdelay $0x1  }
0x4c5: {  	s24 =	sadd.s32 s24, s7  }
0x4c6: {  	[hbm4b:s24+s3] =	stream.linear.scatter [tilespmem:s20], [sflag:$0x2], $0x3200, $0x38;
	[tilespmem:$0x18700] =	vst v63  }
0x4c7: {  	s22 =	sadd.s32 $0x1, s22  }
0x4c8: {  	_ =	swait.ge [sflag:s21], $0x3200;
	p0 =	sne.s32 s22, s12  }
.Ltmp6:
0x4c9: {  	[sflag:s21] =	ssyncset.done $0x0;
	(pc) =	sbr.rel @p0 .LBB2_1-.Ltmp6, $4  }
0x4ca: {  	[sflag:s21] =	ssyncadd.s32 $0xFFFFCE00  }
0x4cb: {  	_ =	swait.ge [sflag:s21], $0x3200  }
0x4cc: {  	[sflag:s21] =	ssyncset.done $0x0  }
0x4cd: {  	[sflag:s21] =	ssyncadd.s32 $0xFFFFCE00  }
0x4ce: {  	_ =	sfence.sel $0x180000  }
0x4cf: {  	[bflag:$0x0] =	sbarrier.arrive $0xFFFF  }
0x4d0: {  	_ =	strace $0x9000004A  }
0x4d1: {  	s0 =	stileid.u32;
	[bflag:$0x2] =	sbarrier.arrive $0xFFFF  }
0x4d2: {  	p0 =	sne.s32 s0, $0x0;
	s0 =	rddreg [dreg:$0x2]  }
0x4d3: {  	s0 =	sadd.s32 @!p0 $0x100000, s0  }
0x4d4: {  	[sflag:s0] =	ssyncadd.tile.s32 @!p0 $0x1;
	_ =	shalt  }
.Lfunc_end2:
_tile_overlayer_lowered:
.L_overlay_start_2:
0x4d5: {  	(tag) =	ssettag $0x2  }
0x4d6: {  	s0 =	rddreg [dreg:$0x0];
	s2 =	stileid.u32  }
0x4d7: {  	s1 =	rddreg [dreg:$0x1];
	p0 =	sne.s32 s2, $0x0  }
0x4d8: {  	s3 =	rddreg [dreg:$0x2];
	[bflag:$0x3] =	sbarrier.arrive $0xFFFF;
	s2 =	simm.s32 @!p0 $0x1C03  }
0x4d9: {  	[timem:s3], [sflag:s2] =	dma.local @!p0 [hbm:s0], s1  }
0x4da: {  	s0 =	simm.s32 @!p0 $0x3  }
0x4db: {  	_ =	swait.ge @!p0 [sflag:s0], s1  }
0x4dc: {  	s1 =	ssub.s32 @!p0 $0x0, s1;
	[sflag:s0] =	ssyncset.done @!p0 $0x0  }
0x4dd: {  	[sflag:s0] =	ssyncadd.s32 @!p0 s1  }
0x4de: {  	[bflag:$0x3] =	sbarrier.arrive $0xFFFF  }
0x4df: {  	_ =	shalt  }

</sc_bundles>
